<compile_context>
chip_gen: v7x
topology: tpu7x:2x2x1
jax: 0.10.2.dev20260603
libtpu: 0.0.44.dev20260713+nightly
codegen_flags: <defaults>
</compile_context>

<pallas_src>
import functools

import jax
import jax.numpy as jnp
from jax import lax
from jax.experimental import pallas as pl
from jax.experimental.pallas import tpu as pltpu
from jax.experimental.pallas import tpu_sc as plsc

N = 10000
E = 320000
HID = 128
OUTD = 64

NC = 2
NS = 16
M = 10112
STRIPE = M // NS
B = 128
NB = 81
C_PER_TILE = NB * B
E_PER_CORE = NS * C_PER_TILE
ET_PAD = NC * E_PER_CORE
DUMMY_SRC = N
DUMMY_DST = 10050

BR = 632
NBLK = M // BR


_Z_FULL = STRIPE // B
_Z_TAIL = STRIPE % B


def _zero_stripe(zsrc, dst_sh, row0):
    def zcp(t, _):
        pltpu.sync_copy(zsrc, dst_sh.at[pl.ds(row0 + t * B, B)])
        return 0
    lax.fori_loop(0, _Z_FULL, zcp, 0)
    if _Z_TAIL:
        pltpu.sync_copy(zsrc.at[pl.ds(0, _Z_TAIL)],
                        dst_sh.at[pl.ds(row0 + _Z_FULL * B, _Z_TAIL)])


def _msg_body(h_hbm, pk3_hbm, zrows_hbm, tok_hbm, msg_out,
              pk_v, src0_v, dst0_v, src1_v, dst1_v,
              rows0_v, rows1_v, msg_sh, sem0, sem1):
    del tok_hbm
    cid = lax.axis_index("c")
    sid = lax.axis_index("s")
    row0 = sid * STRIPE
    w = cid * NS + sid

    def pre(t, _):
        sl = pl.ds(t * 8, 8)
        pltpu.sync_copy(pk3_hbm.at[w, sl], pk_v.at[sl])
        return 0
    lax.fori_loop(0, NB // 8, pre, 0)
    if NB % 8:
        sl = pl.ds((NB // 8) * 8, NB % 8)
        pltpu.sync_copy(pk3_hbm.at[w, sl], pk_v.at[sl])
    _zero_stripe(zrows_hbm, msg_sh, row0)
    plsc.subcore_barrier()

    def unpack(b, src_v, dst_v):
        for i in range(B // 16):
            v = pk_v[b, pl.ds(i * 16, 16)]
            src_v[pl.ds(i * 16, 16)] = v & 0xFFFF
            dst_v[pl.ds(i * 16, 16)] = lax.shift_right_logical(v, 16)

    def gather(rows_v, src_v, sem):
        pltpu.async_copy(h_hbm.at[src_v], rows_v, sem)

    def gwait(rows_v, src_v, sem):
        pltpu.make_async_copy(h_hbm.at[src_v], rows_v, sem).wait()

    def scat(rows_v, dst_v):
        pltpu.sync_copy(rows_v, msg_sh.at[dst_v], add=True)

    unpack(0, src0_v, dst0_v)
    gather(rows0_v, src0_v, sem0)

    def pair(t, _):
        b = 2 * t

        @pl.when(b + 1 < NB)
        def _():
            unpack(b + 1, src1_v, dst1_v)
            gather(rows1_v, src1_v, sem1)
        gwait(rows0_v, src0_v, sem0)
        scat(rows0_v, dst0_v)

        @pl.when(b + 2 < NB)
        def _():
            unpack(b + 2, src0_v, dst0_v)
            gather(rows0_v, src0_v, sem0)

        @pl.when(b + 1 < NB)
        def _():
            gwait(rows1_v, src1_v, sem1)
            scat(rows1_v, dst1_v)
        return 0
    lax.fori_loop(0, (NB + 1) // 2, pair, 0)

    plsc.subcore_barrier()
    pltpu.sync_copy(msg_sh.at[pl.ds(row0, STRIPE)],
                    msg_out.at[cid, pl.ds(row0, STRIPE)])


@functools.cache
def _agg():
    return pl.kernel(
        _msg_body,
        out_type=[jax.ShapeDtypeStruct((NC, M, HID), jnp.float32)],
        mesh=plsc.VectorSubcoreMesh(core_axis_name="c", subcore_axis_name="s"),
        compiler_params=pltpu.CompilerParams(needs_layout_passes=False),
        scratch_types=[
            pltpu.VMEM((NB, B), jnp.int32),
            pltpu.VMEM((B,), jnp.int32),
            pltpu.VMEM((B,), jnp.int32),
            pltpu.VMEM((B,), jnp.int32),
            pltpu.VMEM((B,), jnp.int32),
            pltpu.VMEM((B, HID), jnp.float32),
            pltpu.VMEM((B, HID), jnp.float32),
            pltpu.VMEM_SHARED((M, HID), jnp.float32),
            pltpu.SemaphoreType.DMA,
            pltpu.SemaphoreType.DMA,
        ],
    )


def _deg_body(dst3_hbm, deg_out, dsts_v, deg_v, red_v, deg8_v, stage_sh):
    cid = lax.axis_index("c")
    sid = lax.axis_index("s")
    w = cid * NS + sid

    def pre(t, _):
        sl = pl.ds(t * 8, 8)
        pltpu.sync_copy(dst3_hbm.at[w, sl], dsts_v.at[sl])
        return 0
    lax.fori_loop(0, NB // 8, pre, 0)
    if NB % 8:
        sl = pl.ds((NB // 8) * 8, NB % 8)
        pltpu.sync_copy(dst3_hbm.at[w, sl], dsts_v.at[sl])

    def zloop(r, _):
        deg_v[pl.ds(r * 16, 16)] = jnp.zeros((16,), jnp.float32)
        return 0
    lax.fori_loop(0, M // 16, zloop, 0)

    one16 = jnp.ones((16,), jnp.float32)

    def hist(b, _):
        for i in range(B // 16):
            idx = dsts_v[b, pl.ds(i * 16, 16)]
            plsc.addupdate_scatter(deg_v, [idx], one16)
        return 0
    lax.fori_loop(0, NB, hist, 0)

    pltpu.sync_copy(deg_v, stage_sh.at[sid])
    plsc.subcore_barrier()

    nchunk = M // 128
    for k in range((nchunk + NS - 1) // NS):
        c = k * NS + sid

        @pl.when(c < nchunk)
        def _():
            pltpu.sync_copy(stage_sh.at[:, pl.ds(c * 128, 128)], red_v)

            def rr(r, _):
                acc = red_v[0, pl.ds(r * 16, 16)]
                for t in range(1, NS):
                    acc = acc + red_v[t, pl.ds(r * 16, 16)]
                rows = lax.iota(jnp.int32, 16) + r * 16
                for cc in range(8):
                    plsc.store_scatter(
                        deg8_v, [rows, jnp.full((16,), cc, jnp.int32)], acc)
                return 0
            lax.fori_loop(0, 8, rr, 0)
            pltpu.sync_copy(deg8_v, deg_out.at[cid, pl.ds(c * 128, 128)])


@functools.cache
def _deg_count():
    return pl.kernel(
        _deg_body,
        out_type=[jax.ShapeDtypeStruct((NC, M, 8), jnp.float32)],
        mesh=plsc.VectorSubcoreMesh(core_axis_name="c", subcore_axis_name="s"),
        compiler_params=pltpu.CompilerParams(needs_layout_passes=False),
        scratch_types=[
            pltpu.VMEM((NB, B), jnp.int32),
            pltpu.VMEM((M,), jnp.float32),
            pltpu.VMEM((NS, 128), jnp.float32),
            pltpu.VMEM((128, 8), jnp.float32),
            pltpu.VMEM_SHARED((NS, M), jnp.float32),
        ],
    )


def _dense_a_body(msg_ref, deg0_ref, deg1_ref, h_ref, wl_ref, bl_ref, wr_ref,
                  h1_ref, s1_ref, s2_ref):
    i = pl.program_id(0)
    msg = msg_ref[0] + msg_ref[1]
    deg = deg0_ref[:, 0:1] + deg1_ref[:, 0:1]
    agg = msg * (1.0 / jnp.maximum(deg, 1.0))
    z = (jnp.dot(agg, wl_ref[...].T, preferred_element_type=jnp.float32)
         + bl_ref[...]
         + jnp.dot(h_ref[...], wr_ref[...].T,
                   preferred_element_type=jnp.float32))
    h1 = jnp.maximum(z, 0.0)
    h1_ref[...] = h1
    ridx = lax.broadcasted_iota(jnp.int32, (BR, 1), 0) + i * BR
    h1m = jnp.where(ridx < N, h1, 0.0)

    @pl.when(i == 0)
    def _():
        s1_ref[...] = jnp.zeros_like(s1_ref)
        s2_ref[...] = jnp.zeros_like(s2_ref)
    s1_ref[...] += jnp.sum(h1m, axis=0, keepdims=True)
    s2_ref[...] += jnp.sum(h1m * h1m, axis=0, keepdims=True)


_dense_a = pl.pallas_call(
    _dense_a_body,
    grid=(NBLK,),
    in_specs=[
        pl.BlockSpec((NC, BR, HID), lambda i: (0, i, 0)),
        pl.BlockSpec((BR, HID), lambda i: (i, 0)),
        pl.BlockSpec((BR, HID), lambda i: (i, 0)),
        pl.BlockSpec((BR, HID), lambda i: (i, 0)),
        pl.BlockSpec((HID, HID), lambda i: (0, 0)),
        pl.BlockSpec((1, HID), lambda i: (0, 0)),
        pl.BlockSpec((HID, HID), lambda i: (0, 0)),
    ],
    out_specs=[
        pl.BlockSpec((BR, HID), lambda i: (i, 0)),
        pl.BlockSpec((1, HID), lambda i: (0, 0)),
        pl.BlockSpec((1, HID), lambda i: (0, 0)),
    ],
    out_shape=[
        jax.ShapeDtypeStruct((M, HID), jnp.float32),
        jax.ShapeDtypeStruct((1, HID), jnp.float32),
        jax.ShapeDtypeStruct((1, HID), jnp.float32),
    ],
)


def _norm_block(h1_ref, s1_ref, s2_ref, gw_ref, gb_ref, gms_ref):
    m = s1_ref[...] * (1.0 / N)
    ex2 = s2_ref[...] * (1.0 / N)
    ms = gms_ref[...]
    var = ex2 - (2.0 * ms - ms * ms) * (m * m)
    scale = lax.rsqrt(var + 1e-5) * gw_ref[...]
    hc = h1_ref[...] - m * ms
    return jnp.maximum(hc * scale + gb_ref[...], 0.0)


def _dense_b_body(h1_ref, s1_ref, s2_ref, gw_ref, gb_ref, gms_ref, out_ref):
    out_ref[...] = _norm_block(h1_ref, s1_ref, s2_ref, gw_ref, gb_ref, gms_ref)


def _dense_b2_body(h1_ref, s1_ref, s2_ref, gw_ref, gb_ref, gms_ref,
                   wlin_ref, blin_ref, out_ref):
    g = _norm_block(h1_ref, s1_ref, s2_ref, gw_ref, gb_ref, gms_ref)
    out_ref[...] = (jnp.dot(g, wlin_ref[...].T,
                            preferred_element_type=jnp.float32)
                    + blin_ref[...])


_B_IN_SPECS = [
    pl.BlockSpec((BR, HID), lambda i: (i, 0)),
    pl.BlockSpec((1, HID), lambda i: (0, 0)),
    pl.BlockSpec((1, HID), lambda i: (0, 0)),
    pl.BlockSpec((1, HID), lambda i: (0, 0)),
    pl.BlockSpec((1, HID), lambda i: (0, 0)),
    pl.BlockSpec((1, HID), lambda i: (0, 0)),
]

_dense_b = pl.pallas_call(
    _dense_b_body,
    grid=(NBLK,),
    in_specs=_B_IN_SPECS,
    out_specs=pl.BlockSpec((BR, HID), lambda i: (i, 0)),
    out_shape=jax.ShapeDtypeStruct((M, HID), jnp.float32),
)

_dense_b2 = pl.pallas_call(
    _dense_b2_body,
    grid=(NBLK,),
    in_specs=_B_IN_SPECS + [
        pl.BlockSpec((OUTD, HID), lambda i: (0, 0)),
        pl.BlockSpec((1, OUTD), lambda i: (0, 0)),
    ],
    out_specs=pl.BlockSpec((BR, OUTD), lambda i: (i, 0)),
    out_shape=jax.ShapeDtypeStruct((M, OUTD), jnp.float32),
)


def kernel(x, edge_index, W1l, b1l, W1r, W2l, b2l, W2r,
           gn1_w, gn1_b, gn1_ms, gn2_w, gn2_b, gn2_ms, Wlin, blin):
    f32 = jnp.float32
    x_pad = jnp.pad(x, ((0, M - N), (0, 0)))
    loops = jnp.arange(N, dtype=jnp.int32)
    pad = ET_PAD - (E + N)
    src = jnp.concatenate([edge_index[0], loops,
                           jnp.full((pad,), DUMMY_SRC, jnp.int32)])
    dst = jnp.concatenate([edge_index[1], loops,
                           jnp.full((pad,), DUMMY_DST, jnp.int32)])
    pk = (src | (dst << 16)).reshape(NC * NS, NB, B)
    dst3 = dst.reshape(NC * NS, NB, B)

    zrows = jnp.zeros((B, HID), f32)
    (deg,) = _deg_count()(dst3)
    tok = deg[0, :8, 0]
    deg0 = jnp.tile(deg[0], (1, HID // 8))
    deg1 = jnp.tile(deg[1], (1, HID // 8))
    (msg1,) = _agg()(x_pad, pk, zrows, tok)
    h1a, s1, s2 = _dense_a(msg1, deg0, deg1, x_pad, W1l,
                           b1l.reshape(1, HID), W1r)
    h1 = _dense_b(h1a, s1, s2, gn1_w.reshape(1, HID), gn1_b.reshape(1, HID),
                  gn1_ms.reshape(1, HID))
    (msg2,) = _agg()(h1, pk, zrows, tok)
    h2a, t1, t2 = _dense_a(msg2, deg0, deg1, h1, W2l,
                           b2l.reshape(1, HID), W2r)
    out = _dense_b2(h2a, t1, t2, gn2_w.reshape(1, HID), gn2_b.reshape(1, HID),
                    gn2_ms.reshape(1, HID), Wlin, blin.reshape(1, OUTD))
    return out[:N]

# --- scband reference (transcript-rebuilt; emitter-appended) ---
"""Pipeline reference for scband-gnnmodel-49752901157156 (READ-ONLY COPY).

The authoritative reference and input builder live on the scoring server;
editing this copy changes nothing except your own understanding.
"""

import jax, jax.numpy as jnp
import numpy as np

N = 10000
E = 320000
IN = 128
H = 128
OUT = 64


def setup_inputs(seed: int = 0) -> dict:
    key = jax.random.key(seed)
    ks = jax.random.split(key, 20)
    x = jax.random.normal(ks[0], (N, IN), dtype=jnp.float32)
    edge_index = jax.random.randint(ks[1], (2, E), 0, N, dtype=jnp.int32)
    s_in = 1.0 / np.sqrt(IN)
    s_h = 1.0 / np.sqrt(H)
    inp = {
        'x': x,
        'edge_index': edge_index,
        'W1l': jax.random.uniform(ks[2], (H, IN), jnp.float32, -s_in, s_in),
        'b1l': jnp.zeros((H,), jnp.float32),
        'W1r': jax.random.uniform(ks[3], (H, IN), jnp.float32, -s_in, s_in),
        'W2l': jax.random.uniform(ks[4], (H, H), jnp.float32, -s_h, s_h),
        'b2l': jnp.zeros((H,), jnp.float32),
        'W2r': jax.random.uniform(ks[5], (H, H), jnp.float32, -s_h, s_h),
        'gn1_w': jnp.ones((H,), jnp.float32),
        'gn1_b': jnp.zeros((H,), jnp.float32),
        'gn1_ms': jnp.ones((H,), jnp.float32),
        'gn2_w': jnp.ones((H,), jnp.float32),
        'gn2_b': jnp.zeros((H,), jnp.float32),
        'gn2_ms': jnp.ones((H,), jnp.float32),
        'Wlin': jax.random.uniform(ks[6], (OUT, H), jnp.float32, -s_h, s_h),
        'blin': jnp.zeros((OUT,), jnp.float32),
    }
    return inp


def reference(x, edge_index, W1l, b1l, W1r, W2l, b2l, W2r, gn1_w, gn1_b, gn1_ms, gn2_w, gn2_b, gn2_ms, Wlin, blin):
    n = x.shape[0]
    loops = jnp.arange(n, dtype=edge_index.dtype)
    ei = jnp.concatenate([edge_index, jnp.stack([loops, loops])], axis=1)
    src, dst = ei[0], ei[1]

    def sage(h, Wl, bl, Wr):
        # SAGEConv: mean aggregation of source features at destination + root transform
        msg = jax.ops.segment_sum(h[src], dst, num_segments=n)
        deg = jax.ops.segment_sum(jnp.ones((src.shape[0],), h.dtype), dst, num_segments=n)
        agg = msg / jnp.maximum(deg, 1.0)[:, None]
        return agg @ Wl.T + bl + h @ Wr.T

    def gnorm(h, w, b, ms):
        # PyG GraphNorm over a single graph (all nodes in one batch)
        mean = h.mean(axis=0, keepdims=True)
        hc = h - mean * ms
        var = (hc * hc).mean(axis=0, keepdims=True)
        return hc / jnp.sqrt(var + 1e-5) * w + b

    h = jax.nn.relu(sage(x, W1l, b1l, W1r))
    h = jax.nn.relu(gnorm(h, gn1_w, gn1_b, gn1_ms))
    h = jax.nn.relu(sage(h, W2l, b2l, W2r))
    h = jax.nn.relu(gnorm(h, gn2_w, gn2_b, gn2_ms))
    return h @ Wlin.T + blin

if __name__ == "__main__":
    import jax
    _d = setup_inputs()
    print(jax.jit(kernel)(*tuple(_d.values())))

</pallas_src>

<mosaic_0001>
#map = affine_map<(d0, d1) -> (0, 0)>
#map1 = affine_map<(d0, d1) -> (0, 0, 0)>
#map2 = affine_map<(d0, d1) -> (0)>
module attributes {stable_mosaic.version = 14 : i64} {
  func.func @_msg_body(%arg0: i32, %arg1: i32, %arg2: memref<10112x128xf32, #tpu.memory_space<hbm>>, %arg3: memref<32x81x128xi32, #tpu.memory_space<hbm>>, %arg4: memref<128x128xf32, #tpu.memory_space<hbm>>, %arg5: memref<8xf32, #tpu.memory_space<hbm>>, %arg6: memref<2x10112x128xf32, #tpu.memory_space<hbm>>, %arg7: memref<81x128xi32, #tpu.memory_space<vmem>>, %arg8: memref<128xi32, #tpu.memory_space<vmem>>, %arg9: memref<128xi32, #tpu.memory_space<vmem>>, %arg10: memref<128xi32, #tpu.memory_space<vmem>>, %arg11: memref<128xi32, #tpu.memory_space<vmem>>, %arg12: memref<128x128xf32, #tpu.memory_space<vmem>>, %arg13: memref<128x128xf32, #tpu.memory_space<vmem>>, %arg14: memref<10112x128xf32, #tpu.memory_space<vmem_shared>>, %arg15: memref<!tpu.dma_semaphore, #tpu.memory_space<semaphore_mem>>, %arg16: memref<!tpu.dma_semaphore, #tpu.memory_space<semaphore_mem>>) attributes {dimension_semantics = [#tpu.dimension_semantics<core_parallel>, #tpu.dimension_semantics<subcore_parallel>], iteration_bounds = array<i64: 2, 16>, scalar_prefetch = 0 : i64, scratch_operands = 10 : i64, tpu.core_type = #tpu.core_type<sc_vector_subcore>, window_params = [{transform_indices = #map}, {transform_indices = #map1}, {transform_indices = #map}, {transform_indices = #map2}, {transform_indices = #map1}]} {
    %mul3A = arith.constant 632 : i32
    %mul3A_0 = arith.muli %arg1, %mul3A : i32
    %mul3A_1 = arith.constant 16 : i32
    %mul3A_2 = arith.muli %arg0, %mul3A_1 : i32
    %add3A = arith.addi %mul3A_2, %arg1 : i32
    %scan3A = arith.constant 0 : i32
    %scan3A_3 = arith.constant 0 : i32
    %scan3A_4 = arith.constant 10 : i32
    %scan3A_5 = arith.addi %scan3A_3, %scan3A_4 : i32
    %scan3A_6 = arith.constant 1 : i32
    %scan3A_7 = scf.for %scan3A_136 = %scan3A_3 to %scan3A_5 step %scan3A_6 iter_args(%scan3A_137 = %scan3A) -> (i32)  : i32 {
      %mul3A_138 = arith.constant 8 : i32
      %mul3A_139 = arith.muli %scan3A_136, %mul3A_138 : i32
      "tpu.region"() ({
        %run_scoped3A = tpu.sem_alloc : memref<!tpu.dma_semaphore, #tpu.memory_space<semaphore_mem>>
        %dma_start3A_141 = arith.constant 0 : i32
        %dma_start3A_142 = tpu.memref_slice %arg7[%mul3A_139, %dma_start3A_141] : memref<81x128xi32, #tpu.memory_space<vmem>> -> memref<8x128xi32, #tpu.memory_space<vmem>>
        %dma_start3A_143 = arith.constant 0 : i32
        %dma_start3A_144 = tpu.memref_slice %arg3[%add3A, %mul3A_139, %dma_start3A_143] : memref<32x81x128xi32, #tpu.memory_space<hbm>> -> memref<1x8x128xi32, #tpu.memory_space<hbm>>
        %dma_start3A_145 = tpu.memref_squeeze %dma_start3A_144 : memref<1x8x128xi32, #tpu.memory_space<hbm>> -> memref<8x128xi32, #tpu.memory_space<hbm>>
        %dma_start3A_146 = arith.constant 0 : i32
        %dma_start3A_147 = tpu.memref_slice %arg7[%mul3A_139, %dma_start3A_146] : memref<81x128xi32, #tpu.memory_space<vmem>> -> memref<8x128xi32, #tpu.memory_space<vmem>>
        %dma_start3A_148 = arith.constant 0 : i32
        %dma_start3A_149 = tpu.memref_slice %arg3[%add3A, %mul3A_139, %dma_start3A_148] : memref<32x81x128xi32, #tpu.memory_space<hbm>> -> memref<1x8x128xi32, #tpu.memory_space<hbm>>
        %dma_start3A_150 = tpu.memref_squeeze %dma_start3A_149 : memref<1x8x128xi32, #tpu.memory_space<hbm>> -> memref<8x128xi32, #tpu.memory_space<hbm>>
        tpu.enqueue_dma source(%dma_start3A_150 : memref<8x128xi32, #tpu.memory_space<hbm>>) target(%dma_start3A_147 : memref<8x128xi32, #tpu.memory_space<vmem>>) target_semaphore(%run_scoped3A : memref<!tpu.dma_semaphore, #tpu.memory_space<semaphore_mem>>)
        %dma_wait3A = arith.constant 0 : i32
        %dma_wait3A_151 = tpu.memref_slice %arg7[%mul3A_139, %dma_wait3A] : memref<81x128xi32, #tpu.memory_space<vmem>> -> memref<8x128xi32, #tpu.memory_space<vmem>>
        %dma_wait3A_152 = arith.constant 0 : i32
        %dma_wait3A_153 = tpu.memref_slice %arg3[%add3A, %mul3A_139, %dma_wait3A_152] : memref<32x81x128xi32, #tpu.memory_space<hbm>> -> memref<1x8x128xi32, #tpu.memory_space<hbm>>
        %dma_wait3A_154 = tpu.memref_squeeze %dma_wait3A_153 : memref<1x8x128xi32, #tpu.memory_space<hbm>> -> memref<8x128xi32, #tpu.memory_space<hbm>>
        %dma_wait3A_155 = arith.constant 0 : i32
        %dma_wait3A_156 = tpu.memref_slice %arg7[%mul3A_139, %dma_wait3A_155] : memref<81x128xi32, #tpu.memory_space<vmem>> -> memref<8x128xi32, #tpu.memory_space<vmem>>
        %dma_wait3A_157 = arith.constant 0 : i32
        %dma_wait3A_158 = tpu.memref_slice %arg3[%add3A, %mul3A_139, %dma_wait3A_157] : memref<32x81x128xi32, #tpu.memory_space<hbm>> -> memref<1x8x128xi32, #tpu.memory_space<hbm>>
        %dma_wait3A_159 = tpu.memref_squeeze %dma_wait3A_158 : memref<1x8x128xi32, #tpu.memory_space<hbm>> -> memref<8x128xi32, #tpu.memory_space<hbm>>
        tpu.wait_dma2 semaphore(%run_scoped3A : memref<!tpu.dma_semaphore, #tpu.memory_space<semaphore_mem>>) src(%dma_wait3A_159 : memref<8x128xi32, #tpu.memory_space<hbm>>) dst(%dma_wait3A_156 : memref<8x128xi32, #tpu.memory_space<vmem>>)
        tpu.yield
      }) : () -> ()
      %scan3A_140 = arith.constant 0 : i32
      scf.yield %scan3A_140 : i32
    }
    %scan3A_8 = arith.constant 10 : i32
    "tpu.region"() ({
      %run_scoped3A = tpu.sem_alloc : memref<!tpu.dma_semaphore, #tpu.memory_space<semaphore_mem>>
      %dma_start3A_136 = arith.constant 80 : i32
      %dma_start3A_137 = arith.constant 0 : i32
      %dma_start3A_138 = tpu.memref_slice %arg7[%dma_start3A_136, %dma_start3A_137] : memref<81x128xi32, #tpu.memory_space<vmem>> -> memref<1x128xi32, #tpu.memory_space<vmem>>
      %dma_start3A_139 = arith.constant 80 : i32
      %dma_start3A_140 = arith.constant 0 : i32
      %dma_start3A_141 = tpu.memref_slice %arg3[%add3A, %dma_start3A_139, %dma_start3A_140] : memref<32x81x128xi32, #tpu.memory_space<hbm>> -> memref<1x1x128xi32, #tpu.memory_space<hbm>>
      %dma_start3A_142 = tpu.memref_squeeze %dma_start3A_141 : memref<1x1x128xi32, #tpu.memory_space<hbm>> -> memref<1x128xi32, #tpu.memory_space<hbm>>
      %dma_start3A_143 = arith.constant 80 : i32
      %dma_start3A_144 = arith.constant 0 : i32
      %dma_start3A_145 = tpu.memref_slice %arg7[%dma_start3A_143, %dma_start3A_144] : memref<81x128xi32, #tpu.memory_space<vmem>> -> memref<1x128xi32, #tpu.memory_space<vmem>>
      %dma_start3A_146 = arith.constant 80 : i32
      %dma_start3A_147 = arith.constant 0 : i32
      %dma_start3A_148 = tpu.memref_slice %arg3[%add3A, %dma_start3A_146, %dma_start3A_147] : memref<32x81x128xi32, #tpu.memory_space<hbm>> -> memref<1x1x128xi32, #tpu.memory_space<hbm>>
      %dma_start3A_149 = tpu.memref_squeeze %dma_start3A_148 : memref<1x1x128xi32, #tpu.memory_space<hbm>> -> memref<1x128xi32, #tpu.memory_space<hbm>>
      tpu.enqueue_dma source(%dma_start3A_149 : memref<1x128xi32, #tpu.memory_space<hbm>>) target(%dma_start3A_145 : memref<1x128xi32, #tpu.memory_space<vmem>>) target_semaphore(%run_scoped3A : memref<!tpu.dma_semaphore, #tpu.memory_space<semaphore_mem>>)
      %dma_wait3A = arith.constant 80 : i32
      %dma_wait3A_150 = arith.constant 0 : i32
      %dma_wait3A_151 = tpu.memref_slice %arg7[%dma_wait3A, %dma_wait3A_150] : memref<81x128xi32, #tpu.memory_space<vmem>> -> memref<1x128xi32, #tpu.memory_space<vmem>>
      %dma_wait3A_152 = arith.constant 80 : i32
      %dma_wait3A_153 = arith.constant 0 : i32
      %dma_wait3A_154 = tpu.memref_slice %arg3[%add3A, %dma_wait3A_152, %dma_wait3A_153] : memref<32x81x128xi32, #tpu.memory_space<hbm>> -> memref<1x1x128xi32, #tpu.memory_space<hbm>>
      %dma_wait3A_155 = tpu.memref_squeeze %dma_wait3A_154 : memref<1x1x128xi32, #tpu.memory_space<hbm>> -> memref<1x128xi32, #tpu.memory_space<hbm>>
      %dma_wait3A_156 = arith.constant 80 : i32
      %dma_wait3A_157 = arith.constant 0 : i32
      %dma_wait3A_158 = tpu.memref_slice %arg7[%dma_wait3A_156, %dma_wait3A_157] : memref<81x128xi32, #tpu.memory_space<vmem>> -> memref<1x128xi32, #tpu.memory_space<vmem>>
      %dma_wait3A_159 = arith.constant 80 : i32
      %dma_wait3A_160 = arith.constant 0 : i32
      %dma_wait3A_161 = tpu.memref_slice %arg3[%add3A, %dma_wait3A_159, %dma_wait3A_160] : memref<32x81x128xi32, #tpu.memory_space<hbm>> -> memref<1x1x128xi32, #tpu.memory_space<hbm>>
      %dma_wait3A_162 = tpu.memref_squeeze %dma_wait3A_161 : memref<1x1x128xi32, #tpu.memory_space<hbm>> -> memref<1x128xi32, #tpu.memory_space<hbm>>
      tpu.wait_dma2 semaphore(%run_scoped3A : memref<!tpu.dma_semaphore, #tpu.memory_space<semaphore_mem>>) src(%dma_wait3A_162 : memref<1x128xi32, #tpu.memory_space<hbm>>) dst(%dma_wait3A_158 : memref<1x128xi32, #tpu.memory_space<vmem>>)
      tpu.yield
    }) : () -> ()
    %scan3A_9 = arith.constant 0 : i32
    %scan3A_10 = arith.constant 0 : i32
    %scan3A_11 = arith.constant 4 : i32
    %scan3A_12 = arith.addi %scan3A_10, %scan3A_11 : i32
    %scan3A_13 = arith.constant 1 : i32
    %scan3A_14 = scf.for %scan3A_136 = %scan3A_10 to %scan3A_12 step %scan3A_13 iter_args(%scan3A_137 = %scan3A_9) -> (i32)  : i32 {
      %mul3A_138 = arith.constant 128 : i32
      %mul3A_139 = arith.muli %scan3A_136, %mul3A_138 : i32
      %add3A_140 = arith.addi %mul3A_0, %mul3A_139 : i32
      "tpu.region"() ({
        %run_scoped3A = tpu.sem_alloc : memref<!tpu.dma_semaphore, #tpu.memory_space<semaphore_mem>>
        %dma_start3A_142 = arith.constant 0 : i32
        %dma_start3A_143 = tpu.memref_slice %arg14[%add3A_140, %dma_start3A_142] : memref<10112x128xf32, #tpu.memory_space<vmem_shared>> -> memref<128x128xf32, #tpu.memory_space<vmem_shared>>
        tpu.enqueue_dma source(%arg4 : memref<128x128xf32, #tpu.memory_space<hbm>>) target(%dma_start3A_143 : memref<128x128xf32, #tpu.memory_space<vmem_shared>>) target_semaphore(%run_scoped3A : memref<!tpu.dma_semaphore, #tpu.memory_space<semaphore_mem>>)
        %dma_wait3A = arith.constant 0 : i32
        %dma_wait3A_144 = tpu.memref_slice %arg14[%add3A_140, %dma_wait3A] : memref<10112x128xf32, #tpu.memory_space<vmem_shared>> -> memref<128x128xf32, #tpu.memory_space<vmem_shared>>
        tpu.wait_dma2 semaphore(%run_scoped3A : memref<!tpu.dma_semaphore, #tpu.memory_space<semaphore_mem>>) src(%arg4 : memref<128x128xf32, #tpu.memory_space<hbm>>) dst(%dma_wait3A_144 : memref<128x128xf32, #tpu.memory_space<vmem_shared>>)
        tpu.yield
      }) : () -> ()
      %scan3A_141 = arith.constant 0 : i32
      scf.yield %scan3A_141 : i32
    }
    %scan3A_15 = arith.constant 4 : i32
    %add3A_16 = arith.constant 512 : i32
    %add3A_17 = arith.addi %mul3A_0, %add3A_16 : i32
    "tpu.region"() ({
      %run_scoped3A = tpu.sem_alloc : memref<!tpu.dma_semaphore, #tpu.memory_space<semaphore_mem>>
      %dma_start3A_136 = arith.constant 0 : i32
      %dma_start3A_137 = tpu.memref_slice %arg14[%add3A_17, %dma_start3A_136] : memref<10112x128xf32, #tpu.memory_space<vmem_shared>> -> memref<120x128xf32, #tpu.memory_space<vmem_shared>>
      %dma_start3A_138 = arith.constant 0 : i32
      %dma_start3A_139 = arith.constant 0 : i32
      %dma_start3A_140 = tpu.memref_slice %arg4[%dma_start3A_138, %dma_start3A_139] : memref<128x128xf32, #tpu.memory_space<hbm>> -> memref<120x128xf32, #tpu.memory_space<hbm>>
      tpu.enqueue_dma source(%dma_start3A_140 : memref<120x128xf32, #tpu.memory_space<hbm>>) target(%dma_start3A_137 : memref<120x128xf32, #tpu.memory_space<vmem_shared>>) target_semaphore(%run_scoped3A : memref<!tpu.dma_semaphore, #tpu.memory_space<semaphore_mem>>)
      %dma_wait3A = arith.constant 0 : i32
      %dma_wait3A_141 = tpu.memref_slice %arg14[%add3A_17, %dma_wait3A] : memref<10112x128xf32, #tpu.memory_space<vmem_shared>> -> memref<120x128xf32, #tpu.memory_space<vmem_shared>>
      %dma_wait3A_142 = arith.constant 0 : i32
      %dma_wait3A_143 = arith.constant 0 : i32
      %dma_wait3A_144 = tpu.memref_slice %arg4[%dma_wait3A_142, %dma_wait3A_143] : memref<128x128xf32, #tpu.memory_space<hbm>> -> memref<120x128xf32, #tpu.memory_space<hbm>>
      tpu.wait_dma2 semaphore(%run_scoped3A : memref<!tpu.dma_semaphore, #tpu.memory_space<semaphore_mem>>) src(%dma_wait3A_144 : memref<120x128xf32, #tpu.memory_space<hbm>>) dst(%dma_wait3A_141 : memref<120x128xf32, #tpu.memory_space<vmem_shared>>)
      tpu.yield
    }) : () -> ()
    %barrier3A = arith.constant 0 : index
    tpu.barrier barrier_id(%barrier3A)
    %get3A = arith.constant 0 : i32
    %get3A_18 = arith.index_cast %get3A : i32 to index
    %get3A_19 = arith.constant 0 : index
    %get3A_20 = tpu.vector_load %arg7[%get3A_18, %get3A_19] {strides = array<i32>} : memref<81x128xi32, #tpu.memory_space<vmem>>, vector<16xi32>,
    %and3A = arith.constant 65535 : i32
    %and3A_21 = vector.broadcast %and3A : i32 to vector<16xi32>
    %and3A_22 = arith.andi %get3A_20, %and3A_21 : vector<16xi32>
    %swap3A = arith.constant 0 : index
    %swap3A_23 = tpu.vector_load %arg8[%swap3A] {strides = array<i32>} : memref<128xi32, #tpu.memory_space<vmem>>, vector<16xi32>,
    tpu.vector_store %arg8[%swap3A], %and3A_22 {strides = array<i32>} : memref<128xi32, #tpu.memory_space<vmem>>, vector<16xi32>,
    %shift_right_logical3A = arith.constant 16 : i32
    %shift_right_logical3A_24 = vector.broadcast %shift_right_logical3A : i32 to vector<16xi32>
    %shift_right_logical3A_25 = arith.shrui %get3A_20, %shift_right_logical3A_24 : vector<16xi32>
    %swap3A_26 = arith.constant 0 : index
    %swap3A_27 = tpu.vector_load %arg9[%swap3A_26] {strides = array<i32>} : memref<128xi32, #tpu.memory_space<vmem>>, vector<16xi32>,
    tpu.vector_store %arg9[%swap3A_26], %shift_right_logical3A_25 {strides = array<i32>} : memref<128xi32, #tpu.memory_space<vmem>>, vector<16xi32>,
    %get3A_28 = arith.constant 0 : i32
    %get3A_29 = arith.index_cast %get3A_28 : i32 to index
    %get3A_30 = arith.constant 16 : index
    %get3A_31 = tpu.vector_load %arg7[%get3A_29, %get3A_30] {strides = array<i32>} : memref<81x128xi32, #tpu.memory_space<vmem>>, vector<16xi32>,
    %and3A_32 = arith.constant 65535 : i32
    %and3A_33 = vector.broadcast %and3A_32 : i32 to vector<16xi32>
    %and3A_34 = arith.andi %get3A_31, %and3A_33 : vector<16xi32>
    %swap3A_35 = arith.constant 16 : index
    %swap3A_36 = tpu.vector_load %arg8[%swap3A_35] {strides = array<i32>} : memref<128xi32, #tpu.memory_space<vmem>>, vector<16xi32>,
    tpu.vector_store %arg8[%swap3A_35], %and3A_34 {strides = array<i32>} : memref<128xi32, #tpu.memory_space<vmem>>, vector<16xi32>,
    %shift_right_logical3A_37 = arith.constant 16 : i32
    %shift_right_logical3A_38 = vector.broadcast %shift_right_logical3A_37 : i32 to vector<16xi32>
    %shift_right_logical3A_39 = arith.shrui %get3A_31, %shift_right_logical3A_38 : vector<16xi32>
    %swap3A_40 = arith.constant 16 : index
    %swap3A_41 = tpu.vector_load %arg9[%swap3A_40] {strides = array<i32>} : memref<128xi32, #tpu.memory_space<vmem>>, vector<16xi32>,
    tpu.vector_store %arg9[%swap3A_40], %shift_right_logical3A_39 {strides = array<i32>} : memref<128xi32, #tpu.memory_space<vmem>>, vector<16xi32>,
    %get3A_42 = arith.constant 0 : i32
    %get3A_43 = arith.index_cast %get3A_42 : i32 to index
    %get3A_44 = arith.constant 32 : index
    %get3A_45 = tpu.vector_load %arg7[%get3A_43, %get3A_44] {strides = array<i32>} : memref<81x128xi32, #tpu.memory_space<vmem>>, vector<16xi32>,
    %and3A_46 = arith.constant 65535 : i32
    %and3A_47 = vector.broadcast %and3A_46 : i32 to vector<16xi32>
    %and3A_48 = arith.andi %get3A_45, %and3A_47 : vector<16xi32>
    %swap3A_49 = arith.constant 32 : index
    %swap3A_50 = tpu.vector_load %arg8[%swap3A_49] {strides = array<i32>} : memref<128xi32, #tpu.memory_space<vmem>>, vector<16xi32>,
    tpu.vector_store %arg8[%swap3A_49], %and3A_48 {strides = array<i32>} : memref<128xi32, #tpu.memory_space<vmem>>, vector<16xi32>,
    %shift_right_logical3A_51 = arith.constant 16 : i32
    %shift_right_logical3A_52 = vector.broadcast %shift_right_logical3A_51 : i32 to vector<16xi32>
    %shift_right_logical3A_53 = arith.shrui %get3A_45, %shift_right_logical3A_52 : vector<16xi32>
    %swap3A_54 = arith.constant 32 : index
    %swap3A_55 = tpu.vector_load %arg9[%swap3A_54] {strides = array<i32>} : memref<128xi32, #tpu.memory_space<vmem>>, vector<16xi32>,
    tpu.vector_store %arg9[%swap3A_54], %shift_right_logical3A_53 {strides = array<i32>} : memref<128xi32, #tpu.memory_space<vmem>>, vector<16xi32>,
    %get3A_56 = arith.constant 0 : i32
    %get3A_57 = arith.index_cast %get3A_56 : i32 to index
    %get3A_58 = arith.constant 48 : index
    %get3A_59 = tpu.vector_load %arg7[%get3A_57, %get3A_58] {strides = array<i32>} : memref<81x128xi32, #tpu.memory_space<vmem>>, vector<16xi32>,
    %and3A_60 = arith.constant 65535 : i32
    %and3A_61 = vector.broadcast %and3A_60 : i32 to vector<16xi32>
    %and3A_62 = arith.andi %get3A_59, %and3A_61 : vector<16xi32>
    %swap3A_63 = arith.constant 48 : index
    %swap3A_64 = tpu.vector_load %arg8[%swap3A_63] {strides = array<i32>} : memref<128xi32, #tpu.memory_space<vmem>>, vector<16xi32>,
    tpu.vector_store %arg8[%swap3A_63], %and3A_62 {strides = array<i32>} : memref<128xi32, #tpu.memory_space<vmem>>, vector<16xi32>,
    %shift_right_logical3A_65 = arith.constant 16 : i32
    %shift_right_logical3A_66 = vector.broadcast %shift_right_logical3A_65 : i32 to vector<16xi32>
    %shift_right_logical3A_67 = arith.shrui %get3A_59, %shift_right_logical3A_66 : vector<16xi32>
    %swap3A_68 = arith.constant 48 : index
    %swap3A_69 = tpu.vector_load %arg9[%swap3A_68] {strides = array<i32>} : memref<128xi32, #tpu.memory_space<vmem>>, vector<16xi32>,
    tpu.vector_store %arg9[%swap3A_68], %shift_right_logical3A_67 {strides = array<i32>} : memref<128xi32, #tpu.memory_space<vmem>>, vector<16xi32>,
    %get3A_70 = arith.constant 0 : i32
    %get3A_71 = arith.index_cast %get3A_70 : i32 to index
    %get3A_72 = arith.constant 64 : index
    %get3A_73 = tpu.vector_load %arg7[%get3A_71, %get3A_72] {strides = array<i32>} : memref<81x128xi32, #tpu.memory_space<vmem>>, vector<16xi32>,
    %and3A_74 = arith.constant 65535 : i32
    %and3A_75 = vector.broadcast %and3A_74 : i32 to vector<16xi32>
    %and3A_76 = arith.andi %get3A_73, %and3A_75 : vector<16xi32>
    %swap3A_77 = arith.constant 64 : index
    %swap3A_78 = tpu.vector_load %arg8[%swap3A_77] {strides = array<i32>} : memref<128xi32, #tpu.memory_space<vmem>>, vector<16xi32>,
    tpu.vector_store %arg8[%swap3A_77], %and3A_76 {strides = array<i32>} : memref<128xi32, #tpu.memory_space<vmem>>, vector<16xi32>,
    %shift_right_logical3A_79 = arith.constant 16 : i32
    %shift_right_logical3A_80 = vector.broadcast %shift_right_logical3A_79 : i32 to vector<16xi32>
    %shift_right_logical3A_81 = arith.shrui %get3A_73, %shift_right_logical3A_80 : vector<16xi32>
    %swap3A_82 = arith.constant 64 : index
    %swap3A_83 = tpu.vector_load %arg9[%swap3A_82] {strides = array<i32>} : memref<128xi32, #tpu.memory_space<vmem>>, vector<16xi32>,
    tpu.vector_store %arg9[%swap3A_82], %shift_right_logical3A_81 {strides = array<i32>} : memref<128xi32, #tpu.memory_space<vmem>>, vector<16xi32>,
    %get3A_84 = arith.constant 0 : i32
    %get3A_85 = arith.index_cast %get3A_84 : i32 to index
    %get3A_86 = arith.constant 80 : index
    %get3A_87 = tpu.vector_load %arg7[%get3A_85, %get3A_86] {strides = array<i32>} : memref<81x128xi32, #tpu.memory_space<vmem>>, vector<16xi32>,
    %and3A_88 = arith.constant 65535 : i32
    %and3A_89 = vector.broadcast %and3A_88 : i32 to vector<16xi32>
    %and3A_90 = arith.andi %get3A_87, %and3A_89 : vector<16xi32>
    %swap3A_91 = arith.constant 80 : index
    %swap3A_92 = tpu.vector_load %arg8[%swap3A_91] {strides = array<i32>} : memref<128xi32, #tpu.memory_space<vmem>>, vector<16xi32>,
    tpu.vector_store %arg8[%swap3A_91], %and3A_90 {strides = array<i32>} : memref<128xi32, #tpu.memory_space<vmem>>, vector<16xi32>,
    %shift_right_logical3A_93 = arith.constant 16 : i32
    %shift_right_logical3A_94 = vector.broadcast %shift_right_logical3A_93 : i32 to vector<16xi32>
    %shift_right_logical3A_95 = arith.shrui %get3A_87, %shift_right_logical3A_94 : vector<16xi32>
    %swap3A_96 = arith.constant 80 : index
    %swap3A_97 = tpu.vector_load %arg9[%swap3A_96] {strides = array<i32>} : memref<128xi32, #tpu.memory_space<vmem>>, vector<16xi32>,
    tpu.vector_store %arg9[%swap3A_96], %shift_right_logical3A_95 {strides = array<i32>} : memref<128xi32, #tpu.memory_space<vmem>>, vector<16xi32>,
    %get3A_98 = arith.constant 0 : i32
    %get3A_99 = arith.index_cast %get3A_98 : i32 to index
    %get3A_100 = arith.constant 96 : index
    %get3A_101 = tpu.vector_load %arg7[%get3A_99, %get3A_100] {strides = array<i32>} : memref<81x128xi32, #tpu.memory_space<vmem>>, vector<16xi32>,
    %and3A_102 = arith.constant 65535 : i32
    %and3A_103 = vector.broadcast %and3A_102 : i32 to vector<16xi32>
    %and3A_104 = arith.andi %get3A_101, %and3A_103 : vector<16xi32>
    %swap3A_105 = arith.constant 96 : index
    %swap3A_106 = tpu.vector_load %arg8[%swap3A_105] {strides = array<i32>} : memref<128xi32, #tpu.memory_space<vmem>>, vector<16xi32>,
    tpu.vector_store %arg8[%swap3A_105], %and3A_104 {strides = array<i32>} : memref<128xi32, #tpu.memory_space<vmem>>, vector<16xi32>,
    %shift_right_logical3A_107 = arith.constant 16 : i32
    %shift_right_logical3A_108 = vector.broadcast %shift_right_logical3A_107 : i32 to vector<16xi32>
    %shift_right_logical3A_109 = arith.shrui %get3A_101, %shift_right_logical3A_108 : vector<16xi32>
    %swap3A_110 = arith.constant 96 : index
    %swap3A_111 = tpu.vector_load %arg9[%swap3A_110] {strides = array<i32>} : memref<128xi32, #tpu.memory_space<vmem>>, vector<16xi32>,
    tpu.vector_store %arg9[%swap3A_110], %shift_right_logical3A_109 {strides = array<i32>} : memref<128xi32, #tpu.memory_space<vmem>>, vector<16xi32>,
    %get3A_112 = arith.constant 0 : i32
    %get3A_113 = arith.index_cast %get3A_112 : i32 to index
    %get3A_114 = arith.constant 112 : index
    %get3A_115 = tpu.vector_load %arg7[%get3A_113, %get3A_114] {strides = array<i32>} : memref<81x128xi32, #tpu.memory_space<vmem>>, vector<16xi32>,
    %and3A_116 = arith.constant 65535 : i32
    %and3A_117 = vector.broadcast %and3A_116 : i32 to vector<16xi32>
    %and3A_118 = arith.andi %get3A_115, %and3A_117 : vector<16xi32>
    %swap3A_119 = arith.constant 112 : index
    %swap3A_120 = tpu.vector_load %arg8[%swap3A_119] {strides = array<i32>} : memref<128xi32, #tpu.memory_space<vmem>>, vector<16xi32>,
    tpu.vector_store %arg8[%swap3A_119], %and3A_118 {strides = array<i32>} : memref<128xi32, #tpu.memory_space<vmem>>, vector<16xi32>,
    %shift_right_logical3A_121 = arith.constant 16 : i32
    %shift_right_logical3A_122 = vector.broadcast %shift_right_logical3A_121 : i32 to vector<16xi32>
    %shift_right_logical3A_123 = arith.shrui %get3A_115, %shift_right_logical3A_122 : vector<16xi32>
    %swap3A_124 = arith.constant 112 : index
    %swap3A_125 = tpu.vector_load %arg9[%swap3A_124] {strides = array<i32>} : memref<128xi32, #tpu.memory_space<vmem>>, vector<16xi32>,
    tpu.vector_store %arg9[%swap3A_124], %shift_right_logical3A_123 {strides = array<i32>} : memref<128xi32, #tpu.memory_space<vmem>>, vector<16xi32>,
    %dma_start3A = arith.constant 0 : i32
    %dma_start3A_126 = arith.constant 0 : i32
    %dma_start3A_127 = tpu.memref_slice %arg2[%dma_start3A, %dma_start3A_126] : memref<10112x128xf32, #tpu.memory_space<hbm>> -> memref<10112x128xf32, #tpu.memory_space<hbm>>
    tpu.enqueue_indirect_dma source(%dma_start3A_127 : memref<10112x128xf32, #tpu.memory_space<hbm>>) target(%arg12 : memref<128x128xf32, #tpu.memory_space<vmem>>) offsets(%arg8 : memref<128xi32, #tpu.memory_space<vmem>>) semaphore(%arg15 : memref<!tpu.dma_semaphore, #tpu.memory_space<semaphore_mem>>)
    %scan3A_128 = arith.constant 0 : i32
    %scan3A_129 = arith.constant 0 : i32
    %scan3A_130 = arith.constant 41 : i32
    %scan3A_131 = arith.addi %scan3A_129, %scan3A_130 : i32
    %scan3A_132 = arith.constant 1 : i32
    %scan3A_133 = scf.for %scan3A_136 = %scan3A_129 to %scan3A_131 step %scan3A_132 iter_args(%scan3A_137 = %scan3A_128) -> (i32)  : i32 {
      %mul3A_138 = arith.constant 2 : i32
      %mul3A_139 = arith.muli %mul3A_138, %scan3A_136 : i32
      %add3A_140 = arith.constant 1 : i32
      %add3A_141 = arith.addi %mul3A_139, %add3A_140 : i32
      %lt3A = arith.constant 81 : i32
      %lt3A_142 = arith.cmpi slt, %add3A_141, %lt3A : i32
      %convert_element_type3A = arith.extui %lt3A_142 : i1 to i32
      %cond3A = arith.constant 0 : i32
      %cond3A_143 = arith.cmpi ne, %convert_element_type3A, %cond3A : i32
      scf.if %cond3A_143 {
        %add3A_161 = arith.constant 1 : i32
        %add3A_162 = arith.addi %mul3A_139, %add3A_161 : i32
        %get3A_163 = arith.index_cast %add3A_162 : i32 to index
        %get3A_164 = arith.constant 0 : index
        %get3A_165 = tpu.vector_load %arg7[%get3A_163, %get3A_164] {strides = array<i32>} : memref<81x128xi32, #tpu.memory_space<vmem>>, vector<16xi32>,
        %and3A_166 = arith.constant 65535 : i32
        %and3A_167 = vector.broadcast %and3A_166 : i32 to vector<16xi32>
        %and3A_168 = arith.andi %get3A_165, %and3A_167 : vector<16xi32>
        %swap3A_169 = arith.constant 0 : index
        %swap3A_170 = tpu.vector_load %arg10[%swap3A_169] {strides = array<i32>} : memref<128xi32, #tpu.memory_space<vmem>>, vector<16xi32>,
        tpu.vector_store %arg10[%swap3A_169], %and3A_168 {strides = array<i32>} : memref<128xi32, #tpu.memory_space<vmem>>, vector<16xi32>,
        %shift_right_logical3A_171 = arith.constant 16 : i32
        %shift_right_logical3A_172 = vector.broadcast %shift_right_logical3A_171 : i32 to vector<16xi32>
        %shift_right_logical3A_173 = arith.shrui %get3A_165, %shift_right_logical3A_172 : vector<16xi32>
        %swap3A_174 = arith.constant 0 : index
        %swap3A_175 = tpu.vector_load %arg11[%swap3A_174] {strides = array<i32>} : memref<128xi32, #tpu.memory_space<vmem>>, vector<16xi32>,
        tpu.vector_store %arg11[%swap3A_174], %shift_right_logical3A_173 {strides = array<i32>} : memref<128xi32, #tpu.memory_space<vmem>>, vector<16xi32>,
        %get3A_176 = arith.index_cast %add3A_162 : i32 to index
        %get3A_177 = arith.constant 16 : index
        %get3A_178 = tpu.vector_load %arg7[%get3A_176, %get3A_177] {strides = array<i32>} : memref<81x128xi32, #tpu.memory_space<vmem>>, vector<16xi32>,
        %and3A_179 = arith.constant 65535 : i32
        %and3A_180 = vector.broadcast %and3A_179 : i32 to vector<16xi32>
        %and3A_181 = arith.andi %get3A_178, %and3A_180 : vector<16xi32>
        %swap3A_182 = arith.constant 16 : index
        %swap3A_183 = tpu.vector_load %arg10[%swap3A_182] {strides = array<i32>} : memref<128xi32, #tpu.memory_space<vmem>>, vector<16xi32>,
        tpu.vector_store %arg10[%swap3A_182], %and3A_181 {strides = array<i32>} : memref<128xi32, #tpu.memory_space<vmem>>, vector<16xi32>,
        %shift_right_logical3A_184 = arith.constant 16 : i32
        %shift_right_logical3A_185 = vector.broadcast %shift_right_logical3A_184 : i32 to vector<16xi32>
        %shift_right_logical3A_186 = arith.shrui %get3A_178, %shift_right_logical3A_185 : vector<16xi32>
        %swap3A_187 = arith.constant 16 : index
        %swap3A_188 = tpu.vector_load %arg11[%swap3A_187] {strides = array<i32>} : memref<128xi32, #tpu.memory_space<vmem>>, vector<16xi32>,
        tpu.vector_store %arg11[%swap3A_187], %shift_right_logical3A_186 {strides = array<i32>} : memref<128xi32, #tpu.memory_space<vmem>>, vector<16xi32>,
        %get3A_189 = arith.index_cast %add3A_162 : i32 to index
        %get3A_190 = arith.constant 32 : index
        %get3A_191 = tpu.vector_load %arg7[%get3A_189, %get3A_190] {strides = array<i32>} : memref<81x128xi32, #tpu.memory_space<vmem>>, vector<16xi32>,
        %and3A_192 = arith.constant 65535 : i32
        %and3A_193 = vector.broadcast %and3A_192 : i32 to vector<16xi32>
        %and3A_194 = arith.andi %get3A_191, %and3A_193 : vector<16xi32>
        %swap3A_195 = arith.constant 32 : index
        %swap3A_196 = tpu.vector_load %arg10[%swap3A_195] {strides = array<i32>} : memref<128xi32, #tpu.memory_space<vmem>>, vector<16xi32>,
        tpu.vector_store %arg10[%swap3A_195], %and3A_194 {strides = array<i32>} : memref<128xi32, #tpu.memory_space<vmem>>, vector<16xi32>,
        %shift_right_logical3A_197 = arith.constant 16 : i32
        %shift_right_logical3A_198 = vector.broadcast %shift_right_logical3A_197 : i32 to vector<16xi32>
        %shift_right_logical3A_199 = arith.shrui %get3A_191, %shift_right_logical3A_198 : vector<16xi32>
        %swap3A_200 = arith.constant 32 : index
        %swap3A_201 = tpu.vector_load %arg11[%swap3A_200] {strides = array<i32>} : memref<128xi32, #tpu.memory_space<vmem>>, vector<16xi32>,
        tpu.vector_store %arg11[%swap3A_200], %shift_right_logical3A_199 {strides = array<i32>} : memref<128xi32, #tpu.memory_space<vmem>>, vector<16xi32>,
        %get3A_202 = arith.index_cast %add3A_162 : i32 to index
        %get3A_203 = arith.constant 48 : index
        %get3A_204 = tpu.vector_load %arg7[%get3A_202, %get3A_203] {strides = array<i32>} : memref<81x128xi32, #tpu.memory_space<vmem>>, vector<16xi32>,
        %and3A_205 = arith.constant 65535 : i32
        %and3A_206 = vector.broadcast %and3A_205 : i32 to vector<16xi32>
        %and3A_207 = arith.andi %get3A_204, %and3A_206 : vector<16xi32>
        %swap3A_208 = arith.constant 48 : index
        %swap3A_209 = tpu.vector_load %arg10[%swap3A_208] {strides = array<i32>} : memref<128xi32, #tpu.memory_space<vmem>>, vector<16xi32>,
        tpu.vector_store %arg10[%swap3A_208], %and3A_207 {strides = array<i32>} : memref<128xi32, #tpu.memory_space<vmem>>, vector<16xi32>,
        %shift_right_logical3A_210 = arith.constant 16 : i32
        %shift_right_logical3A_211 = vector.broadcast %shift_right_logical3A_210 : i32 to vector<16xi32>
        %shift_right_logical3A_212 = arith.shrui %get3A_204, %shift_right_logical3A_211 : vector<16xi32>
        %swap3A_213 = arith.constant 48 : index
        %swap3A_214 = tpu.vector_load %arg11[%swap3A_213] {strides = array<i32>} : memref<128xi32, #tpu.memory_space<vmem>>, vector<16xi32>,
        tpu.vector_store %arg11[%swap3A_213], %shift_right_logical3A_212 {strides = array<i32>} : memref<128xi32, #tpu.memory_space<vmem>>, vector<16xi32>,
        %get3A_215 = arith.index_cast %add3A_162 : i32 to index
        %get3A_216 = arith.constant 64 : index
        %get3A_217 = tpu.vector_load %arg7[%get3A_215, %get3A_216] {strides = array<i32>} : memref<81x128xi32, #tpu.memory_space<vmem>>, vector<16xi32>,
        %and3A_218 = arith.constant 65535 : i32
        %and3A_219 = vector.broadcast %and3A_218 : i32 to vector<16xi32>
        %and3A_220 = arith.andi %get3A_217, %and3A_219 : vector<16xi32>
        %swap3A_221 = arith.constant 64 : index
        %swap3A_222 = tpu.vector_load %arg10[%swap3A_221] {strides = array<i32>} : memref<128xi32, #tpu.memory_space<vmem>>, vector<16xi32>,
        tpu.vector_store %arg10[%swap3A_221], %and3A_220 {strides = array<i32>} : memref<128xi32, #tpu.memory_space<vmem>>, vector<16xi32>,
        %shift_right_logical3A_223 = arith.constant 16 : i32
        %shift_right_logical3A_224 = vector.broadcast %shift_right_logical3A_223 : i32 to vector<16xi32>
        %shift_right_logical3A_225 = arith.shrui %get3A_217, %shift_right_logical3A_224 : vector<16xi32>
        %swap3A_226 = arith.constant 64 : index
        %swap3A_227 = tpu.vector_load %arg11[%swap3A_226] {strides = array<i32>} : memref<128xi32, #tpu.memory_space<vmem>>, vector<16xi32>,
        tpu.vector_store %arg11[%swap3A_226], %shift_right_logical3A_225 {strides = array<i32>} : memref<128xi32, #tpu.memory_space<vmem>>, vector<16xi32>,
        %get3A_228 = arith.index_cast %add3A_162 : i32 to index
        %get3A_229 = arith.constant 80 : index
        %get3A_230 = tpu.vector_load %arg7[%get3A_228, %get3A_229] {strides = array<i32>} : memref<81x128xi32, #tpu.memory_space<vmem>>, vector<16xi32>,
        %and3A_231 = arith.constant 65535 : i32
        %and3A_232 = vector.broadcast %and3A_231 : i32 to vector<16xi32>
        %and3A_233 = arith.andi %get3A_230, %and3A_232 : vector<16xi32>
        %swap3A_234 = arith.constant 80 : index
        %swap3A_235 = tpu.vector_load %arg10[%swap3A_234] {strides = array<i32>} : memref<128xi32, #tpu.memory_space<vmem>>, vector<16xi32>,
        tpu.vector_store %arg10[%swap3A_234], %and3A_233 {strides = array<i32>} : memref<128xi32, #tpu.memory_space<vmem>>, vector<16xi32>,
        %shift_right_logical3A_236 = arith.constant 16 : i32
        %shift_right_logical3A_237 = vector.broadcast %shift_right_logical3A_236 : i32 to vector<16xi32>
        %shift_right_logical3A_238 = arith.shrui %get3A_230, %shift_right_logical3A_237 : vector<16xi32>
        %swap3A_239 = arith.constant 80 : index
        %swap3A_240 = tpu.vector_load %arg11[%swap3A_239] {strides = array<i32>} : memref<128xi32, #tpu.memory_space<vmem>>, vector<16xi32>,
        tpu.vector_store %arg11[%swap3A_239], %shift_right_logical3A_238 {strides = array<i32>} : memref<128xi32, #tpu.memory_space<vmem>>, vector<16xi32>,
        %get3A_241 = arith.index_cast %add3A_162 : i32 to index
        %get3A_242 = arith.constant 96 : index
        %get3A_243 = tpu.vector_load %arg7[%get3A_241, %get3A_242] {strides = array<i32>} : memref<81x128xi32, #tpu.memory_space<vmem>>, vector<16xi32>,
        %and3A_244 = arith.constant 65535 : i32
        %and3A_245 = vector.broadcast %and3A_244 : i32 to vector<16xi32>
        %and3A_246 = arith.andi %get3A_243, %and3A_245 : vector<16xi32>
        %swap3A_247 = arith.constant 96 : index
        %swap3A_248 = tpu.vector_load %arg10[%swap3A_247] {strides = array<i32>} : memref<128xi32, #tpu.memory_space<vmem>>, vector<16xi32>,
        tpu.vector_store %arg10[%swap3A_247], %and3A_246 {strides = array<i32>} : memref<128xi32, #tpu.memory_space<vmem>>, vector<16xi32>,
        %shift_right_logical3A_249 = arith.constant 16 : i32
        %shift_right_logical3A_250 = vector.broadcast %shift_right_logical3A_249 : i32 to vector<16xi32>
        %shift_right_logical3A_251 = arith.shrui %get3A_243, %shift_right_logical3A_250 : vector<16xi32>
        %swap3A_252 = arith.constant 96 : index
        %swap3A_253 = tpu.vector_load %arg11[%swap3A_252] {strides = array<i32>} : memref<128xi32, #tpu.memory_space<vmem>>, vector<16xi32>,
        tpu.vector_store %arg11[%swap3A_252], %shift_right_logical3A_251 {strides = array<i32>} : memref<128xi32, #tpu.memory_space<vmem>>, vector<16xi32>,
        %get3A_254 = arith.index_cast %add3A_162 : i32 to index
        %get3A_255 = arith.constant 112 : index
        %get3A_256 = tpu.vector_load %arg7[%get3A_254, %get3A_255] {strides = array<i32>} : memref<81x128xi32, #tpu.memory_space<vmem>>, vector<16xi32>,
        %and3A_257 = arith.constant 65535 : i32
        %and3A_258 = vector.broadcast %and3A_257 : i32 to vector<16xi32>
        %and3A_259 = arith.andi %get3A_256, %and3A_258 : vector<16xi32>
        %swap3A_260 = arith.constant 112 : index
        %swap3A_261 = tpu.vector_load %arg10[%swap3A_260] {strides = array<i32>} : memref<128xi32, #tpu.memory_space<vmem>>, vector<16xi32>,
        tpu.vector_store %arg10[%swap3A_260], %and3A_259 {strides = array<i32>} : memref<128xi32, #tpu.memory_space<vmem>>, vector<16xi32>,
        %shift_right_logical3A_262 = arith.constant 16 : i32
        %shift_right_logical3A_263 = vector.broadcast %shift_right_logical3A_262 : i32 to vector<16xi32>
        %shift_right_logical3A_264 = arith.shrui %get3A_256, %shift_right_logical3A_263 : vector<16xi32>
        %swap3A_265 = arith.constant 112 : index
        %swap3A_266 = tpu.vector_load %arg11[%swap3A_265] {strides = array<i32>} : memref<128xi32, #tpu.memory_space<vmem>>, vector<16xi32>,
        tpu.vector_store %arg11[%swap3A_265], %shift_right_logical3A_264 {strides = array<i32>} : memref<128xi32, #tpu.memory_space<vmem>>, vector<16xi32>,
        %dma_start3A_267 = arith.constant 0 : i32
        %dma_start3A_268 = arith.constant 0 : i32
        %dma_start3A_269 = tpu.memref_slice %arg2[%dma_start3A_267, %dma_start3A_268] : memref<10112x128xf32, #tpu.memory_space<hbm>> -> memref<10112x128xf32, #tpu.memory_space<hbm>>
        tpu.enqueue_indirect_dma source(%dma_start3A_269 : memref<10112x128xf32, #tpu.memory_space<hbm>>) target(%arg13 : memref<128x128xf32, #tpu.memory_space<vmem>>) offsets(%arg10 : memref<128xi32, #tpu.memory_space<vmem>>) semaphore(%arg16 : memref<!tpu.dma_semaphore, #tpu.memory_space<semaphore_mem>>)
      } else {
      }
      %dma_wait3A = arith.constant 0 : i32
      %dma_wait3A_144 = arith.constant 0 : i32
      %dma_wait3A_145 = tpu.memref_slice %arg2[%dma_wait3A, %dma_wait3A_144] : memref<10112x128xf32, #tpu.memory_space<hbm>> -> memref<10112x128xf32, #tpu.memory_space<hbm>>
      tpu.wait_indirect_dma semaphore(%arg15 : memref<!tpu.dma_semaphore, #tpu.memory_space<semaphore_mem>>) src(%dma_wait3A_145 : memref<10112x128xf32, #tpu.memory_space<hbm>>) dst(%arg12 : memref<128x128xf32, #tpu.memory_space<vmem>>)
      "tpu.region"() ({
        %run_scoped3A = tpu.sem_alloc : memref<!tpu.dma_semaphore, #tpu.memory_space<semaphore_mem>>
        %dma_start3A_161 = arith.constant 0 : i32
        %dma_start3A_162 = arith.constant 0 : i32
        %dma_start3A_163 = tpu.memref_slice %arg14[%dma_start3A_161, %dma_start3A_162] : memref<10112x128xf32, #tpu.memory_space<vmem_shared>> -> memref<10112x128xf32, #tpu.memory_space<vmem_shared>>
        tpu.enqueue_indirect_dma source(%arg12 : memref<128x128xf32, #tpu.memory_space<vmem>>) target(%dma_start3A_163 : memref<10112x128xf32, #tpu.memory_space<vmem_shared>>) offsets(%arg9 : memref<128xi32, #tpu.memory_space<vmem>>) semaphore(%run_scoped3A : memref<!tpu.dma_semaphore, #tpu.memory_space<semaphore_mem>>) {add = true}
        %dma_wait3A_164 = arith.constant 0 : i32
        %dma_wait3A_165 = arith.constant 0 : i32
        %dma_wait3A_166 = tpu.memref_slice %arg14[%dma_wait3A_164, %dma_wait3A_165] : memref<10112x128xf32, #tpu.memory_space<vmem_shared>> -> memref<10112x128xf32, #tpu.memory_space<vmem_shared>>
        tpu.wait_indirect_dma semaphore(%run_scoped3A : memref<!tpu.dma_semaphore, #tpu.memory_space<semaphore_mem>>) src(%arg12 : memref<128x128xf32, #tpu.memory_space<vmem>>) dst(%dma_wait3A_166 : memref<10112x128xf32, #tpu.memory_space<vmem_shared>>)
        tpu.yield
      }) : () -> ()
      %add3A_146 = arith.constant 2 : i32
      %add3A_147 = arith.addi %mul3A_139, %add3A_146 : i32
      %lt3A_148 = arith.constant 81 : i32
      %lt3A_149 = arith.cmpi slt, %add3A_147, %lt3A_148 : i32
      %convert_element_type3A_150 = arith.extui %lt3A_149 : i1 to i32
      %cond3A_151 = arith.constant 0 : i32
      %cond3A_152 = arith.cmpi ne, %convert_element_type3A_150, %cond3A_151 : i32
      scf.if %cond3A_152 {
        %add3A_161 = arith.constant 2 : i32
        %add3A_162 = arith.addi %mul3A_139, %add3A_161 : i32
        %get3A_163 = arith.index_cast %add3A_162 : i32 to index
        %get3A_164 = arith.constant 0 : index
        %get3A_165 = tpu.vector_load %arg7[%get3A_163, %get3A_164] {strides = array<i32>} : memref<81x128xi32, #tpu.memory_space<vmem>>, vector<16xi32>,
        %and3A_166 = arith.constant 65535 : i32
        %and3A_167 = vector.broadcast %and3A_166 : i32 to vector<16xi32>
        %and3A_168 = arith.andi %get3A_165, %and3A_167 : vector<16xi32>
        %swap3A_169 = arith.constant 0 : index
        %swap3A_170 = tpu.vector_load %arg8[%swap3A_169] {strides = array<i32>} : memref<128xi32, #tpu.memory_space<vmem>>, vector<16xi32>,
        tpu.vector_store %arg8[%swap3A_169], %and3A_168 {strides = array<i32>} : memref<128xi32, #tpu.memory_space<vmem>>, vector<16xi32>,
        %shift_right_logical3A_171 = arith.constant 16 : i32
        %shift_right_logical3A_172 = vector.broadcast %shift_right_logical3A_171 : i32 to vector<16xi32>
        %shift_right_logical3A_173 = arith.shrui %get3A_165, %shift_right_logical3A_172 : vector<16xi32>
        %swap3A_174 = arith.constant 0 : index
        %swap3A_175 = tpu.vector_load %arg9[%swap3A_174] {strides = array<i32>} : memref<128xi32, #tpu.memory_space<vmem>>, vector<16xi32>,
        tpu.vector_store %arg9[%swap3A_174], %shift_right_logical3A_173 {strides = array<i32>} : memref<128xi32, #tpu.memory_space<vmem>>, vector<16xi32>,
        %get3A_176 = arith.index_cast %add3A_162 : i32 to index
        %get3A_177 = arith.constant 16 : index
        %get3A_178 = tpu.vector_load %arg7[%get3A_176, %get3A_177] {strides = array<i32>} : memref<81x128xi32, #tpu.memory_space<vmem>>, vector<16xi32>,
        %and3A_179 = arith.constant 65535 : i32
        %and3A_180 = vector.broadcast %and3A_179 : i32 to vector<16xi32>
        %and3A_181 = arith.andi %get3A_178, %and3A_180 : vector<16xi32>
        %swap3A_182 = arith.constant 16 : index
        %swap3A_183 = tpu.vector_load %arg8[%swap3A_182] {strides = array<i32>} : memref<128xi32, #tpu.memory_space<vmem>>, vector<16xi32>,
        tpu.vector_store %arg8[%swap3A_182], %and3A_181 {strides = array<i32>} : memref<128xi32, #tpu.memory_space<vmem>>, vector<16xi32>,
        %shift_right_logical3A_184 = arith.constant 16 : i32
        %shift_right_logical3A_185 = vector.broadcast %shift_right_logical3A_184 : i32 to vector<16xi32>
        %shift_right_logical3A_186 = arith.shrui %get3A_178, %shift_right_logical3A_185 : vector<16xi32>
        %swap3A_187 = arith.constant 16 : index
        %swap3A_188 = tpu.vector_load %arg9[%swap3A_187] {strides = array<i32>} : memref<128xi32, #tpu.memory_space<vmem>>, vector<16xi32>,
        tpu.vector_store %arg9[%swap3A_187], %shift_right_logical3A_186 {strides = array<i32>} : memref<128xi32, #tpu.memory_space<vmem>>, vector<16xi32>,
        %get3A_189 = arith.index_cast %add3A_162 : i32 to index
        %get3A_190 = arith.constant 32 : index
        %get3A_191 = tpu.vector_load %arg7[%get3A_189, %get3A_190] {strides = array<i32>} : memref<81x128xi32, #tpu.memory_space<vmem>>, vector<16xi32>,
        %and3A_192 = arith.constant 65535 : i32
        %and3A_193 = vector.broadcast %and3A_192 : i32 to vector<16xi32>
        %and3A_194 = arith.andi %get3A_191, %and3A_193 : vector<16xi32>
        %swap3A_195 = arith.constant 32 : index
        %swap3A_196 = tpu.vector_load %arg8[%swap3A_195] {strides = array<i32>} : memref<128xi32, #tpu.memory_space<vmem>>, vector<16xi32>,
        tpu.vector_store %arg8[%swap3A_195], %and3A_194 {strides = array<i32>} : memref<128xi32, #tpu.memory_space<vmem>>, vector<16xi32>,
        %shift_right_logical3A_197 = arith.constant 16 : i32
        %shift_right_logical3A_198 = vector.broadcast %shift_right_logical3A_197 : i32 to vector<16xi32>
        %shift_right_logical3A_199 = arith.shrui %get3A_191, %shift_right_logical3A_198 : vector<16xi32>
        %swap3A_200 = arith.constant 32 : index
        %swap3A_201 = tpu.vector_load %arg9[%swap3A_200] {strides = array<i32>} : memref<128xi32, #tpu.memory_space<vmem>>, vector<16xi32>,
        tpu.vector_store %arg9[%swap3A_200], %shift_right_logical3A_199 {strides = array<i32>} : memref<128xi32, #tpu.memory_space<vmem>>, vector<16xi32>,
        %get3A_202 = arith.index_cast %add3A_162 : i32 to index
        %get3A_203 = arith.constant 48 : index
        %get3A_204 = tpu.vector_load %arg7[%get3A_202, %get3A_203] {strides = array<i32>} : memref<81x128xi32, #tpu.memory_space<vmem>>, vector<16xi32>,
        %and3A_205 = arith.constant 65535 : i32
        %and3A_206 = vector.broadcast %and3A_205 : i32 to vector<16xi32>
        %and3A_207 = arith.andi %get3A_204, %and3A_206 : vector<16xi32>
        %swap3A_208 = arith.constant 48 : index
        %swap3A_209 = tpu.vector_load %arg8[%swap3A_208] {strides = array<i32>} : memref<128xi32, #tpu.memory_space<vmem>>, vector<16xi32>,
        tpu.vector_store %arg8[%swap3A_208], %and3A_207 {strides = array<i32>} : memref<128xi32, #tpu.memory_space<vmem>>, vector<16xi32>,
        %shift_right_logical3A_210 = arith.constant 16 : i32
        %shift_right_logical3A_211 = vector.broadcast %shift_right_logical3A_210 : i32 to vector<16xi32>
        %shift_right_logical3A_212 = arith.shrui %get3A_204, %shift_right_logical3A_211 : vector<16xi32>
        %swap3A_213 = arith.constant 48 : index
        %swap3A_214 = tpu.vector_load %arg9[%swap3A_213] {strides = array<i32>} : memref<128xi32, #tpu.memory_space<vmem>>, vector<16xi32>,
        tpu.vector_store %arg9[%swap3A_213], %shift_right_logical3A_212 {strides = array<i32>} : memref<128xi32, #tpu.memory_space<vmem>>, vector<16xi32>,
        %get3A_215 = arith.index_cast %add3A_162 : i32 to index
        %get3A_216 = arith.constant 64 : index
        %get3A_217 = tpu.vector_load %arg7[%get3A_215, %get3A_216] {strides = array<i32>} : memref<81x128xi32, #tpu.memory_space<vmem>>, vector<16xi32>,
        %and3A_218 = arith.constant 65535 : i32
        %and3A_219 = vector.broadcast %and3A_218 : i32 to vector<16xi32>
        %and3A_220 = arith.andi %get3A_217, %and3A_219 : vector<16xi32>
        %swap3A_221 = arith.constant 64 : index
        %swap3A_222 = tpu.vector_load %arg8[%swap3A_221] {strides = array<i32>} : memref<128xi32, #tpu.memory_space<vmem>>, vector<16xi32>,
        tpu.vector_store %arg8[%swap3A_221], %and3A_220 {strides = array<i32>} : memref<128xi32, #tpu.memory_space<vmem>>, vector<16xi32>,
        %shift_right_logical3A_223 = arith.constant 16 : i32
        %shift_right_logical3A_224 = vector.broadcast %shift_right_logical3A_223 : i32 to vector<16xi32>
        %shift_right_logical3A_225 = arith.shrui %get3A_217, %shift_right_logical3A_224 : vector<16xi32>
        %swap3A_226 = arith.constant 64 : index
        %swap3A_227 = tpu.vector_load %arg9[%swap3A_226] {strides = array<i32>} : memref<128xi32, #tpu.memory_space<vmem>>, vector<16xi32>,
        tpu.vector_store %arg9[%swap3A_226], %shift_right_logical3A_225 {strides = array<i32>} : memref<128xi32, #tpu.memory_space<vmem>>, vector<16xi32>,
        %get3A_228 = arith.index_cast %add3A_162 : i32 to index
        %get3A_229 = arith.constant 80 : index
        %get3A_230 = tpu.vector_load %arg7[%get3A_228, %get3A_229] {strides = array<i32>} : memref<81x128xi32, #tpu.memory_space<vmem>>, vector<16xi32>,
        %and3A_231 = arith.constant 65535 : i32
        %and3A_232 = vector.broadcast %and3A_231 : i32 to vector<16xi32>
        %and3A_233 = arith.andi %get3A_230, %and3A_232 : vector<16xi32>
        %swap3A_234 = arith.constant 80 : index
        %swap3A_235 = tpu.vector_load %arg8[%swap3A_234] {strides = array<i32>} : memref<128xi32, #tpu.memory_space<vmem>>, vector<16xi32>,
        tpu.vector_store %arg8[%swap3A_234], %and3A_233 {strides = array<i32>} : memref<128xi32, #tpu.memory_space<vmem>>, vector<16xi32>,
        %shift_right_logical3A_236 = arith.constant 16 : i32
        %shift_right_logical3A_237 = vector.broadcast %shift_right_logical3A_236 : i32 to vector<16xi32>
        %shift_right_logical3A_238 = arith.shrui %get3A_230, %shift_right_logical3A_237 : vector<16xi32>
        %swap3A_239 = arith.constant 80 : index
        %swap3A_240 = tpu.vector_load %arg9[%swap3A_239] {strides = array<i32>} : memref<128xi32, #tpu.memory_space<vmem>>, vector<16xi32>,
        tpu.vector_store %arg9[%swap3A_239], %shift_right_logical3A_238 {strides = array<i32>} : memref<128xi32, #tpu.memory_space<vmem>>, vector<16xi32>,
        %get3A_241 = arith.index_cast %add3A_162 : i32 to index
        %get3A_242 = arith.constant 96 : index
        %get3A_243 = tpu.vector_load %arg7[%get3A_241, %get3A_242] {strides = array<i32>} : memref<81x128xi32, #tpu.memory_space<vmem>>, vector<16xi32>,
        %and3A_244 = arith.constant 65535 : i32
        %and3A_245 = vector.broadcast %and3A_244 : i32 to vector<16xi32>
        %and3A_246 = arith.andi %get3A_243, %and3A_245 : vector<16xi32>
        %swap3A_247 = arith.constant 96 : index
        %swap3A_248 = tpu.vector_load %arg8[%swap3A_247] {strides = array<i32>} : memref<128xi32, #tpu.memory_space<vmem>>, vector<16xi32>,
        tpu.vector_store %arg8[%swap3A_247], %and3A_246 {strides = array<i32>} : memref<128xi32, #tpu.memory_space<vmem>>, vector<16xi32>,
        %shift_right_logical3A_249 = arith.constant 16 : i32
        %shift_right_logical3A_250 = vector.broadcast %shift_right_logical3A_249 : i32 to vector<16xi32>
        %shift_right_logical3A_251 = arith.shrui %get3A_243, %shift_right_logical3A_250 : vector<16xi32>
        %swap3A_252 = arith.constant 96 : index
        %swap3A_253 = tpu.vector_load %arg9[%swap3A_252] {strides = array<i32>} : memref<128xi32, #tpu.memory_space<vmem>>, vector<16xi32>,
        tpu.vector_store %arg9[%swap3A_252], %shift_right_logical3A_251 {strides = array<i32>} : memref<128xi32, #tpu.memory_space<vmem>>, vector<16xi32>,
        %get3A_254 = arith.index_cast %add3A_162 : i32 to index
        %get3A_255 = arith.constant 112 : index
        %get3A_256 = tpu.vector_load %arg7[%get3A_254, %get3A_255] {strides = array<i32>} : memref<81x128xi32, #tpu.memory_space<vmem>>, vector<16xi32>,
        %and3A_257 = arith.constant 65535 : i32
        %and3A_258 = vector.broadcast %and3A_257 : i32 to vector<16xi32>
        %and3A_259 = arith.andi %get3A_256, %and3A_258 : vector<16xi32>
        %swap3A_260 = arith.constant 112 : index
        %swap3A_261 = tpu.vector_load %arg8[%swap3A_260] {strides = array<i32>} : memref<128xi32, #tpu.memory_space<vmem>>, vector<16xi32>,
        tpu.vector_store %arg8[%swap3A_260], %and3A_259 {strides = array<i32>} : memref<128xi32, #tpu.memory_space<vmem>>, vector<16xi32>,
        %shift_right_logical3A_262 = arith.constant 16 : i32
        %shift_right_logical3A_263 = vector.broadcast %shift_right_logical3A_262 : i32 to vector<16xi32>
        %shift_right_logical3A_264 = arith.shrui %get3A_256, %shift_right_logical3A_263 : vector<16xi32>
        %swap3A_265 = arith.constant 112 : index
        %swap3A_266 = tpu.vector_load %arg9[%swap3A_265] {strides = array<i32>} : memref<128xi32, #tpu.memory_space<vmem>>, vector<16xi32>,
        tpu.vector_store %arg9[%swap3A_265], %shift_right_logical3A_264 {strides = array<i32>} : memref<128xi32, #tpu.memory_space<vmem>>, vector<16xi32>,
        %dma_start3A_267 = arith.constant 0 : i32
        %dma_start3A_268 = arith.constant 0 : i32
        %dma_start3A_269 = tpu.memref_slice %arg2[%dma_start3A_267, %dma_start3A_268] : memref<10112x128xf32, #tpu.memory_space<hbm>> -> memref<10112x128xf32, #tpu.memory_space<hbm>>
        tpu.enqueue_indirect_dma source(%dma_start3A_269 : memref<10112x128xf32, #tpu.memory_space<hbm>>) target(%arg12 : memref<128x128xf32, #tpu.memory_space<vmem>>) offsets(%arg8 : memref<128xi32, #tpu.memory_space<vmem>>) semaphore(%arg15 : memref<!tpu.dma_semaphore, #tpu.memory_space<semaphore_mem>>)
      } else {
      }
      %add3A_153 = arith.constant 1 : i32
      %add3A_154 = arith.addi %mul3A_139, %add3A_153 : i32
      %lt3A_155 = arith.constant 81 : i32
      %lt3A_156 = arith.cmpi slt, %add3A_154, %lt3A_155 : i32
      %convert_element_type3A_157 = arith.extui %lt3A_156 : i1 to i32
      %cond3A_158 = arith.constant 0 : i32
      %cond3A_159 = arith.cmpi ne, %convert_element_type3A_157, %cond3A_158 : i32
      scf.if %cond3A_159 {
        %dma_wait3A_161 = arith.constant 0 : i32
        %dma_wait3A_162 = arith.constant 0 : i32
        %dma_wait3A_163 = tpu.memref_slice %arg2[%dma_wait3A_161, %dma_wait3A_162] : memref<10112x128xf32, #tpu.memory_space<hbm>> -> memref<10112x128xf32, #tpu.memory_space<hbm>>
        tpu.wait_indirect_dma semaphore(%arg16 : memref<!tpu.dma_semaphore, #tpu.memory_space<semaphore_mem>>) src(%dma_wait3A_163 : memref<10112x128xf32, #tpu.memory_space<hbm>>) dst(%arg13 : memref<128x128xf32, #tpu.memory_space<vmem>>)
        "tpu.region"() ({
          %run_scoped3A = tpu.sem_alloc : memref<!tpu.dma_semaphore, #tpu.memory_space<semaphore_mem>>
          %dma_start3A_164 = arith.constant 0 : i32
          %dma_start3A_165 = arith.constant 0 : i32
          %dma_start3A_166 = tpu.memref_slice %arg14[%dma_start3A_164, %dma_start3A_165] : memref<10112x128xf32, #tpu.memory_space<vmem_shared>> -> memref<10112x128xf32, #tpu.memory_space<vmem_shared>>
          tpu.enqueue_indirect_dma source(%arg13 : memref<128x128xf32, #tpu.memory_space<vmem>>) target(%dma_start3A_166 : memref<10112x128xf32, #tpu.memory_space<vmem_shared>>) offsets(%arg11 : memref<128xi32, #tpu.memory_space<vmem>>) semaphore(%run_scoped3A : memref<!tpu.dma_semaphore, #tpu.memory_space<semaphore_mem>>) {add = true}
          %dma_wait3A_167 = arith.constant 0 : i32
          %dma_wait3A_168 = arith.constant 0 : i32
          %dma_wait3A_169 = tpu.memref_slice %arg14[%dma_wait3A_167, %dma_wait3A_168] : memref<10112x128xf32, #tpu.memory_space<vmem_shared>> -> memref<10112x128xf32, #tpu.memory_space<vmem_shared>>
          tpu.wait_indirect_dma semaphore(%run_scoped3A : memref<!tpu.dma_semaphore, #tpu.memory_space<semaphore_mem>>) src(%arg13 : memref<128x128xf32, #tpu.memory_space<vmem>>) dst(%dma_wait3A_169 : memref<10112x128xf32, #tpu.memory_space<vmem_shared>>)
          tpu.yield
        }) : () -> ()
      } else {
      }
      %scan3A_160 = arith.constant 0 : i32
      scf.yield %scan3A_160 : i32
    }
    %scan3A_134 = arith.constant 41 : i32
    %barrier3A_135 = arith.constant 0 : index
    tpu.barrier barrier_id(%barrier3A_135)
    "tpu.region"() ({
      %run_scoped3A = tpu.sem_alloc : memref<!tpu.dma_semaphore, #tpu.memory_space<semaphore_mem>>
      %dma_start3A_136 = arith.constant 0 : i32
      %dma_start3A_137 = tpu.memref_slice %arg6[%arg0, %mul3A_0, %dma_start3A_136] : memref<2x10112x128xf32, #tpu.memory_space<hbm>> -> memref<1x632x128xf32, #tpu.memory_space<hbm>>
      %dma_start3A_138 = tpu.memref_squeeze %dma_start3A_137 : memref<1x632x128xf32, #tpu.memory_space<hbm>> -> memref<632x128xf32, #tpu.memory_space<hbm>>
      %dma_start3A_139 = arith.constant 0 : i32
      %dma_start3A_140 = tpu.memref_slice %arg14[%mul3A_0, %dma_start3A_139] : memref<10112x128xf32, #tpu.memory_space<vmem_shared>> -> memref<632x128xf32, #tpu.memory_space<vmem_shared>>
      tpu.enqueue_dma source(%dma_start3A_140 : memref<632x128xf32, #tpu.memory_space<vmem_shared>>) target(%dma_start3A_138 : memref<632x128xf32, #tpu.memory_space<hbm>>) target_semaphore(%run_scoped3A : memref<!tpu.dma_semaphore, #tpu.memory_space<semaphore_mem>>)
      %dma_wait3A = arith.constant 0 : i32
      %dma_wait3A_141 = tpu.memref_slice %arg6[%arg0, %mul3A_0, %dma_wait3A] : memref<2x10112x128xf32, #tpu.memory_space<hbm>> -> memref<1x632x128xf32, #tpu.memory_space<hbm>>
      %dma_wait3A_142 = tpu.memref_squeeze %dma_wait3A_141 : memref<1x632x128xf32, #tpu.memory_space<hbm>> -> memref<632x128xf32, #tpu.memory_space<hbm>>
      %dma_wait3A_143 = arith.constant 0 : i32
      %dma_wait3A_144 = tpu.memref_slice %arg14[%mul3A_0, %dma_wait3A_143] : memref<10112x128xf32, #tpu.memory_space<vmem_shared>> -> memref<632x128xf32, #tpu.memory_space<vmem_shared>>
      tpu.wait_dma2 semaphore(%run_scoped3A : memref<!tpu.dma_semaphore, #tpu.memory_space<semaphore_mem>>) src(%dma_wait3A_144 : memref<632x128xf32, #tpu.memory_space<vmem_shared>>) dst(%dma_wait3A_142 : memref<632x128xf32, #tpu.memory_space<hbm>>)
      tpu.yield
    }) : () -> ()
    return
  }
}

#map = affine_map<(d0, d1) -> (0, 0, 0)>
module attributes {stable_mosaic.version = 14 : i64} {
  func.func @_deg_body(%arg0: i32, %arg1: i32, %arg2: memref<32x81x128xi32, #tpu.memory_space<hbm>>, %arg3: memref<2x10112x8xf32, #tpu.memory_space<hbm>>, %arg4: memref<81x128xi32, #tpu.memory_space<vmem>>, %arg5: memref<10112xf32, #tpu.memory_space<vmem>>, %arg6: memref<16x128xf32, #tpu.memory_space<vmem>>, %arg7: memref<128x8xf32, #tpu.memory_space<vmem>>, %arg8: memref<16x10112xf32, #tpu.memory_space<vmem_shared>>) attributes {dimension_semantics = [#tpu.dimension_semantics<core_parallel>, #tpu.dimension_semantics<subcore_parallel>], iteration_bounds = array<i64: 2, 16>, scalar_prefetch = 0 : i64, scratch_operands = 5 : i64, tpu.core_type = #tpu.core_type<sc_vector_subcore>, window_params = [{transform_indices = #map}, {transform_indices = #map}]} {
    %mul3A = arith.constant 16 : i32
    %mul3A_0 = arith.muli %arg0, %mul3A : i32
    %add3A = arith.addi %mul3A_0, %arg1 : i32
    %scan3A = arith.constant 0 : i32
    %scan3A_1 = arith.constant 0 : i32
    %scan3A_2 = arith.constant 10 : i32
    %scan3A_3 = arith.addi %scan3A_1, %scan3A_2 : i32
    %scan3A_4 = arith.constant 1 : i32
    %scan3A_5 = scf.for %scan3A_54 = %scan3A_1 to %scan3A_3 step %scan3A_4 iter_args(%scan3A_55 = %scan3A) -> (i32)  : i32 {
      %mul3A_56 = arith.constant 8 : i32
      %mul3A_57 = arith.muli %scan3A_54, %mul3A_56 : i32
      "tpu.region"() ({
        %run_scoped3A = tpu.sem_alloc : memref<!tpu.dma_semaphore, #tpu.memory_space<semaphore_mem>>
        %dma_start3A = arith.constant 0 : i32
        %dma_start3A_59 = tpu.memref_slice %arg4[%mul3A_57, %dma_start3A] : memref<81x128xi32, #tpu.memory_space<vmem>> -> memref<8x128xi32, #tpu.memory_space<vmem>>
        %dma_start3A_60 = arith.constant 0 : i32
        %dma_start3A_61 = tpu.memref_slice %arg2[%add3A, %mul3A_57, %dma_start3A_60] : memref<32x81x128xi32, #tpu.memory_space<hbm>> -> memref<1x8x128xi32, #tpu.memory_space<hbm>>
        %dma_start3A_62 = tpu.memref_squeeze %dma_start3A_61 : memref<1x8x128xi32, #tpu.memory_space<hbm>> -> memref<8x128xi32, #tpu.memory_space<hbm>>
        %dma_start3A_63 = arith.constant 0 : i32
        %dma_start3A_64 = tpu.memref_slice %arg4[%mul3A_57, %dma_start3A_63] : memref<81x128xi32, #tpu.memory_space<vmem>> -> memref<8x128xi32, #tpu.memory_space<vmem>>
        %dma_start3A_65 = arith.constant 0 : i32
        %dma_start3A_66 = tpu.memref_slice %arg2[%add3A, %mul3A_57, %dma_start3A_65] : memref<32x81x128xi32, #tpu.memory_space<hbm>> -> memref<1x8x128xi32, #tpu.memory_space<hbm>>
        %dma_start3A_67 = tpu.memref_squeeze %dma_start3A_66 : memref<1x8x128xi32, #tpu.memory_space<hbm>> -> memref<8x128xi32, #tpu.memory_space<hbm>>
        tpu.enqueue_dma source(%dma_start3A_67 : memref<8x128xi32, #tpu.memory_space<hbm>>) target(%dma_start3A_64 : memref<8x128xi32, #tpu.memory_space<vmem>>) target_semaphore(%run_scoped3A : memref<!tpu.dma_semaphore, #tpu.memory_space<semaphore_mem>>)
        %dma_wait3A = arith.constant 0 : i32
        %dma_wait3A_68 = tpu.memref_slice %arg4[%mul3A_57, %dma_wait3A] : memref<81x128xi32, #tpu.memory_space<vmem>> -> memref<8x128xi32, #tpu.memory_space<vmem>>
        %dma_wait3A_69 = arith.constant 0 : i32
        %dma_wait3A_70 = tpu.memref_slice %arg2[%add3A, %mul3A_57, %dma_wait3A_69] : memref<32x81x128xi32, #tpu.memory_space<hbm>> -> memref<1x8x128xi32, #tpu.memory_space<hbm>>
        %dma_wait3A_71 = tpu.memref_squeeze %dma_wait3A_70 : memref<1x8x128xi32, #tpu.memory_space<hbm>> -> memref<8x128xi32, #tpu.memory_space<hbm>>
        %dma_wait3A_72 = arith.constant 0 : i32
        %dma_wait3A_73 = tpu.memref_slice %arg4[%mul3A_57, %dma_wait3A_72] : memref<81x128xi32, #tpu.memory_space<vmem>> -> memref<8x128xi32, #tpu.memory_space<vmem>>
        %dma_wait3A_74 = arith.constant 0 : i32
        %dma_wait3A_75 = tpu.memref_slice %arg2[%add3A, %mul3A_57, %dma_wait3A_74] : memref<32x81x128xi32, #tpu.memory_space<hbm>> -> memref<1x8x128xi32, #tpu.memory_space<hbm>>
        %dma_wait3A_76 = tpu.memref_squeeze %dma_wait3A_75 : memref<1x8x128xi32, #tpu.memory_space<hbm>> -> memref<8x128xi32, #tpu.memory_space<hbm>>
        tpu.wait_dma2 semaphore(%run_scoped3A : memref<!tpu.dma_semaphore, #tpu.memory_space<semaphore_mem>>) src(%dma_wait3A_76 : memref<8x128xi32, #tpu.memory_space<hbm>>) dst(%dma_wait3A_73 : memref<8x128xi32, #tpu.memory_space<vmem>>)
        tpu.yield
      }) : () -> ()
      %scan3A_58 = arith.constant 0 : i32
      scf.yield %scan3A_58 : i32
    }
    %scan3A_6 = arith.constant 10 : i32
    "tpu.region"() ({
      %run_scoped3A = tpu.sem_alloc : memref<!tpu.dma_semaphore, #tpu.memory_space<semaphore_mem>>
      %dma_start3A = arith.constant 80 : i32
      %dma_start3A_54 = arith.constant 0 : i32
      %dma_start3A_55 = tpu.memref_slice %arg4[%dma_start3A, %dma_start3A_54] : memref<81x128xi32, #tpu.memory_space<vmem>> -> memref<1x128xi32, #tpu.memory_space<vmem>>
      %dma_start3A_56 = arith.constant 80 : i32
      %dma_start3A_57 = arith.constant 0 : i32
      %dma_start3A_58 = tpu.memref_slice %arg2[%add3A, %dma_start3A_56, %dma_start3A_57] : memref<32x81x128xi32, #tpu.memory_space<hbm>> -> memref<1x1x128xi32, #tpu.memory_space<hbm>>
      %dma_start3A_59 = tpu.memref_squeeze %dma_start3A_58 : memref<1x1x128xi32, #tpu.memory_space<hbm>> -> memref<1x128xi32, #tpu.memory_space<hbm>>
      %dma_start3A_60 = arith.constant 80 : i32
      %dma_start3A_61 = arith.constant 0 : i32
      %dma_start3A_62 = tpu.memref_slice %arg4[%dma_start3A_60, %dma_start3A_61] : memref<81x128xi32, #tpu.memory_space<vmem>> -> memref<1x128xi32, #tpu.memory_space<vmem>>
      %dma_start3A_63 = arith.constant 80 : i32
      %dma_start3A_64 = arith.constant 0 : i32
      %dma_start3A_65 = tpu.memref_slice %arg2[%add3A, %dma_start3A_63, %dma_start3A_64] : memref<32x81x128xi32, #tpu.memory_space<hbm>> -> memref<1x1x128xi32, #tpu.memory_space<hbm>>
      %dma_start3A_66 = tpu.memref_squeeze %dma_start3A_65 : memref<1x1x128xi32, #tpu.memory_space<hbm>> -> memref<1x128xi32, #tpu.memory_space<hbm>>
      tpu.enqueue_dma source(%dma_start3A_66 : memref<1x128xi32, #tpu.memory_space<hbm>>) target(%dma_start3A_62 : memref<1x128xi32, #tpu.memory_space<vmem>>) target_semaphore(%run_scoped3A : memref<!tpu.dma_semaphore, #tpu.memory_space<semaphore_mem>>)
      %dma_wait3A = arith.constant 80 : i32
      %dma_wait3A_67 = arith.constant 0 : i32
      %dma_wait3A_68 = tpu.memref_slice %arg4[%dma_wait3A, %dma_wait3A_67] : memref<81x128xi32, #tpu.memory_space<vmem>> -> memref<1x128xi32, #tpu.memory_space<vmem>>
      %dma_wait3A_69 = arith.constant 80 : i32
      %dma_wait3A_70 = arith.constant 0 : i32
      %dma_wait3A_71 = tpu.memref_slice %arg2[%add3A, %dma_wait3A_69, %dma_wait3A_70] : memref<32x81x128xi32, #tpu.memory_space<hbm>> -> memref<1x1x128xi32, #tpu.memory_space<hbm>>
      %dma_wait3A_72 = tpu.memref_squeeze %dma_wait3A_71 : memref<1x1x128xi32, #tpu.memory_space<hbm>> -> memref<1x128xi32, #tpu.memory_space<hbm>>
      %dma_wait3A_73 = arith.constant 80 : i32
      %dma_wait3A_74 = arith.constant 0 : i32
      %dma_wait3A_75 = tpu.memref_slice %arg4[%dma_wait3A_73, %dma_wait3A_74] : memref<81x128xi32, #tpu.memory_space<vmem>> -> memref<1x128xi32, #tpu.memory_space<vmem>>
      %dma_wait3A_76 = arith.constant 80 : i32
      %dma_wait3A_77 = arith.constant 0 : i32
      %dma_wait3A_78 = tpu.memref_slice %arg2[%add3A, %dma_wait3A_76, %dma_wait3A_77] : memref<32x81x128xi32, #tpu.memory_space<hbm>> -> memref<1x1x128xi32, #tpu.memory_space<hbm>>
      %dma_wait3A_79 = tpu.memref_squeeze %dma_wait3A_78 : memref<1x1x128xi32, #tpu.memory_space<hbm>> -> memref<1x128xi32, #tpu.memory_space<hbm>>
      tpu.wait_dma2 semaphore(%run_scoped3A : memref<!tpu.dma_semaphore, #tpu.memory_space<semaphore_mem>>) src(%dma_wait3A_79 : memref<1x128xi32, #tpu.memory_space<hbm>>) dst(%dma_wait3A_75 : memref<1x128xi32, #tpu.memory_space<vmem>>)
      tpu.yield
    }) : () -> ()
    %scan3A_7 = arith.constant 0 : i32
    %scan3A_8 = arith.constant 0 : i32
    %scan3A_9 = arith.constant 632 : i32
    %scan3A_10 = arith.addi %scan3A_8, %scan3A_9 : i32
    %scan3A_11 = arith.constant 1 : i32
    %scan3A_12 = scf.for %scan3A_54 = %scan3A_8 to %scan3A_10 step %scan3A_11 iter_args(%scan3A_55 = %scan3A_7) -> (i32)  : i32 {
      %broadcast_in_dim3A_56 = arith.constant 0.000000e+00 : f32
      %broadcast_in_dim3A_57 = vector.broadcast %broadcast_in_dim3A_56 : f32 to vector<16xf32>
      %mul3A_58 = arith.constant 16 : i32
      %mul3A_59 = arith.muli %scan3A_54, %mul3A_58 : i32
      %swap3A = arith.index_cast %mul3A_59 : i32 to index
      %swap3A_60 = tpu.vector_load %arg5[%swap3A] {strides = array<i32>} : memref<10112xf32, #tpu.memory_space<vmem>>, vector<16xf32>,
      tpu.vector_store %arg5[%swap3A], %broadcast_in_dim3A_57 {strides = array<i32>} : memref<10112xf32, #tpu.memory_space<vmem>>, vector<16xf32>,
      %scan3A_61 = arith.constant 0 : i32
      scf.yield %scan3A_61 : i32
    }
    %scan3A_13 = arith.constant 632 : i32
    %broadcast_in_dim3A = arith.constant 1.000000e+00 : f32
    %broadcast_in_dim3A_14 = vector.broadcast %broadcast_in_dim3A : f32 to vector<16xf32>
    %scan3A_15 = arith.constant 0 : i32
    %scan3A_16 = arith.constant 0 : i32
    %scan3A_17 = arith.constant 81 : i32
    %scan3A_18 = arith.addi %scan3A_16, %scan3A_17 : i32
    %scan3A_19 = arith.constant 1 : i32
    %scan3A_20 = scf.for %scan3A_54 = %scan3A_16 to %scan3A_18 step %scan3A_19 iter_args(%scan3A_55 = %scan3A_15) -> (i32)  : i32 {
      %get3A = arith.index_cast %scan3A_54 : i32 to index
      %get3A_56 = arith.constant 0 : index
      %get3A_57 = tpu.vector_load %arg4[%get3A, %get3A_56] {strides = array<i32>} : memref<81x128xi32, #tpu.memory_space<vmem>>, vector<16xi32>,
      tpu.vector_store_idx %arg5[%get3A_57], %broadcast_in_dim3A_14 {add = true} : memref<10112xf32, #tpu.memory_space<vmem>>[vector<16xi32>], vector<16xf32>,
      %get3A_58 = arith.index_cast %scan3A_54 : i32 to index
      %get3A_59 = arith.constant 16 : index
      %get3A_60 = tpu.vector_load %arg4[%get3A_58, %get3A_59] {strides = array<i32>} : memref<81x128xi32, #tpu.memory_space<vmem>>, vector<16xi32>,
      tpu.vector_store_idx %arg5[%get3A_60], %broadcast_in_dim3A_14 {add = true} : memref<10112xf32, #tpu.memory_space<vmem>>[vector<16xi32>], vector<16xf32>,
      %get3A_61 = arith.index_cast %scan3A_54 : i32 to index
      %get3A_62 = arith.constant 32 : index
      %get3A_63 = tpu.vector_load %arg4[%get3A_61, %get3A_62] {strides = array<i32>} : memref<81x128xi32, #tpu.memory_space<vmem>>, vector<16xi32>,
      tpu.vector_store_idx %arg5[%get3A_63], %broadcast_in_dim3A_14 {add = true} : memref<10112xf32, #tpu.memory_space<vmem>>[vector<16xi32>], vector<16xf32>,
      %get3A_64 = arith.index_cast %scan3A_54 : i32 to index
      %get3A_65 = arith.constant 48 : index
      %get3A_66 = tpu.vector_load %arg4[%get3A_64, %get3A_65] {strides = array<i32>} : memref<81x128xi32, #tpu.memory_space<vmem>>, vector<16xi32>,
      tpu.vector_store_idx %arg5[%get3A_66], %broadcast_in_dim3A_14 {add = true} : memref<10112xf32, #tpu.memory_space<vmem>>[vector<16xi32>], vector<16xf32>,
      %get3A_67 = arith.index_cast %scan3A_54 : i32 to index
      %get3A_68 = arith.constant 64 : index
      %get3A_69 = tpu.vector_load %arg4[%get3A_67, %get3A_68] {strides = array<i32>} : memref<81x128xi32, #tpu.memory_space<vmem>>, vector<16xi32>,
      tpu.vector_store_idx %arg5[%get3A_69], %broadcast_in_dim3A_14 {add = true} : memref<10112xf32, #tpu.memory_space<vmem>>[vector<16xi32>], vector<16xf32>,
      %get3A_70 = arith.index_cast %scan3A_54 : i32 to index
      %get3A_71 = arith.constant 80 : index
      %get3A_72 = tpu.vector_load %arg4[%get3A_70, %get3A_71] {strides = array<i32>} : memref<81x128xi32, #tpu.memory_space<vmem>>, vector<16xi32>,
      tpu.vector_store_idx %arg5[%get3A_72], %broadcast_in_dim3A_14 {add = true} : memref<10112xf32, #tpu.memory_space<vmem>>[vector<16xi32>], vector<16xf32>,
      %get3A_73 = arith.index_cast %scan3A_54 : i32 to index
      %get3A_74 = arith.constant 96 : index
      %get3A_75 = tpu.vector_load %arg4[%get3A_73, %get3A_74] {strides = array<i32>} : memref<81x128xi32, #tpu.memory_space<vmem>>, vector<16xi32>,
      tpu.vector_store_idx %arg5[%get3A_75], %broadcast_in_dim3A_14 {add = true} : memref<10112xf32, #tpu.memory_space<vmem>>[vector<16xi32>], vector<16xf32>,
      %get3A_76 = arith.index_cast %scan3A_54 : i32 to index
      %get3A_77 = arith.constant 112 : index
      %get3A_78 = tpu.vector_load %arg4[%get3A_76, %get3A_77] {strides = array<i32>} : memref<81x128xi32, #tpu.memory_space<vmem>>, vector<16xi32>,
      tpu.vector_store_idx %arg5[%get3A_78], %broadcast_in_dim3A_14 {add = true} : memref<10112xf32, #tpu.memory_space<vmem>>[vector<16xi32>], vector<16xf32>,
      %scan3A_79 = arith.constant 0 : i32
      scf.yield %scan3A_79 : i32
    }
    %scan3A_21 = arith.constant 81 : i32
    "tpu.region"() ({
      %run_scoped3A = tpu.sem_alloc : memref<!tpu.dma_semaphore, #tpu.memory_space<semaphore_mem>>
      %dma_start3A = arith.constant 0 : i32
      %dma_start3A_54 = tpu.memref_slice %arg8[%arg1, %dma_start3A] : memref<16x10112xf32, #tpu.memory_space<vmem_shared>> -> memref<1x10112xf32, #tpu.memory_space<vmem_shared>>
      %dma_start3A_55 = tpu.memref_squeeze %dma_start3A_54 : memref<1x10112xf32, #tpu.memory_space<vmem_shared>> -> memref<10112xf32, #tpu.memory_space<vmem_shared>>
      %dma_start3A_56 = arith.constant 0 : i32
      %dma_start3A_57 = tpu.memref_slice %arg8[%arg1, %dma_start3A_56] : memref<16x10112xf32, #tpu.memory_space<vmem_shared>> -> memref<1x10112xf32, #tpu.memory_space<vmem_shared>>
      %dma_start3A_58 = tpu.memref_squeeze %dma_start3A_57 : memref<1x10112xf32, #tpu.memory_space<vmem_shared>> -> memref<10112xf32, #tpu.memory_space<vmem_shared>>
      tpu.enqueue_dma source(%arg5 : memref<10112xf32, #tpu.memory_space<vmem>>) target(%dma_start3A_58 : memref<10112xf32, #tpu.memory_space<vmem_shared>>) target_semaphore(%run_scoped3A : memref<!tpu.dma_semaphore, #tpu.memory_space<semaphore_mem>>)
      %dma_wait3A = arith.constant 0 : i32
      %dma_wait3A_59 = tpu.memref_slice %arg8[%arg1, %dma_wait3A] : memref<16x10112xf32, #tpu.memory_space<vmem_shared>> -> memref<1x10112xf32, #tpu.memory_space<vmem_shared>>
      %dma_wait3A_60 = tpu.memref_squeeze %dma_wait3A_59 : memref<1x10112xf32, #tpu.memory_space<vmem_shared>> -> memref<10112xf32, #tpu.memory_space<vmem_shared>>
      %dma_wait3A_61 = arith.constant 0 : i32
      %dma_wait3A_62 = tpu.memref_slice %arg8[%arg1, %dma_wait3A_61] : memref<16x10112xf32, #tpu.memory_space<vmem_shared>> -> memref<1x10112xf32, #tpu.memory_space<vmem_shared>>
      %dma_wait3A_63 = tpu.memref_squeeze %dma_wait3A_62 : memref<1x10112xf32, #tpu.memory_space<vmem_shared>> -> memref<10112xf32, #tpu.memory_space<vmem_shared>>
      tpu.wait_dma2 semaphore(%run_scoped3A : memref<!tpu.dma_semaphore, #tpu.memory_space<semaphore_mem>>) src(%arg5 : memref<10112xf32, #tpu.memory_space<vmem>>) dst(%dma_wait3A_63 : memref<10112xf32, #tpu.memory_space<vmem_shared>>)
      tpu.yield
    }) : () -> ()
    %barrier3A = arith.constant 0 : index
    tpu.barrier barrier_id(%barrier3A)
    %add3A_22 = arith.constant 0 : i32
    %add3A_23 = arith.addi %add3A_22, %arg1 : i32
    %lt3A = arith.constant 79 : i32
    %lt3A_24 = arith.cmpi slt, %add3A_23, %lt3A : i32
    %convert_element_type3A = arith.extui %lt3A_24 : i1 to i32
    %cond3A = arith.constant 0 : i32
    %cond3A_25 = arith.cmpi ne, %convert_element_type3A, %cond3A : i32
    scf.if %cond3A_25 {
      %mul3A_54 = arith.constant 128 : i32
      %mul3A_55 = arith.muli %add3A_23, %mul3A_54 : i32
      "tpu.region"() ({
        %run_scoped3A = tpu.sem_alloc : memref<!tpu.dma_semaphore, #tpu.memory_space<semaphore_mem>>
        %dma_start3A = arith.constant 0 : i32
        %dma_start3A_65 = tpu.memref_slice %arg8[%dma_start3A, %mul3A_55] : memref<16x10112xf32, #tpu.memory_space<vmem_shared>> -> memref<16x128xf32, #tpu.memory_space<vmem_shared>>
        %dma_start3A_66 = arith.constant 0 : i32
        %dma_start3A_67 = tpu.memref_slice %arg8[%dma_start3A_66, %mul3A_55] : memref<16x10112xf32, #tpu.memory_space<vmem_shared>> -> memref<16x128xf32, #tpu.memory_space<vmem_shared>>
        tpu.enqueue_dma source(%dma_start3A_67 : memref<16x128xf32, #tpu.memory_space<vmem_shared>>) target(%arg6 : memref<16x128xf32, #tpu.memory_space<vmem>>) target_semaphore(%run_scoped3A : memref<!tpu.dma_semaphore, #tpu.memory_space<semaphore_mem>>)
        %dma_wait3A = arith.constant 0 : i32
        %dma_wait3A_68 = tpu.memref_slice %arg8[%dma_wait3A, %mul3A_55] : memref<16x10112xf32, #tpu.memory_space<vmem_shared>> -> memref<16x128xf32, #tpu.memory_space<vmem_shared>>
        %dma_wait3A_69 = arith.constant 0 : i32
        %dma_wait3A_70 = tpu.memref_slice %arg8[%dma_wait3A_69, %mul3A_55] : memref<16x10112xf32, #tpu.memory_space<vmem_shared>> -> memref<16x128xf32, #tpu.memory_space<vmem_shared>>
        tpu.wait_dma2 semaphore(%run_scoped3A : memref<!tpu.dma_semaphore, #tpu.memory_space<semaphore_mem>>) src(%dma_wait3A_70 : memref<16x128xf32, #tpu.memory_space<vmem_shared>>) dst(%arg6 : memref<16x128xf32, #tpu.memory_space<vmem>>)
        tpu.yield
      }) : () -> ()
      %scan3A_56 = arith.constant 0 : i32
      %scan3A_57 = arith.constant 0 : i32
      %scan3A_58 = arith.constant 8 : i32
      %scan3A_59 = arith.addi %scan3A_57, %scan3A_58 : i32
      %scan3A_60 = arith.constant 1 : i32
      %scan3A_61 = scf.for %scan3A_65 = %scan3A_57 to %scan3A_59 step %scan3A_60 iter_args(%scan3A_66 = %scan3A_56) -> (i32)  : i32 {
        %mul3A_67 = arith.constant 16 : i32
        %mul3A_68 = arith.muli %scan3A_65, %mul3A_67 : i32
        %get3A = arith.constant 0 : i32
        %get3A_69 = arith.index_cast %get3A : i32 to index
        %get3A_70 = arith.index_cast %mul3A_68 : i32 to index
        %get3A_71 = tpu.vector_load %arg6[%get3A_69, %get3A_70] {strides = array<i32>} : memref<16x128xf32, #tpu.memory_space<vmem>>, vector<16xf32>,
        %mul3A_72 = arith.constant 16 : i32
        %mul3A_73 = arith.muli %scan3A_65, %mul3A_72 : i32
        %get3A_74 = arith.constant 1 : i32
        %get3A_75 = arith.index_cast %get3A_74 : i32 to index
        %get3A_76 = arith.index_cast %mul3A_73 : i32 to index
        %get3A_77 = tpu.vector_load %arg6[%get3A_75, %get3A_76] {strides = array<i32>} : memref<16x128xf32, #tpu.memory_space<vmem>>, vector<16xf32>,
        %add3A_78 = arith.addf %get3A_71, %get3A_77 : vector<16xf32>
        %mul3A_79 = arith.constant 16 : i32
        %mul3A_80 = arith.muli %scan3A_65, %mul3A_79 : i32
        %get3A_81 = arith.constant 2 : i32
        %get3A_82 = arith.index_cast %get3A_81 : i32 to index
        %get3A_83 = arith.index_cast %mul3A_80 : i32 to index
        %get3A_84 = tpu.vector_load %arg6[%get3A_82, %get3A_83] {strides = array<i32>} : memref<16x128xf32, #tpu.memory_space<vmem>>, vector<16xf32>,
        %add3A_85 = arith.addf %add3A_78, %get3A_84 : vector<16xf32>
        %mul3A_86 = arith.constant 16 : i32
        %mul3A_87 = arith.muli %scan3A_65, %mul3A_86 : i32
        %get3A_88 = arith.constant 3 : i32
        %get3A_89 = arith.index_cast %get3A_88 : i32 to index
        %get3A_90 = arith.index_cast %mul3A_87 : i32 to index
        %get3A_91 = tpu.vector_load %arg6[%get3A_89, %get3A_90] {strides = array<i32>} : memref<16x128xf32, #tpu.memory_space<vmem>>, vector<16xf32>,
        %add3A_92 = arith.addf %add3A_85, %get3A_91 : vector<16xf32>
        %mul3A_93 = arith.constant 16 : i32
        %mul3A_94 = arith.muli %scan3A_65, %mul3A_93 : i32
        %get3A_95 = arith.constant 4 : i32
        %get3A_96 = arith.index_cast %get3A_95 : i32 to index
        %get3A_97 = arith.index_cast %mul3A_94 : i32 to index
        %get3A_98 = tpu.vector_load %arg6[%get3A_96, %get3A_97] {strides = array<i32>} : memref<16x128xf32, #tpu.memory_space<vmem>>, vector<16xf32>,
        %add3A_99 = arith.addf %add3A_92, %get3A_98 : vector<16xf32>
        %mul3A_100 = arith.constant 16 : i32
        %mul3A_101 = arith.muli %scan3A_65, %mul3A_100 : i32
        %get3A_102 = arith.constant 5 : i32
        %get3A_103 = arith.index_cast %get3A_102 : i32 to index
        %get3A_104 = arith.index_cast %mul3A_101 : i32 to index
        %get3A_105 = tpu.vector_load %arg6[%get3A_103, %get3A_104] {strides = array<i32>} : memref<16x128xf32, #tpu.memory_space<vmem>>, vector<16xf32>,
        %add3A_106 = arith.addf %add3A_99, %get3A_105 : vector<16xf32>
        %mul3A_107 = arith.constant 16 : i32
        %mul3A_108 = arith.muli %scan3A_65, %mul3A_107 : i32
        %get3A_109 = arith.constant 6 : i32
        %get3A_110 = arith.index_cast %get3A_109 : i32 to index
        %get3A_111 = arith.index_cast %mul3A_108 : i32 to index
        %get3A_112 = tpu.vector_load %arg6[%get3A_110, %get3A_111] {strides = array<i32>} : memref<16x128xf32, #tpu.memory_space<vmem>>, vector<16xf32>,
        %add3A_113 = arith.addf %add3A_106, %get3A_112 : vector<16xf32>
        %mul3A_114 = arith.constant 16 : i32
        %mul3A_115 = arith.muli %scan3A_65, %mul3A_114 : i32
        %get3A_116 = arith.constant 7 : i32
        %get3A_117 = arith.index_cast %get3A_116 : i32 to index
        %get3A_118 = arith.index_cast %mul3A_115 : i32 to index
        %get3A_119 = tpu.vector_load %arg6[%get3A_117, %get3A_118] {strides = array<i32>} : memref<16x128xf32, #tpu.memory_space<vmem>>, vector<16xf32>,
        %add3A_120 = arith.addf %add3A_113, %get3A_119 : vector<16xf32>
        %mul3A_121 = arith.constant 16 : i32
        %mul3A_122 = arith.muli %scan3A_65, %mul3A_121 : i32
        %get3A_123 = arith.constant 8 : i32
        %get3A_124 = arith.index_cast %get3A_123 : i32 to index
        %get3A_125 = arith.index_cast %mul3A_122 : i32 to index
        %get3A_126 = tpu.vector_load %arg6[%get3A_124, %get3A_125] {strides = array<i32>} : memref<16x128xf32, #tpu.memory_space<vmem>>, vector<16xf32>,
        %add3A_127 = arith.addf %add3A_120, %get3A_126 : vector<16xf32>
        %mul3A_128 = arith.constant 16 : i32
        %mul3A_129 = arith.muli %scan3A_65, %mul3A_128 : i32
        %get3A_130 = arith.constant 9 : i32
        %get3A_131 = arith.index_cast %get3A_130 : i32 to index
        %get3A_132 = arith.index_cast %mul3A_129 : i32 to index
        %get3A_133 = tpu.vector_load %arg6[%get3A_131, %get3A_132] {strides = array<i32>} : memref<16x128xf32, #tpu.memory_space<vmem>>, vector<16xf32>,
        %add3A_134 = arith.addf %add3A_127, %get3A_133 : vector<16xf32>
        %mul3A_135 = arith.constant 16 : i32
        %mul3A_136 = arith.muli %scan3A_65, %mul3A_135 : i32
        %get3A_137 = arith.constant 10 : i32
        %get3A_138 = arith.index_cast %get3A_137 : i32 to index
        %get3A_139 = arith.index_cast %mul3A_136 : i32 to index
        %get3A_140 = tpu.vector_load %arg6[%get3A_138, %get3A_139] {strides = array<i32>} : memref<16x128xf32, #tpu.memory_space<vmem>>, vector<16xf32>,
        %add3A_141 = arith.addf %add3A_134, %get3A_140 : vector<16xf32>
        %mul3A_142 = arith.constant 16 : i32
        %mul3A_143 = arith.muli %scan3A_65, %mul3A_142 : i32
        %get3A_144 = arith.constant 11 : i32
        %get3A_145 = arith.index_cast %get3A_144 : i32 to index
        %get3A_146 = arith.index_cast %mul3A_143 : i32 to index
        %get3A_147 = tpu.vector_load %arg6[%get3A_145, %get3A_146] {strides = array<i32>} : memref<16x128xf32, #tpu.memory_space<vmem>>, vector<16xf32>,
        %add3A_148 = arith.addf %add3A_141, %get3A_147 : vector<16xf32>
        %mul3A_149 = arith.constant 16 : i32
        %mul3A_150 = arith.muli %scan3A_65, %mul3A_149 : i32
        %get3A_151 = arith.constant 12 : i32
        %get3A_152 = arith.index_cast %get3A_151 : i32 to index
        %get3A_153 = arith.index_cast %mul3A_150 : i32 to index
        %get3A_154 = tpu.vector_load %arg6[%get3A_152, %get3A_153] {strides = array<i32>} : memref<16x128xf32, #tpu.memory_space<vmem>>, vector<16xf32>,
        %add3A_155 = arith.addf %add3A_148, %get3A_154 : vector<16xf32>
        %mul3A_156 = arith.constant 16 : i32
        %mul3A_157 = arith.muli %scan3A_65, %mul3A_156 : i32
        %get3A_158 = arith.constant 13 : i32
        %get3A_159 = arith.index_cast %get3A_158 : i32 to index
        %get3A_160 = arith.index_cast %mul3A_157 : i32 to index
        %get3A_161 = tpu.vector_load %arg6[%get3A_159, %get3A_160] {strides = array<i32>} : memref<16x128xf32, #tpu.memory_space<vmem>>, vector<16xf32>,
        %add3A_162 = arith.addf %add3A_155, %get3A_161 : vector<16xf32>
        %mul3A_163 = arith.constant 16 : i32
        %mul3A_164 = arith.muli %scan3A_65, %mul3A_163 : i32
        %get3A_165 = arith.constant 14 : i32
        %get3A_166 = arith.index_cast %get3A_165 : i32 to index
        %get3A_167 = arith.index_cast %mul3A_164 : i32 to index
        %get3A_168 = tpu.vector_load %arg6[%get3A_166, %get3A_167] {strides = array<i32>} : memref<16x128xf32, #tpu.memory_space<vmem>>, vector<16xf32>,
        %add3A_169 = arith.addf %add3A_162, %get3A_168 : vector<16xf32>
        %mul3A_170 = arith.constant 16 : i32
        %mul3A_171 = arith.muli %scan3A_65, %mul3A_170 : i32
        %get3A_172 = arith.constant 15 : i32
        %get3A_173 = arith.index_cast %get3A_172 : i32 to index
        %get3A_174 = arith.index_cast %mul3A_171 : i32 to index
        %get3A_175 = tpu.vector_load %arg6[%get3A_173, %get3A_174] {strides = array<i32>} : memref<16x128xf32, #tpu.memory_space<vmem>>, vector<16xf32>,
        %add3A_176 = arith.addf %add3A_169, %get3A_175 : vector<16xf32>
        %iota3A = tpu.iota {dimensions = array<i32: 0>} : vector<16xi32>
        %mul3A_177 = arith.constant 16 : i32
        %mul3A_178 = arith.muli %scan3A_65, %mul3A_177 : i32
        %add3A_179 = vector.broadcast %mul3A_178 : i32 to vector<16xi32>
        %add3A_180 = arith.addi %iota3A, %add3A_179 : vector<16xi32>
        %broadcast_in_dim3A_181 = arith.constant 0 : i32
        %broadcast_in_dim3A_182 = vector.broadcast %broadcast_in_dim3A_181 : i32 to vector<16xi32>
        tpu.vector_store_idx %arg7[%add3A_180, %broadcast_in_dim3A_182], %add3A_176 : memref<128x8xf32, #tpu.memory_space<vmem>>[vector<16xi32>, vector<16xi32>], vector<16xf32>,
        %broadcast_in_dim3A_183 = arith.constant 1 : i32
        %broadcast_in_dim3A_184 = vector.broadcast %broadcast_in_dim3A_183 : i32 to vector<16xi32>
        tpu.vector_store_idx %arg7[%add3A_180, %broadcast_in_dim3A_184], %add3A_176 : memref<128x8xf32, #tpu.memory_space<vmem>>[vector<16xi32>, vector<16xi32>], vector<16xf32>,
        %broadcast_in_dim3A_185 = arith.constant 2 : i32
        %broadcast_in_dim3A_186 = vector.broadcast %broadcast_in_dim3A_185 : i32 to vector<16xi32>
        tpu.vector_store_idx %arg7[%add3A_180, %broadcast_in_dim3A_186], %add3A_176 : memref<128x8xf32, #tpu.memory_space<vmem>>[vector<16xi32>, vector<16xi32>], vector<16xf32>,
        %broadcast_in_dim3A_187 = arith.constant 3 : i32
        %broadcast_in_dim3A_188 = vector.broadcast %broadcast_in_dim3A_187 : i32 to vector<16xi32>
        tpu.vector_store_idx %arg7[%add3A_180, %broadcast_in_dim3A_188], %add3A_176 : memref<128x8xf32, #tpu.memory_space<vmem>>[vector<16xi32>, vector<16xi32>], vector<16xf32>,
        %broadcast_in_dim3A_189 = arith.constant 4 : i32
        %broadcast_in_dim3A_190 = vector.broadcast %broadcast_in_dim3A_189 : i32 to vector<16xi32>
        tpu.vector_store_idx %arg7[%add3A_180, %broadcast_in_dim3A_190], %add3A_176 : memref<128x8xf32, #tpu.memory_space<vmem>>[vector<16xi32>, vector<16xi32>], vector<16xf32>,
        %broadcast_in_dim3A_191 = arith.constant 5 : i32
        %broadcast_in_dim3A_192 = vector.broadcast %broadcast_in_dim3A_191 : i32 to vector<16xi32>
        tpu.vector_store_idx %arg7[%add3A_180, %broadcast_in_dim3A_192], %add3A_176 : memref<128x8xf32, #tpu.memory_space<vmem>>[vector<16xi32>, vector<16xi32>], vector<16xf32>,
        %broadcast_in_dim3A_193 = arith.constant 6 : i32
        %broadcast_in_dim3A_194 = vector.broadcast %broadcast_in_dim3A_193 : i32 to vector<16xi32>
        tpu.vector_store_idx %arg7[%add3A_180, %broadcast_in_dim3A_194], %add3A_176 : memref<128x8xf32, #tpu.memory_space<vmem>>[vector<16xi32>, vector<16xi32>], vector<16xf32>,
        %broadcast_in_dim3A_195 = arith.constant 7 : i32
        %broadcast_in_dim3A_196 = vector.broadcast %broadcast_in_dim3A_195 : i32 to vector<16xi32>
        tpu.vector_store_idx %arg7[%add3A_180, %broadcast_in_dim3A_196], %add3A_176 : memref<128x8xf32, #tpu.memory_space<vmem>>[vector<16xi32>, vector<16xi32>], vector<16xf32>,
        %scan3A_197 = arith.constant 0 : i32
        scf.yield %scan3A_197 : i32
      }
      %scan3A_62 = arith.constant 8 : i32
      %mul3A_63 = arith.constant 128 : i32
      %mul3A_64 = arith.muli %add3A_23, %mul3A_63 : i32
      "tpu.region"() ({
        %run_scoped3A = tpu.sem_alloc : memref<!tpu.dma_semaphore, #tpu.memory_space<semaphore_mem>>
        %dma_start3A = arith.constant 0 : i32
        %dma_start3A_65 = tpu.memref_slice %arg3[%arg0, %mul3A_64, %dma_start3A] : memref<2x10112x8xf32, #tpu.memory_space<hbm>> -> memref<1x128x8xf32, #tpu.memory_space<hbm>>
        %dma_start3A_66 = tpu.memref_squeeze %dma_start3A_65 : memref<1x128x8xf32, #tpu.memory_space<hbm>> -> memref<128x8xf32, #tpu.memory_space<hbm>>
        %dma_start3A_67 = arith.constant 0 : i32
        %dma_start3A_68 = tpu.memref_slice %arg3[%arg0, %mul3A_64, %dma_start3A_67] : memref<2x10112x8xf32, #tpu.memory_space<hbm>> -> memref<1x128x8xf32, #tpu.memory_space<hbm>>
        %dma_start3A_69 = tpu.memref_squeeze %dma_start3A_68 : memref<1x128x8xf32, #tpu.memory_space<hbm>> -> memref<128x8xf32, #tpu.memory_space<hbm>>
        tpu.enqueue_dma source(%arg7 : memref<128x8xf32, #tpu.memory_space<vmem>>) target(%dma_start3A_69 : memref<128x8xf32, #tpu.memory_space<hbm>>) target_semaphore(%run_scoped3A : memref<!tpu.dma_semaphore, #tpu.memory_space<semaphore_mem>>)
        %dma_wait3A = arith.constant 0 : i32
        %dma_wait3A_70 = tpu.memref_slice %arg3[%arg0, %mul3A_64, %dma_wait3A] : memref<2x10112x8xf32, #tpu.memory_space<hbm>> -> memref<1x128x8xf32, #tpu.memory_space<hbm>>
        %dma_wait3A_71 = tpu.memref_squeeze %dma_wait3A_70 : memref<1x128x8xf32, #tpu.memory_space<hbm>> -> memref<128x8xf32, #tpu.memory_space<hbm>>
        %dma_wait3A_72 = arith.constant 0 : i32
        %dma_wait3A_73 = tpu.memref_slice %arg3[%arg0, %mul3A_64, %dma_wait3A_72] : memref<2x10112x8xf32, #tpu.memory_space<hbm>> -> memref<1x128x8xf32, #tpu.memory_space<hbm>>
        %dma_wait3A_74 = tpu.memref_squeeze %dma_wait3A_73 : memref<1x128x8xf32, #tpu.memory_space<hbm>> -> memref<128x8xf32, #tpu.memory_space<hbm>>
        tpu.wait_dma2 semaphore(%run_scoped3A : memref<!tpu.dma_semaphore, #tpu.memory_space<semaphore_mem>>) src(%arg7 : memref<128x8xf32, #tpu.memory_space<vmem>>) dst(%dma_wait3A_74 : memref<128x8xf32, #tpu.memory_space<hbm>>)
        tpu.yield
      }) : () -> ()
    } else {
    }
    %add3A_26 = arith.constant 16 : i32
    %add3A_27 = arith.addi %add3A_26, %arg1 : i32
    %lt3A_28 = arith.constant 79 : i32
    %lt3A_29 = arith.cmpi slt, %add3A_27, %lt3A_28 : i32
    %convert_element_type3A_30 = arith.extui %lt3A_29 : i1 to i32
    %cond3A_31 = arith.constant 0 : i32
    %cond3A_32 = arith.cmpi ne, %convert_element_type3A_30, %cond3A_31 : i32
    scf.if %cond3A_32 {
      %mul3A_54 = arith.constant 128 : i32
      %mul3A_55 = arith.muli %add3A_27, %mul3A_54 : i32
      "tpu.region"() ({
        %run_scoped3A = tpu.sem_alloc : memref<!tpu.dma_semaphore, #tpu.memory_space<semaphore_mem>>
        %dma_start3A = arith.constant 0 : i32
        %dma_start3A_65 = tpu.memref_slice %arg8[%dma_start3A, %mul3A_55] : memref<16x10112xf32, #tpu.memory_space<vmem_shared>> -> memref<16x128xf32, #tpu.memory_space<vmem_shared>>
        %dma_start3A_66 = arith.constant 0 : i32
        %dma_start3A_67 = tpu.memref_slice %arg8[%dma_start3A_66, %mul3A_55] : memref<16x10112xf32, #tpu.memory_space<vmem_shared>> -> memref<16x128xf32, #tpu.memory_space<vmem_shared>>
        tpu.enqueue_dma source(%dma_start3A_67 : memref<16x128xf32, #tpu.memory_space<vmem_shared>>) target(%arg6 : memref<16x128xf32, #tpu.memory_space<vmem>>) target_semaphore(%run_scoped3A : memref<!tpu.dma_semaphore, #tpu.memory_space<semaphore_mem>>)
        %dma_wait3A = arith.constant 0 : i32
        %dma_wait3A_68 = tpu.memref_slice %arg8[%dma_wait3A, %mul3A_55] : memref<16x10112xf32, #tpu.memory_space<vmem_shared>> -> memref<16x128xf32, #tpu.memory_space<vmem_shared>>
        %dma_wait3A_69 = arith.constant 0 : i32
        %dma_wait3A_70 = tpu.memref_slice %arg8[%dma_wait3A_69, %mul3A_55] : memref<16x10112xf32, #tpu.memory_space<vmem_shared>> -> memref<16x128xf32, #tpu.memory_space<vmem_shared>>
        tpu.wait_dma2 semaphore(%run_scoped3A : memref<!tpu.dma_semaphore, #tpu.memory_space<semaphore_mem>>) src(%dma_wait3A_70 : memref<16x128xf32, #tpu.memory_space<vmem_shared>>) dst(%arg6 : memref<16x128xf32, #tpu.memory_space<vmem>>)
        tpu.yield
      }) : () -> ()
      %scan3A_56 = arith.constant 0 : i32
      %scan3A_57 = arith.constant 0 : i32
      %scan3A_58 = arith.constant 8 : i32
      %scan3A_59 = arith.addi %scan3A_57, %scan3A_58 : i32
      %scan3A_60 = arith.constant 1 : i32
      %scan3A_61 = scf.for %scan3A_65 = %scan3A_57 to %scan3A_59 step %scan3A_60 iter_args(%scan3A_66 = %scan3A_56) -> (i32)  : i32 {
        %mul3A_67 = arith.constant 16 : i32
        %mul3A_68 = arith.muli %scan3A_65, %mul3A_67 : i32
        %get3A = arith.constant 0 : i32
        %get3A_69 = arith.index_cast %get3A : i32 to index
        %get3A_70 = arith.index_cast %mul3A_68 : i32 to index
        %get3A_71 = tpu.vector_load %arg6[%get3A_69, %get3A_70] {strides = array<i32>} : memref<16x128xf32, #tpu.memory_space<vmem>>, vector<16xf32>,
        %mul3A_72 = arith.constant 16 : i32
        %mul3A_73 = arith.muli %scan3A_65, %mul3A_72 : i32
        %get3A_74 = arith.constant 1 : i32
        %get3A_75 = arith.index_cast %get3A_74 : i32 to index
        %get3A_76 = arith.index_cast %mul3A_73 : i32 to index
        %get3A_77 = tpu.vector_load %arg6[%get3A_75, %get3A_76] {strides = array<i32>} : memref<16x128xf32, #tpu.memory_space<vmem>>, vector<16xf32>,
        %add3A_78 = arith.addf %get3A_71, %get3A_77 : vector<16xf32>
        %mul3A_79 = arith.constant 16 : i32
        %mul3A_80 = arith.muli %scan3A_65, %mul3A_79 : i32
        %get3A_81 = arith.constant 2 : i32
        %get3A_82 = arith.index_cast %get3A_81 : i32 to index
        %get3A_83 = arith.index_cast %mul3A_80 : i32 to index
        %get3A_84 = tpu.vector_load %arg6[%get3A_82, %get3A_83] {strides = array<i32>} : memref<16x128xf32, #tpu.memory_space<vmem>>, vector<16xf32>,
        %add3A_85 = arith.addf %add3A_78, %get3A_84 : vector<16xf32>
        %mul3A_86 = arith.constant 16 : i32
        %mul3A_87 = arith.muli %scan3A_65, %mul3A_86 : i32
        %get3A_88 = arith.constant 3 : i32
        %get3A_89 = arith.index_cast %get3A_88 : i32 to index
        %get3A_90 = arith.index_cast %mul3A_87 : i32 to index
        %get3A_91 = tpu.vector_load %arg6[%get3A_89, %get3A_90] {strides = array<i32>} : memref<16x128xf32, #tpu.memory_space<vmem>>, vector<16xf32>,
        %add3A_92 = arith.addf %add3A_85, %get3A_91 : vector<16xf32>
        %mul3A_93 = arith.constant 16 : i32
        %mul3A_94 = arith.muli %scan3A_65, %mul3A_93 : i32
        %get3A_95 = arith.constant 4 : i32
        %get3A_96 = arith.index_cast %get3A_95 : i32 to index
        %get3A_97 = arith.index_cast %mul3A_94 : i32 to index
        %get3A_98 = tpu.vector_load %arg6[%get3A_96, %get3A_97] {strides = array<i32>} : memref<16x128xf32, #tpu.memory_space<vmem>>, vector<16xf32>,
        %add3A_99 = arith.addf %add3A_92, %get3A_98 : vector<16xf32>
        %mul3A_100 = arith.constant 16 : i32
        %mul3A_101 = arith.muli %scan3A_65, %mul3A_100 : i32
        %get3A_102 = arith.constant 5 : i32
        %get3A_103 = arith.index_cast %get3A_102 : i32 to index
        %get3A_104 = arith.index_cast %mul3A_101 : i32 to index
        %get3A_105 = tpu.vector_load %arg6[%get3A_103, %get3A_104] {strides = array<i32>} : memref<16x128xf32, #tpu.memory_space<vmem>>, vector<16xf32>,
        %add3A_106 = arith.addf %add3A_99, %get3A_105 : vector<16xf32>
        %mul3A_107 = arith.constant 16 : i32
        %mul3A_108 = arith.muli %scan3A_65, %mul3A_107 : i32
        %get3A_109 = arith.constant 6 : i32
        %get3A_110 = arith.index_cast %get3A_109 : i32 to index
        %get3A_111 = arith.index_cast %mul3A_108 : i32 to index
        %get3A_112 = tpu.vector_load %arg6[%get3A_110, %get3A_111] {strides = array<i32>} : memref<16x128xf32, #tpu.memory_space<vmem>>, vector<16xf32>,
        %add3A_113 = arith.addf %add3A_106, %get3A_112 : vector<16xf32>
        %mul3A_114 = arith.constant 16 : i32
        %mul3A_115 = arith.muli %scan3A_65, %mul3A_114 : i32
        %get3A_116 = arith.constant 7 : i32
        %get3A_117 = arith.index_cast %get3A_116 : i32 to index
        %get3A_118 = arith.index_cast %mul3A_115 : i32 to index
        %get3A_119 = tpu.vector_load %arg6[%get3A_117, %get3A_118] {strides = array<i32>} : memref<16x128xf32, #tpu.memory_space<vmem>>, vector<16xf32>,
        %add3A_120 = arith.addf %add3A_113, %get3A_119 : vector<16xf32>
        %mul3A_121 = arith.constant 16 : i32
        %mul3A_122 = arith.muli %scan3A_65, %mul3A_121 : i32
        %get3A_123 = arith.constant 8 : i32
        %get3A_124 = arith.index_cast %get3A_123 : i32 to index
        %get3A_125 = arith.index_cast %mul3A_122 : i32 to index
        %get3A_126 = tpu.vector_load %arg6[%get3A_124, %get3A_125] {strides = array<i32>} : memref<16x128xf32, #tpu.memory_space<vmem>>, vector<16xf32>,
        %add3A_127 = arith.addf %add3A_120, %get3A_126 : vector<16xf32>
        %mul3A_128 = arith.constant 16 : i32
        %mul3A_129 = arith.muli %scan3A_65, %mul3A_128 : i32
        %get3A_130 = arith.constant 9 : i32
        %get3A_131 = arith.index_cast %get3A_130 : i32 to index
        %get3A_132 = arith.index_cast %mul3A_129 : i32 to index
        %get3A_133 = tpu.vector_load %arg6[%get3A_131, %get3A_132] {strides = array<i32>} : memref<16x128xf32, #tpu.memory_space<vmem>>, vector<16xf32>,
        %add3A_134 = arith.addf %add3A_127, %get3A_133 : vector<16xf32>
        %mul3A_135 = arith.constant 16 : i32
        %mul3A_136 = arith.muli %scan3A_65, %mul3A_135 : i32
        %get3A_137 = arith.constant 10 : i32
        %get3A_138 = arith.index_cast %get3A_137 : i32 to index
        %get3A_139 = arith.index_cast %mul3A_136 : i32 to index
        %get3A_140 = tpu.vector_load %arg6[%get3A_138, %get3A_139] {strides = array<i32>} : memref<16x128xf32, #tpu.memory_space<vmem>>, vector<16xf32>,
        %add3A_141 = arith.addf %add3A_134, %get3A_140 : vector<16xf32>
        %mul3A_142 = arith.constant 16 : i32
        %mul3A_143 = arith.muli %scan3A_65, %mul3A_142 : i32
        %get3A_144 = arith.constant 11 : i32
        %get3A_145 = arith.index_cast %get3A_144 : i32 to index
        %get3A_146 = arith.index_cast %mul3A_143 : i32 to index
        %get3A_147 = tpu.vector_load %arg6[%get3A_145, %get3A_146] {strides = array<i32>} : memref<16x128xf32, #tpu.memory_space<vmem>>, vector<16xf32>,
        %add3A_148 = arith.addf %add3A_141, %get3A_147 : vector<16xf32>
        %mul3A_149 = arith.constant 16 : i32
        %mul3A_150 = arith.muli %scan3A_65, %mul3A_149 : i32
        %get3A_151 = arith.constant 12 : i32
        %get3A_152 = arith.index_cast %get3A_151 : i32 to index
        %get3A_153 = arith.index_cast %mul3A_150 : i32 to index
        %get3A_154 = tpu.vector_load %arg6[%get3A_152, %get3A_153] {strides = array<i32>} : memref<16x128xf32, #tpu.memory_space<vmem>>, vector<16xf32>,
        %add3A_155 = arith.addf %add3A_148, %get3A_154 : vector<16xf32>
        %mul3A_156 = arith.constant 16 : i32
        %mul3A_157 = arith.muli %scan3A_65, %mul3A_156 : i32
        %get3A_158 = arith.constant 13 : i32
        %get3A_159 = arith.index_cast %get3A_158 : i32 to index
        %get3A_160 = arith.index_cast %mul3A_157 : i32 to index
        %get3A_161 = tpu.vector_load %arg6[%get3A_159, %get3A_160] {strides = array<i32>} : memref<16x128xf32, #tpu.memory_space<vmem>>, vector<16xf32>,
        %add3A_162 = arith.addf %add3A_155, %get3A_161 : vector<16xf32>
        %mul3A_163 = arith.constant 16 : i32
        %mul3A_164 = arith.muli %scan3A_65, %mul3A_163 : i32
        %get3A_165 = arith.constant 14 : i32
        %get3A_166 = arith.index_cast %get3A_165 : i32 to index
        %get3A_167 = arith.index_cast %mul3A_164 : i32 to index
        %get3A_168 = tpu.vector_load %arg6[%get3A_166, %get3A_167] {strides = array<i32>} : memref<16x128xf32, #tpu.memory_space<vmem>>, vector<16xf32>,
        %add3A_169 = arith.addf %add3A_162, %get3A_168 : vector<16xf32>
        %mul3A_170 = arith.constant 16 : i32
        %mul3A_171 = arith.muli %scan3A_65, %mul3A_170 : i32
        %get3A_172 = arith.constant 15 : i32
        %get3A_173 = arith.index_cast %get3A_172 : i32 to index
        %get3A_174 = arith.index_cast %mul3A_171 : i32 to index
        %get3A_175 = tpu.vector_load %arg6[%get3A_173, %get3A_174] {strides = array<i32>} : memref<16x128xf32, #tpu.memory_space<vmem>>, vector<16xf32>,
        %add3A_176 = arith.addf %add3A_169, %get3A_175 : vector<16xf32>
        %iota3A = tpu.iota {dimensions = array<i32: 0>} : vector<16xi32>
        %mul3A_177 = arith.constant 16 : i32
        %mul3A_178 = arith.muli %scan3A_65, %mul3A_177 : i32
        %add3A_179 = vector.broadcast %mul3A_178 : i32 to vector<16xi32>
        %add3A_180 = arith.addi %iota3A, %add3A_179 : vector<16xi32>
        %broadcast_in_dim3A_181 = arith.constant 0 : i32
        %broadcast_in_dim3A_182 = vector.broadcast %broadcast_in_dim3A_181 : i32 to vector<16xi32>
        tpu.vector_store_idx %arg7[%add3A_180, %broadcast_in_dim3A_182], %add3A_176 : memref<128x8xf32, #tpu.memory_space<vmem>>[vector<16xi32>, vector<16xi32>], vector<16xf32>,
        %broadcast_in_dim3A_183 = arith.constant 1 : i32
        %broadcast_in_dim3A_184 = vector.broadcast %broadcast_in_dim3A_183 : i32 to vector<16xi32>
        tpu.vector_store_idx %arg7[%add3A_180, %broadcast_in_dim3A_184], %add3A_176 : memref<128x8xf32, #tpu.memory_space<vmem>>[vector<16xi32>, vector<16xi32>], vector<16xf32>,
        %broadcast_in_dim3A_185 = arith.constant 2 : i32
        %broadcast_in_dim3A_186 = vector.broadcast %broadcast_in_dim3A_185 : i32 to vector<16xi32>
        tpu.vector_store_idx %arg7[%add3A_180, %broadcast_in_dim3A_186], %add3A_176 : memref<128x8xf32, #tpu.memory_space<vmem>>[vector<16xi32>, vector<16xi32>], vector<16xf32>,
        %broadcast_in_dim3A_187 = arith.constant 3 : i32
        %broadcast_in_dim3A_188 = vector.broadcast %broadcast_in_dim3A_187 : i32 to vector<16xi32>
        tpu.vector_store_idx %arg7[%add3A_180, %broadcast_in_dim3A_188], %add3A_176 : memref<128x8xf32, #tpu.memory_space<vmem>>[vector<16xi32>, vector<16xi32>], vector<16xf32>,
        %broadcast_in_dim3A_189 = arith.constant 4 : i32
        %broadcast_in_dim3A_190 = vector.broadcast %broadcast_in_dim3A_189 : i32 to vector<16xi32>
        tpu.vector_store_idx %arg7[%add3A_180, %broadcast_in_dim3A_190], %add3A_176 : memref<128x8xf32, #tpu.memory_space<vmem>>[vector<16xi32>, vector<16xi32>], vector<16xf32>,
        %broadcast_in_dim3A_191 = arith.constant 5 : i32
        %broadcast_in_dim3A_192 = vector.broadcast %broadcast_in_dim3A_191 : i32 to vector<16xi32>
        tpu.vector_store_idx %arg7[%add3A_180, %broadcast_in_dim3A_192], %add3A_176 : memref<128x8xf32, #tpu.memory_space<vmem>>[vector<16xi32>, vector<16xi32>], vector<16xf32>,
        %broadcast_in_dim3A_193 = arith.constant 6 : i32
        %broadcast_in_dim3A_194 = vector.broadcast %broadcast_in_dim3A_193 : i32 to vector<16xi32>
        tpu.vector_store_idx %arg7[%add3A_180, %broadcast_in_dim3A_194], %add3A_176 : memref<128x8xf32, #tpu.memory_space<vmem>>[vector<16xi32>, vector<16xi32>], vector<16xf32>,
        %broadcast_in_dim3A_195 = arith.constant 7 : i32
        %broadcast_in_dim3A_196 = vector.broadcast %broadcast_in_dim3A_195 : i32 to vector<16xi32>
        tpu.vector_store_idx %arg7[%add3A_180, %broadcast_in_dim3A_196], %add3A_176 : memref<128x8xf32, #tpu.memory_space<vmem>>[vector<16xi32>, vector<16xi32>], vector<16xf32>,
        %scan3A_197 = arith.constant 0 : i32
        scf.yield %scan3A_197 : i32
      }
      %scan3A_62 = arith.constant 8 : i32
      %mul3A_63 = arith.constant 128 : i32
      %mul3A_64 = arith.muli %add3A_27, %mul3A_63 : i32
      "tpu.region"() ({
        %run_scoped3A = tpu.sem_alloc : memref<!tpu.dma_semaphore, #tpu.memory_space<semaphore_mem>>
        %dma_start3A = arith.constant 0 : i32
        %dma_start3A_65 = tpu.memref_slice %arg3[%arg0, %mul3A_64, %dma_start3A] : memref<2x10112x8xf32, #tpu.memory_space<hbm>> -> memref<1x128x8xf32, #tpu.memory_space<hbm>>
        %dma_start3A_66 = tpu.memref_squeeze %dma_start3A_65 : memref<1x128x8xf32, #tpu.memory_space<hbm>> -> memref<128x8xf32, #tpu.memory_space<hbm>>
        %dma_start3A_67 = arith.constant 0 : i32
        %dma_start3A_68 = tpu.memref_slice %arg3[%arg0, %mul3A_64, %dma_start3A_67] : memref<2x10112x8xf32, #tpu.memory_space<hbm>> -> memref<1x128x8xf32, #tpu.memory_space<hbm>>
        %dma_start3A_69 = tpu.memref_squeeze %dma_start3A_68 : memref<1x128x8xf32, #tpu.memory_space<hbm>> -> memref<128x8xf32, #tpu.memory_space<hbm>>
        tpu.enqueue_dma source(%arg7 : memref<128x8xf32, #tpu.memory_space<vmem>>) target(%dma_start3A_69 : memref<128x8xf32, #tpu.memory_space<hbm>>) target_semaphore(%run_scoped3A : memref<!tpu.dma_semaphore, #tpu.memory_space<semaphore_mem>>)
        %dma_wait3A = arith.constant 0 : i32
        %dma_wait3A_70 = tpu.memref_slice %arg3[%arg0, %mul3A_64, %dma_wait3A] : memref<2x10112x8xf32, #tpu.memory_space<hbm>> -> memref<1x128x8xf32, #tpu.memory_space<hbm>>
        %dma_wait3A_71 = tpu.memref_squeeze %dma_wait3A_70 : memref<1x128x8xf32, #tpu.memory_space<hbm>> -> memref<128x8xf32, #tpu.memory_space<hbm>>
        %dma_wait3A_72 = arith.constant 0 : i32
        %dma_wait3A_73 = tpu.memref_slice %arg3[%arg0, %mul3A_64, %dma_wait3A_72] : memref<2x10112x8xf32, #tpu.memory_space<hbm>> -> memref<1x128x8xf32, #tpu.memory_space<hbm>>
        %dma_wait3A_74 = tpu.memref_squeeze %dma_wait3A_73 : memref<1x128x8xf32, #tpu.memory_space<hbm>> -> memref<128x8xf32, #tpu.memory_space<hbm>>
        tpu.wait_dma2 semaphore(%run_scoped3A : memref<!tpu.dma_semaphore, #tpu.memory_space<semaphore_mem>>) src(%arg7 : memref<128x8xf32, #tpu.memory_space<vmem>>) dst(%dma_wait3A_74 : memref<128x8xf32, #tpu.memory_space<hbm>>)
        tpu.yield
      }) : () -> ()
    } else {
    }
    %add3A_33 = arith.constant 32 : i32
    %add3A_34 = arith.addi %add3A_33, %arg1 : i32
    %lt3A_35 = arith.constant 79 : i32
    %lt3A_36 = arith.cmpi slt, %add3A_34, %lt3A_35 : i32
    %convert_element_type3A_37 = arith.extui %lt3A_36 : i1 to i32
    %cond3A_38 = arith.constant 0 : i32
    %cond3A_39 = arith.cmpi ne, %convert_element_type3A_37, %cond3A_38 : i32
    scf.if %cond3A_39 {
      %mul3A_54 = arith.constant 128 : i32
      %mul3A_55 = arith.muli %add3A_34, %mul3A_54 : i32
      "tpu.region"() ({
        %run_scoped3A = tpu.sem_alloc : memref<!tpu.dma_semaphore, #tpu.memory_space<semaphore_mem>>
        %dma_start3A = arith.constant 0 : i32
        %dma_start3A_65 = tpu.memref_slice %arg8[%dma_start3A, %mul3A_55] : memref<16x10112xf32, #tpu.memory_space<vmem_shared>> -> memref<16x128xf32, #tpu.memory_space<vmem_shared>>
        %dma_start3A_66 = arith.constant 0 : i32
        %dma_start3A_67 = tpu.memref_slice %arg8[%dma_start3A_66, %mul3A_55] : memref<16x10112xf32, #tpu.memory_space<vmem_shared>> -> memref<16x128xf32, #tpu.memory_space<vmem_shared>>
        tpu.enqueue_dma source(%dma_start3A_67 : memref<16x128xf32, #tpu.memory_space<vmem_shared>>) target(%arg6 : memref<16x128xf32, #tpu.memory_space<vmem>>) target_semaphore(%run_scoped3A : memref<!tpu.dma_semaphore, #tpu.memory_space<semaphore_mem>>)
        %dma_wait3A = arith.constant 0 : i32
        %dma_wait3A_68 = tpu.memref_slice %arg8[%dma_wait3A, %mul3A_55] : memref<16x10112xf32, #tpu.memory_space<vmem_shared>> -> memref<16x128xf32, #tpu.memory_space<vmem_shared>>
        %dma_wait3A_69 = arith.constant 0 : i32
        %dma_wait3A_70 = tpu.memref_slice %arg8[%dma_wait3A_69, %mul3A_55] : memref<16x10112xf32, #tpu.memory_space<vmem_shared>> -> memref<16x128xf32, #tpu.memory_space<vmem_shared>>
        tpu.wait_dma2 semaphore(%run_scoped3A : memref<!tpu.dma_semaphore, #tpu.memory_space<semaphore_mem>>) src(%dma_wait3A_70 : memref<16x128xf32, #tpu.memory_space<vmem_shared>>) dst(%arg6 : memref<16x128xf32, #tpu.memory_space<vmem>>)
        tpu.yield
      }) : () -> ()
      %scan3A_56 = arith.constant 0 : i32
      %scan3A_57 = arith.constant 0 : i32
      %scan3A_58 = arith.constant 8 : i32
      %scan3A_59 = arith.addi %scan3A_57, %scan3A_58 : i32
      %scan3A_60 = arith.constant 1 : i32
      %scan3A_61 = scf.for %scan3A_65 = %scan3A_57 to %scan3A_59 step %scan3A_60 iter_args(%scan3A_66 = %scan3A_56) -> (i32)  : i32 {
        %mul3A_67 = arith.constant 16 : i32
        %mul3A_68 = arith.muli %scan3A_65, %mul3A_67 : i32
        %get3A = arith.constant 0 : i32
        %get3A_69 = arith.index_cast %get3A : i32 to index
        %get3A_70 = arith.index_cast %mul3A_68 : i32 to index
        %get3A_71 = tpu.vector_load %arg6[%get3A_69, %get3A_70] {strides = array<i32>} : memref<16x128xf32, #tpu.memory_space<vmem>>, vector<16xf32>,
        %mul3A_72 = arith.constant 16 : i32
        %mul3A_73 = arith.muli %scan3A_65, %mul3A_72 : i32
        %get3A_74 = arith.constant 1 : i32
        %get3A_75 = arith.index_cast %get3A_74 : i32 to index
        %get3A_76 = arith.index_cast %mul3A_73 : i32 to index
        %get3A_77 = tpu.vector_load %arg6[%get3A_75, %get3A_76] {strides = array<i32>} : memref<16x128xf32, #tpu.memory_space<vmem>>, vector<16xf32>,
        %add3A_78 = arith.addf %get3A_71, %get3A_77 : vector<16xf32>
        %mul3A_79 = arith.constant 16 : i32
        %mul3A_80 = arith.muli %scan3A_65, %mul3A_79 : i32
        %get3A_81 = arith.constant 2 : i32
        %get3A_82 = arith.index_cast %get3A_81 : i32 to index
        %get3A_83 = arith.index_cast %mul3A_80 : i32 to index
        %get3A_84 = tpu.vector_load %arg6[%get3A_82, %get3A_83] {strides = array<i32>} : memref<16x128xf32, #tpu.memory_space<vmem>>, vector<16xf32>,
        %add3A_85 = arith.addf %add3A_78, %get3A_84 : vector<16xf32>
        %mul3A_86 = arith.constant 16 : i32
        %mul3A_87 = arith.muli %scan3A_65, %mul3A_86 : i32
        %get3A_88 = arith.constant 3 : i32
        %get3A_89 = arith.index_cast %get3A_88 : i32 to index
        %get3A_90 = arith.index_cast %mul3A_87 : i32 to index
        %get3A_91 = tpu.vector_load %arg6[%get3A_89, %get3A_90] {strides = array<i32>} : memref<16x128xf32, #tpu.memory_space<vmem>>, vector<16xf32>,
        %add3A_92 = arith.addf %add3A_85, %get3A_91 : vector<16xf32>
        %mul3A_93 = arith.constant 16 : i32
        %mul3A_94 = arith.muli %scan3A_65, %mul3A_93 : i32
        %get3A_95 = arith.constant 4 : i32
        %get3A_96 = arith.index_cast %get3A_95 : i32 to index
        %get3A_97 = arith.index_cast %mul3A_94 : i32 to index
        %get3A_98 = tpu.vector_load %arg6[%get3A_96, %get3A_97] {strides = array<i32>} : memref<16x128xf32, #tpu.memory_space<vmem>>, vector<16xf32>,
        %add3A_99 = arith.addf %add3A_92, %get3A_98 : vector<16xf32>
        %mul3A_100 = arith.constant 16 : i32
        %mul3A_101 = arith.muli %scan3A_65, %mul3A_100 : i32
        %get3A_102 = arith.constant 5 : i32
        %get3A_103 = arith.index_cast %get3A_102 : i32 to index
        %get3A_104 = arith.index_cast %mul3A_101 : i32 to index
        %get3A_105 = tpu.vector_load %arg6[%get3A_103, %get3A_104] {strides = array<i32>} : memref<16x128xf32, #tpu.memory_space<vmem>>, vector<16xf32>,
        %add3A_106 = arith.addf %add3A_99, %get3A_105 : vector<16xf32>
        %mul3A_107 = arith.constant 16 : i32
        %mul3A_108 = arith.muli %scan3A_65, %mul3A_107 : i32
        %get3A_109 = arith.constant 6 : i32
        %get3A_110 = arith.index_cast %get3A_109 : i32 to index
        %get3A_111 = arith.index_cast %mul3A_108 : i32 to index
        %get3A_112 = tpu.vector_load %arg6[%get3A_110, %get3A_111] {strides = array<i32>} : memref<16x128xf32, #tpu.memory_space<vmem>>, vector<16xf32>,
        %add3A_113 = arith.addf %add3A_106, %get3A_112 : vector<16xf32>
        %mul3A_114 = arith.constant 16 : i32
        %mul3A_115 = arith.muli %scan3A_65, %mul3A_114 : i32
        %get3A_116 = arith.constant 7 : i32
        %get3A_117 = arith.index_cast %get3A_116 : i32 to index
        %get3A_118 = arith.index_cast %mul3A_115 : i32 to index
        %get3A_119 = tpu.vector_load %arg6[%get3A_117, %get3A_118] {strides = array<i32>} : memref<16x128xf32, #tpu.memory_space<vmem>>, vector<16xf32>,
        %add3A_120 = arith.addf %add3A_113, %get3A_119 : vector<16xf32>
        %mul3A_121 = arith.constant 16 : i32
        %mul3A_122 = arith.muli %scan3A_65, %mul3A_121 : i32
        %get3A_123 = arith.constant 8 : i32
        %get3A_124 = arith.index_cast %get3A_123 : i32 to index
        %get3A_125 = arith.index_cast %mul3A_122 : i32 to index
        %get3A_126 = tpu.vector_load %arg6[%get3A_124, %get3A_125] {strides = array<i32>} : memref<16x128xf32, #tpu.memory_space<vmem>>, vector<16xf32>,
        %add3A_127 = arith.addf %add3A_120, %get3A_126 : vector<16xf32>
        %mul3A_128 = arith.constant 16 : i32
        %mul3A_129 = arith.muli %scan3A_65, %mul3A_128 : i32
        %get3A_130 = arith.constant 9 : i32
        %get3A_131 = arith.index_cast %get3A_130 : i32 to index
        %get3A_132 = arith.index_cast %mul3A_129 : i32 to index
        %get3A_133 = tpu.vector_load %arg6[%get3A_131, %get3A_132] {strides = array<i32>} : memref<16x128xf32, #tpu.memory_space<vmem>>, vector<16xf32>,
        %add3A_134 = arith.addf %add3A_127, %get3A_133 : vector<16xf32>
        %mul3A_135 = arith.constant 16 : i32
        %mul3A_136 = arith.muli %scan3A_65, %mul3A_135 : i32
        %get3A_137 = arith.constant 10 : i32
        %get3A_138 = arith.index_cast %get3A_137 : i32 to index
        %get3A_139 = arith.index_cast %mul3A_136 : i32 to index
        %get3A_140 = tpu.vector_load %arg6[%get3A_138, %get3A_139] {strides = array<i32>} : memref<16x128xf32, #tpu.memory_space<vmem>>, vector<16xf32>,
        %add3A_141 = arith.addf %add3A_134, %get3A_140 : vector<16xf32>
        %mul3A_142 = arith.constant 16 : i32
        %mul3A_143 = arith.muli %scan3A_65, %mul3A_142 : i32
        %get3A_144 = arith.constant 11 : i32
        %get3A_145 = arith.index_cast %get3A_144 : i32 to index
        %get3A_146 = arith.index_cast %mul3A_143 : i32 to index
        %get3A_147 = tpu.vector_load %arg6[%get3A_145, %get3A_146] {strides = array<i32>} : memref<16x128xf32, #tpu.memory_space<vmem>>, vector<16xf32>,
        %add3A_148 = arith.addf %add3A_141, %get3A_147 : vector<16xf32>
        %mul3A_149 = arith.constant 16 : i32
        %mul3A_150 = arith.muli %scan3A_65, %mul3A_149 : i32
        %get3A_151 = arith.constant 12 : i32
        %get3A_152 = arith.index_cast %get3A_151 : i32 to index
        %get3A_153 = arith.index_cast %mul3A_150 : i32 to index
        %get3A_154 = tpu.vector_load %arg6[%get3A_152, %get3A_153] {strides = array<i32>} : memref<16x128xf32, #tpu.memory_space<vmem>>, vector<16xf32>,
        %add3A_155 = arith.addf %add3A_148, %get3A_154 : vector<16xf32>
        %mul3A_156 = arith.constant 16 : i32
        %mul3A_157 = arith.muli %scan3A_65, %mul3A_156 : i32
        %get3A_158 = arith.constant 13 : i32
        %get3A_159 = arith.index_cast %get3A_158 : i32 to index
        %get3A_160 = arith.index_cast %mul3A_157 : i32 to index
        %get3A_161 = tpu.vector_load %arg6[%get3A_159, %get3A_160] {strides = array<i32>} : memref<16x128xf32, #tpu.memory_space<vmem>>, vector<16xf32>,
        %add3A_162 = arith.addf %add3A_155, %get3A_161 : vector<16xf32>
        %mul3A_163 = arith.constant 16 : i32
        %mul3A_164 = arith.muli %scan3A_65, %mul3A_163 : i32
        %get3A_165 = arith.constant 14 : i32
        %get3A_166 = arith.index_cast %get3A_165 : i32 to index
        %get3A_167 = arith.index_cast %mul3A_164 : i32 to index
        %get3A_168 = tpu.vector_load %arg6[%get3A_166, %get3A_167] {strides = array<i32>} : memref<16x128xf32, #tpu.memory_space<vmem>>, vector<16xf32>,
        %add3A_169 = arith.addf %add3A_162, %get3A_168 : vector<16xf32>
        %mul3A_170 = arith.constant 16 : i32
        %mul3A_171 = arith.muli %scan3A_65, %mul3A_170 : i32
        %get3A_172 = arith.constant 15 : i32
        %get3A_173 = arith.index_cast %get3A_172 : i32 to index
        %get3A_174 = arith.index_cast %mul3A_171 : i32 to index
        %get3A_175 = tpu.vector_load %arg6[%get3A_173, %get3A_174] {strides = array<i32>} : memref<16x128xf32, #tpu.memory_space<vmem>>, vector<16xf32>,
        %add3A_176 = arith.addf %add3A_169, %get3A_175 : vector<16xf32>
        %iota3A = tpu.iota {dimensions = array<i32: 0>} : vector<16xi32>
        %mul3A_177 = arith.constant 16 : i32
        %mul3A_178 = arith.muli %scan3A_65, %mul3A_177 : i32
        %add3A_179 = vector.broadcast %mul3A_178 : i32 to vector<16xi32>
        %add3A_180 = arith.addi %iota3A, %add3A_179 : vector<16xi32>
        %broadcast_in_dim3A_181 = arith.constant 0 : i32
        %broadcast_in_dim3A_182 = vector.broadcast %broadcast_in_dim3A_181 : i32 to vector<16xi32>
        tpu.vector_store_idx %arg7[%add3A_180, %broadcast_in_dim3A_182], %add3A_176 : memref<128x8xf32, #tpu.memory_space<vmem>>[vector<16xi32>, vector<16xi32>], vector<16xf32>,
        %broadcast_in_dim3A_183 = arith.constant 1 : i32
        %broadcast_in_dim3A_184 = vector.broadcast %broadcast_in_dim3A_183 : i32 to vector<16xi32>
        tpu.vector_store_idx %arg7[%add3A_180, %broadcast_in_dim3A_184], %add3A_176 : memref<128x8xf32, #tpu.memory_space<vmem>>[vector<16xi32>, vector<16xi32>], vector<16xf32>,
        %broadcast_in_dim3A_185 = arith.constant 2 : i32
        %broadcast_in_dim3A_186 = vector.broadcast %broadcast_in_dim3A_185 : i32 to vector<16xi32>
        tpu.vector_store_idx %arg7[%add3A_180, %broadcast_in_dim3A_186], %add3A_176 : memref<128x8xf32, #tpu.memory_space<vmem>>[vector<16xi32>, vector<16xi32>], vector<16xf32>,
        %broadcast_in_dim3A_187 = arith.constant 3 : i32
        %broadcast_in_dim3A_188 = vector.broadcast %broadcast_in_dim3A_187 : i32 to vector<16xi32>
        tpu.vector_store_idx %arg7[%add3A_180, %broadcast_in_dim3A_188], %add3A_176 : memref<128x8xf32, #tpu.memory_space<vmem>>[vector<16xi32>, vector<16xi32>], vector<16xf32>,
        %broadcast_in_dim3A_189 = arith.constant 4 : i32
        %broadcast_in_dim3A_190 = vector.broadcast %broadcast_in_dim3A_189 : i32 to vector<16xi32>
        tpu.vector_store_idx %arg7[%add3A_180, %broadcast_in_dim3A_190], %add3A_176 : memref<128x8xf32, #tpu.memory_space<vmem>>[vector<16xi32>, vector<16xi32>], vector<16xf32>,
        %broadcast_in_dim3A_191 = arith.constant 5 : i32
        %broadcast_in_dim3A_192 = vector.broadcast %broadcast_in_dim3A_191 : i32 to vector<16xi32>
        tpu.vector_store_idx %arg7[%add3A_180, %broadcast_in_dim3A_192], %add3A_176 : memref<128x8xf32, #tpu.memory_space<vmem>>[vector<16xi32>, vector<16xi32>], vector<16xf32>,
        %broadcast_in_dim3A_193 = arith.constant 6 : i32
        %broadcast_in_dim3A_194 = vector.broadcast %broadcast_in_dim3A_193 : i32 to vector<16xi32>
        tpu.vector_store_idx %arg7[%add3A_180, %broadcast_in_dim3A_194], %add3A_176 : memref<128x8xf32, #tpu.memory_space<vmem>>[vector<16xi32>, vector<16xi32>], vector<16xf32>,
        %broadcast_in_dim3A_195 = arith.constant 7 : i32
        %broadcast_in_dim3A_196 = vector.broadcast %broadcast_in_dim3A_195 : i32 to vector<16xi32>
        tpu.vector_store_idx %arg7[%add3A_180, %broadcast_in_dim3A_196], %add3A_176 : memref<128x8xf32, #tpu.memory_space<vmem>>[vector<16xi32>, vector<16xi32>], vector<16xf32>,
        %scan3A_197 = arith.constant 0 : i32
        scf.yield %scan3A_197 : i32
      }
      %scan3A_62 = arith.constant 8 : i32
      %mul3A_63 = arith.constant 128 : i32
      %mul3A_64 = arith.muli %add3A_34, %mul3A_63 : i32
      "tpu.region"() ({
        %run_scoped3A = tpu.sem_alloc : memref<!tpu.dma_semaphore, #tpu.memory_space<semaphore_mem>>
        %dma_start3A = arith.constant 0 : i32
        %dma_start3A_65 = tpu.memref_slice %arg3[%arg0, %mul3A_64, %dma_start3A] : memref<2x10112x8xf32, #tpu.memory_space<hbm>> -> memref<1x128x8xf32, #tpu.memory_space<hbm>>
        %dma_start3A_66 = tpu.memref_squeeze %dma_start3A_65 : memref<1x128x8xf32, #tpu.memory_space<hbm>> -> memref<128x8xf32, #tpu.memory_space<hbm>>
        %dma_start3A_67 = arith.constant 0 : i32
        %dma_start3A_68 = tpu.memref_slice %arg3[%arg0, %mul3A_64, %dma_start3A_67] : memref<2x10112x8xf32, #tpu.memory_space<hbm>> -> memref<1x128x8xf32, #tpu.memory_space<hbm>>
        %dma_start3A_69 = tpu.memref_squeeze %dma_start3A_68 : memref<1x128x8xf32, #tpu.memory_space<hbm>> -> memref<128x8xf32, #tpu.memory_space<hbm>>
        tpu.enqueue_dma source(%arg7 : memref<128x8xf32, #tpu.memory_space<vmem>>) target(%dma_start3A_69 : memref<128x8xf32, #tpu.memory_space<hbm>>) target_semaphore(%run_scoped3A : memref<!tpu.dma_semaphore, #tpu.memory_space<semaphore_mem>>)
        %dma_wait3A = arith.constant 0 : i32
        %dma_wait3A_70 = tpu.memref_slice %arg3[%arg0, %mul3A_64, %dma_wait3A] : memref<2x10112x8xf32, #tpu.memory_space<hbm>> -> memref<1x128x8xf32, #tpu.memory_space<hbm>>
        %dma_wait3A_71 = tpu.memref_squeeze %dma_wait3A_70 : memref<1x128x8xf32, #tpu.memory_space<hbm>> -> memref<128x8xf32, #tpu.memory_space<hbm>>
        %dma_wait3A_72 = arith.constant 0 : i32
        %dma_wait3A_73 = tpu.memref_slice %arg3[%arg0, %mul3A_64, %dma_wait3A_72] : memref<2x10112x8xf32, #tpu.memory_space<hbm>> -> memref<1x128x8xf32, #tpu.memory_space<hbm>>
        %dma_wait3A_74 = tpu.memref_squeeze %dma_wait3A_73 : memref<1x128x8xf32, #tpu.memory_space<hbm>> -> memref<128x8xf32, #tpu.memory_space<hbm>>
        tpu.wait_dma2 semaphore(%run_scoped3A : memref<!tpu.dma_semaphore, #tpu.memory_space<semaphore_mem>>) src(%arg7 : memref<128x8xf32, #tpu.memory_space<vmem>>) dst(%dma_wait3A_74 : memref<128x8xf32, #tpu.memory_space<hbm>>)
        tpu.yield
      }) : () -> ()
    } else {
    }
    %add3A_40 = arith.constant 48 : i32
    %add3A_41 = arith.addi %add3A_40, %arg1 : i32
    %lt3A_42 = arith.constant 79 : i32
    %lt3A_43 = arith.cmpi slt, %add3A_41, %lt3A_42 : i32
    %convert_element_type3A_44 = arith.extui %lt3A_43 : i1 to i32
    %cond3A_45 = arith.constant 0 : i32
    %cond3A_46 = arith.cmpi ne, %convert_element_type3A_44, %cond3A_45 : i32
    scf.if %cond3A_46 {
      %mul3A_54 = arith.constant 128 : i32
      %mul3A_55 = arith.muli %add3A_41, %mul3A_54 : i32
      "tpu.region"() ({
        %run_scoped3A = tpu.sem_alloc : memref<!tpu.dma_semaphore, #tpu.memory_space<semaphore_mem>>
        %dma_start3A = arith.constant 0 : i32
        %dma_start3A_65 = tpu.memref_slice %arg8[%dma_start3A, %mul3A_55] : memref<16x10112xf32, #tpu.memory_space<vmem_shared>> -> memref<16x128xf32, #tpu.memory_space<vmem_shared>>
        %dma_start3A_66 = arith.constant 0 : i32
        %dma_start3A_67 = tpu.memref_slice %arg8[%dma_start3A_66, %mul3A_55] : memref<16x10112xf32, #tpu.memory_space<vmem_shared>> -> memref<16x128xf32, #tpu.memory_space<vmem_shared>>
        tpu.enqueue_dma source(%dma_start3A_67 : memref<16x128xf32, #tpu.memory_space<vmem_shared>>) target(%arg6 : memref<16x128xf32, #tpu.memory_space<vmem>>) target_semaphore(%run_scoped3A : memref<!tpu.dma_semaphore, #tpu.memory_space<semaphore_mem>>)
        %dma_wait3A = arith.constant 0 : i32
        %dma_wait3A_68 = tpu.memref_slice %arg8[%dma_wait3A, %mul3A_55] : memref<16x10112xf32, #tpu.memory_space<vmem_shared>> -> memref<16x128xf32, #tpu.memory_space<vmem_shared>>
        %dma_wait3A_69 = arith.constant 0 : i32
        %dma_wait3A_70 = tpu.memref_slice %arg8[%dma_wait3A_69, %mul3A_55] : memref<16x10112xf32, #tpu.memory_space<vmem_shared>> -> memref<16x128xf32, #tpu.memory_space<vmem_shared>>
        tpu.wait_dma2 semaphore(%run_scoped3A : memref<!tpu.dma_semaphore, #tpu.memory_space<semaphore_mem>>) src(%dma_wait3A_70 : memref<16x128xf32, #tpu.memory_space<vmem_shared>>) dst(%arg6 : memref<16x128xf32, #tpu.memory_space<vmem>>)
        tpu.yield
      }) : () -> ()
      %scan3A_56 = arith.constant 0 : i32
      %scan3A_57 = arith.constant 0 : i32
      %scan3A_58 = arith.constant 8 : i32
      %scan3A_59 = arith.addi %scan3A_57, %scan3A_58 : i32
      %scan3A_60 = arith.constant 1 : i32
      %scan3A_61 = scf.for %scan3A_65 = %scan3A_57 to %scan3A_59 step %scan3A_60 iter_args(%scan3A_66 = %scan3A_56) -> (i32)  : i32 {
        %mul3A_67 = arith.constant 16 : i32
        %mul3A_68 = arith.muli %scan3A_65, %mul3A_67 : i32
        %get3A = arith.constant 0 : i32
        %get3A_69 = arith.index_cast %get3A : i32 to index
        %get3A_70 = arith.index_cast %mul3A_68 : i32 to index
        %get3A_71 = tpu.vector_load %arg6[%get3A_69, %get3A_70] {strides = array<i32>} : memref<16x128xf32, #tpu.memory_space<vmem>>, vector<16xf32>,
        %mul3A_72 = arith.constant 16 : i32
        %mul3A_73 = arith.muli %scan3A_65, %mul3A_72 : i32
        %get3A_74 = arith.constant 1 : i32
        %get3A_75 = arith.index_cast %get3A_74 : i32 to index
        %get3A_76 = arith.index_cast %mul3A_73 : i32 to index
        %get3A_77 = tpu.vector_load %arg6[%get3A_75, %get3A_76] {strides = array<i32>} : memref<16x128xf32, #tpu.memory_space<vmem>>, vector<16xf32>,
        %add3A_78 = arith.addf %get3A_71, %get3A_77 : vector<16xf32>
        %mul3A_79 = arith.constant 16 : i32
        %mul3A_80 = arith.muli %scan3A_65, %mul3A_79 : i32
        %get3A_81 = arith.constant 2 : i32
        %get3A_82 = arith.index_cast %get3A_81 : i32 to index
        %get3A_83 = arith.index_cast %mul3A_80 : i32 to index
        %get3A_84 = tpu.vector_load %arg6[%get3A_82, %get3A_83] {strides = array<i32>} : memref<16x128xf32, #tpu.memory_space<vmem>>, vector<16xf32>,
        %add3A_85 = arith.addf %add3A_78, %get3A_84 : vector<16xf32>
        %mul3A_86 = arith.constant 16 : i32
        %mul3A_87 = arith.muli %scan3A_65, %mul3A_86 : i32
        %get3A_88 = arith.constant 3 : i32
        %get3A_89 = arith.index_cast %get3A_88 : i32 to index
        %get3A_90 = arith.index_cast %mul3A_87 : i32 to index
        %get3A_91 = tpu.vector_load %arg6[%get3A_89, %get3A_90] {strides = array<i32>} : memref<16x128xf32, #tpu.memory_space<vmem>>, vector<16xf32>,
        %add3A_92 = arith.addf %add3A_85, %get3A_91 : vector<16xf32>
        %mul3A_93 = arith.constant 16 : i32
        %mul3A_94 = arith.muli %scan3A_65, %mul3A_93 : i32
        %get3A_95 = arith.constant 4 : i32
        %get3A_96 = arith.index_cast %get3A_95 : i32 to index
        %get3A_97 = arith.index_cast %mul3A_94 : i32 to index
        %get3A_98 = tpu.vector_load %arg6[%get3A_96, %get3A_97] {strides = array<i32>} : memref<16x128xf32, #tpu.memory_space<vmem>>, vector<16xf32>,
        %add3A_99 = arith.addf %add3A_92, %get3A_98 : vector<16xf32>
        %mul3A_100 = arith.constant 16 : i32
        %mul3A_101 = arith.muli %scan3A_65, %mul3A_100 : i32
        %get3A_102 = arith.constant 5 : i32
        %get3A_103 = arith.index_cast %get3A_102 : i32 to index
        %get3A_104 = arith.index_cast %mul3A_101 : i32 to index
        %get3A_105 = tpu.vector_load %arg6[%get3A_103, %get3A_104] {strides = array<i32>} : memref<16x128xf32, #tpu.memory_space<vmem>>, vector<16xf32>,
        %add3A_106 = arith.addf %add3A_99, %get3A_105 : vector<16xf32>
        %mul3A_107 = arith.constant 16 : i32
        %mul3A_108 = arith.muli %scan3A_65, %mul3A_107 : i32
        %get3A_109 = arith.constant 6 : i32
        %get3A_110 = arith.index_cast %get3A_109 : i32 to index
        %get3A_111 = arith.index_cast %mul3A_108 : i32 to index
        %get3A_112 = tpu.vector_load %arg6[%get3A_110, %get3A_111] {strides = array<i32>} : memref<16x128xf32, #tpu.memory_space<vmem>>, vector<16xf32>,
        %add3A_113 = arith.addf %add3A_106, %get3A_112 : vector<16xf32>
        %mul3A_114 = arith.constant 16 : i32
        %mul3A_115 = arith.muli %scan3A_65, %mul3A_114 : i32
        %get3A_116 = arith.constant 7 : i32
        %get3A_117 = arith.index_cast %get3A_116 : i32 to index
        %get3A_118 = arith.index_cast %mul3A_115 : i32 to index
        %get3A_119 = tpu.vector_load %arg6[%get3A_117, %get3A_118] {strides = array<i32>} : memref<16x128xf32, #tpu.memory_space<vmem>>, vector<16xf32>,
        %add3A_120 = arith.addf %add3A_113, %get3A_119 : vector<16xf32>
        %mul3A_121 = arith.constant 16 : i32
        %mul3A_122 = arith.muli %scan3A_65, %mul3A_121 : i32
        %get3A_123 = arith.constant 8 : i32
        %get3A_124 = arith.index_cast %get3A_123 : i32 to index
        %get3A_125 = arith.index_cast %mul3A_122 : i32 to index
        %get3A_126 = tpu.vector_load %arg6[%get3A_124, %get3A_125] {strides = array<i32>} : memref<16x128xf32, #tpu.memory_space<vmem>>, vector<16xf32>,
        %add3A_127 = arith.addf %add3A_120, %get3A_126 : vector<16xf32>
        %mul3A_128 = arith.constant 16 : i32
        %mul3A_129 = arith.muli %scan3A_65, %mul3A_128 : i32
        %get3A_130 = arith.constant 9 : i32
        %get3A_131 = arith.index_cast %get3A_130 : i32 to index
        %get3A_132 = arith.index_cast %mul3A_129 : i32 to index
        %get3A_133 = tpu.vector_load %arg6[%get3A_131, %get3A_132] {strides = array<i32>} : memref<16x128xf32, #tpu.memory_space<vmem>>, vector<16xf32>,
        %add3A_134 = arith.addf %add3A_127, %get3A_133 : vector<16xf32>
        %mul3A_135 = arith.constant 16 : i32
        %mul3A_136 = arith.muli %scan3A_65, %mul3A_135 : i32
        %get3A_137 = arith.constant 10 : i32
        %get3A_138 = arith.index_cast %get3A_137 : i32 to index
        %get3A_139 = arith.index_cast %mul3A_136 : i32 to index
        %get3A_140 = tpu.vector_load %arg6[%get3A_138, %get3A_139] {strides = array<i32>} : memref<16x128xf32, #tpu.memory_space<vmem>>, vector<16xf32>,
        %add3A_141 = arith.addf %add3A_134, %get3A_140 : vector<16xf32>
        %mul3A_142 = arith.constant 16 : i32
        %mul3A_143 = arith.muli %scan3A_65, %mul3A_142 : i32
        %get3A_144 = arith.constant 11 : i32
        %get3A_145 = arith.index_cast %get3A_144 : i32 to index
        %get3A_146 = arith.index_cast %mul3A_143 : i32 to index
        %get3A_147 = tpu.vector_load %arg6[%get3A_145, %get3A_146] {strides = array<i32>} : memref<16x128xf32, #tpu.memory_space<vmem>>, vector<16xf32>,
        %add3A_148 = arith.addf %add3A_141, %get3A_147 : vector<16xf32>
        %mul3A_149 = arith.constant 16 : i32
        %mul3A_150 = arith.muli %scan3A_65, %mul3A_149 : i32
        %get3A_151 = arith.constant 12 : i32
        %get3A_152 = arith.index_cast %get3A_151 : i32 to index
        %get3A_153 = arith.index_cast %mul3A_150 : i32 to index
        %get3A_154 = tpu.vector_load %arg6[%get3A_152, %get3A_153] {strides = array<i32>} : memref<16x128xf32, #tpu.memory_space<vmem>>, vector<16xf32>,
        %add3A_155 = arith.addf %add3A_148, %get3A_154 : vector<16xf32>
        %mul3A_156 = arith.constant 16 : i32
        %mul3A_157 = arith.muli %scan3A_65, %mul3A_156 : i32
        %get3A_158 = arith.constant 13 : i32
        %get3A_159 = arith.index_cast %get3A_158 : i32 to index
        %get3A_160 = arith.index_cast %mul3A_157 : i32 to index
        %get3A_161 = tpu.vector_load %arg6[%get3A_159, %get3A_160] {strides = array<i32>} : memref<16x128xf32, #tpu.memory_space<vmem>>, vector<16xf32>,
        %add3A_162 = arith.addf %add3A_155, %get3A_161 : vector<16xf32>
        %mul3A_163 = arith.constant 16 : i32
        %mul3A_164 = arith.muli %scan3A_65, %mul3A_163 : i32
        %get3A_165 = arith.constant 14 : i32
        %get3A_166 = arith.index_cast %get3A_165 : i32 to index
        %get3A_167 = arith.index_cast %mul3A_164 : i32 to index
        %get3A_168 = tpu.vector_load %arg6[%get3A_166, %get3A_167] {strides = array<i32>} : memref<16x128xf32, #tpu.memory_space<vmem>>, vector<16xf32>,
        %add3A_169 = arith.addf %add3A_162, %get3A_168 : vector<16xf32>
        %mul3A_170 = arith.constant 16 : i32
        %mul3A_171 = arith.muli %scan3A_65, %mul3A_170 : i32
        %get3A_172 = arith.constant 15 : i32
        %get3A_173 = arith.index_cast %get3A_172 : i32 to index
        %get3A_174 = arith.index_cast %mul3A_171 : i32 to index
        %get3A_175 = tpu.vector_load %arg6[%get3A_173, %get3A_174] {strides = array<i32>} : memref<16x128xf32, #tpu.memory_space<vmem>>, vector<16xf32>,
        %add3A_176 = arith.addf %add3A_169, %get3A_175 : vector<16xf32>
        %iota3A = tpu.iota {dimensions = array<i32: 0>} : vector<16xi32>
        %mul3A_177 = arith.constant 16 : i32
        %mul3A_178 = arith.muli %scan3A_65, %mul3A_177 : i32
        %add3A_179 = vector.broadcast %mul3A_178 : i32 to vector<16xi32>
        %add3A_180 = arith.addi %iota3A, %add3A_179 : vector<16xi32>
        %broadcast_in_dim3A_181 = arith.constant 0 : i32
        %broadcast_in_dim3A_182 = vector.broadcast %broadcast_in_dim3A_181 : i32 to vector<16xi32>
        tpu.vector_store_idx %arg7[%add3A_180, %broadcast_in_dim3A_182], %add3A_176 : memref<128x8xf32, #tpu.memory_space<vmem>>[vector<16xi32>, vector<16xi32>], vector<16xf32>,
        %broadcast_in_dim3A_183 = arith.constant 1 : i32
        %broadcast_in_dim3A_184 = vector.broadcast %broadcast_in_dim3A_183 : i32 to vector<16xi32>
        tpu.vector_store_idx %arg7[%add3A_180, %broadcast_in_dim3A_184], %add3A_176 : memref<128x8xf32, #tpu.memory_space<vmem>>[vector<16xi32>, vector<16xi32>], vector<16xf32>,
        %broadcast_in_dim3A_185 = arith.constant 2 : i32
        %broadcast_in_dim3A_186 = vector.broadcast %broadcast_in_dim3A_185 : i32 to vector<16xi32>
        tpu.vector_store_idx %arg7[%add3A_180, %broadcast_in_dim3A_186], %add3A_176 : memref<128x8xf32, #tpu.memory_space<vmem>>[vector<16xi32>, vector<16xi32>], vector<16xf32>,
        %broadcast_in_dim3A_187 = arith.constant 3 : i32
        %broadcast_in_dim3A_188 = vector.broadcast %broadcast_in_dim3A_187 : i32 to vector<16xi32>
        tpu.vector_store_idx %arg7[%add3A_180, %broadcast_in_dim3A_188], %add3A_176 : memref<128x8xf32, #tpu.memory_space<vmem>>[vector<16xi32>, vector<16xi32>], vector<16xf32>,
        %broadcast_in_dim3A_189 = arith.constant 4 : i32
        %broadcast_in_dim3A_190 = vector.broadcast %broadcast_in_dim3A_189 : i32 to vector<16xi32>
        tpu.vector_store_idx %arg7[%add3A_180, %broadcast_in_dim3A_190], %add3A_176 : memref<128x8xf32, #tpu.memory_space<vmem>>[vector<16xi32>, vector<16xi32>], vector<16xf32>,
        %broadcast_in_dim3A_191 = arith.constant 5 : i32
        %broadcast_in_dim3A_192 = vector.broadcast %broadcast_in_dim3A_191 : i32 to vector<16xi32>
        tpu.vector_store_idx %arg7[%add3A_180, %broadcast_in_dim3A_192], %add3A_176 : memref<128x8xf32, #tpu.memory_space<vmem>>[vector<16xi32>, vector<16xi32>], vector<16xf32>,
        %broadcast_in_dim3A_193 = arith.constant 6 : i32
        %broadcast_in_dim3A_194 = vector.broadcast %broadcast_in_dim3A_193 : i32 to vector<16xi32>
        tpu.vector_store_idx %arg7[%add3A_180, %broadcast_in_dim3A_194], %add3A_176 : memref<128x8xf32, #tpu.memory_space<vmem>>[vector<16xi32>, vector<16xi32>], vector<16xf32>,
        %broadcast_in_dim3A_195 = arith.constant 7 : i32
        %broadcast_in_dim3A_196 = vector.broadcast %broadcast_in_dim3A_195 : i32 to vector<16xi32>
        tpu.vector_store_idx %arg7[%add3A_180, %broadcast_in_dim3A_196], %add3A_176 : memref<128x8xf32, #tpu.memory_space<vmem>>[vector<16xi32>, vector<16xi32>], vector<16xf32>,
        %scan3A_197 = arith.constant 0 : i32
        scf.yield %scan3A_197 : i32
      }
      %scan3A_62 = arith.constant 8 : i32
      %mul3A_63 = arith.constant 128 : i32
      %mul3A_64 = arith.muli %add3A_41, %mul3A_63 : i32
      "tpu.region"() ({
        %run_scoped3A = tpu.sem_alloc : memref<!tpu.dma_semaphore, #tpu.memory_space<semaphore_mem>>
        %dma_start3A = arith.constant 0 : i32
        %dma_start3A_65 = tpu.memref_slice %arg3[%arg0, %mul3A_64, %dma_start3A] : memref<2x10112x8xf32, #tpu.memory_space<hbm>> -> memref<1x128x8xf32, #tpu.memory_space<hbm>>
        %dma_start3A_66 = tpu.memref_squeeze %dma_start3A_65 : memref<1x128x8xf32, #tpu.memory_space<hbm>> -> memref<128x8xf32, #tpu.memory_space<hbm>>
        %dma_start3A_67 = arith.constant 0 : i32
        %dma_start3A_68 = tpu.memref_slice %arg3[%arg0, %mul3A_64, %dma_start3A_67] : memref<2x10112x8xf32, #tpu.memory_space<hbm>> -> memref<1x128x8xf32, #tpu.memory_space<hbm>>
        %dma_start3A_69 = tpu.memref_squeeze %dma_start3A_68 : memref<1x128x8xf32, #tpu.memory_space<hbm>> -> memref<128x8xf32, #tpu.memory_space<hbm>>
        tpu.enqueue_dma source(%arg7 : memref<128x8xf32, #tpu.memory_space<vmem>>) target(%dma_start3A_69 : memref<128x8xf32, #tpu.memory_space<hbm>>) target_semaphore(%run_scoped3A : memref<!tpu.dma_semaphore, #tpu.memory_space<semaphore_mem>>)
        %dma_wait3A = arith.constant 0 : i32
        %dma_wait3A_70 = tpu.memref_slice %arg3[%arg0, %mul3A_64, %dma_wait3A] : memref<2x10112x8xf32, #tpu.memory_space<hbm>> -> memref<1x128x8xf32, #tpu.memory_space<hbm>>
        %dma_wait3A_71 = tpu.memref_squeeze %dma_wait3A_70 : memref<1x128x8xf32, #tpu.memory_space<hbm>> -> memref<128x8xf32, #tpu.memory_space<hbm>>
        %dma_wait3A_72 = arith.constant 0 : i32
        %dma_wait3A_73 = tpu.memref_slice %arg3[%arg0, %mul3A_64, %dma_wait3A_72] : memref<2x10112x8xf32, #tpu.memory_space<hbm>> -> memref<1x128x8xf32, #tpu.memory_space<hbm>>
        %dma_wait3A_74 = tpu.memref_squeeze %dma_wait3A_73 : memref<1x128x8xf32, #tpu.memory_space<hbm>> -> memref<128x8xf32, #tpu.memory_space<hbm>>
        tpu.wait_dma2 semaphore(%run_scoped3A : memref<!tpu.dma_semaphore, #tpu.memory_space<semaphore_mem>>) src(%arg7 : memref<128x8xf32, #tpu.memory_space<vmem>>) dst(%dma_wait3A_74 : memref<128x8xf32, #tpu.memory_space<hbm>>)
        tpu.yield
      }) : () -> ()
    } else {
    }
    %add3A_47 = arith.constant 64 : i32
    %add3A_48 = arith.addi %add3A_47, %arg1 : i32
    %lt3A_49 = arith.constant 79 : i32
    %lt3A_50 = arith.cmpi slt, %add3A_48, %lt3A_49 : i32
    %convert_element_type3A_51 = arith.extui %lt3A_50 : i1 to i32
    %cond3A_52 = arith.constant 0 : i32
    %cond3A_53 = arith.cmpi ne, %convert_element_type3A_51, %cond3A_52 : i32
    scf.if %cond3A_53 {
      %mul3A_54 = arith.constant 128 : i32
      %mul3A_55 = arith.muli %add3A_48, %mul3A_54 : i32
      "tpu.region"() ({
        %run_scoped3A = tpu.sem_alloc : memref<!tpu.dma_semaphore, #tpu.memory_space<semaphore_mem>>
        %dma_start3A = arith.constant 0 : i32
        %dma_start3A_65 = tpu.memref_slice %arg8[%dma_start3A, %mul3A_55] : memref<16x10112xf32, #tpu.memory_space<vmem_shared>> -> memref<16x128xf32, #tpu.memory_space<vmem_shared>>
        %dma_start3A_66 = arith.constant 0 : i32
        %dma_start3A_67 = tpu.memref_slice %arg8[%dma_start3A_66, %mul3A_55] : memref<16x10112xf32, #tpu.memory_space<vmem_shared>> -> memref<16x128xf32, #tpu.memory_space<vmem_shared>>
        tpu.enqueue_dma source(%dma_start3A_67 : memref<16x128xf32, #tpu.memory_space<vmem_shared>>) target(%arg6 : memref<16x128xf32, #tpu.memory_space<vmem>>) target_semaphore(%run_scoped3A : memref<!tpu.dma_semaphore, #tpu.memory_space<semaphore_mem>>)
        %dma_wait3A = arith.constant 0 : i32
        %dma_wait3A_68 = tpu.memref_slice %arg8[%dma_wait3A, %mul3A_55] : memref<16x10112xf32, #tpu.memory_space<vmem_shared>> -> memref<16x128xf32, #tpu.memory_space<vmem_shared>>
        %dma_wait3A_69 = arith.constant 0 : i32
        %dma_wait3A_70 = tpu.memref_slice %arg8[%dma_wait3A_69, %mul3A_55] : memref<16x10112xf32, #tpu.memory_space<vmem_shared>> -> memref<16x128xf32, #tpu.memory_space<vmem_shared>>
        tpu.wait_dma2 semaphore(%run_scoped3A : memref<!tpu.dma_semaphore, #tpu.memory_space<semaphore_mem>>) src(%dma_wait3A_70 : memref<16x128xf32, #tpu.memory_space<vmem_shared>>) dst(%arg6 : memref<16x128xf32, #tpu.memory_space<vmem>>)
        tpu.yield
      }) : () -> ()
      %scan3A_56 = arith.constant 0 : i32
      %scan3A_57 = arith.constant 0 : i32
      %scan3A_58 = arith.constant 8 : i32
      %scan3A_59 = arith.addi %scan3A_57, %scan3A_58 : i32
      %scan3A_60 = arith.constant 1 : i32
      %scan3A_61 = scf.for %scan3A_65 = %scan3A_57 to %scan3A_59 step %scan3A_60 iter_args(%scan3A_66 = %scan3A_56) -> (i32)  : i32 {
        %mul3A_67 = arith.constant 16 : i32
        %mul3A_68 = arith.muli %scan3A_65, %mul3A_67 : i32
        %get3A = arith.constant 0 : i32
        %get3A_69 = arith.index_cast %get3A : i32 to index
        %get3A_70 = arith.index_cast %mul3A_68 : i32 to index
        %get3A_71 = tpu.vector_load %arg6[%get3A_69, %get3A_70] {strides = array<i32>} : memref<16x128xf32, #tpu.memory_space<vmem>>, vector<16xf32>,
        %mul3A_72 = arith.constant 16 : i32
        %mul3A_73 = arith.muli %scan3A_65, %mul3A_72 : i32
        %get3A_74 = arith.constant 1 : i32
        %get3A_75 = arith.index_cast %get3A_74 : i32 to index
        %get3A_76 = arith.index_cast %mul3A_73 : i32 to index
        %get3A_77 = tpu.vector_load %arg6[%get3A_75, %get3A_76] {strides = array<i32>} : memref<16x128xf32, #tpu.memory_space<vmem>>, vector<16xf32>,
        %add3A_78 = arith.addf %get3A_71, %get3A_77 : vector<16xf32>
        %mul3A_79 = arith.constant 16 : i32
        %mul3A_80 = arith.muli %scan3A_65, %mul3A_79 : i32
        %get3A_81 = arith.constant 2 : i32
        %get3A_82 = arith.index_cast %get3A_81 : i32 to index
        %get3A_83 = arith.index_cast %mul3A_80 : i32 to index
        %get3A_84 = tpu.vector_load %arg6[%get3A_82, %get3A_83] {strides = array<i32>} : memref<16x128xf32, #tpu.memory_space<vmem>>, vector<16xf32>,
        %add3A_85 = arith.addf %add3A_78, %get3A_84 : vector<16xf32>
        %mul3A_86 = arith.constant 16 : i32
        %mul3A_87 = arith.muli %scan3A_65, %mul3A_86 : i32
        %get3A_88 = arith.constant 3 : i32
        %get3A_89 = arith.index_cast %get3A_88 : i32 to index
        %get3A_90 = arith.index_cast %mul3A_87 : i32 to index
        %get3A_91 = tpu.vector_load %arg6[%get3A_89, %get3A_90] {strides = array<i32>} : memref<16x128xf32, #tpu.memory_space<vmem>>, vector<16xf32>,
        %add3A_92 = arith.addf %add3A_85, %get3A_91 : vector<16xf32>
        %mul3A_93 = arith.constant 16 : i32
        %mul3A_94 = arith.muli %scan3A_65, %mul3A_93 : i32
        %get3A_95 = arith.constant 4 : i32
        %get3A_96 = arith.index_cast %get3A_95 : i32 to index
        %get3A_97 = arith.index_cast %mul3A_94 : i32 to index
        %get3A_98 = tpu.vector_load %arg6[%get3A_96, %get3A_97] {strides = array<i32>} : memref<16x128xf32, #tpu.memory_space<vmem>>, vector<16xf32>,
        %add3A_99 = arith.addf %add3A_92, %get3A_98 : vector<16xf32>
        %mul3A_100 = arith.constant 16 : i32
        %mul3A_101 = arith.muli %scan3A_65, %mul3A_100 : i32
        %get3A_102 = arith.constant 5 : i32
        %get3A_103 = arith.index_cast %get3A_102 : i32 to index
        %get3A_104 = arith.index_cast %mul3A_101 : i32 to index
        %get3A_105 = tpu.vector_load %arg6[%get3A_103, %get3A_104] {strides = array<i32>} : memref<16x128xf32, #tpu.memory_space<vmem>>, vector<16xf32>,
        %add3A_106 = arith.addf %add3A_99, %get3A_105 : vector<16xf32>
        %mul3A_107 = arith.constant 16 : i32
        %mul3A_108 = arith.muli %scan3A_65, %mul3A_107 : i32
        %get3A_109 = arith.constant 6 : i32
        %get3A_110 = arith.index_cast %get3A_109 : i32 to index
        %get3A_111 = arith.index_cast %mul3A_108 : i32 to index
        %get3A_112 = tpu.vector_load %arg6[%get3A_110, %get3A_111] {strides = array<i32>} : memref<16x128xf32, #tpu.memory_space<vmem>>, vector<16xf32>,
        %add3A_113 = arith.addf %add3A_106, %get3A_112 : vector<16xf32>
        %mul3A_114 = arith.constant 16 : i32
        %mul3A_115 = arith.muli %scan3A_65, %mul3A_114 : i32
        %get3A_116 = arith.constant 7 : i32
        %get3A_117 = arith.index_cast %get3A_116 : i32 to index
        %get3A_118 = arith.index_cast %mul3A_115 : i32 to index
        %get3A_119 = tpu.vector_load %arg6[%get3A_117, %get3A_118] {strides = array<i32>} : memref<16x128xf32, #tpu.memory_space<vmem>>, vector<16xf32>,
        %add3A_120 = arith.addf %add3A_113, %get3A_119 : vector<16xf32>
        %mul3A_121 = arith.constant 16 : i32
        %mul3A_122 = arith.muli %scan3A_65, %mul3A_121 : i32
        %get3A_123 = arith.constant 8 : i32
        %get3A_124 = arith.index_cast %get3A_123 : i32 to index
        %get3A_125 = arith.index_cast %mul3A_122 : i32 to index
        %get3A_126 = tpu.vector_load %arg6[%get3A_124, %get3A_125] {strides = array<i32>} : memref<16x128xf32, #tpu.memory_space<vmem>>, vector<16xf32>,
        %add3A_127 = arith.addf %add3A_120, %get3A_126 : vector<16xf32>
        %mul3A_128 = arith.constant 16 : i32
        %mul3A_129 = arith.muli %scan3A_65, %mul3A_128 : i32
        %get3A_130 = arith.constant 9 : i32
        %get3A_131 = arith.index_cast %get3A_130 : i32 to index
        %get3A_132 = arith.index_cast %mul3A_129 : i32 to index
        %get3A_133 = tpu.vector_load %arg6[%get3A_131, %get3A_132] {strides = array<i32>} : memref<16x128xf32, #tpu.memory_space<vmem>>, vector<16xf32>,
        %add3A_134 = arith.addf %add3A_127, %get3A_133 : vector<16xf32>
        %mul3A_135 = arith.constant 16 : i32
        %mul3A_136 = arith.muli %scan3A_65, %mul3A_135 : i32
        %get3A_137 = arith.constant 10 : i32
        %get3A_138 = arith.index_cast %get3A_137 : i32 to index
        %get3A_139 = arith.index_cast %mul3A_136 : i32 to index
        %get3A_140 = tpu.vector_load %arg6[%get3A_138, %get3A_139] {strides = array<i32>} : memref<16x128xf32, #tpu.memory_space<vmem>>, vector<16xf32>,
        %add3A_141 = arith.addf %add3A_134, %get3A_140 : vector<16xf32>
        %mul3A_142 = arith.constant 16 : i32
        %mul3A_143 = arith.muli %scan3A_65, %mul3A_142 : i32
        %get3A_144 = arith.constant 11 : i32
        %get3A_145 = arith.index_cast %get3A_144 : i32 to index
        %get3A_146 = arith.index_cast %mul3A_143 : i32 to index
        %get3A_147 = tpu.vector_load %arg6[%get3A_145, %get3A_146] {strides = array<i32>} : memref<16x128xf32, #tpu.memory_space<vmem>>, vector<16xf32>,
        %add3A_148 = arith.addf %add3A_141, %get3A_147 : vector<16xf32>
        %mul3A_149 = arith.constant 16 : i32
        %mul3A_150 = arith.muli %scan3A_65, %mul3A_149 : i32
        %get3A_151 = arith.constant 12 : i32
        %get3A_152 = arith.index_cast %get3A_151 : i32 to index
        %get3A_153 = arith.index_cast %mul3A_150 : i32 to index
        %get3A_154 = tpu.vector_load %arg6[%get3A_152, %get3A_153] {strides = array<i32>} : memref<16x128xf32, #tpu.memory_space<vmem>>, vector<16xf32>,
        %add3A_155 = arith.addf %add3A_148, %get3A_154 : vector<16xf32>
        %mul3A_156 = arith.constant 16 : i32
        %mul3A_157 = arith.muli %scan3A_65, %mul3A_156 : i32
        %get3A_158 = arith.constant 13 : i32
        %get3A_159 = arith.index_cast %get3A_158 : i32 to index
        %get3A_160 = arith.index_cast %mul3A_157 : i32 to index
        %get3A_161 = tpu.vector_load %arg6[%get3A_159, %get3A_160] {strides = array<i32>} : memref<16x128xf32, #tpu.memory_space<vmem>>, vector<16xf32>,
        %add3A_162 = arith.addf %add3A_155, %get3A_161 : vector<16xf32>
        %mul3A_163 = arith.constant 16 : i32
        %mul3A_164 = arith.muli %scan3A_65, %mul3A_163 : i32
        %get3A_165 = arith.constant 14 : i32
        %get3A_166 = arith.index_cast %get3A_165 : i32 to index
        %get3A_167 = arith.index_cast %mul3A_164 : i32 to index
        %get3A_168 = tpu.vector_load %arg6[%get3A_166, %get3A_167] {strides = array<i32>} : memref<16x128xf32, #tpu.memory_space<vmem>>, vector<16xf32>,
        %add3A_169 = arith.addf %add3A_162, %get3A_168 : vector<16xf32>
        %mul3A_170 = arith.constant 16 : i32
        %mul3A_171 = arith.muli %scan3A_65, %mul3A_170 : i32
        %get3A_172 = arith.constant 15 : i32
        %get3A_173 = arith.index_cast %get3A_172 : i32 to index
        %get3A_174 = arith.index_cast %mul3A_171 : i32 to index
        %get3A_175 = tpu.vector_load %arg6[%get3A_173, %get3A_174] {strides = array<i32>} : memref<16x128xf32, #tpu.memory_space<vmem>>, vector<16xf32>,
        %add3A_176 = arith.addf %add3A_169, %get3A_175 : vector<16xf32>
        %iota3A = tpu.iota {dimensions = array<i32: 0>} : vector<16xi32>
        %mul3A_177 = arith.constant 16 : i32
        %mul3A_178 = arith.muli %scan3A_65, %mul3A_177 : i32
        %add3A_179 = vector.broadcast %mul3A_178 : i32 to vector<16xi32>
        %add3A_180 = arith.addi %iota3A, %add3A_179 : vector<16xi32>
        %broadcast_in_dim3A_181 = arith.constant 0 : i32
        %broadcast_in_dim3A_182 = vector.broadcast %broadcast_in_dim3A_181 : i32 to vector<16xi32>
        tpu.vector_store_idx %arg7[%add3A_180, %broadcast_in_dim3A_182], %add3A_176 : memref<128x8xf32, #tpu.memory_space<vmem>>[vector<16xi32>, vector<16xi32>], vector<16xf32>,
        %broadcast_in_dim3A_183 = arith.constant 1 : i32
        %broadcast_in_dim3A_184 = vector.broadcast %broadcast_in_dim3A_183 : i32 to vector<16xi32>
        tpu.vector_store_idx %arg7[%add3A_180, %broadcast_in_dim3A_184], %add3A_176 : memref<128x8xf32, #tpu.memory_space<vmem>>[vector<16xi32>, vector<16xi32>], vector<16xf32>,
        %broadcast_in_dim3A_185 = arith.constant 2 : i32
        %broadcast_in_dim3A_186 = vector.broadcast %broadcast_in_dim3A_185 : i32 to vector<16xi32>
        tpu.vector_store_idx %arg7[%add3A_180, %broadcast_in_dim3A_186], %add3A_176 : memref<128x8xf32, #tpu.memory_space<vmem>>[vector<16xi32>, vector<16xi32>], vector<16xf32>,
        %broadcast_in_dim3A_187 = arith.constant 3 : i32
        %broadcast_in_dim3A_188 = vector.broadcast %broadcast_in_dim3A_187 : i32 to vector<16xi32>
        tpu.vector_store_idx %arg7[%add3A_180, %broadcast_in_dim3A_188], %add3A_176 : memref<128x8xf32, #tpu.memory_space<vmem>>[vector<16xi32>, vector<16xi32>], vector<16xf32>,
        %broadcast_in_dim3A_189 = arith.constant 4 : i32
        %broadcast_in_dim3A_190 = vector.broadcast %broadcast_in_dim3A_189 : i32 to vector<16xi32>
        tpu.vector_store_idx %arg7[%add3A_180, %broadcast_in_dim3A_190], %add3A_176 : memref<128x8xf32, #tpu.memory_space<vmem>>[vector<16xi32>, vector<16xi32>], vector<16xf32>,
        %broadcast_in_dim3A_191 = arith.constant 5 : i32
        %broadcast_in_dim3A_192 = vector.broadcast %broadcast_in_dim3A_191 : i32 to vector<16xi32>
        tpu.vector_store_idx %arg7[%add3A_180, %broadcast_in_dim3A_192], %add3A_176 : memref<128x8xf32, #tpu.memory_space<vmem>>[vector<16xi32>, vector<16xi32>], vector<16xf32>,
        %broadcast_in_dim3A_193 = arith.constant 6 : i32
        %broadcast_in_dim3A_194 = vector.broadcast %broadcast_in_dim3A_193 : i32 to vector<16xi32>
        tpu.vector_store_idx %arg7[%add3A_180, %broadcast_in_dim3A_194], %add3A_176 : memref<128x8xf32, #tpu.memory_space<vmem>>[vector<16xi32>, vector<16xi32>], vector<16xf32>,
        %broadcast_in_dim3A_195 = arith.constant 7 : i32
        %broadcast_in_dim3A_196 = vector.broadcast %broadcast_in_dim3A_195 : i32 to vector<16xi32>
        tpu.vector_store_idx %arg7[%add3A_180, %broadcast_in_dim3A_196], %add3A_176 : memref<128x8xf32, #tpu.memory_space<vmem>>[vector<16xi32>, vector<16xi32>], vector<16xf32>,
        %scan3A_197 = arith.constant 0 : i32
        scf.yield %scan3A_197 : i32
      }
      %scan3A_62 = arith.constant 8 : i32
      %mul3A_63 = arith.constant 128 : i32
      %mul3A_64 = arith.muli %add3A_48, %mul3A_63 : i32
      "tpu.region"() ({
        %run_scoped3A = tpu.sem_alloc : memref<!tpu.dma_semaphore, #tpu.memory_space<semaphore_mem>>
        %dma_start3A = arith.constant 0 : i32
        %dma_start3A_65 = tpu.memref_slice %arg3[%arg0, %mul3A_64, %dma_start3A] : memref<2x10112x8xf32, #tpu.memory_space<hbm>> -> memref<1x128x8xf32, #tpu.memory_space<hbm>>
        %dma_start3A_66 = tpu.memref_squeeze %dma_start3A_65 : memref<1x128x8xf32, #tpu.memory_space<hbm>> -> memref<128x8xf32, #tpu.memory_space<hbm>>
        %dma_start3A_67 = arith.constant 0 : i32
        %dma_start3A_68 = tpu.memref_slice %arg3[%arg0, %mul3A_64, %dma_start3A_67] : memref<2x10112x8xf32, #tpu.memory_space<hbm>> -> memref<1x128x8xf32, #tpu.memory_space<hbm>>
        %dma_start3A_69 = tpu.memref_squeeze %dma_start3A_68 : memref<1x128x8xf32, #tpu.memory_space<hbm>> -> memref<128x8xf32, #tpu.memory_space<hbm>>
        tpu.enqueue_dma source(%arg7 : memref<128x8xf32, #tpu.memory_space<vmem>>) target(%dma_start3A_69 : memref<128x8xf32, #tpu.memory_space<hbm>>) target_semaphore(%run_scoped3A : memref<!tpu.dma_semaphore, #tpu.memory_space<semaphore_mem>>)
        %dma_wait3A = arith.constant 0 : i32
        %dma_wait3A_70 = tpu.memref_slice %arg3[%arg0, %mul3A_64, %dma_wait3A] : memref<2x10112x8xf32, #tpu.memory_space<hbm>> -> memref<1x128x8xf32, #tpu.memory_space<hbm>>
        %dma_wait3A_71 = tpu.memref_squeeze %dma_wait3A_70 : memref<1x128x8xf32, #tpu.memory_space<hbm>> -> memref<128x8xf32, #tpu.memory_space<hbm>>
        %dma_wait3A_72 = arith.constant 0 : i32
        %dma_wait3A_73 = tpu.memref_slice %arg3[%arg0, %mul3A_64, %dma_wait3A_72] : memref<2x10112x8xf32, #tpu.memory_space<hbm>> -> memref<1x128x8xf32, #tpu.memory_space<hbm>>
        %dma_wait3A_74 = tpu.memref_squeeze %dma_wait3A_73 : memref<1x128x8xf32, #tpu.memory_space<hbm>> -> memref<128x8xf32, #tpu.memory_space<hbm>>
        tpu.wait_dma2 semaphore(%run_scoped3A : memref<!tpu.dma_semaphore, #tpu.memory_space<semaphore_mem>>) src(%arg7 : memref<128x8xf32, #tpu.memory_space<vmem>>) dst(%dma_wait3A_74 : memref<128x8xf32, #tpu.memory_space<hbm>>)
        tpu.yield
      }) : () -> ()
    } else {
    }
    return
  }
}

#map = affine_map<(d0, d1) -> (0, 0)>
#map1 = affine_map<(d0, d1) -> (0, 0, 0)>
#map2 = affine_map<(d0, d1) -> (0)>
module attributes {stable_mosaic.version = 14 : i64} {
  func.func @_msg_body(%arg0: i32, %arg1: i32, %arg2: memref<10112x128xf32, #tpu.memory_space<hbm>>, %arg3: memref<32x81x128xi32, #tpu.memory_space<hbm>>, %arg4: memref<128x128xf32, #tpu.memory_space<hbm>>, %arg5: memref<8xf32, #tpu.memory_space<hbm>>, %arg6: memref<2x10112x128xf32, #tpu.memory_space<hbm>>, %arg7: memref<81x128xi32, #tpu.memory_space<vmem>>, %arg8: memref<128xi32, #tpu.memory_space<vmem>>, %arg9: memref<128xi32, #tpu.memory_space<vmem>>, %arg10: memref<128xi32, #tpu.memory_space<vmem>>, %arg11: memref<128xi32, #tpu.memory_space<vmem>>, %arg12: memref<128x128xf32, #tpu.memory_space<vmem>>, %arg13: memref<128x128xf32, #tpu.memory_space<vmem>>, %arg14: memref<10112x128xf32, #tpu.memory_space<vmem_shared>>, %arg15: memref<!tpu.dma_semaphore, #tpu.memory_space<semaphore_mem>>, %arg16: memref<!tpu.dma_semaphore, #tpu.memory_space<semaphore_mem>>) attributes {dimension_semantics = [#tpu.dimension_semantics<core_parallel>, #tpu.dimension_semantics<subcore_parallel>], iteration_bounds = array<i64: 2, 16>, scalar_prefetch = 0 : i64, scratch_operands = 10 : i64, tpu.core_type = #tpu.core_type<sc_vector_subcore>, window_params = [{transform_indices = #map}, {transform_indices = #map1}, {transform_indices = #map}, {transform_indices = #map2}, {transform_indices = #map1}]} {
    %mul3A = arith.constant 632 : i32
    %mul3A_0 = arith.muli %arg1, %mul3A : i32
    %mul3A_1 = arith.constant 16 : i32
    %mul3A_2 = arith.muli %arg0, %mul3A_1 : i32
    %add3A = arith.addi %mul3A_2, %arg1 : i32
    %scan3A = arith.constant 0 : i32
    %scan3A_3 = arith.constant 0 : i32
    %scan3A_4 = arith.constant 10 : i32
    %scan3A_5 = arith.addi %scan3A_3, %scan3A_4 : i32
    %scan3A_6 = arith.constant 1 : i32
    %scan3A_7 = scf.for %scan3A_136 = %scan3A_3 to %scan3A_5 step %scan3A_6 iter_args(%scan3A_137 = %scan3A) -> (i32)  : i32 {
      %mul3A_138 = arith.constant 8 : i32
      %mul3A_139 = arith.muli %scan3A_136, %mul3A_138 : i32
      "tpu.region"() ({
        %run_scoped3A = tpu.sem_alloc : memref<!tpu.dma_semaphore, #tpu.memory_space<semaphore_mem>>
        %dma_start3A_141 = arith.constant 0 : i32
        %dma_start3A_142 = tpu.memref_slice %arg7[%mul3A_139, %dma_start3A_141] : memref<81x128xi32, #tpu.memory_space<vmem>> -> memref<8x128xi32, #tpu.memory_space<vmem>>
        %dma_start3A_143 = arith.constant 0 : i32
        %dma_start3A_144 = tpu.memref_slice %arg3[%add3A, %mul3A_139, %dma_start3A_143] : memref<32x81x128xi32, #tpu.memory_space<hbm>> -> memref<1x8x128xi32, #tpu.memory_space<hbm>>
        %dma_start3A_145 = tpu.memref_squeeze %dma_start3A_144 : memref<1x8x128xi32, #tpu.memory_space<hbm>> -> memref<8x128xi32, #tpu.memory_space<hbm>>
        %dma_start3A_146 = arith.constant 0 : i32
        %dma_start3A_147 = tpu.memref_slice %arg7[%mul3A_139, %dma_start3A_146] : memref<81x128xi32, #tpu.memory_space<vmem>> -> memref<8x128xi32, #tpu.memory_space<vmem>>
        %dma_start3A_148 = arith.constant 0 : i32
        %dma_start3A_149 = tpu.memref_slice %arg3[%add3A, %mul3A_139, %dma_start3A_148] : memref<32x81x128xi32, #tpu.memory_space<hbm>> -> memref<1x8x128xi32, #tpu.memory_space<hbm>>
        %dma_start3A_150 = tpu.memref_squeeze %dma_start3A_149 : memref<1x8x128xi32, #tpu.memory_space<hbm>> -> memref<8x128xi32, #tpu.memory_space<hbm>>
        tpu.enqueue_dma source(%dma_start3A_150 : memref<8x128xi32, #tpu.memory_space<hbm>>) target(%dma_start3A_147 : memref<8x128xi32, #tpu.memory_space<vmem>>) target_semaphore(%run_scoped3A : memref<!tpu.dma_semaphore, #tpu.memory_space<semaphore_mem>>)
        %dma_wait3A = arith.constant 0 : i32
        %dma_wait3A_151 = tpu.memref_slice %arg7[%mul3A_139, %dma_wait3A] : memref<81x128xi32, #tpu.memory_space<vmem>> -> memref<8x128xi32, #tpu.memory_space<vmem>>
        %dma_wait3A_152 = arith.constant 0 : i32
        %dma_wait3A_153 = tpu.memref_slice %arg3[%add3A, %mul3A_139, %dma_wait3A_152] : memref<32x81x128xi32, #tpu.memory_space<hbm>> -> memref<1x8x128xi32, #tpu.memory_space<hbm>>
        %dma_wait3A_154 = tpu.memref_squeeze %dma_wait3A_153 : memref<1x8x128xi32, #tpu.memory_space<hbm>> -> memref<8x128xi32, #tpu.memory_space<hbm>>
        %dma_wait3A_155 = arith.constant 0 : i32
        %dma_wait3A_156 = tpu.memref_slice %arg7[%mul3A_139, %dma_wait3A_155] : memref<81x128xi32, #tpu.memory_space<vmem>> -> memref<8x128xi32, #tpu.memory_space<vmem>>
        %dma_wait3A_157 = arith.constant 0 : i32
        %dma_wait3A_158 = tpu.memref_slice %arg3[%add3A, %mul3A_139, %dma_wait3A_157] : memref<32x81x128xi32, #tpu.memory_space<hbm>> -> memref<1x8x128xi32, #tpu.memory_space<hbm>>
        %dma_wait3A_159 = tpu.memref_squeeze %dma_wait3A_158 : memref<1x8x128xi32, #tpu.memory_space<hbm>> -> memref<8x128xi32, #tpu.memory_space<hbm>>
        tpu.wait_dma2 semaphore(%run_scoped3A : memref<!tpu.dma_semaphore, #tpu.memory_space<semaphore_mem>>) src(%dma_wait3A_159 : memref<8x128xi32, #tpu.memory_space<hbm>>) dst(%dma_wait3A_156 : memref<8x128xi32, #tpu.memory_space<vmem>>)
        tpu.yield
      }) : () -> ()
      %scan3A_140 = arith.constant 0 : i32
      scf.yield %scan3A_140 : i32
    }
    %scan3A_8 = arith.constant 10 : i32
    "tpu.region"() ({
      %run_scoped3A = tpu.sem_alloc : memref<!tpu.dma_semaphore, #tpu.memory_space<semaphore_mem>>
      %dma_start3A_136 = arith.constant 80 : i32
      %dma_start3A_137 = arith.constant 0 : i32
      %dma_start3A_138 = tpu.memref_slice %arg7[%dma_start3A_136, %dma_start3A_137] : memref<81x128xi32, #tpu.memory_space<vmem>> -> memref<1x128xi32, #tpu.memory_space<vmem>>
      %dma_start3A_139 = arith.constant 80 : i32
      %dma_start3A_140 = arith.constant 0 : i32
      %dma_start3A_141 = tpu.memref_slice %arg3[%add3A, %dma_start3A_139, %dma_start3A_140] : memref<32x81x128xi32, #tpu.memory_space<hbm>> -> memref<1x1x128xi32, #tpu.memory_space<hbm>>
      %dma_start3A_142 = tpu.memref_squeeze %dma_start3A_141 : memref<1x1x128xi32, #tpu.memory_space<hbm>> -> memref<1x128xi32, #tpu.memory_space<hbm>>
      %dma_start3A_143 = arith.constant 80 : i32
      %dma_start3A_144 = arith.constant 0 : i32
      %dma_start3A_145 = tpu.memref_slice %arg7[%dma_start3A_143, %dma_start3A_144] : memref<81x128xi32, #tpu.memory_space<vmem>> -> memref<1x128xi32, #tpu.memory_space<vmem>>
      %dma_start3A_146 = arith.constant 80 : i32
      %dma_start3A_147 = arith.constant 0 : i32
      %dma_start3A_148 = tpu.memref_slice %arg3[%add3A, %dma_start3A_146, %dma_start3A_147] : memref<32x81x128xi32, #tpu.memory_space<hbm>> -> memref<1x1x128xi32, #tpu.memory_space<hbm>>
      %dma_start3A_149 = tpu.memref_squeeze %dma_start3A_148 : memref<1x1x128xi32, #tpu.memory_space<hbm>> -> memref<1x128xi32, #tpu.memory_space<hbm>>
      tpu.enqueue_dma source(%dma_start3A_149 : memref<1x128xi32, #tpu.memory_space<hbm>>) target(%dma_start3A_145 : memref<1x128xi32, #tpu.memory_space<vmem>>) target_semaphore(%run_scoped3A : memref<!tpu.dma_semaphore, #tpu.memory_space<semaphore_mem>>)
      %dma_wait3A = arith.constant 80 : i32
      %dma_wait3A_150 = arith.constant 0 : i32
      %dma_wait3A_151 = tpu.memref_slice %arg7[%dma_wait3A, %dma_wait3A_150] : memref<81x128xi32, #tpu.memory_space<vmem>> -> memref<1x128xi32, #tpu.memory_space<vmem>>
      %dma_wait3A_152 = arith.constant 80 : i32
      %dma_wait3A_153 = arith.constant 0 : i32
      %dma_wait3A_154 = tpu.memref_slice %arg3[%add3A, %dma_wait3A_152, %dma_wait3A_153] : memref<32x81x128xi32, #tpu.memory_space<hbm>> -> memref<1x1x128xi32, #tpu.memory_space<hbm>>
      %dma_wait3A_155 = tpu.memref_squeeze %dma_wait3A_154 : memref<1x1x128xi32, #tpu.memory_space<hbm>> -> memref<1x128xi32, #tpu.memory_space<hbm>>
      %dma_wait3A_156 = arith.constant 80 : i32
      %dma_wait3A_157 = arith.constant 0 : i32
      %dma_wait3A_158 = tpu.memref_slice %arg7[%dma_wait3A_156, %dma_wait3A_157] : memref<81x128xi32, #tpu.memory_space<vmem>> -> memref<1x128xi32, #tpu.memory_space<vmem>>
      %dma_wait3A_159 = arith.constant 80 : i32
      %dma_wait3A_160 = arith.constant 0 : i32
      %dma_wait3A_161 = tpu.memref_slice %arg3[%add3A, %dma_wait3A_159, %dma_wait3A_160] : memref<32x81x128xi32, #tpu.memory_space<hbm>> -> memref<1x1x128xi32, #tpu.memory_space<hbm>>
      %dma_wait3A_162 = tpu.memref_squeeze %dma_wait3A_161 : memref<1x1x128xi32, #tpu.memory_space<hbm>> -> memref<1x128xi32, #tpu.memory_space<hbm>>
      tpu.wait_dma2 semaphore(%run_scoped3A : memref<!tpu.dma_semaphore, #tpu.memory_space<semaphore_mem>>) src(%dma_wait3A_162 : memref<1x128xi32, #tpu.memory_space<hbm>>) dst(%dma_wait3A_158 : memref<1x128xi32, #tpu.memory_space<vmem>>)
      tpu.yield
    }) : () -> ()
    %scan3A_9 = arith.constant 0 : i32
    %scan3A_10 = arith.constant 0 : i32
    %scan3A_11 = arith.constant 4 : i32
    %scan3A_12 = arith.addi %scan3A_10, %scan3A_11 : i32
    %scan3A_13 = arith.constant 1 : i32
    %scan3A_14 = scf.for %scan3A_136 = %scan3A_10 to %scan3A_12 step %scan3A_13 iter_args(%scan3A_137 = %scan3A_9) -> (i32)  : i32 {
      %mul3A_138 = arith.constant 128 : i32
      %mul3A_139 = arith.muli %scan3A_136, %mul3A_138 : i32
      %add3A_140 = arith.addi %mul3A_0, %mul3A_139 : i32
      "tpu.region"() ({
        %run_scoped3A = tpu.sem_alloc : memref<!tpu.dma_semaphore, #tpu.memory_space<semaphore_mem>>
        %dma_start3A_142 = arith.constant 0 : i32
        %dma_start3A_143 = tpu.memref_slice %arg14[%add3A_140, %dma_start3A_142] : memref<10112x128xf32, #tpu.memory_space<vmem_shared>> -> memref<128x128xf32, #tpu.memory_space<vmem_shared>>
        tpu.enqueue_dma source(%arg4 : memref<128x128xf32, #tpu.memory_space<hbm>>) target(%dma_start3A_143 : memref<128x128xf32, #tpu.memory_space<vmem_shared>>) target_semaphore(%run_scoped3A : memref<!tpu.dma_semaphore, #tpu.memory_space<semaphore_mem>>)
        %dma_wait3A = arith.constant 0 : i32
        %dma_wait3A_144 = tpu.memref_slice %arg14[%add3A_140, %dma_wait3A] : memref<10112x128xf32, #tpu.memory_space<vmem_shared>> -> memref<128x128xf32, #tpu.memory_space<vmem_shared>>
        tpu.wait_dma2 semaphore(%run_scoped3A : memref<!tpu.dma_semaphore, #tpu.memory_space<semaphore_mem>>) src(%arg4 : memref<128x128xf32, #tpu.memory_space<hbm>>) dst(%dma_wait3A_144 : memref<128x128xf32, #tpu.memory_space<vmem_shared>>)
        tpu.yield
      }) : () -> ()
      %scan3A_141 = arith.constant 0 : i32
      scf.yield %scan3A_141 : i32
    }
    %scan3A_15 = arith.constant 4 : i32
    %add3A_16 = arith.constant 512 : i32
    %add3A_17 = arith.addi %mul3A_0, %add3A_16 : i32
    "tpu.region"() ({
      %run_scoped3A = tpu.sem_alloc : memref<!tpu.dma_semaphore, #tpu.memory_space<semaphore_mem>>
      %dma_start3A_136 = arith.constant 0 : i32
      %dma_start3A_137 = tpu.memref_slice %arg14[%add3A_17, %dma_start3A_136] : memref<10112x128xf32, #tpu.memory_space<vmem_shared>> -> memref<120x128xf32, #tpu.memory_space<vmem_shared>>
      %dma_start3A_138 = arith.constant 0 : i32
      %dma_start3A_139 = arith.constant 0 : i32
      %dma_start3A_140 = tpu.memref_slice %arg4[%dma_start3A_138, %dma_start3A_139] : memref<128x128xf32, #tpu.memory_space<hbm>> -> memref<120x128xf32, #tpu.memory_space<hbm>>
      tpu.enqueue_dma source(%dma_start3A_140 : memref<120x128xf32, #tpu.memory_space<hbm>>) target(%dma_start3A_137 : memref<120x128xf32, #tpu.memory_space<vmem_shared>>) target_semaphore(%run_scoped3A : memref<!tpu.dma_semaphore, #tpu.memory_space<semaphore_mem>>)
      %dma_wait3A = arith.constant 0 : i32
      %dma_wait3A_141 = tpu.memref_slice %arg14[%add3A_17, %dma_wait3A] : memref<10112x128xf32, #tpu.memory_space<vmem_shared>> -> memref<120x128xf32, #tpu.memory_space<vmem_shared>>
      %dma_wait3A_142 = arith.constant 0 : i32
      %dma_wait3A_143 = arith.constant 0 : i32
      %dma_wait3A_144 = tpu.memref_slice %arg4[%dma_wait3A_142, %dma_wait3A_143] : memref<128x128xf32, #tpu.memory_space<hbm>> -> memref<120x128xf32, #tpu.memory_space<hbm>>
      tpu.wait_dma2 semaphore(%run_scoped3A : memref<!tpu.dma_semaphore, #tpu.memory_space<semaphore_mem>>) src(%dma_wait3A_144 : memref<120x128xf32, #tpu.memory_space<hbm>>) dst(%dma_wait3A_141 : memref<120x128xf32, #tpu.memory_space<vmem_shared>>)
      tpu.yield
    }) : () -> ()
    %barrier3A = arith.constant 0 : index
    tpu.barrier barrier_id(%barrier3A)
    %get3A = arith.constant 0 : i32
    %get3A_18 = arith.index_cast %get3A : i32 to index
    %get3A_19 = arith.constant 0 : index
    %get3A_20 = tpu.vector_load %arg7[%get3A_18, %get3A_19] {strides = array<i32>} : memref<81x128xi32, #tpu.memory_space<vmem>>, vector<16xi32>,
    %and3A = arith.constant 65535 : i32
    %and3A_21 = vector.broadcast %and3A : i32 to vector<16xi32>
    %and3A_22 = arith.andi %get3A_20, %and3A_21 : vector<16xi32>
    %swap3A = arith.constant 0 : index
    %swap3A_23 = tpu.vector_load %arg8[%swap3A] {strides = array<i32>} : memref<128xi32, #tpu.memory_space<vmem>>, vector<16xi32>,
    tpu.vector_store %arg8[%swap3A], %and3A_22 {strides = array<i32>} : memref<128xi32, #tpu.memory_space<vmem>>, vector<16xi32>,
    %shift_right_logical3A = arith.constant 16 : i32
    %shift_right_logical3A_24 = vector.broadcast %shift_right_logical3A : i32 to vector<16xi32>
    %shift_right_logical3A_25 = arith.shrui %get3A_20, %shift_right_logical3A_24 : vector<16xi32>
    %swap3A_26 = arith.constant 0 : index
    %swap3A_27 = tpu.vector_load %arg9[%swap3A_26] {strides = array<i32>} : memref<128xi32, #tpu.memory_space<vmem>>, vector<16xi32>,
    tpu.vector_store %arg9[%swap3A_26], %shift_right_logical3A_25 {strides = array<i32>} : memref<128xi32, #tpu.memory_space<vmem>>, vector<16xi32>,
    %get3A_28 = arith.constant 0 : i32
    %get3A_29 = arith.index_cast %get3A_28 : i32 to index
    %get3A_30 = arith.constant 16 : index
    %get3A_31 = tpu.vector_load %arg7[%get3A_29, %get3A_30] {strides = array<i32>} : memref<81x128xi32, #tpu.memory_space<vmem>>, vector<16xi32>,
    %and3A_32 = arith.constant 65535 : i32
    %and3A_33 = vector.broadcast %and3A_32 : i32 to vector<16xi32>
    %and3A_34 = arith.andi %get3A_31, %and3A_33 : vector<16xi32>
    %swap3A_35 = arith.constant 16 : index
    %swap3A_36 = tpu.vector_load %arg8[%swap3A_35] {strides = array<i32>} : memref<128xi32, #tpu.memory_space<vmem>>, vector<16xi32>,
    tpu.vector_store %arg8[%swap3A_35], %and3A_34 {strides = array<i32>} : memref<128xi32, #tpu.memory_space<vmem>>, vector<16xi32>,
    %shift_right_logical3A_37 = arith.constant 16 : i32
    %shift_right_logical3A_38 = vector.broadcast %shift_right_logical3A_37 : i32 to vector<16xi32>
    %shift_right_logical3A_39 = arith.shrui %get3A_31, %shift_right_logical3A_38 : vector<16xi32>
    %swap3A_40 = arith.constant 16 : index
    %swap3A_41 = tpu.vector_load %arg9[%swap3A_40] {strides = array<i32>} : memref<128xi32, #tpu.memory_space<vmem>>, vector<16xi32>,
    tpu.vector_store %arg9[%swap3A_40], %shift_right_logical3A_39 {strides = array<i32>} : memref<128xi32, #tpu.memory_space<vmem>>, vector<16xi32>,
    %get3A_42 = arith.constant 0 : i32
    %get3A_43 = arith.index_cast %get3A_42 : i32 to index
    %get3A_44 = arith.constant 32 : index
    %get3A_45 = tpu.vector_load %arg7[%get3A_43, %get3A_44] {strides = array<i32>} : memref<81x128xi32, #tpu.memory_space<vmem>>, vector<16xi32>,
    %and3A_46 = arith.constant 65535 : i32
    %and3A_47 = vector.broadcast %and3A_46 : i32 to vector<16xi32>
    %and3A_48 = arith.andi %get3A_45, %and3A_47 : vector<16xi32>
    %swap3A_49 = arith.constant 32 : index
    %swap3A_50 = tpu.vector_load %arg8[%swap3A_49] {strides = array<i32>} : memref<128xi32, #tpu.memory_space<vmem>>, vector<16xi32>,
    tpu.vector_store %arg8[%swap3A_49], %and3A_48 {strides = array<i32>} : memref<128xi32, #tpu.memory_space<vmem>>, vector<16xi32>,
    %shift_right_logical3A_51 = arith.constant 16 : i32
    %shift_right_logical3A_52 = vector.broadcast %shift_right_logical3A_51 : i32 to vector<16xi32>
    %shift_right_logical3A_53 = arith.shrui %get3A_45, %shift_right_logical3A_52 : vector<16xi32>
    %swap3A_54 = arith.constant 32 : index
    %swap3A_55 = tpu.vector_load %arg9[%swap3A_54] {strides = array<i32>} : memref<128xi32, #tpu.memory_space<vmem>>, vector<16xi32>,
    tpu.vector_store %arg9[%swap3A_54], %shift_right_logical3A_53 {strides = array<i32>} : memref<128xi32, #tpu.memory_space<vmem>>, vector<16xi32>,
    %get3A_56 = arith.constant 0 : i32
    %get3A_57 = arith.index_cast %get3A_56 : i32 to index
    %get3A_58 = arith.constant 48 : index
    %get3A_59 = tpu.vector_load %arg7[%get3A_57, %get3A_58] {strides = array<i32>} : memref<81x128xi32, #tpu.memory_space<vmem>>, vector<16xi32>,
    %and3A_60 = arith.constant 65535 : i32
    %and3A_61 = vector.broadcast %and3A_60 : i32 to vector<16xi32>
    %and3A_62 = arith.andi %get3A_59, %and3A_61 : vector<16xi32>
    %swap3A_63 = arith.constant 48 : index
    %swap3A_64 = tpu.vector_load %arg8[%swap3A_63] {strides = array<i32>} : memref<128xi32, #tpu.memory_space<vmem>>, vector<16xi32>,
    tpu.vector_store %arg8[%swap3A_63], %and3A_62 {strides = array<i32>} : memref<128xi32, #tpu.memory_space<vmem>>, vector<16xi32>,
    %shift_right_logical3A_65 = arith.constant 16 : i32
    %shift_right_logical3A_66 = vector.broadcast %shift_right_logical3A_65 : i32 to vector<16xi32>
    %shift_right_logical3A_67 = arith.shrui %get3A_59, %shift_right_logical3A_66 : vector<16xi32>
    %swap3A_68 = arith.constant 48 : index
    %swap3A_69 = tpu.vector_load %arg9[%swap3A_68] {strides = array<i32>} : memref<128xi32, #tpu.memory_space<vmem>>, vector<16xi32>,
    tpu.vector_store %arg9[%swap3A_68], %shift_right_logical3A_67 {strides = array<i32>} : memref<128xi32, #tpu.memory_space<vmem>>, vector<16xi32>,
    %get3A_70 = arith.constant 0 : i32
    %get3A_71 = arith.index_cast %get3A_70 : i32 to index
    %get3A_72 = arith.constant 64 : index
    %get3A_73 = tpu.vector_load %arg7[%get3A_71, %get3A_72] {strides = array<i32>} : memref<81x128xi32, #tpu.memory_space<vmem>>, vector<16xi32>,
    %and3A_74 = arith.constant 65535 : i32
    %and3A_75 = vector.broadcast %and3A_74 : i32 to vector<16xi32>
    %and3A_76 = arith.andi %get3A_73, %and3A_75 : vector<16xi32>
    %swap3A_77 = arith.constant 64 : index
    %swap3A_78 = tpu.vector_load %arg8[%swap3A_77] {strides = array<i32>} : memref<128xi32, #tpu.memory_space<vmem>>, vector<16xi32>,
    tpu.vector_store %arg8[%swap3A_77], %and3A_76 {strides = array<i32>} : memref<128xi32, #tpu.memory_space<vmem>>, vector<16xi32>,
    %shift_right_logical3A_79 = arith.constant 16 : i32
    %shift_right_logical3A_80 = vector.broadcast %shift_right_logical3A_79 : i32 to vector<16xi32>
    %shift_right_logical3A_81 = arith.shrui %get3A_73, %shift_right_logical3A_80 : vector<16xi32>
    %swap3A_82 = arith.constant 64 : index
    %swap3A_83 = tpu.vector_load %arg9[%swap3A_82] {strides = array<i32>} : memref<128xi32, #tpu.memory_space<vmem>>, vector<16xi32>,
    tpu.vector_store %arg9[%swap3A_82], %shift_right_logical3A_81 {strides = array<i32>} : memref<128xi32, #tpu.memory_space<vmem>>, vector<16xi32>,
    %get3A_84 = arith.constant 0 : i32
    %get3A_85 = arith.index_cast %get3A_84 : i32 to index
    %get3A_86 = arith.constant 80 : index
    %get3A_87 = tpu.vector_load %arg7[%get3A_85, %get3A_86] {strides = array<i32>} : memref<81x128xi32, #tpu.memory_space<vmem>>, vector<16xi32>,
    %and3A_88 = arith.constant 65535 : i32
    %and3A_89 = vector.broadcast %and3A_88 : i32 to vector<16xi32>
    %and3A_90 = arith.andi %get3A_87, %and3A_89 : vector<16xi32>
    %swap3A_91 = arith.constant 80 : index
    %swap3A_92 = tpu.vector_load %arg8[%swap3A_91] {strides = array<i32>} : memref<128xi32, #tpu.memory_space<vmem>>, vector<16xi32>,
    tpu.vector_store %arg8[%swap3A_91], %and3A_90 {strides = array<i32>} : memref<128xi32, #tpu.memory_space<vmem>>, vector<16xi32>,
    %shift_right_logical3A_93 = arith.constant 16 : i32
    %shift_right_logical3A_94 = vector.broadcast %shift_right_logical3A_93 : i32 to vector<16xi32>
    %shift_right_logical3A_95 = arith.shrui %get3A_87, %shift_right_logical3A_94 : vector<16xi32>
    %swap3A_96 = arith.constant 80 : index
    %swap3A_97 = tpu.vector_load %arg9[%swap3A_96] {strides = array<i32>} : memref<128xi32, #tpu.memory_space<vmem>>, vector<16xi32>,
    tpu.vector_store %arg9[%swap3A_96], %shift_right_logical3A_95 {strides = array<i32>} : memref<128xi32, #tpu.memory_space<vmem>>, vector<16xi32>,
    %get3A_98 = arith.constant 0 : i32
    %get3A_99 = arith.index_cast %get3A_98 : i32 to index
    %get3A_100 = arith.constant 96 : index
    %get3A_101 = tpu.vector_load %arg7[%get3A_99, %get3A_100] {strides = array<i32>} : memref<81x128xi32, #tpu.memory_space<vmem>>, vector<16xi32>,
    %and3A_102 = arith.constant 65535 : i32
    %and3A_103 = vector.broadcast %and3A_102 : i32 to vector<16xi32>
    %and3A_104 = arith.andi %get3A_101, %and3A_103 : vector<16xi32>
    %swap3A_105 = arith.constant 96 : index
    %swap3A_106 = tpu.vector_load %arg8[%swap3A_105] {strides = array<i32>} : memref<128xi32, #tpu.memory_space<vmem>>, vector<16xi32>,
    tpu.vector_store %arg8[%swap3A_105], %and3A_104 {strides = array<i32>} : memref<128xi32, #tpu.memory_space<vmem>>, vector<16xi32>,
    %shift_right_logical3A_107 = arith.constant 16 : i32
    %shift_right_logical3A_108 = vector.broadcast %shift_right_logical3A_107 : i32 to vector<16xi32>
    %shift_right_logical3A_109 = arith.shrui %get3A_101, %shift_right_logical3A_108 : vector<16xi32>
    %swap3A_110 = arith.constant 96 : index
    %swap3A_111 = tpu.vector_load %arg9[%swap3A_110] {strides = array<i32>} : memref<128xi32, #tpu.memory_space<vmem>>, vector<16xi32>,
    tpu.vector_store %arg9[%swap3A_110], %shift_right_logical3A_109 {strides = array<i32>} : memref<128xi32, #tpu.memory_space<vmem>>, vector<16xi32>,
    %get3A_112 = arith.constant 0 : i32
    %get3A_113 = arith.index_cast %get3A_112 : i32 to index
    %get3A_114 = arith.constant 112 : index
    %get3A_115 = tpu.vector_load %arg7[%get3A_113, %get3A_114] {strides = array<i32>} : memref<81x128xi32, #tpu.memory_space<vmem>>, vector<16xi32>,
    %and3A_116 = arith.constant 65535 : i32
    %and3A_117 = vector.broadcast %and3A_116 : i32 to vector<16xi32>
    %and3A_118 = arith.andi %get3A_115, %and3A_117 : vector<16xi32>
    %swap3A_119 = arith.constant 112 : index
    %swap3A_120 = tpu.vector_load %arg8[%swap3A_119] {strides = array<i32>} : memref<128xi32, #tpu.memory_space<vmem>>, vector<16xi32>,
    tpu.vector_store %arg8[%swap3A_119], %and3A_118 {strides = array<i32>} : memref<128xi32, #tpu.memory_space<vmem>>, vector<16xi32>,
    %shift_right_logical3A_121 = arith.constant 16 : i32
    %shift_right_logical3A_122 = vector.broadcast %shift_right_logical3A_121 : i32 to vector<16xi32>
    %shift_right_logical3A_123 = arith.shrui %get3A_115, %shift_right_logical3A_122 : vector<16xi32>
    %swap3A_124 = arith.constant 112 : index
    %swap3A_125 = tpu.vector_load %arg9[%swap3A_124] {strides = array<i32>} : memref<128xi32, #tpu.memory_space<vmem>>, vector<16xi32>,
    tpu.vector_store %arg9[%swap3A_124], %shift_right_logical3A_123 {strides = array<i32>} : memref<128xi32, #tpu.memory_space<vmem>>, vector<16xi32>,
    %dma_start3A = arith.constant 0 : i32
    %dma_start3A_126 = arith.constant 0 : i32
    %dma_start3A_127 = tpu.memref_slice %arg2[%dma_start3A, %dma_start3A_126] : memref<10112x128xf32, #tpu.memory_space<hbm>> -> memref<10112x128xf32, #tpu.memory_space<hbm>>
    tpu.enqueue_indirect_dma source(%dma_start3A_127 : memref<10112x128xf32, #tpu.memory_space<hbm>>) target(%arg12 : memref<128x128xf32, #tpu.memory_space<vmem>>) offsets(%arg8 : memref<128xi32, #tpu.memory_space<vmem>>) semaphore(%arg15 : memref<!tpu.dma_semaphore, #tpu.memory_space<semaphore_mem>>)
    %scan3A_128 = arith.constant 0 : i32
    %scan3A_129 = arith.constant 0 : i32
    %scan3A_130 = arith.constant 41 : i32
    %scan3A_131 = arith.addi %scan3A_129, %scan3A_130 : i32
    %scan3A_132 = arith.constant 1 : i32
    %scan3A_133 = scf.for %scan3A_136 = %scan3A_129 to %scan3A_131 step %scan3A_132 iter_args(%scan3A_137 = %scan3A_128) -> (i32)  : i32 {
      %mul3A_138 = arith.constant 2 : i32
      %mul3A_139 = arith.muli %mul3A_138, %scan3A_136 : i32
      %add3A_140 = arith.constant 1 : i32
      %add3A_141 = arith.addi %mul3A_139, %add3A_140 : i32
      %lt3A = arith.constant 81 : i32
      %lt3A_142 = arith.cmpi slt, %add3A_141, %lt3A : i32
      %convert_element_type3A = arith.extui %lt3A_142 : i1 to i32
      %cond3A = arith.constant 0 : i32
      %cond3A_143 = arith.cmpi ne, %convert_element_type3A, %cond3A : i32
      scf.if %cond3A_143 {
        %add3A_161 = arith.constant 1 : i32
        %add3A_162 = arith.addi %mul3A_139, %add3A_161 : i32
        %get3A_163 = arith.index_cast %add3A_162 : i32 to index
        %get3A_164 = arith.constant 0 : index
        %get3A_165 = tpu.vector_load %arg7[%get3A_163, %get3A_164] {strides = array<i32>} : memref<81x128xi32, #tpu.memory_space<vmem>>, vector<16xi32>,
        %and3A_166 = arith.constant 65535 : i32
        %and3A_167 = vector.broadcast %and3A_166 : i32 to vector<16xi32>
        %and3A_168 = arith.andi %get3A_165, %and3A_167 : vector<16xi32>
        %swap3A_169 = arith.constant 0 : index
        %swap3A_170 = tpu.vector_load %arg10[%swap3A_169] {strides = array<i32>} : memref<128xi32, #tpu.memory_space<vmem>>, vector<16xi32>,
        tpu.vector_store %arg10[%swap3A_169], %and3A_168 {strides = array<i32>} : memref<128xi32, #tpu.memory_space<vmem>>, vector<16xi32>,
        %shift_right_logical3A_171 = arith.constant 16 : i32
        %shift_right_logical3A_172 = vector.broadcast %shift_right_logical3A_171 : i32 to vector<16xi32>
        %shift_right_logical3A_173 = arith.shrui %get3A_165, %shift_right_logical3A_172 : vector<16xi32>
        %swap3A_174 = arith.constant 0 : index
        %swap3A_175 = tpu.vector_load %arg11[%swap3A_174] {strides = array<i32>} : memref<128xi32, #tpu.memory_space<vmem>>, vector<16xi32>,
        tpu.vector_store %arg11[%swap3A_174], %shift_right_logical3A_173 {strides = array<i32>} : memref<128xi32, #tpu.memory_space<vmem>>, vector<16xi32>,
        %get3A_176 = arith.index_cast %add3A_162 : i32 to index
        %get3A_177 = arith.constant 16 : index
        %get3A_178 = tpu.vector_load %arg7[%get3A_176, %get3A_177] {strides = array<i32>} : memref<81x128xi32, #tpu.memory_space<vmem>>, vector<16xi32>,
        %and3A_179 = arith.constant 65535 : i32
        %and3A_180 = vector.broadcast %and3A_179 : i32 to vector<16xi32>
        %and3A_181 = arith.andi %get3A_178, %and3A_180 : vector<16xi32>
        %swap3A_182 = arith.constant 16 : index
        %swap3A_183 = tpu.vector_load %arg10[%swap3A_182] {strides = array<i32>} : memref<128xi32, #tpu.memory_space<vmem>>, vector<16xi32>,
        tpu.vector_store %arg10[%swap3A_182], %and3A_181 {strides = array<i32>} : memref<128xi32, #tpu.memory_space<vmem>>, vector<16xi32>,
        %shift_right_logical3A_184 = arith.constant 16 : i32
        %shift_right_logical3A_185 = vector.broadcast %shift_right_logical3A_184 : i32 to vector<16xi32>
        %shift_right_logical3A_186 = arith.shrui %get3A_178, %shift_right_logical3A_185 : vector<16xi32>
        %swap3A_187 = arith.constant 16 : index
        %swap3A_188 = tpu.vector_load %arg11[%swap3A_187] {strides = array<i32>} : memref<128xi32, #tpu.memory_space<vmem>>, vector<16xi32>,
        tpu.vector_store %arg11[%swap3A_187], %shift_right_logical3A_186 {strides = array<i32>} : memref<128xi32, #tpu.memory_space<vmem>>, vector<16xi32>,
        %get3A_189 = arith.index_cast %add3A_162 : i32 to index
        %get3A_190 = arith.constant 32 : index
        %get3A_191 = tpu.vector_load %arg7[%get3A_189, %get3A_190] {strides = array<i32>} : memref<81x128xi32, #tpu.memory_space<vmem>>, vector<16xi32>,
        %and3A_192 = arith.constant 65535 : i32
        %and3A_193 = vector.broadcast %and3A_192 : i32 to vector<16xi32>
        %and3A_194 = arith.andi %get3A_191, %and3A_193 : vector<16xi32>
        %swap3A_195 = arith.constant 32 : index
        %swap3A_196 = tpu.vector_load %arg10[%swap3A_195] {strides = array<i32>} : memref<128xi32, #tpu.memory_space<vmem>>, vector<16xi32>,
        tpu.vector_store %arg10[%swap3A_195], %and3A_194 {strides = array<i32>} : memref<128xi32, #tpu.memory_space<vmem>>, vector<16xi32>,
        %shift_right_logical3A_197 = arith.constant 16 : i32
        %shift_right_logical3A_198 = vector.broadcast %shift_right_logical3A_197 : i32 to vector<16xi32>
        %shift_right_logical3A_199 = arith.shrui %get3A_191, %shift_right_logical3A_198 : vector<16xi32>
        %swap3A_200 = arith.constant 32 : index
        %swap3A_201 = tpu.vector_load %arg11[%swap3A_200] {strides = array<i32>} : memref<128xi32, #tpu.memory_space<vmem>>, vector<16xi32>,
        tpu.vector_store %arg11[%swap3A_200], %shift_right_logical3A_199 {strides = array<i32>} : memref<128xi32, #tpu.memory_space<vmem>>, vector<16xi32>,
        %get3A_202 = arith.index_cast %add3A_162 : i32 to index
        %get3A_203 = arith.constant 48 : index
        %get3A_204 = tpu.vector_load %arg7[%get3A_202, %get3A_203] {strides = array<i32>} : memref<81x128xi32, #tpu.memory_space<vmem>>, vector<16xi32>,
        %and3A_205 = arith.constant 65535 : i32
        %and3A_206 = vector.broadcast %and3A_205 : i32 to vector<16xi32>
        %and3A_207 = arith.andi %get3A_204, %and3A_206 : vector<16xi32>
        %swap3A_208 = arith.constant 48 : index
        %swap3A_209 = tpu.vector_load %arg10[%swap3A_208] {strides = array<i32>} : memref<128xi32, #tpu.memory_space<vmem>>, vector<16xi32>,
        tpu.vector_store %arg10[%swap3A_208], %and3A_207 {strides = array<i32>} : memref<128xi32, #tpu.memory_space<vmem>>, vector<16xi32>,
        %shift_right_logical3A_210 = arith.constant 16 : i32
        %shift_right_logical3A_211 = vector.broadcast %shift_right_logical3A_210 : i32 to vector<16xi32>
        %shift_right_logical3A_212 = arith.shrui %get3A_204, %shift_right_logical3A_211 : vector<16xi32>
        %swap3A_213 = arith.constant 48 : index
        %swap3A_214 = tpu.vector_load %arg11[%swap3A_213] {strides = array<i32>} : memref<128xi32, #tpu.memory_space<vmem>>, vector<16xi32>,
        tpu.vector_store %arg11[%swap3A_213], %shift_right_logical3A_212 {strides = array<i32>} : memref<128xi32, #tpu.memory_space<vmem>>, vector<16xi32>,
        %get3A_215 = arith.index_cast %add3A_162 : i32 to index
        %get3A_216 = arith.constant 64 : index
        %get3A_217 = tpu.vector_load %arg7[%get3A_215, %get3A_216] {strides = array<i32>} : memref<81x128xi32, #tpu.memory_space<vmem>>, vector<16xi32>,
        %and3A_218 = arith.constant 65535 : i32
        %and3A_219 = vector.broadcast %and3A_218 : i32 to vector<16xi32>
        %and3A_220 = arith.andi %get3A_217, %and3A_219 : vector<16xi32>
        %swap3A_221 = arith.constant 64 : index
        %swap3A_222 = tpu.vector_load %arg10[%swap3A_221] {strides = array<i32>} : memref<128xi32, #tpu.memory_space<vmem>>, vector<16xi32>,
        tpu.vector_store %arg10[%swap3A_221], %and3A_220 {strides = array<i32>} : memref<128xi32, #tpu.memory_space<vmem>>, vector<16xi32>,
        %shift_right_logical3A_223 = arith.constant 16 : i32
        %shift_right_logical3A_224 = vector.broadcast %shift_right_logical3A_223 : i32 to vector<16xi32>
        %shift_right_logical3A_225 = arith.shrui %get3A_217, %shift_right_logical3A_224 : vector<16xi32>
        %swap3A_226 = arith.constant 64 : index
        %swap3A_227 = tpu.vector_load %arg11[%swap3A_226] {strides = array<i32>} : memref<128xi32, #tpu.memory_space<vmem>>, vector<16xi32>,
        tpu.vector_store %arg11[%swap3A_226], %shift_right_logical3A_225 {strides = array<i32>} : memref<128xi32, #tpu.memory_space<vmem>>, vector<16xi32>,
        %get3A_228 = arith.index_cast %add3A_162 : i32 to index
        %get3A_229 = arith.constant 80 : index
        %get3A_230 = tpu.vector_load %arg7[%get3A_228, %get3A_229] {strides = array<i32>} : memref<81x128xi32, #tpu.memory_space<vmem>>, vector<16xi32>,
        %and3A_231 = arith.constant 65535 : i32
        %and3A_232 = vector.broadcast %and3A_231 : i32 to vector<16xi32>
        %and3A_233 = arith.andi %get3A_230, %and3A_232 : vector<16xi32>
        %swap3A_234 = arith.constant 80 : index
        %swap3A_235 = tpu.vector_load %arg10[%swap3A_234] {strides = array<i32>} : memref<128xi32, #tpu.memory_space<vmem>>, vector<16xi32>,
        tpu.vector_store %arg10[%swap3A_234], %and3A_233 {strides = array<i32>} : memref<128xi32, #tpu.memory_space<vmem>>, vector<16xi32>,
        %shift_right_logical3A_236 = arith.constant 16 : i32
        %shift_right_logical3A_237 = vector.broadcast %shift_right_logical3A_236 : i32 to vector<16xi32>
        %shift_right_logical3A_238 = arith.shrui %get3A_230, %shift_right_logical3A_237 : vector<16xi32>
        %swap3A_239 = arith.constant 80 : index
        %swap3A_240 = tpu.vector_load %arg11[%swap3A_239] {strides = array<i32>} : memref<128xi32, #tpu.memory_space<vmem>>, vector<16xi32>,
        tpu.vector_store %arg11[%swap3A_239], %shift_right_logical3A_238 {strides = array<i32>} : memref<128xi32, #tpu.memory_space<vmem>>, vector<16xi32>,
        %get3A_241 = arith.index_cast %add3A_162 : i32 to index
        %get3A_242 = arith.constant 96 : index
        %get3A_243 = tpu.vector_load %arg7[%get3A_241, %get3A_242] {strides = array<i32>} : memref<81x128xi32, #tpu.memory_space<vmem>>, vector<16xi32>,
        %and3A_244 = arith.constant 65535 : i32
        %and3A_245 = vector.broadcast %and3A_244 : i32 to vector<16xi32>
        %and3A_246 = arith.andi %get3A_243, %and3A_245 : vector<16xi32>
        %swap3A_247 = arith.constant 96 : index
        %swap3A_248 = tpu.vector_load %arg10[%swap3A_247] {strides = array<i32>} : memref<128xi32, #tpu.memory_space<vmem>>, vector<16xi32>,
        tpu.vector_store %arg10[%swap3A_247], %and3A_246 {strides = array<i32>} : memref<128xi32, #tpu.memory_space<vmem>>, vector<16xi32>,
        %shift_right_logical3A_249 = arith.constant 16 : i32
        %shift_right_logical3A_250 = vector.broadcast %shift_right_logical3A_249 : i32 to vector<16xi32>
        %shift_right_logical3A_251 = arith.shrui %get3A_243, %shift_right_logical3A_250 : vector<16xi32>
        %swap3A_252 = arith.constant 96 : index
        %swap3A_253 = tpu.vector_load %arg11[%swap3A_252] {strides = array<i32>} : memref<128xi32, #tpu.memory_space<vmem>>, vector<16xi32>,
        tpu.vector_store %arg11[%swap3A_252], %shift_right_logical3A_251 {strides = array<i32>} : memref<128xi32, #tpu.memory_space<vmem>>, vector<16xi32>,
        %get3A_254 = arith.index_cast %add3A_162 : i32 to index
        %get3A_255 = arith.constant 112 : index
        %get3A_256 = tpu.vector_load %arg7[%get3A_254, %get3A_255] {strides = array<i32>} : memref<81x128xi32, #tpu.memory_space<vmem>>, vector<16xi32>,
        %and3A_257 = arith.constant 65535 : i32
        %and3A_258 = vector.broadcast %and3A_257 : i32 to vector<16xi32>
        %and3A_259 = arith.andi %get3A_256, %and3A_258 : vector<16xi32>
        %swap3A_260 = arith.constant 112 : index
        %swap3A_261 = tpu.vector_load %arg10[%swap3A_260] {strides = array<i32>} : memref<128xi32, #tpu.memory_space<vmem>>, vector<16xi32>,
        tpu.vector_store %arg10[%swap3A_260], %and3A_259 {strides = array<i32>} : memref<128xi32, #tpu.memory_space<vmem>>, vector<16xi32>,
        %shift_right_logical3A_262 = arith.constant 16 : i32
        %shift_right_logical3A_263 = vector.broadcast %shift_right_logical3A_262 : i32 to vector<16xi32>
        %shift_right_logical3A_264 = arith.shrui %get3A_256, %shift_right_logical3A_263 : vector<16xi32>
        %swap3A_265 = arith.constant 112 : index
        %swap3A_266 = tpu.vector_load %arg11[%swap3A_265] {strides = array<i32>} : memref<128xi32, #tpu.memory_space<vmem>>, vector<16xi32>,
        tpu.vector_store %arg11[%swap3A_265], %shift_right_logical3A_264 {strides = array<i32>} : memref<128xi32, #tpu.memory_space<vmem>>, vector<16xi32>,
        %dma_start3A_267 = arith.constant 0 : i32
        %dma_start3A_268 = arith.constant 0 : i32
        %dma_start3A_269 = tpu.memref_slice %arg2[%dma_start3A_267, %dma_start3A_268] : memref<10112x128xf32, #tpu.memory_space<hbm>> -> memref<10112x128xf32, #tpu.memory_space<hbm>>
        tpu.enqueue_indirect_dma source(%dma_start3A_269 : memref<10112x128xf32, #tpu.memory_space<hbm>>) target(%arg13 : memref<128x128xf32, #tpu.memory_space<vmem>>) offsets(%arg10 : memref<128xi32, #tpu.memory_space<vmem>>) semaphore(%arg16 : memref<!tpu.dma_semaphore, #tpu.memory_space<semaphore_mem>>)
      } else {
      }
      %dma_wait3A = arith.constant 0 : i32
      %dma_wait3A_144 = arith.constant 0 : i32
      %dma_wait3A_145 = tpu.memref_slice %arg2[%dma_wait3A, %dma_wait3A_144] : memref<10112x128xf32, #tpu.memory_space<hbm>> -> memref<10112x128xf32, #tpu.memory_space<hbm>>
      tpu.wait_indirect_dma semaphore(%arg15 : memref<!tpu.dma_semaphore, #tpu.memory_space<semaphore_mem>>) src(%dma_wait3A_145 : memref<10112x128xf32, #tpu.memory_space<hbm>>) dst(%arg12 : memref<128x128xf32, #tpu.memory_space<vmem>>)
      "tpu.region"() ({
        %run_scoped3A = tpu.sem_alloc : memref<!tpu.dma_semaphore, #tpu.memory_space<semaphore_mem>>
        %dma_start3A_161 = arith.constant 0 : i32
        %dma_start3A_162 = arith.constant 0 : i32
        %dma_start3A_163 = tpu.memref_slice %arg14[%dma_start3A_161, %dma_start3A_162] : memref<10112x128xf32, #tpu.memory_space<vmem_shared>> -> memref<10112x128xf32, #tpu.memory_space<vmem_shared>>
        tpu.enqueue_indirect_dma source(%arg12 : memref<128x128xf32, #tpu.memory_space<vmem>>) target(%dma_start3A_163 : memref<10112x128xf32, #tpu.memory_space<vmem_shared>>) offsets(%arg9 : memref<128xi32, #tpu.memory_space<vmem>>) semaphore(%run_scoped3A : memref<!tpu.dma_semaphore, #tpu.memory_space<semaphore_mem>>) {add = true}
        %dma_wait3A_164 = arith.constant 0 : i32
        %dma_wait3A_165 = arith.constant 0 : i32
        %dma_wait3A_166 = tpu.memref_slice %arg14[%dma_wait3A_164, %dma_wait3A_165] : memref<10112x128xf32, #tpu.memory_space<vmem_shared>> -> memref<10112x128xf32, #tpu.memory_space<vmem_shared>>
        tpu.wait_indirect_dma semaphore(%run_scoped3A : memref<!tpu.dma_semaphore, #tpu.memory_space<semaphore_mem>>) src(%arg12 : memref<128x128xf32, #tpu.memory_space<vmem>>) dst(%dma_wait3A_166 : memref<10112x128xf32, #tpu.memory_space<vmem_shared>>)
        tpu.yield
      }) : () -> ()
      %add3A_146 = arith.constant 2 : i32
      %add3A_147 = arith.addi %mul3A_139, %add3A_146 : i32
      %lt3A_148 = arith.constant 81 : i32
      %lt3A_149 = arith.cmpi slt, %add3A_147, %lt3A_148 : i32
      %convert_element_type3A_150 = arith.extui %lt3A_149 : i1 to i32
      %cond3A_151 = arith.constant 0 : i32
      %cond3A_152 = arith.cmpi ne, %convert_element_type3A_150, %cond3A_151 : i32
      scf.if %cond3A_152 {
        %add3A_161 = arith.constant 2 : i32
        %add3A_162 = arith.addi %mul3A_139, %add3A_161 : i32
        %get3A_163 = arith.index_cast %add3A_162 : i32 to index
        %get3A_164 = arith.constant 0 : index
        %get3A_165 = tpu.vector_load %arg7[%get3A_163, %get3A_164] {strides = array<i32>} : memref<81x128xi32, #tpu.memory_space<vmem>>, vector<16xi32>,
        %and3A_166 = arith.constant 65535 : i32
        %and3A_167 = vector.broadcast %and3A_166 : i32 to vector<16xi32>
        %and3A_168 = arith.andi %get3A_165, %and3A_167 : vector<16xi32>
        %swap3A_169 = arith.constant 0 : index
        %swap3A_170 = tpu.vector_load %arg8[%swap3A_169] {strides = array<i32>} : memref<128xi32, #tpu.memory_space<vmem>>, vector<16xi32>,
        tpu.vector_store %arg8[%swap3A_169], %and3A_168 {strides = array<i32>} : memref<128xi32, #tpu.memory_space<vmem>>, vector<16xi32>,
        %shift_right_logical3A_171 = arith.constant 16 : i32
        %shift_right_logical3A_172 = vector.broadcast %shift_right_logical3A_171 : i32 to vector<16xi32>
        %shift_right_logical3A_173 = arith.shrui %get3A_165, %shift_right_logical3A_172 : vector<16xi32>
        %swap3A_174 = arith.constant 0 : index
        %swap3A_175 = tpu.vector_load %arg9[%swap3A_174] {strides = array<i32>} : memref<128xi32, #tpu.memory_space<vmem>>, vector<16xi32>,
        tpu.vector_store %arg9[%swap3A_174], %shift_right_logical3A_173 {strides = array<i32>} : memref<128xi32, #tpu.memory_space<vmem>>, vector<16xi32>,
        %get3A_176 = arith.index_cast %add3A_162 : i32 to index
        %get3A_177 = arith.constant 16 : index
        %get3A_178 = tpu.vector_load %arg7[%get3A_176, %get3A_177] {strides = array<i32>} : memref<81x128xi32, #tpu.memory_space<vmem>>, vector<16xi32>,
        %and3A_179 = arith.constant 65535 : i32
        %and3A_180 = vector.broadcast %and3A_179 : i32 to vector<16xi32>
        %and3A_181 = arith.andi %get3A_178, %and3A_180 : vector<16xi32>
        %swap3A_182 = arith.constant 16 : index
        %swap3A_183 = tpu.vector_load %arg8[%swap3A_182] {strides = array<i32>} : memref<128xi32, #tpu.memory_space<vmem>>, vector<16xi32>,
        tpu.vector_store %arg8[%swap3A_182], %and3A_181 {strides = array<i32>} : memref<128xi32, #tpu.memory_space<vmem>>, vector<16xi32>,
        %shift_right_logical3A_184 = arith.constant 16 : i32
        %shift_right_logical3A_185 = vector.broadcast %shift_right_logical3A_184 : i32 to vector<16xi32>
        %shift_right_logical3A_186 = arith.shrui %get3A_178, %shift_right_logical3A_185 : vector<16xi32>
        %swap3A_187 = arith.constant 16 : index
        %swap3A_188 = tpu.vector_load %arg9[%swap3A_187] {strides = array<i32>} : memref<128xi32, #tpu.memory_space<vmem>>, vector<16xi32>,
        tpu.vector_store %arg9[%swap3A_187], %shift_right_logical3A_186 {strides = array<i32>} : memref<128xi32, #tpu.memory_space<vmem>>, vector<16xi32>,
        %get3A_189 = arith.index_cast %add3A_162 : i32 to index
        %get3A_190 = arith.constant 32 : index
        %get3A_191 = tpu.vector_load %arg7[%get3A_189, %get3A_190] {strides = array<i32>} : memref<81x128xi32, #tpu.memory_space<vmem>>, vector<16xi32>,
        %and3A_192 = arith.constant 65535 : i32
        %and3A_193 = vector.broadcast %and3A_192 : i32 to vector<16xi32>
        %and3A_194 = arith.andi %get3A_191, %and3A_193 : vector<16xi32>
        %swap3A_195 = arith.constant 32 : index
        %swap3A_196 = tpu.vector_load %arg8[%swap3A_195] {strides = array<i32>} : memref<128xi32, #tpu.memory_space<vmem>>, vector<16xi32>,
        tpu.vector_store %arg8[%swap3A_195], %and3A_194 {strides = array<i32>} : memref<128xi32, #tpu.memory_space<vmem>>, vector<16xi32>,
        %shift_right_logical3A_197 = arith.constant 16 : i32
        %shift_right_logical3A_198 = vector.broadcast %shift_right_logical3A_197 : i32 to vector<16xi32>
        %shift_right_logical3A_199 = arith.shrui %get3A_191, %shift_right_logical3A_198 : vector<16xi32>
        %swap3A_200 = arith.constant 32 : index
        %swap3A_201 = tpu.vector_load %arg9[%swap3A_200] {strides = array<i32>} : memref<128xi32, #tpu.memory_space<vmem>>, vector<16xi32>,
        tpu.vector_store %arg9[%swap3A_200], %shift_right_logical3A_199 {strides = array<i32>} : memref<128xi32, #tpu.memory_space<vmem>>, vector<16xi32>,
        %get3A_202 = arith.index_cast %add3A_162 : i32 to index
        %get3A_203 = arith.constant 48 : index
        %get3A_204 = tpu.vector_load %arg7[%get3A_202, %get3A_203] {strides = array<i32>} : memref<81x128xi32, #tpu.memory_space<vmem>>, vector<16xi32>,
        %and3A_205 = arith.constant 65535 : i32
        %and3A_206 = vector.broadcast %and3A_205 : i32 to vector<16xi32>
        %and3A_207 = arith.andi %get3A_204, %and3A_206 : vector<16xi32>
        %swap3A_208 = arith.constant 48 : index
        %swap3A_209 = tpu.vector_load %arg8[%swap3A_208] {strides = array<i32>} : memref<128xi32, #tpu.memory_space<vmem>>, vector<16xi32>,
        tpu.vector_store %arg8[%swap3A_208], %and3A_207 {strides = array<i32>} : memref<128xi32, #tpu.memory_space<vmem>>, vector<16xi32>,
        %shift_right_logical3A_210 = arith.constant 16 : i32
        %shift_right_logical3A_211 = vector.broadcast %shift_right_logical3A_210 : i32 to vector<16xi32>
        %shift_right_logical3A_212 = arith.shrui %get3A_204, %shift_right_logical3A_211 : vector<16xi32>
        %swap3A_213 = arith.constant 48 : index
        %swap3A_214 = tpu.vector_load %arg9[%swap3A_213] {strides = array<i32>} : memref<128xi32, #tpu.memory_space<vmem>>, vector<16xi32>,
        tpu.vector_store %arg9[%swap3A_213], %shift_right_logical3A_212 {strides = array<i32>} : memref<128xi32, #tpu.memory_space<vmem>>, vector<16xi32>,
        %get3A_215 = arith.index_cast %add3A_162 : i32 to index
        %get3A_216 = arith.constant 64 : index
        %get3A_217 = tpu.vector_load %arg7[%get3A_215, %get3A_216] {strides = array<i32>} : memref<81x128xi32, #tpu.memory_space<vmem>>, vector<16xi32>,
        %and3A_218 = arith.constant 65535 : i32
        %and3A_219 = vector.broadcast %and3A_218 : i32 to vector<16xi32>
        %and3A_220 = arith.andi %get3A_217, %and3A_219 : vector<16xi32>
        %swap3A_221 = arith.constant 64 : index
        %swap3A_222 = tpu.vector_load %arg8[%swap3A_221] {strides = array<i32>} : memref<128xi32, #tpu.memory_space<vmem>>, vector<16xi32>,
        tpu.vector_store %arg8[%swap3A_221], %and3A_220 {strides = array<i32>} : memref<128xi32, #tpu.memory_space<vmem>>, vector<16xi32>,
        %shift_right_logical3A_223 = arith.constant 16 : i32
        %shift_right_logical3A_224 = vector.broadcast %shift_right_logical3A_223 : i32 to vector<16xi32>
        %shift_right_logical3A_225 = arith.shrui %get3A_217, %shift_right_logical3A_224 : vector<16xi32>
        %swap3A_226 = arith.constant 64 : index
        %swap3A_227 = tpu.vector_load %arg9[%swap3A_226] {strides = array<i32>} : memref<128xi32, #tpu.memory_space<vmem>>, vector<16xi32>,
        tpu.vector_store %arg9[%swap3A_226], %shift_right_logical3A_225 {strides = array<i32>} : memref<128xi32, #tpu.memory_space<vmem>>, vector<16xi32>,
        %get3A_228 = arith.index_cast %add3A_162 : i32 to index
        %get3A_229 = arith.constant 80 : index
        %get3A_230 = tpu.vector_load %arg7[%get3A_228, %get3A_229] {strides = array<i32>} : memref<81x128xi32, #tpu.memory_space<vmem>>, vector<16xi32>,
        %and3A_231 = arith.constant 65535 : i32
        %and3A_232 = vector.broadcast %and3A_231 : i32 to vector<16xi32>
        %and3A_233 = arith.andi %get3A_230, %and3A_232 : vector<16xi32>
        %swap3A_234 = arith.constant 80 : index
        %swap3A_235 = tpu.vector_load %arg8[%swap3A_234] {strides = array<i32>} : memref<128xi32, #tpu.memory_space<vmem>>, vector<16xi32>,
        tpu.vector_store %arg8[%swap3A_234], %and3A_233 {strides = array<i32>} : memref<128xi32, #tpu.memory_space<vmem>>, vector<16xi32>,
        %shift_right_logical3A_236 = arith.constant 16 : i32
        %shift_right_logical3A_237 = vector.broadcast %shift_right_logical3A_236 : i32 to vector<16xi32>
        %shift_right_logical3A_238 = arith.shrui %get3A_230, %shift_right_logical3A_237 : vector<16xi32>
        %swap3A_239 = arith.constant 80 : index
        %swap3A_240 = tpu.vector_load %arg9[%swap3A_239] {strides = array<i32>} : memref<128xi32, #tpu.memory_space<vmem>>, vector<16xi32>,
        tpu.vector_store %arg9[%swap3A_239], %shift_right_logical3A_238 {strides = array<i32>} : memref<128xi32, #tpu.memory_space<vmem>>, vector<16xi32>,
        %get3A_241 = arith.index_cast %add3A_162 : i32 to index
        %get3A_242 = arith.constant 96 : index
        %get3A_243 = tpu.vector_load %arg7[%get3A_241, %get3A_242] {strides = array<i32>} : memref<81x128xi32, #tpu.memory_space<vmem>>, vector<16xi32>,
        %and3A_244 = arith.constant 65535 : i32
        %and3A_245 = vector.broadcast %and3A_244 : i32 to vector<16xi32>
        %and3A_246 = arith.andi %get3A_243, %and3A_245 : vector<16xi32>
        %swap3A_247 = arith.constant 96 : index
        %swap3A_248 = tpu.vector_load %arg8[%swap3A_247] {strides = array<i32>} : memref<128xi32, #tpu.memory_space<vmem>>, vector<16xi32>,
        tpu.vector_store %arg8[%swap3A_247], %and3A_246 {strides = array<i32>} : memref<128xi32, #tpu.memory_space<vmem>>, vector<16xi32>,
        %shift_right_logical3A_249 = arith.constant 16 : i32
        %shift_right_logical3A_250 = vector.broadcast %shift_right_logical3A_249 : i32 to vector<16xi32>
        %shift_right_logical3A_251 = arith.shrui %get3A_243, %shift_right_logical3A_250 : vector<16xi32>
        %swap3A_252 = arith.constant 96 : index
        %swap3A_253 = tpu.vector_load %arg9[%swap3A_252] {strides = array<i32>} : memref<128xi32, #tpu.memory_space<vmem>>, vector<16xi32>,
        tpu.vector_store %arg9[%swap3A_252], %shift_right_logical3A_251 {strides = array<i32>} : memref<128xi32, #tpu.memory_space<vmem>>, vector<16xi32>,
        %get3A_254 = arith.index_cast %add3A_162 : i32 to index
        %get3A_255 = arith.constant 112 : index
        %get3A_256 = tpu.vector_load %arg7[%get3A_254, %get3A_255] {strides = array<i32>} : memref<81x128xi32, #tpu.memory_space<vmem>>, vector<16xi32>,
        %and3A_257 = arith.constant 65535 : i32
        %and3A_258 = vector.broadcast %and3A_257 : i32 to vector<16xi32>
        %and3A_259 = arith.andi %get3A_256, %and3A_258 : vector<16xi32>
        %swap3A_260 = arith.constant 112 : index
        %swap3A_261 = tpu.vector_load %arg8[%swap3A_260] {strides = array<i32>} : memref<128xi32, #tpu.memory_space<vmem>>, vector<16xi32>,
        tpu.vector_store %arg8[%swap3A_260], %and3A_259 {strides = array<i32>} : memref<128xi32, #tpu.memory_space<vmem>>, vector<16xi32>,
        %shift_right_logical3A_262 = arith.constant 16 : i32
        %shift_right_logical3A_263 = vector.broadcast %shift_right_logical3A_262 : i32 to vector<16xi32>
        %shift_right_logical3A_264 = arith.shrui %get3A_256, %shift_right_logical3A_263 : vector<16xi32>
        %swap3A_265 = arith.constant 112 : index
        %swap3A_266 = tpu.vector_load %arg9[%swap3A_265] {strides = array<i32>} : memref<128xi32, #tpu.memory_space<vmem>>, vector<16xi32>,
        tpu.vector_store %arg9[%swap3A_265], %shift_right_logical3A_264 {strides = array<i32>} : memref<128xi32, #tpu.memory_space<vmem>>, vector<16xi32>,
        %dma_start3A_267 = arith.constant 0 : i32
        %dma_start3A_268 = arith.constant 0 : i32
        %dma_start3A_269 = tpu.memref_slice %arg2[%dma_start3A_267, %dma_start3A_268] : memref<10112x128xf32, #tpu.memory_space<hbm>> -> memref<10112x128xf32, #tpu.memory_space<hbm>>
        tpu.enqueue_indirect_dma source(%dma_start3A_269 : memref<10112x128xf32, #tpu.memory_space<hbm>>) target(%arg12 : memref<128x128xf32, #tpu.memory_space<vmem>>) offsets(%arg8 : memref<128xi32, #tpu.memory_space<vmem>>) semaphore(%arg15 : memref<!tpu.dma_semaphore, #tpu.memory_space<semaphore_mem>>)
      } else {
      }
      %add3A_153 = arith.constant 1 : i32
      %add3A_154 = arith.addi %mul3A_139, %add3A_153 : i32
      %lt3A_155 = arith.constant 81 : i32
      %lt3A_156 = arith.cmpi slt, %add3A_154, %lt3A_155 : i32
      %convert_element_type3A_157 = arith.extui %lt3A_156 : i1 to i32
      %cond3A_158 = arith.constant 0 : i32
      %cond3A_159 = arith.cmpi ne, %convert_element_type3A_157, %cond3A_158 : i32
      scf.if %cond3A_159 {
        %dma_wait3A_161 = arith.constant 0 : i32
        %dma_wait3A_162 = arith.constant 0 : i32
        %dma_wait3A_163 = tpu.memref_slice %arg2[%dma_wait3A_161, %dma_wait3A_162] : memref<10112x128xf32, #tpu.memory_space<hbm>> -> memref<10112x128xf32, #tpu.memory_space<hbm>>
        tpu.wait_indirect_dma semaphore(%arg16 : memref<!tpu.dma_semaphore, #tpu.memory_space<semaphore_mem>>) src(%dma_wait3A_163 : memref<10112x128xf32, #tpu.memory_space<hbm>>) dst(%arg13 : memref<128x128xf32, #tpu.memory_space<vmem>>)
        "tpu.region"() ({
          %run_scoped3A = tpu.sem_alloc : memref<!tpu.dma_semaphore, #tpu.memory_space<semaphore_mem>>
          %dma_start3A_164 = arith.constant 0 : i32
          %dma_start3A_165 = arith.constant 0 : i32
          %dma_start3A_166 = tpu.memref_slice %arg14[%dma_start3A_164, %dma_start3A_165] : memref<10112x128xf32, #tpu.memory_space<vmem_shared>> -> memref<10112x128xf32, #tpu.memory_space<vmem_shared>>
          tpu.enqueue_indirect_dma source(%arg13 : memref<128x128xf32, #tpu.memory_space<vmem>>) target(%dma_start3A_166 : memref<10112x128xf32, #tpu.memory_space<vmem_shared>>) offsets(%arg11 : memref<128xi32, #tpu.memory_space<vmem>>) semaphore(%run_scoped3A : memref<!tpu.dma_semaphore, #tpu.memory_space<semaphore_mem>>) {add = true}
          %dma_wait3A_167 = arith.constant 0 : i32
          %dma_wait3A_168 = arith.constant 0 : i32
          %dma_wait3A_169 = tpu.memref_slice %arg14[%dma_wait3A_167, %dma_wait3A_168] : memref<10112x128xf32, #tpu.memory_space<vmem_shared>> -> memref<10112x128xf32, #tpu.memory_space<vmem_shared>>
          tpu.wait_indirect_dma semaphore(%run_scoped3A : memref<!tpu.dma_semaphore, #tpu.memory_space<semaphore_mem>>) src(%arg13 : memref<128x128xf32, #tpu.memory_space<vmem>>) dst(%dma_wait3A_169 : memref<10112x128xf32, #tpu.memory_space<vmem_shared>>)
          tpu.yield
        }) : () -> ()
      } else {
      }
      %scan3A_160 = arith.constant 0 : i32
      scf.yield %scan3A_160 : i32
    }
    %scan3A_134 = arith.constant 41 : i32
    %barrier3A_135 = arith.constant 0 : index
    tpu.barrier barrier_id(%barrier3A_135)
    "tpu.region"() ({
      %run_scoped3A = tpu.sem_alloc : memref<!tpu.dma_semaphore, #tpu.memory_space<semaphore_mem>>
      %dma_start3A_136 = arith.constant 0 : i32
      %dma_start3A_137 = tpu.memref_slice %arg6[%arg0, %mul3A_0, %dma_start3A_136] : memref<2x10112x128xf32, #tpu.memory_space<hbm>> -> memref<1x632x128xf32, #tpu.memory_space<hbm>>
      %dma_start3A_138 = tpu.memref_squeeze %dma_start3A_137 : memref<1x632x128xf32, #tpu.memory_space<hbm>> -> memref<632x128xf32, #tpu.memory_space<hbm>>
      %dma_start3A_139 = arith.constant 0 : i32
      %dma_start3A_140 = tpu.memref_slice %arg14[%mul3A_0, %dma_start3A_139] : memref<10112x128xf32, #tpu.memory_space<vmem_shared>> -> memref<632x128xf32, #tpu.memory_space<vmem_shared>>
      tpu.enqueue_dma source(%dma_start3A_140 : memref<632x128xf32, #tpu.memory_space<vmem_shared>>) target(%dma_start3A_138 : memref<632x128xf32, #tpu.memory_space<hbm>>) target_semaphore(%run_scoped3A : memref<!tpu.dma_semaphore, #tpu.memory_space<semaphore_mem>>)
      %dma_wait3A = arith.constant 0 : i32
      %dma_wait3A_141 = tpu.memref_slice %arg6[%arg0, %mul3A_0, %dma_wait3A] : memref<2x10112x128xf32, #tpu.memory_space<hbm>> -> memref<1x632x128xf32, #tpu.memory_space<hbm>>
      %dma_wait3A_142 = tpu.memref_squeeze %dma_wait3A_141 : memref<1x632x128xf32, #tpu.memory_space<hbm>> -> memref<632x128xf32, #tpu.memory_space<hbm>>
      %dma_wait3A_143 = arith.constant 0 : i32
      %dma_wait3A_144 = tpu.memref_slice %arg14[%mul3A_0, %dma_wait3A_143] : memref<10112x128xf32, #tpu.memory_space<vmem_shared>> -> memref<632x128xf32, #tpu.memory_space<vmem_shared>>
      tpu.wait_dma2 semaphore(%run_scoped3A : memref<!tpu.dma_semaphore, #tpu.memory_space<semaphore_mem>>) src(%dma_wait3A_144 : memref<632x128xf32, #tpu.memory_space<vmem_shared>>) dst(%dma_wait3A_142 : memref<632x128xf32, #tpu.memory_space<hbm>>)
      tpu.yield
    }) : () -> ()
    return
  }
}

module attributes {stable_mosaic.version = 14 : i64} {
  func.func @_dense_a_body(%arg0: i32, %arg1: memref<2x632x128xf32, #tpu.memory_space<vmem>>, %arg2: memref<632x128xf32, #tpu.memory_space<vmem>>, %arg3: memref<632x128xf32, #tpu.memory_space<vmem>>, %arg4: memref<632x128xf32, #tpu.memory_space<vmem>>, %arg5: memref<128x128xf32, #tpu.memory_space<vmem>>, %arg6: memref<1x128xf32, #tpu.memory_space<vmem>>, %arg7: memref<128x128xf32, #tpu.memory_space<vmem>>, %arg8: memref<632x128xf32, #tpu.memory_space<vmem>>, %arg9: memref<1x128xf32, #tpu.memory_space<vmem>>, %arg10: memref<1x128xf32, #tpu.memory_space<vmem>>) attributes {dimension_semantics = [#tpu.dimension_semantics<arbitrary>], iteration_bounds = array<i64: 16>, scalar_prefetch = 0 : i64, scratch_operands = 0 : i64, tpu.core_type = #tpu.core_type<tc>, window_params = [{transform_indices = @transform_0, window_bounds = array<i64: 2, 632, 128>}, {transform_indices = @transform_1, window_bounds = array<i64: 632, 128>}, {transform_indices = @transform_2, window_bounds = array<i64: 632, 128>}, {transform_indices = @transform_3, window_bounds = array<i64: 632, 128>}, {pipeline_mode = #tpu.pipeline_mode<synchronous>, transform_indices = @transform_4, window_bounds = array<i64: 128, 128>}, {pipeline_mode = #tpu.pipeline_mode<synchronous>, transform_indices = @transform_5, window_bounds = array<i64: 1, 128>}, {pipeline_mode = #tpu.pipeline_mode<synchronous>, transform_indices = @transform_6, window_bounds = array<i64: 128, 128>}, {transform_indices = @transform_7, window_bounds = array<i64: 632, 128>}, {pipeline_mode = #tpu.pipeline_mode<synchronous>, transform_indices = @transform_8, window_bounds = array<i64: 1, 128>}, {pipeline_mode = #tpu.pipeline_mode<synchronous>, transform_indices = @transform_9, window_bounds = array<i64: 1, 128>}]} {
    %get3A = arith.constant 0 : index
    %get3A_0 = arith.constant 0 : index
    %get3A_1 = arith.constant 0 : index
    %get3A_2 = vector.load %arg1[%get3A, %get3A_0, %get3A_1] : memref<2x632x128xf32, #tpu.memory_space<vmem>>, vector<1x632x128xf32>
    %get3A_3 = vector.shape_cast %get3A_2 : vector<1x632x128xf32> to vector<632x128xf32>
    %get3A_4 = arith.constant 1 : index
    %get3A_5 = arith.constant 0 : index
    %get3A_6 = arith.constant 0 : index
    %get3A_7 = vector.load %arg1[%get3A_4, %get3A_5, %get3A_6] : memref<2x632x128xf32, #tpu.memory_space<vmem>>, vector<1x632x128xf32>
    %get3A_8 = vector.shape_cast %get3A_7 : vector<1x632x128xf32> to vector<632x128xf32>
    %add3A = arith.addf %get3A_3, %get3A_8 : vector<632x128xf32>
    %get3A_9 = arith.constant 0 : index
    %get3A_10 = arith.constant 0 : index
    %get3A_11 = vector.load %arg2[%get3A_9, %get3A_10] : memref<632x128xf32, #tpu.memory_space<vmem>>, vector<632x1xf32>
    %get3A_12 = arith.constant 0 : index
    %get3A_13 = arith.constant 0 : index
    %get3A_14 = vector.load %arg3[%get3A_12, %get3A_13] : memref<632x128xf32, #tpu.memory_space<vmem>>, vector<632x1xf32>
    %add3A_15 = arith.addf %get3A_11, %get3A_14 : vector<632x1xf32>
    %max3A = arith.constant 1.000000e+00 : f32
    %max3A_16 = vector.broadcast %max3A : f32 to vector<632x1xf32>
    %max3A_17 = arith.maximumf %add3A_15, %max3A_16 : vector<632x1xf32>
    %div3A = arith.constant 1.000000e+00 : f32
    %div3A_18 = vector.broadcast %div3A : f32 to vector<632x1xf32>
    %div3A_19 = arith.divf %div3A_18, %max3A_17 : vector<632x1xf32>
    %mul3A = vector.broadcast %div3A_19 : vector<632x1xf32> to vector<632x128xf32>
    %mul3A_20 = arith.mulf %add3A, %mul3A : vector<632x128xf32>
    %get3A_21 = arith.constant 0 : index
    %get3A_22 = arith.constant 0 : index
    %get3A_23 = vector.load %arg5[%get3A_21, %get3A_22] : memref<128x128xf32, #tpu.memory_space<vmem>>, vector<128x128xf32>
    %transpose3A = tpu.transpose %get3A_23, [1, 0] : vector<128x128xf32> -> vector<128x128xf32>
    %dot_general3A = arith.constant dense<0.000000e+00> : vector<632x128xf32>
    %dot_general3A_24 = tpu.matmul %mul3A_20, %transpose3A, %dot_general3A {dimension_numbers = #tpu.dot_dimension_numbers<[1], [0], [0], [1], [0, 0, 1, 1], [], []>, transpose_lhs_hint = false} : vector<632x128xf32>, vector<128x128xf32>, vector<632x128xf32> -> vector<632x128xf32>
    %get3A_25 = arith.constant 0 : index
    %get3A_26 = arith.constant 0 : index
    %get3A_27 = vector.load %arg6[%get3A_25, %get3A_26] : memref<1x128xf32, #tpu.memory_space<vmem>>, vector<1x128xf32>
    %add3A_28 = vector.broadcast %get3A_27 : vector<1x128xf32> to vector<632x128xf32>
    %add3A_29 = arith.addf %dot_general3A_24, %add3A_28 : vector<632x128xf32>
    %get3A_30 = arith.constant 0 : index
    %get3A_31 = arith.constant 0 : index
    %get3A_32 = vector.load %arg4[%get3A_30, %get3A_31] : memref<632x128xf32, #tpu.memory_space<vmem>>, vector<632x128xf32>
    %get3A_33 = arith.constant 0 : index
    %get3A_34 = arith.constant 0 : index
    %get3A_35 = vector.load %arg7[%get3A_33, %get3A_34] : memref<128x128xf32, #tpu.memory_space<vmem>>, vector<128x128xf32>
    %transpose3A_36 = tpu.transpose %get3A_35, [1, 0] : vector<128x128xf32> -> vector<128x128xf32>
    %dot_general3A_37 = arith.constant dense<0.000000e+00> : vector<632x128xf32>
    %dot_general3A_38 = tpu.matmul %get3A_32, %transpose3A_36, %dot_general3A_37 {dimension_numbers = #tpu.dot_dimension_numbers<[1], [0], [0], [1], [0, 0, 1, 1], [], []>, transpose_lhs_hint = false} : vector<632x128xf32>, vector<128x128xf32>, vector<632x128xf32> -> vector<632x128xf32>
    %add3A_39 = arith.addf %add3A_29, %dot_general3A_38 : vector<632x128xf32>
    %max3A_40 = arith.constant 0.000000e+00 : f32
    %max3A_41 = vector.broadcast %max3A_40 : f32 to vector<632x128xf32>
    %max3A_42 = arith.maximumf %add3A_39, %max3A_41 : vector<632x128xf32>
    %swap3A = arith.constant 0 : index
    %swap3A_43 = arith.constant 0 : index
    %swap3A_44 = vector.load %arg8[%swap3A, %swap3A_43] : memref<632x128xf32, #tpu.memory_space<vmem>>, vector<632x128xf32>
    tpu.vector_store %arg8[%swap3A, %swap3A_43], %max3A_42 {strides = array<i32>} : memref<632x128xf32, #tpu.memory_space<vmem>>, vector<632x128xf32>,
    %iota3A = tpu.iota {dimensions = array<i32: 0>} : vector<632x1xi32>
    %mul3A_45 = arith.constant 632 : i32
    %mul3A_46 = arith.muli %arg0, %mul3A_45 : i32
    %add3A_47 = vector.broadcast %mul3A_46 : i32 to vector<632x1xi32>
    %add3A_48 = arith.addi %iota3A, %add3A_47 : vector<632x1xi32>
    %lt3A = arith.constant 10000 : i32
    %lt3A_49 = vector.broadcast %lt3A : i32 to vector<632x1xi32>
    %lt3A_50 = arith.cmpi slt, %add3A_48, %lt3A_49 : vector<632x1xi32>
    %jit3A = arith.constant 0.000000e+00 : f32
    %broadcast_in_dim3A = vector.shape_cast %lt3A_50 : vector<632x1xi1> to vector<632x1xi1>
    %broadcast_in_dim3A_51 = vector.broadcast %broadcast_in_dim3A : vector<632x1xi1> to vector<632x128xi1>
    %broadcast_in_dim3A_52 = vector.broadcast %jit3A : f32 to vector<632x128xf32>
    %select_n3A = arith.select %broadcast_in_dim3A_51, %max3A_42, %broadcast_in_dim3A_52 : vector<632x128xi1>, vector<632x128xf32>
    %eq3A = arith.constant 0 : i32
    %eq3A_53 = arith.cmpi eq, %arg0, %eq3A : i32
    %convert_element_type3A = arith.extui %eq3A_53 : i1 to i32
    %cond3A = arith.constant 0 : i32
    %cond3A_54 = arith.cmpi ne, %convert_element_type3A, %cond3A : i32
    scf.if %cond3A_54 {
      %broadcast_in_dim3A_75 = arith.constant 0.000000e+00 : f32
      %broadcast_in_dim3A_76 = vector.broadcast %broadcast_in_dim3A_75 : f32 to vector<1x128xf32>
      %swap3A_77 = arith.constant 0 : index
      %swap3A_78 = arith.constant 0 : index
      %swap3A_79 = vector.load %arg9[%swap3A_77, %swap3A_78] : memref<1x128xf32, #tpu.memory_space<vmem>>, vector<1x128xf32>
      tpu.vector_store %arg9[%swap3A_77, %swap3A_78], %broadcast_in_dim3A_76 {strides = array<i32>} : memref<1x128xf32, #tpu.memory_space<vmem>>, vector<1x128xf32>,
      %broadcast_in_dim3A_80 = arith.constant 0.000000e+00 : f32
      %broadcast_in_dim3A_81 = vector.broadcast %broadcast_in_dim3A_80 : f32 to vector<1x128xf32>
      %swap3A_82 = arith.constant 0 : index
      %swap3A_83 = arith.constant 0 : index
      %swap3A_84 = vector.load %arg10[%swap3A_82, %swap3A_83] : memref<1x128xf32, #tpu.memory_space<vmem>>, vector<1x128xf32>
      tpu.vector_store %arg10[%swap3A_82, %swap3A_83], %broadcast_in_dim3A_81 {strides = array<i32>} : memref<1x128xf32, #tpu.memory_space<vmem>>, vector<1x128xf32>,
    } else {
    }
    %get3A_55 = arith.constant 0 : index
    %get3A_56 = arith.constant 0 : index
    %get3A_57 = vector.load %arg9[%get3A_55, %get3A_56] : memref<1x128xf32, #tpu.memory_space<vmem>>, vector<1x128xf32>
    %reduce_sum3A = arith.constant dense<0.000000e+00> : vector<128xf32>
    %reduce_sum3A_58 = vector.multi_reduction <add>, %select_n3A, %reduce_sum3A [0] : vector<632x128xf32> to vector<128xf32>
    %broadcast_in_dim3A_59 = vector.shape_cast %reduce_sum3A_58 : vector<128xf32> to vector<1x128xf32>
    %add3A_60 = arith.addf %get3A_57, %broadcast_in_dim3A_59 : vector<1x128xf32>
    %swap3A_61 = arith.constant 0 : index
    %swap3A_62 = arith.constant 0 : index
    %swap3A_63 = vector.load %arg9[%swap3A_61, %swap3A_62] : memref<1x128xf32, #tpu.memory_space<vmem>>, vector<1x128xf32>
    tpu.vector_store %arg9[%swap3A_61, %swap3A_62], %add3A_60 {strides = array<i32>} : memref<1x128xf32, #tpu.memory_space<vmem>>, vector<1x128xf32>,
    %get3A_64 = arith.constant 0 : index
    %get3A_65 = arith.constant 0 : index
    %get3A_66 = vector.load %arg10[%get3A_64, %get3A_65] : memref<1x128xf32, #tpu.memory_space<vmem>>, vector<1x128xf32>
    %mul3A_67 = arith.mulf %select_n3A, %select_n3A : vector<632x128xf32>
    %reduce_sum3A_68 = arith.constant dense<0.000000e+00> : vector<128xf32>
    %reduce_sum3A_69 = vector.multi_reduction <add>, %mul3A_67, %reduce_sum3A_68 [0] : vector<632x128xf32> to vector<128xf32>
    %broadcast_in_dim3A_70 = vector.shape_cast %reduce_sum3A_69 : vector<128xf32> to vector<1x128xf32>
    %add3A_71 = arith.addf %get3A_66, %broadcast_in_dim3A_70 : vector<1x128xf32>
    %swap3A_72 = arith.constant 0 : index
    %swap3A_73 = arith.constant 0 : index
    %swap3A_74 = vector.load %arg10[%swap3A_72, %swap3A_73] : memref<1x128xf32, #tpu.memory_space<vmem>>, vector<1x128xf32>
    tpu.vector_store %arg10[%swap3A_72, %swap3A_73], %add3A_71 {strides = array<i32>} : memref<1x128xf32, #tpu.memory_space<vmem>>, vector<1x128xf32>,
    return
  }
  func.func @transform_0(%arg0: i32) -> (i32, i32, i32) {
    %c0_i32 = arith.constant 0 : i32
    %c0_i32_0 = arith.constant 0 : i32
    %c0_i32_1 = arith.constant 0 : i32
    return %c0_i32, %arg0, %c0_i32_0 : i32, i32, i32
  }
  func.func @transform_1(%arg0: i32) -> (i32, i32) {
    %c0_i32 = arith.constant 0 : i32
    %c0_i32_0 = arith.constant 0 : i32
    return %arg0, %c0_i32 : i32, i32
  }
  func.func @transform_2(%arg0: i32) -> (i32, i32) {
    %c0_i32 = arith.constant 0 : i32
    %c0_i32_0 = arith.constant 0 : i32
    return %arg0, %c0_i32 : i32, i32
  }
  func.func @transform_3(%arg0: i32) -> (i32, i32) {
    %c0_i32 = arith.constant 0 : i32
    %c0_i32_0 = arith.constant 0 : i32
    return %arg0, %c0_i32 : i32, i32
  }
  func.func @transform_4(%arg0: i32) -> (i32, i32) {
    %c0_i32 = arith.constant 0 : i32
    %c0_i32_0 = arith.constant 0 : i32
    %c0_i32_1 = arith.constant 0 : i32
    return %c0_i32, %c0_i32_0 : i32, i32
  }
  func.func @transform_5(%arg0: i32) -> (i32, i32) {
    %c0_i32 = arith.constant 0 : i32
    %c0_i32_0 = arith.constant 0 : i32
    %c0_i32_1 = arith.constant 0 : i32
    return %c0_i32, %c0_i32_0 : i32, i32
  }
  func.func @transform_6(%arg0: i32) -> (i32, i32) {
    %c0_i32 = arith.constant 0 : i32
    %c0_i32_0 = arith.constant 0 : i32
    %c0_i32_1 = arith.constant 0 : i32
    return %c0_i32, %c0_i32_0 : i32, i32
  }
  func.func @transform_7(%arg0: i32) -> (i32, i32) {
    %c0_i32 = arith.constant 0 : i32
    %c0_i32_0 = arith.constant 0 : i32
    return %arg0, %c0_i32 : i32, i32
  }
  func.func @transform_8(%arg0: i32) -> (i32, i32) {
    %c0_i32 = arith.constant 0 : i32
    %c0_i32_0 = arith.constant 0 : i32
    %c0_i32_1 = arith.constant 0 : i32
    return %c0_i32, %c0_i32_0 : i32, i32
  }
  func.func @transform_9(%arg0: i32) -> (i32, i32) {
    %c0_i32 = arith.constant 0 : i32
    %c0_i32_0 = arith.constant 0 : i32
    %c0_i32_1 = arith.constant 0 : i32
    return %c0_i32, %c0_i32_0 : i32, i32
  }
}

module attributes {stable_mosaic.version = 14 : i64} {
  func.func @_dense_b_body(%arg0: i32, %arg1: memref<632x128xf32, #tpu.memory_space<vmem>>, %arg2: memref<1x128xf32, #tpu.memory_space<vmem>>, %arg3: memref<1x128xf32, #tpu.memory_space<vmem>>, %arg4: memref<1x128xf32, #tpu.memory_space<vmem>>, %arg5: memref<1x128xf32, #tpu.memory_space<vmem>>, %arg6: memref<1x128xf32, #tpu.memory_space<vmem>>, %arg7: memref<632x128xf32, #tpu.memory_space<vmem>>) attributes {dimension_semantics = [#tpu.dimension_semantics<arbitrary>], iteration_bounds = array<i64: 16>, scalar_prefetch = 0 : i64, scratch_operands = 0 : i64, tpu.core_type = #tpu.core_type<tc>, window_params = [{transform_indices = @transform_0, window_bounds = array<i64: 632, 128>}, {pipeline_mode = #tpu.pipeline_mode<synchronous>, transform_indices = @transform_1, window_bounds = array<i64: 1, 128>}, {pipeline_mode = #tpu.pipeline_mode<synchronous>, transform_indices = @transform_2, window_bounds = array<i64: 1, 128>}, {pipeline_mode = #tpu.pipeline_mode<synchronous>, transform_indices = @transform_3, window_bounds = array<i64: 1, 128>}, {pipeline_mode = #tpu.pipeline_mode<synchronous>, transform_indices = @transform_4, window_bounds = array<i64: 1, 128>}, {pipeline_mode = #tpu.pipeline_mode<synchronous>, transform_indices = @transform_5, window_bounds = array<i64: 1, 128>}, {transform_indices = @transform_6, window_bounds = array<i64: 632, 128>}]} {
    %get3A = arith.constant 0 : index
    %get3A_0 = arith.constant 0 : index
    %get3A_1 = vector.load %arg2[%get3A, %get3A_0] : memref<1x128xf32, #tpu.memory_space<vmem>>, vector<1x128xf32>
    %mul3A = arith.constant 9.99999974E-5 : f32
    %mul3A_2 = vector.broadcast %mul3A : f32 to vector<1x128xf32>
    %mul3A_3 = arith.mulf %get3A_1, %mul3A_2 : vector<1x128xf32>
    %get3A_4 = arith.constant 0 : index
    %get3A_5 = arith.constant 0 : index
    %get3A_6 = vector.load %arg3[%get3A_4, %get3A_5] : memref<1x128xf32, #tpu.memory_space<vmem>>, vector<1x128xf32>
    %mul3A_7 = arith.constant 9.99999974E-5 : f32
    %mul3A_8 = vector.broadcast %mul3A_7 : f32 to vector<1x128xf32>
    %mul3A_9 = arith.mulf %get3A_6, %mul3A_8 : vector<1x128xf32>
    %get3A_10 = arith.constant 0 : index
    %get3A_11 = arith.constant 0 : index
    %get3A_12 = vector.load %arg6[%get3A_10, %get3A_11] : memref<1x128xf32, #tpu.memory_space<vmem>>, vector<1x128xf32>
    %mul3A_13 = arith.constant 2.000000e+00 : f32
    %mul3A_14 = vector.broadcast %mul3A_13 : f32 to vector<1x128xf32>
    %mul3A_15 = arith.mulf %mul3A_14, %get3A_12 : vector<1x128xf32>
    %mul3A_16 = arith.mulf %get3A_12, %get3A_12 : vector<1x128xf32>
    %sub3A = arith.subf %mul3A_15, %mul3A_16 : vector<1x128xf32>
    %mul3A_17 = arith.mulf %mul3A_3, %mul3A_3 : vector<1x128xf32>
    %mul3A_18 = arith.mulf %sub3A, %mul3A_17 : vector<1x128xf32>
    %sub3A_19 = arith.subf %mul3A_9, %mul3A_18 : vector<1x128xf32>
    %add3A = arith.constant 9.99999974E-6 : f32
    %add3A_20 = vector.broadcast %add3A : f32 to vector<1x128xf32>
    %add3A_21 = arith.addf %sub3A_19, %add3A_20 : vector<1x128xf32>
    %rsqrt3A = math.rsqrt %add3A_21 : vector<1x128xf32>
    %get3A_22 = arith.constant 0 : index
    %get3A_23 = arith.constant 0 : index
    %get3A_24 = vector.load %arg4[%get3A_22, %get3A_23] : memref<1x128xf32, #tpu.memory_space<vmem>>, vector<1x128xf32>
    %mul3A_25 = arith.mulf %rsqrt3A, %get3A_24 : vector<1x128xf32>
    %get3A_26 = arith.constant 0 : index
    %get3A_27 = arith.constant 0 : index
    %get3A_28 = vector.load %arg1[%get3A_26, %get3A_27] : memref<632x128xf32, #tpu.memory_space<vmem>>, vector<632x128xf32>
    %mul3A_29 = arith.mulf %mul3A_3, %get3A_12 : vector<1x128xf32>
    %sub3A_30 = vector.broadcast %mul3A_29 : vector<1x128xf32> to vector<632x128xf32>
    %sub3A_31 = arith.subf %get3A_28, %sub3A_30 : vector<632x128xf32>
    %mul3A_32 = vector.broadcast %mul3A_25 : vector<1x128xf32> to vector<632x128xf32>
    %mul3A_33 = arith.mulf %sub3A_31, %mul3A_32 : vector<632x128xf32>
    %get3A_34 = arith.constant 0 : index
    %get3A_35 = arith.constant 0 : index
    %get3A_36 = vector.load %arg5[%get3A_34, %get3A_35] : memref<1x128xf32, #tpu.memory_space<vmem>>, vector<1x128xf32>
    %add3A_37 = vector.broadcast %get3A_36 : vector<1x128xf32> to vector<632x128xf32>
    %add3A_38 = arith.addf %mul3A_33, %add3A_37 : vector<632x128xf32>
    %max3A = arith.constant 0.000000e+00 : f32
    %max3A_39 = vector.broadcast %max3A : f32 to vector<632x128xf32>
    %max3A_40 = arith.maximumf %add3A_38, %max3A_39 : vector<632x128xf32>
    %swap3A = arith.constant 0 : index
    %swap3A_41 = arith.constant 0 : index
    %swap3A_42 = vector.load %arg7[%swap3A, %swap3A_41] : memref<632x128xf32, #tpu.memory_space<vmem>>, vector<632x128xf32>
    tpu.vector_store %arg7[%swap3A, %swap3A_41], %max3A_40 {strides = array<i32>} : memref<632x128xf32, #tpu.memory_space<vmem>>, vector<632x128xf32>,
    return
  }
  func.func @transform_0(%arg0: i32) -> (i32, i32) {
    %c0_i32 = arith.constant 0 : i32
    %c0_i32_0 = arith.constant 0 : i32
    return %arg0, %c0_i32 : i32, i32
  }
  func.func @transform_1(%arg0: i32) -> (i32, i32) {
    %c0_i32 = arith.constant 0 : i32
    %c0_i32_0 = arith.constant 0 : i32
    %c0_i32_1 = arith.constant 0 : i32
    return %c0_i32, %c0_i32_0 : i32, i32
  }
  func.func @transform_2(%arg0: i32) -> (i32, i32) {
    %c0_i32 = arith.constant 0 : i32
    %c0_i32_0 = arith.constant 0 : i32
    %c0_i32_1 = arith.constant 0 : i32
    return %c0_i32, %c0_i32_0 : i32, i32
  }
  func.func @transform_3(%arg0: i32) -> (i32, i32) {
    %c0_i32 = arith.constant 0 : i32
    %c0_i32_0 = arith.constant 0 : i32
    %c0_i32_1 = arith.constant 0 : i32
    return %c0_i32, %c0_i32_0 : i32, i32
  }
  func.func @transform_4(%arg0: i32) -> (i32, i32) {
    %c0_i32 = arith.constant 0 : i32
    %c0_i32_0 = arith.constant 0 : i32
    %c0_i32_1 = arith.constant 0 : i32
    return %c0_i32, %c0_i32_0 : i32, i32
  }
  func.func @transform_5(%arg0: i32) -> (i32, i32) {
    %c0_i32 = arith.constant 0 : i32
    %c0_i32_0 = arith.constant 0 : i32
    %c0_i32_1 = arith.constant 0 : i32
    return %c0_i32, %c0_i32_0 : i32, i32
  }
  func.func @transform_6(%arg0: i32) -> (i32, i32) {
    %c0_i32 = arith.constant 0 : i32
    %c0_i32_0 = arith.constant 0 : i32
    return %arg0, %c0_i32 : i32, i32
  }
}

module attributes {stable_mosaic.version = 14 : i64} {
  func.func @_dense_b2_body(%arg0: i32, %arg1: memref<632x128xf32, #tpu.memory_space<vmem>>, %arg2: memref<1x128xf32, #tpu.memory_space<vmem>>, %arg3: memref<1x128xf32, #tpu.memory_space<vmem>>, %arg4: memref<1x128xf32, #tpu.memory_space<vmem>>, %arg5: memref<1x128xf32, #tpu.memory_space<vmem>>, %arg6: memref<1x128xf32, #tpu.memory_space<vmem>>, %arg7: memref<64x128xf32, #tpu.memory_space<vmem>>, %arg8: memref<1x64xf32, #tpu.memory_space<vmem>>, %arg9: memref<632x64xf32, #tpu.memory_space<vmem>>) attributes {dimension_semantics = [#tpu.dimension_semantics<arbitrary>], iteration_bounds = array<i64: 16>, scalar_prefetch = 0 : i64, scratch_operands = 0 : i64, tpu.core_type = #tpu.core_type<tc>, window_params = [{transform_indices = @transform_0, window_bounds = array<i64: 632, 128>}, {pipeline_mode = #tpu.pipeline_mode<synchronous>, transform_indices = @transform_1, window_bounds = array<i64: 1, 128>}, {pipeline_mode = #tpu.pipeline_mode<synchronous>, transform_indices = @transform_2, window_bounds = array<i64: 1, 128>}, {pipeline_mode = #tpu.pipeline_mode<synchronous>, transform_indices = @transform_3, window_bounds = array<i64: 1, 128>}, {pipeline_mode = #tpu.pipeline_mode<synchronous>, transform_indices = @transform_4, window_bounds = array<i64: 1, 128>}, {pipeline_mode = #tpu.pipeline_mode<synchronous>, transform_indices = @transform_5, window_bounds = array<i64: 1, 128>}, {pipeline_mode = #tpu.pipeline_mode<synchronous>, transform_indices = @transform_6, window_bounds = array<i64: 64, 128>}, {pipeline_mode = #tpu.pipeline_mode<synchronous>, transform_indices = @transform_7, window_bounds = array<i64: 1, 64>}, {transform_indices = @transform_8, window_bounds = array<i64: 632, 64>}]} {
    %get3A = arith.constant 0 : index
    %get3A_0 = arith.constant 0 : index
    %get3A_1 = vector.load %arg2[%get3A, %get3A_0] : memref<1x128xf32, #tpu.memory_space<vmem>>, vector<1x128xf32>
    %mul3A = arith.constant 9.99999974E-5 : f32
    %mul3A_2 = vector.broadcast %mul3A : f32 to vector<1x128xf32>
    %mul3A_3 = arith.mulf %get3A_1, %mul3A_2 : vector<1x128xf32>
    %get3A_4 = arith.constant 0 : index
    %get3A_5 = arith.constant 0 : index
    %get3A_6 = vector.load %arg3[%get3A_4, %get3A_5] : memref<1x128xf32, #tpu.memory_space<vmem>>, vector<1x128xf32>
    %mul3A_7 = arith.constant 9.99999974E-5 : f32
    %mul3A_8 = vector.broadcast %mul3A_7 : f32 to vector<1x128xf32>
    %mul3A_9 = arith.mulf %get3A_6, %mul3A_8 : vector<1x128xf32>
    %get3A_10 = arith.constant 0 : index
    %get3A_11 = arith.constant 0 : index
    %get3A_12 = vector.load %arg6[%get3A_10, %get3A_11] : memref<1x128xf32, #tpu.memory_space<vmem>>, vector<1x128xf32>
    %mul3A_13 = arith.constant 2.000000e+00 : f32
    %mul3A_14 = vector.broadcast %mul3A_13 : f32 to vector<1x128xf32>
    %mul3A_15 = arith.mulf %mul3A_14, %get3A_12 : vector<1x128xf32>
    %mul3A_16 = arith.mulf %get3A_12, %get3A_12 : vector<1x128xf32>
    %sub3A = arith.subf %mul3A_15, %mul3A_16 : vector<1x128xf32>
    %mul3A_17 = arith.mulf %mul3A_3, %mul3A_3 : vector<1x128xf32>
    %mul3A_18 = arith.mulf %sub3A, %mul3A_17 : vector<1x128xf32>
    %sub3A_19 = arith.subf %mul3A_9, %mul3A_18 : vector<1x128xf32>
    %add3A = arith.constant 9.99999974E-6 : f32
    %add3A_20 = vector.broadcast %add3A : f32 to vector<1x128xf32>
    %add3A_21 = arith.addf %sub3A_19, %add3A_20 : vector<1x128xf32>
    %rsqrt3A = math.rsqrt %add3A_21 : vector<1x128xf32>
    %get3A_22 = arith.constant 0 : index
    %get3A_23 = arith.constant 0 : index
    %get3A_24 = vector.load %arg4[%get3A_22, %get3A_23] : memref<1x128xf32, #tpu.memory_space<vmem>>, vector<1x128xf32>
    %mul3A_25 = arith.mulf %rsqrt3A, %get3A_24 : vector<1x128xf32>
    %get3A_26 = arith.constant 0 : index
    %get3A_27 = arith.constant 0 : index
    %get3A_28 = vector.load %arg1[%get3A_26, %get3A_27] : memref<632x128xf32, #tpu.memory_space<vmem>>, vector<632x128xf32>
    %mul3A_29 = arith.mulf %mul3A_3, %get3A_12 : vector<1x128xf32>
    %sub3A_30 = vector.broadcast %mul3A_29 : vector<1x128xf32> to vector<632x128xf32>
    %sub3A_31 = arith.subf %get3A_28, %sub3A_30 : vector<632x128xf32>
    %mul3A_32 = vector.broadcast %mul3A_25 : vector<1x128xf32> to vector<632x128xf32>
    %mul3A_33 = arith.mulf %sub3A_31, %mul3A_32 : vector<632x128xf32>
    %get3A_34 = arith.constant 0 : index
    %get3A_35 = arith.constant 0 : index
    %get3A_36 = vector.load %arg5[%get3A_34, %get3A_35] : memref<1x128xf32, #tpu.memory_space<vmem>>, vector<1x128xf32>
    %add3A_37 = vector.broadcast %get3A_36 : vector<1x128xf32> to vector<632x128xf32>
    %add3A_38 = arith.addf %mul3A_33, %add3A_37 : vector<632x128xf32>
    %max3A = arith.constant 0.000000e+00 : f32
    %max3A_39 = vector.broadcast %max3A : f32 to vector<632x128xf32>
    %max3A_40 = arith.maximumf %add3A_38, %max3A_39 : vector<632x128xf32>
    %get3A_41 = arith.constant 0 : index
    %get3A_42 = arith.constant 0 : index
    %get3A_43 = vector.load %arg7[%get3A_41, %get3A_42] : memref<64x128xf32, #tpu.memory_space<vmem>>, vector<64x128xf32>
    %transpose3A = tpu.transpose %get3A_43, [1, 0] : vector<64x128xf32> -> vector<128x64xf32>
    %dot_general3A = arith.constant dense<0.000000e+00> : vector<632x64xf32>
    %dot_general3A_44 = tpu.matmul %max3A_40, %transpose3A, %dot_general3A {dimension_numbers = #tpu.dot_dimension_numbers<[1], [0], [0], [1], [0, 0, 1, 1], [], []>, transpose_lhs_hint = false} : vector<632x128xf32>, vector<128x64xf32>, vector<632x64xf32> -> vector<632x64xf32>
    %get3A_45 = arith.constant 0 : index
    %get3A_46 = arith.constant 0 : index
    %get3A_47 = vector.load %arg8[%get3A_45, %get3A_46] : memref<1x64xf32, #tpu.memory_space<vmem>>, vector<1x64xf32>
    %add3A_48 = vector.broadcast %get3A_47 : vector<1x64xf32> to vector<632x64xf32>
    %add3A_49 = arith.addf %dot_general3A_44, %add3A_48 : vector<632x64xf32>
    %swap3A = arith.constant 0 : index
    %swap3A_50 = arith.constant 0 : index
    %swap3A_51 = vector.load %arg9[%swap3A, %swap3A_50] : memref<632x64xf32, #tpu.memory_space<vmem>>, vector<632x64xf32>
    tpu.vector_store %arg9[%swap3A, %swap3A_50], %add3A_49 {strides = array<i32>} : memref<632x64xf32, #tpu.memory_space<vmem>>, vector<632x64xf32>,
    return
  }
  func.func @transform_0(%arg0: i32) -> (i32, i32) {
    %c0_i32 = arith.constant 0 : i32
    %c0_i32_0 = arith.constant 0 : i32
    return %arg0, %c0_i32 : i32, i32
  }
  func.func @transform_1(%arg0: i32) -> (i32, i32) {
    %c0_i32 = arith.constant 0 : i32
    %c0_i32_0 = arith.constant 0 : i32
    %c0_i32_1 = arith.constant 0 : i32
    return %c0_i32, %c0_i32_0 : i32, i32
  }
  func.func @transform_2(%arg0: i32) -> (i32, i32) {
    %c0_i32 = arith.constant 0 : i32
    %c0_i32_0 = arith.constant 0 : i32
    %c0_i32_1 = arith.constant 0 : i32
    return %c0_i32, %c0_i32_0 : i32, i32
  }
  func.func @transform_3(%arg0: i32) -> (i32, i32) {
    %c0_i32 = arith.constant 0 : i32
    %c0_i32_0 = arith.constant 0 : i32
    %c0_i32_1 = arith.constant 0 : i32
    return %c0_i32, %c0_i32_0 : i32, i32
  }
  func.func @transform_4(%arg0: i32) -> (i32, i32) {
    %c0_i32 = arith.constant 0 : i32
    %c0_i32_0 = arith.constant 0 : i32
    %c0_i32_1 = arith.constant 0 : i32
    return %c0_i32, %c0_i32_0 : i32, i32
  }
  func.func @transform_5(%arg0: i32) -> (i32, i32) {
    %c0_i32 = arith.constant 0 : i32
    %c0_i32_0 = arith.constant 0 : i32
    %c0_i32_1 = arith.constant 0 : i32
    return %c0_i32, %c0_i32_0 : i32, i32
  }
  func.func @transform_6(%arg0: i32) -> (i32, i32) {
    %c0_i32 = arith.constant 0 : i32
    %c0_i32_0 = arith.constant 0 : i32
    %c0_i32_1 = arith.constant 0 : i32
    return %c0_i32, %c0_i32_0 : i32, i32
  }
  func.func @transform_7(%arg0: i32) -> (i32, i32) {
    %c0_i32 = arith.constant 0 : i32
    %c0_i32_0 = arith.constant 0 : i32
    %c0_i32_1 = arith.constant 0 : i32
    return %c0_i32, %c0_i32_0 : i32, i32
  }
  func.func @transform_8(%arg0: i32) -> (i32, i32) {
    %c0_i32 = arith.constant 0 : i32
    %c0_i32_0 = arith.constant 0 : i32
    return %arg0, %c0_i32 : i32, i32
  }
}

</mosaic_0001>

<sc_bundles>
// kernel: kernel.12.cloned.1.call-start
scs
__scs_entry_jumppad:
0x0: {  	(pc) =	sbr.rel $0x88, $3  }
0x1: {  	(tag) =	ssettag $0x0;
	lr =	simm.s32 $0x1  }
0x2: {  	[smem:$0x3F91] =	sst lr;
	_ =	strace $0xD0000000  }
0x3: {  	_ = 	snop  }
0x4: {  	_ = 	snop  }
0x5: {  	_ = 	snop  }
0x6: {  	_ = 	snop  }
0x7: {  	_ = 	snop  }
__scs_overlays_trampoline_lowered:
0x8: {  	[smem:$0x3FA0] =	sst s0  }
0x9: {  	[smem:$0x3FA1] =	sst s1  }
0xa: {  	[smem:$0x3FA2] =	sst s2  }
0xb: {  	[smem:$0x3FA3] =	sst s3  }
0xc: {  	[smem:$0x3FA4] =	sst s4  }
0xd: {  	[smem:$0x3FA5] =	sst s5  }
0xe: {  	[smem:$0x3FA6] =	sst s6  }
0xf: {  	[smem:$0x3FA7] =	sst s7  }
0x10: {  	[smem:$0x3FA8] =	sst s8  }
0x11: {  	[smem:$0x3FA9] =	sst s9;
	s0 =	simm.s32 @!p0 $0x0  }
0x12: {  	s1 =	sld [smem:$0x3F8F];
	s0 =	simm.s32 @p0 $0x1  }
0x13: {  	[smem:$0x3FAA] =	sst s0;
	s0 =	simm.s32 @!p1 $0x0  }
0x14: {  	s2 =	sld [smem:$0x3F8E];
	s0 =	simm.s32 @p1 $0x1  }
0x15: {  	[smem:$0x3FAB] =	sst s0;
	s0 =	simm.s32 @!p2 $0x0  }
0x16: {  	s3 =	sld [smem:$0x3FDB];
	s0 =	simm.s32 @p2 $0x1  }
0x17: {  	s4 =	simm.s32 $0x1BF5;
	[smem:$0x3FAD] =	sst s0  }
0x18: {  	s0 =	sld [smem:$0x3F90];
	_ =	swait.ge [sflag:s4], $0x0  }
0x19: {  	s7 =	sld [smem:$0x3F91]  }
0x1a: {  	s8 =	sadd.s32 $0xFFFFE003, lr  }
0x1b: {  	s9 =	sadd.s32 $0xFFFFFEF7, lr;
	s5 =	simm.s32 $0xFFFFFFFF;
	p2 =	slt.u32 s8, $0xFFFFF086  }
0x1c: {  	p1 =	slt.u32 s9, $0xF7A;
	s5 =	simm.s32 @!p2 $0x0  }
0x1d: {  	s5 =	simm.s32 @p1 $0x1;
	p0 =	seq.s32 s7, s2  }
0x1e: {  	s7 =	smul.u32 @!p0 $0xF7A, s2;
	p2 =	seq.s32 @!p0 s5, $0x0  }
0x1f: {  	s9 =	smul.u32 $0xF7A, s1;
	s8 =	simm.s32 @!p0 $0x1BF5;
	p2 =	por !p2, p0  }
0x20: {  	[sflag:s8] =	ssyncset.s32 @!p0 $0xFFFFF086;
	s6 =	sadd.s32 @!p0 s3, s7;
	s7 =	simm.s32 @!p0 $0x108  }
0x21: {  	s3 =	sadd.s32 s3, s9;
	s6 =	sadd.s32 @!p0 $0x88, s6;
	s7 =	simm.s32 @p2 $0x1082  }
0x22: {  	[simem:s7], [sflag:s8] =	dma.local @!p0 [hbm:s6], $0xF7A  }
0x23: {  	s9 =	sor.u32 $0xD0000000, s2;
	s6 =	simm.s32 $0x108;
	_ =	swait.ge @!p0 [sflag:s8], $0x0  }
0x24: {  	s3 =	sadd.s32 $0x88, s3;
	s6 =	simm.s32 @!p1 $0x1082;
	[sflag:s4] =	ssyncset.s32 $0xFFFFF086  }
0x25: {  	[simem:s6], [sflag:s4] =	dma.local [hbm:s3], $0xF7A  }
0x26: {  	[smem:$0x3F91] =	sst s1;
	(tag) =	ssettag s2;
	_ =	strace s9  }
0x27: {  	s1 =	sld [smem:$0x3FA1]  }
0x28: {  	s2 =	sld [smem:$0x3FA2]  }
0x29: {  	s4 =	sld [smem:$0x3FA4]  }
0x2a: {  	p0 =	seq.s32 s5, $0x0;
	s5 =	sld [smem:$0x3FA5]  }
0x2b: {  	s6 =	sld [smem:$0x3FA6]  }
0x2c: {  	s7 =	sld [smem:$0x3FA7]  }
0x2d: {  	s3 =	simm.s32 $0x108;
	s8 =	sld [smem:$0x3FA8]  }
0x2e: {  	s3 =	simm.s32 @!p0 $0x1082;
	s9 =	sld [smem:$0x3FA9]  }
0x2f: {  	lr =	sadd.s32 s0, s3;
	s0 =	sld [smem:$0x3FA0]  }
0x30: {  	s3 =	sld [smem:$0x3FA3]  }
0x31: {  	[smem:$0x3FAC] =	sst s10  }
0x32: {  	s10 =	sld [smem:$0x3FAA];
	_ =	sdelay $0x3  }
0x33: {  	p0 =	seq.s32 s10, $0x1;
	s10 =	sld [smem:$0x3FAC];
	_ =	sdelay $0x3  }
0x34: {  	[smem:$0x3FAC] =	sst s10  }
0x35: {  	s10 =	sld [smem:$0x3FAB];
	_ =	sdelay $0x3  }
0x36: {  	p1 =	seq.s32 s10, $0x1;
	s10 =	sld [smem:$0x3FAC];
	_ =	sdelay $0x3  }
0x37: {  	[smem:$0x3FAC] =	sst s10  }
0x38: {  	s10 =	sld [smem:$0x3FAD]  }
0x39: {  	_ = 	snop;
	(pc) =	sbr.ind lr, $3  }
0x3a: {  	_ = 	snop  }
0x3b: {  	_ = 	snop  }
0x3c: {  	p2 =	seq.s32 s10, $0x1;
	s10 =	sld [smem:$0x3FAC]  }
0x3d: {  	_ =	shalt  }
0x3e: {  	_ =	shalt  }
0x3f: {  	_ =	shalt  }
0x40: {  	_ =	shalt  }
0x41: {  	_ =	shalt  }
0x42: {  	_ =	shalt  }
0x43: {  	_ =	shalt  }
0x44: {  	_ =	shalt  }
0x45: {  	_ =	shalt  }
0x46: {  	_ =	shalt  }
0x47: {  	_ =	shalt  }
0x48: {  	_ =	shalt  }
0x49: {  	_ =	shalt  }
0x4a: {  	_ =	shalt  }
0x4b: {  	_ =	shalt  }
0x4c: {  	_ =	shalt  }
0x4d: {  	_ =	shalt  }
0x4e: {  	_ =	shalt  }
0x4f: {  	_ =	shalt  }
0x50: {  	_ =	shalt  }
0x51: {  	_ =	shalt  }
0x52: {  	_ =	shalt  }
0x53: {  	_ =	shalt  }
0x54: {  	_ =	shalt  }
0x55: {  	_ =	shalt  }
0x56: {  	_ =	shalt  }
0x57: {  	_ =	shalt  }
0x58: {  	_ =	shalt  }
0x59: {  	_ =	shalt  }
0x5a: {  	_ =	shalt  }
0x5b: {  	_ =	shalt  }
0x5c: {  	_ =	shalt  }
0x5d: {  	_ =	shalt  }
0x5e: {  	_ =	shalt  }
0x5f: {  	_ =	shalt  }
0x60: {  	_ =	shalt  }
0x61: {  	_ =	shalt  }
0x62: {  	_ =	shalt  }
0x63: {  	_ =	shalt  }
0x64: {  	_ =	shalt  }
0x65: {  	_ =	shalt  }
0x66: {  	_ =	shalt  }
0x67: {  	_ =	shalt  }
0x68: {  	_ =	shalt  }
0x69: {  	_ =	shalt  }
0x6a: {  	_ =	shalt  }
0x6b: {  	_ =	shalt  }
0x6c: {  	_ =	shalt  }
0x6d: {  	_ =	shalt  }
0x6e: {  	_ =	shalt  }
0x6f: {  	_ =	shalt  }
0x70: {  	_ =	shalt  }
0x71: {  	_ =	shalt  }
0x72: {  	_ =	shalt  }
0x73: {  	_ =	shalt  }
0x74: {  	_ =	shalt  }
0x75: {  	_ =	shalt  }
0x76: {  	_ =	shalt  }
0x77: {  	_ =	shalt  }
0x78: {  	_ =	shalt  }
0x79: {  	_ =	shalt  }
0x7a: {  	_ =	shalt  }
0x7b: {  	_ =	shalt  }
0x7c: {  	_ =	shalt  }
0x7d: {  	_ =	shalt  }
0x7e: {  	_ =	shalt  }
0x7f: {  	_ =	shalt  }
0x80: {  	_ =	shalt  }
0x81: {  	_ =	shalt  }
0x82: {  	_ =	shalt  }
0x83: {  	_ =	shalt  }
0x84: {  	_ =	shalt  }
0x85: {  	_ =	shalt  }
0x86: {  	_ =	shalt  }
0x87: {  	_ =	shalt  }
.Lfunc_end0:
.L_simem_size_0:
called_computation.1_lowered:
.L_overlay_start_0:
0x88: {  	s2 =	sld [smem:$0x3FD9]  }
0x89: {  	s3 =	sld [smem:$0x3FFE];
	_ =	sdelay $0x1  }
0x8a: {  	s1 =	srdreg.scid  }
0x8b: {  	s0 =	sand.u32 $0x1, s1  }
0x8c: {  	s17 =	sshll.u32 s0, $0xA;
	s2 =	sadd.s32 s3, s2  }
0x8d: {  	s2 =	sadd.s32 s2, s17  }
0x8e: {  	[smem:$0x3FB8] =	sst s2  }
0x8f: {  	_ = 	snop  }
0x90: {  	s2 =	sld [smem:$0x3FD0];
	(tm) =	ssettm $0x1  }
0x91: {  	s18 =	sld [smem:$0x3FFB];
	_ =	sdelay $0x3  }
0x92: {  	_ =	strace s18  }
0x93: {  	s3 =	sld [smem:$0x3FFC];
	_ =	sdelay $0x3  }
0x94: {  	_ =	strace s3  }
0x95: {  	s3 =	sld [smem:$0x3FFD];
	_ =	sdelay $0x3  }
0x96: {  	_ =	strace s3  }
0x97: {  	_ =	strace $0x8FFFFFFF  }
0x98: {  	s19 =	sld [smem:$0x3FDB];
	_ =	sdelay $0x1  }
0x99: {  	s4 =	simm.s32 $_scs_section_size  }
0x9a: {  	s5 =	simm.s32 $_size__tile_overlayer_lowered;
	s6 =	simm.s32 $_tile_overlayer_lowered  }
0x9b: {  	s22 =	simm.s32 $0x1BFF;
	s21 =	sshll.u32 s6, $0x1;
	s3 =	sadd.s32 s4, s19  }
0x9c: {  	s7 =	simm.s32 $0x0;
	s20 =	sshll.u32 s5, $0x1;
	s5 =	sadd.s32 s21, s3  }
0x9d: {  	[timem:s7], [sflag:s22] =	dma.local [hbm:s5], s20  }
0x9e: {  	_ =	swait.ge [sflag:s22], s20  }
0x9f: {  	s4 =	ssub.s32 $0x0, s20;
	[sflag:s22] =	ssyncset.done $0x0  }
0xa0: {  	[sflag:s22] =	ssyncadd.s32 s4;
	_ =	sdelay $0x1  }
0xa1: {  	s23 =	simm.s32 $0x1B8B  }
0xa2: {  	_ =	swait.ge [sflag:s23], $0x1  }
0xa3: {  	[sflag:s23] =	ssyncset.done $0x0  }
0xa4: {  	s25 =	simm.s32 $0x1B8E;
	s24 =	sld [smem:$0x3FFE];
	[sflag:s23] =	ssyncadd.s32 $0xFFFFFFFF  }
0xa5: {  	s26 =	simm.s32 $execute0_lowered;
	[smem:$0x3FD2] =	sst s25  }
0xa6: {  	s5 =	sshll.u32 s26, $0x1;
	_ =	strace $0x80000049;
	[dreg:$0x1] =	wrdreg $0xFFFFFFFF  }
0xa7: {  	s28 =	simm.s32 $_size_execute0_lowered;
	s3 =	sadd.s32 s3, s5;
	[dreg:$0x0] =	wrdreg $0x0  }
0xa8: {  	s5 =	sshll.u32 s28, $0x1;
	[dreg:$0x2] =	wrdreg s3  }
0xa9: {  	[dreg:$0x3] =	wrdreg s5  }
0xaa: {  	[dreg:$0x4] =	wrdreg $0xC0  }
0xab: {  	_ =	task [dreg:s7], $0x5FFFF  }
0xac: {  	[dreg:$0x1] =	wrdreg $0xFFFFFFFF  }
0xad: {  	[dreg:$0x0] =	wrdreg $0x60  }
0xae: {  	[dreg:$0x2] =	wrdreg s24  }
0xaf: {  	[dreg:$0x3] =	wrdreg s2  }
0xb0: {  	[dreg:$0x4] =	wrdreg $0xAE000  }
0xb1: {  	[dreg:$0x5] =	wrdreg $0x9  }
0xb2: {  	_ =	task.clear_ibuf [dreg:s7], $0x6FFFF;
	_ =	strace $0x90000049  }
0xb3: {  	s29 =	simm.s32 $0x9;
	_ =	strace $0x8000004B  }
0xb4: {  	_ =	swait.ge [sflag:s29], $0x1  }
0xb5: {  	[sflag:s29] =	ssyncadd.s32 $0xFFFFFFFF  }
0xb6: {  	_ =	strace $0x9000004B  }
0xb7: {  	_ =	sfence  }
0xb8: {  	s30 =	sld [smem:$0x0];
	_ =	sdelay $0x2  }
0xb9: {  	s31 =	sshll.u32 s1, $0xD;
	s1 =	sshrl.u32 s1, $0x2  }
0xba: {  	s3 =	sand.u32 $0x4000, s31;
	s1 =	sadd.s32 s1, s30  }
0xbb: {  	s0 =	sor.u32 s3, s0;
	s1 =	sshll.u32 s1, $0x11  }
0xbc: {  	s0 =	sor.u32 s1, s0  }
0xbd: {  	s0 =	sadd.s32 $0x8F2B, s0  }
0xbe: {  	[sflag:s0] =	ssyncadd.remote.s32 $0x1  }
0xbf: {  	_ =	sfence.sel $0xFFFF  }
0xc0: {  	[dreg:$0x0] =	wrdreg $0xFFFFFFFF;
	(pc) =	sbr.abs _section_cstart, $3  }
0xc1: {  	[dreg:$0x1] =	wrdreg $0xFFFFFFFF  }
0xc2: {  	_ =	task.clear_ibuf [dreg:s7], $0x2FFFF;
	_ =	strace $0x9FFFFFFF  }
0xc3: {  	(tm) =	ssettm $0x7FFFFFFF  }
tec
execute0_lowered:
.L_overlay_start_1:
0x0: {  	(tag) =	ssettag $0x1  }
0x1: {  	s0 =	srdreg.scid  }
0x2: {  	s1 =	rddreg [dreg:$0x0];
	s0 =	sand.u32 $0x1, s0  }
0x3: {  	s2 =	rddreg [dreg:$0x1];
	s9 =	stileid.u32;
	s4 =	sshll.u32 s0, $0x4  }
0x4: {  	s3 =	rddreg [dreg:$0x2];
	s7 =	smul.u32 $0x13C000, s0;
	s5 =	sor.u32 s9, s4  }
0x5: {  	s29 =	simm.s32 $0x80;
	s0 =	ssub.s32 $0x2, s0;
	s6 =	smul.u32 $0x2C00, s5  }
0x6: {  	s31 =	simm.s32 $0x2E00;
	s28 =	simm.s32 $0x0;
	s13 =	sshrl.u32 s0, $0x1  }
0x7: {  	s4 =	simm.s32 $0x0;
	s0 =	ssub.s32 s0, s13;
	s6 =	sshrl.u32 s6, $0x3  }
0x8: {  	[smem:$0x7FF] =	sst s4;
	s0 =	smax.u32 s0, $0x1;
	s10 =	sadd.s32 s6, s1  }
0x9: {  	_ =	strace $0x8000004A;
	[dreg:$0x6] =	wrdreg s0;
	s15 =	sadd.s32 $0x7A500, s10  }
0xa: {  	s8 =	smul.u32 $0x13C00, s9;
	s17 =	sadd.s32 $0x7A000, s10;
	[dreg:$0x4] =	wrdreg s15  }
0xb: {  	s9 =	smul.u32 $0x4F000, s9;
	s18 =	sadd.s32 $0x7A080, s10;
	[dreg:$0x7] =	wrdreg s17  }
0xc: {  	s5 =	sadd.s32 $0x52800, s1;
	s19 =	sadd.s32 $0x7A100, s10;
	[dreg:$0x8] =	wrdreg s18  }
0xd: {  	s12 =	sadd.s32 s8, s7;
	s20 =	sadd.s32 $0x7A180, s10;
	[dreg:$0x9] =	wrdreg s19  }
0xe: {  	s14 =	sshrl.u32 s9, $0x2;
	s21 =	sadd.s32 $0x7A200, s10;
	[dreg:$0xa] =	wrdreg s20  }
0xf: {  	s6 =	sshrl.u32 s12, $0x3;
	s22 =	sadd.s32 $0x7A280, s10;
	[dreg:$0xb] =	wrdreg s21  }
0x10: {  	s1 =	sadd.s32 s6, s1;
	s23 =	sadd.s32 $0x7A300, s10;
	[dreg:$0xc] =	wrdreg s22  }
0x11: {  	s6 =	sadd.s32 s14, s3;
	s24 =	sadd.s32 $0x7A380, s10;
	[dreg:$0xd] =	wrdreg s23  }
0x12: {  	s25 =	sadd.s32 $0x7A400, s10;
	s16 =	sadd.s32 $0x10000, s6;
	[dreg:$0xe] =	wrdreg s24  }
0x13: {  	s1 =	sadd.s32 $0x85200, s1;
	[dreg:$0xf] =	wrdreg s25;
	s19 =	sadd.s32 $0x7A480, s10  }
0x14: {  	s26 =	sadd.s32 $0x4000, s6;
	s30 =	sadd.s32 $0x8000, s6;
	s8 =	sadd.s32 $0xC000, s6  }
0x15: {  	s20 =	simm.s32 $0x3;
	s21 =	simm.s32 $0x2C80;
	[dreg:$0x5] =	wrdreg s1  }
0x16: {  	s22 =	sshrl.u32 s26, $0x3;
	s23 =	sshrl.u32 s30, $0x3;
	s24 =	sshrl.u32 s8, $0x3  }
0x17: {  	s25 =	sshrl.u32 s16, $0x3;
	s1 =	simm.s32 $0x1;
	s26 =	simm.s32 $0x4  }
.LBB2_1:
0x18: {  	s0 =	rddreg [dreg:$0x7]  }
0x19: {  	[tilespmem:s4], [sflag:$0x3] =	stream.linear.gather [hbm4b:s0+s4], $0x400, $0x38;
	[tilespmem:$0x1EA00] =	vst v63  }
0x1a: {  	_ =	swait.ge [sflag:s20], $0x400  }
0x1b: {  	[sflag:s20] =	ssyncset.done $0x0  }
0x1c: {  	s7 =	simm.s32 $0x400;
	s10 =	rddreg [dreg:$0x8];
	[sflag:s20] =	ssyncadd.s32 $0xFFFFFC00  }
0x1d: {  	[tilespmem:s7], [sflag:$0x3] =	stream.linear.gather [hbm4b:s10+s4], $0x400, $0x38;
	[tilespmem:$0x1EA00] =	vst v63  }
0x1e: {  	_ =	swait.ge [sflag:s20], $0x400  }
0x1f: {  	[sflag:s20] =	ssyncset.done $0x0  }
0x20: {  	s12 =	simm.s32 $0x800;
	s11 =	rddreg [dreg:$0x9];
	[sflag:s20] =	ssyncadd.s32 $0xFFFFFC00  }
0x21: {  	[tilespmem:s12], [sflag:$0x3] =	stream.linear.gather [hbm4b:s11+s4], $0x400, $0x38;
	[tilespmem:$0x1EA00] =	vst v63  }
0x22: {  	_ =	swait.ge [sflag:s20], $0x400  }
0x23: {  	[sflag:s20] =	ssyncset.done $0x0  }
0x24: {  	s14 =	simm.s32 $0xC00;
	s13 =	rddreg [dreg:$0xa];
	[sflag:s20] =	ssyncadd.s32 $0xFFFFFC00  }
0x25: {  	[tilespmem:s14], [sflag:$0x3] =	stream.linear.gather [hbm4b:s13+s4], $0x400, $0x38;
	[tilespmem:$0x1EA00] =	vst v63  }
0x26: {  	_ =	swait.ge [sflag:s20], $0x400  }
0x27: {  	[sflag:s20] =	ssyncset.done $0x0  }
0x28: {  	s16 =	simm.s32 $0x1000;
	s15 =	rddreg [dreg:$0xb];
	[sflag:s20] =	ssyncadd.s32 $0xFFFFFC00  }
0x29: {  	[tilespmem:s16], [sflag:$0x3] =	stream.linear.gather [hbm4b:s15+s4], $0x400, $0x38;
	[tilespmem:$0x1EA00] =	vst v63  }
0x2a: {  	_ =	swait.ge [sflag:s20], $0x400  }
0x2b: {  	[sflag:s20] =	ssyncset.done $0x0  }
0x2c: {  	s18 =	simm.s32 $0x1400;
	s17 =	rddreg [dreg:$0xc];
	[sflag:s20] =	ssyncadd.s32 $0xFFFFFC00  }
0x2d: {  	[tilespmem:s18], [sflag:$0x3] =	stream.linear.gather [hbm4b:s17+s4], $0x400, $0x38;
	[tilespmem:$0x1EA00] =	vst v63  }
0x2e: {  	_ =	swait.ge [sflag:s20], $0x400  }
0x2f: {  	[sflag:s20] =	ssyncset.done $0x0  }
0x30: {  	s9 =	simm.s32 $0x1800;
	s8 =	rddreg [dreg:$0xd];
	[sflag:s20] =	ssyncadd.s32 $0xFFFFFC00  }
0x31: {  	[tilespmem:s9], [sflag:$0x3] =	stream.linear.gather [hbm4b:s8+s4], $0x400, $0x38;
	[tilespmem:$0x1EA00] =	vst v63  }
0x32: {  	_ =	swait.ge [sflag:s20], $0x400  }
0x33: {  	[sflag:s20] =	ssyncset.done $0x0  }
0x34: {  	s11 =	simm.s32 $0x1C00;
	s10 =	rddreg [dreg:$0xe];
	[sflag:s20] =	ssyncadd.s32 $0xFFFFFC00  }
0x35: {  	[tilespmem:s11], [sflag:$0x3] =	stream.linear.gather [hbm4b:s10+s4], $0x400, $0x38;
	[tilespmem:$0x1EA00] =	vst v63  }
0x36: {  	_ =	swait.ge [sflag:s20], $0x400  }
0x37: {  	[sflag:s20] =	ssyncset.done $0x0  }
0x38: {  	s13 =	simm.s32 $0x2000;
	s12 =	rddreg [dreg:$0xf];
	[sflag:s20] =	ssyncadd.s32 $0xFFFFFC00  }
0x39: {  	[tilespmem:s13], [sflag:$0x3] =	stream.linear.gather [hbm4b:s12+s4], $0x400, $0x38;
	[tilespmem:$0x1EA00] =	vst v63  }
0x3a: {  	_ =	swait.ge [sflag:s20], $0x400  }
0x3b: {  	[sflag:s20] =	ssyncset.done $0x0  }
0x3c: {  	s14 =	simm.s32 $0x2400;
	[sflag:s20] =	ssyncadd.s32 $0xFFFFFC00  }
0x3d: {  	[tilespmem:s14], [sflag:$0x3] =	stream.linear.gather [hbm4b:s19+s4], $0x400, $0x38;
	[tilespmem:$0x1EA00] =	vst v63  }
0x3e: {  	_ =	swait.ge [sflag:s20], $0x400  }
0x3f: {  	[sflag:s20] =	ssyncset.done $0x0  }
0x40: {  	s16 =	simm.s32 $0x2800;
	s15 =	rddreg [dreg:$0x4];
	[sflag:s20] =	ssyncadd.s32 $0xFFFFFC00  }
0x41: {  	[tilespmem:s16], [sflag:$0x3] =	stream.linear.gather [hbm4b:s15+s4], $0x80, $0x38;
	[tilespmem:$0x1EA00] =	vst v63  }
0x42: {  	s17 =	stileid.u32;
	_ =	swait.ge [sflag:s20], $0x80  }
0x43: {  	s0 =	sshll.u32 s17, $0x6;
	[sflag:s20] =	ssyncset.done $0x0  }
0x44: {  	s30 =	sor.u32 $0x1C03, s0;
	s0 =	sshrl.u32 s6, $0x3;
	[sflag:s20] =	ssyncadd.s32 $0xFFFFFF80  }
0x45: {  	[spmem:s0], [sflag:s30] =	dma.local [hbm:s2], $0x800  }
0x46: {  	_ =	swait.ge [sflag:s20], $0x800  }
0x47: {  	[sflag:s20] =	ssyncset.done $0x0  }
0x48: {  	[sflag:s20] =	ssyncadd.s32 $0xFFFFF800  }
0x49: {  	[spmem:s22], [sflag:s30] =	dma.local [hbm:s2], $0x800  }
0x4a: {  	_ =	swait.ge [sflag:s20], $0x800  }
0x4b: {  	[sflag:s20] =	ssyncset.done $0x0  }
0x4c: {  	[sflag:s20] =	ssyncadd.s32 $0xFFFFF800  }
0x4d: {  	[spmem:s23], [sflag:s30] =	dma.local [hbm:s2], $0x800  }
0x4e: {  	_ =	swait.ge [sflag:s20], $0x800  }
0x4f: {  	[sflag:s20] =	ssyncset.done $0x0  }
0x50: {  	[sflag:s20] =	ssyncadd.s32 $0xFFFFF800  }
0x51: {  	[spmem:s24], [sflag:s30] =	dma.local [hbm:s2], $0x800  }
0x52: {  	_ =	swait.ge [sflag:s20], $0x800  }
0x53: {  	[sflag:s20] =	ssyncset.done $0x0  }
0x54: {  	[sflag:s20] =	ssyncadd.s32 $0xFFFFF800  }
0x55: {  	[spmem:s25], [sflag:s30] =	dma.local [hbm:s2], $0x780  }
0x56: {  	_ =	swait.ge [sflag:s20], $0x780  }
0x57: {  	[sflag:s20] =	ssyncset.done $0x0  }
0x58: {  	[sflag:s20] =	ssyncadd.s32 $0xFFFFF880  }
0x59: {  	[bflag:$0x0] =	sbarrier.arrive $0xFFFF  }
0x5a: {  	v0 =	vld [tilespmem:$0x0];
	_ =	sdelay $0x1  }
0x5b: {  	v1 =	vld [tilespmem:$0x10];
	_ =	sdelay $0x1  }
0x5c: {  	v2 =	vld [tilespmem:$0x20]  }
0x5d: {  	v3 =	vand.u32 $0xFFFF, v0  }
0x5e: {  	v0 =	vshrl.u32 v0, $0x10;
	[tilespmem:$0x2C00] =	vst v3;
	v3 =	vld [tilespmem:$0x30]  }
0x5f: {  	[tilespmem:$0x2C80] =	vst v0;
	v0 =	vand.u32 $0xFFFF, v1  }
0x60: {  	[tilespmem:$0x2C10] =	vst v0;
	v0 =	vshrl.u32 v1, $0x10;
	v1 =	vld [tilespmem:$0x40]  }
0x61: {  	[tilespmem:$0x2C90] =	vst v0;
	v0 =	vand.u32 $0xFFFF, v2  }
0x62: {  	[tilespmem:$0x2C20] =	vst v0;
	v0 =	vshrl.u32 v2, $0x10;
	v2 =	vld [tilespmem:$0x50]  }
0x63: {  	[tilespmem:$0x2CA0] =	vst v0;
	v0 =	vand.u32 $0xFFFF, v3  }
0x64: {  	[tilespmem:$0x2C30] =	vst v0;
	v0 =	vshrl.u32 v3, $0x10;
	v3 =	vld [tilespmem:$0x60]  }
0x65: {  	[tilespmem:$0x2CB0] =	vst v0;
	v0 =	vand.u32 $0xFFFF, v1  }
0x66: {  	[tilespmem:$0x2C40] =	vst v0;
	v0 =	vshrl.u32 v1, $0x10;
	v1 =	vld [tilespmem:$0x70]  }
0x67: {  	[tilespmem:$0x2CC0] =	vst v0;
	v0 =	vand.u32 $0xFFFF, v2  }
0x68: {  	[tilespmem:$0x2C50] =	vst v0;
	v0 =	vshrl.u32 v2, $0x10  }
0x69: {  	[tilespmem:$0x2CD0] =	vst v0;
	v0 =	vand.u32 $0xFFFF, v3  }
0x6a: {  	[tilespmem:$0x2C60] =	vst v0;
	v0 =	vshrl.u32 v3, $0x10  }
0x6b: {  	[tilespmem:$0x2CE0] =	vst v0;
	v0 =	vand.u32 $0xFFFF, v1  }
0x6c: {  	[tilespmem:$0x2C70] =	vst v0;
	v0 =	vshrl.u32 v1, $0x10  }
0x6d: {  	p0 =	por $0x0, $0x0;
	s7 =	simm.s32 $0xC0;
	s18 =	simm.s32 $0x2C00;
	[tilespmem:$0x2CF0] =	vst v0  }
0x6e: {  	[tilespmem:s31], [sflag:$0x1] =	stream.indirect.gather [hbm4b:s5+s29], $0x80, s18, s29, $0xb8;
	[tilespmem:$0x1EA00] =	vst v63  }
0x6f: {  	v0 =	vld @!p0 [tilespmem:s7+$0xFFFFFFC0];
	_ =	sdelay $0x4  }
0x70: {  	v1 =	vand.u32 @!p0 $0xFFFF, v0  }
0x71: {  	v0 =	vshrl.u32 @!p0 v0, $0x10;
	[tilespmem:$0x2D00] =	vst @!p0 v1  }
0x72: {  	[tilespmem:$0x2D80] =	vst @!p0 v0  }
0x73: {  	v0 =	vld @!p0 [tilespmem:s7+$0xFFFFFFD0];
	_ =	sdelay $0x4  }
0x74: {  	v1 =	vand.u32 @!p0 $0xFFFF, v0  }
0x75: {  	v0 =	vshrl.u32 @!p0 v0, $0x10;
	[tilespmem:$0x2D10] =	vst @!p0 v1  }
0x76: {  	[tilespmem:$0x2D90] =	vst @!p0 v0  }
0x77: {  	v0 =	vld @!p0 [tilespmem:s7+$0xFFFFFFE0];
	_ =	sdelay $0x4  }
0x78: {  	v1 =	vand.u32 @!p0 $0xFFFF, v0  }
0x79: {  	v0 =	vshrl.u32 @!p0 v0, $0x10;
	[tilespmem:$0x2D20] =	vst @!p0 v1  }
0x7a: {  	[tilespmem:$0x2DA0] =	vst @!p0 v0  }
0x7b: {  	v0 =	vld @!p0 [tilespmem:s7+$0xFFFFFFF0];
	_ =	sdelay $0x4  }
0x7c: {  	v1 =	vand.u32 @!p0 $0xFFFF, v0  }
0x7d: {  	v0 =	vshrl.u32 @!p0 v0, $0x10;
	[tilespmem:$0x2D30] =	vst @!p0 v1  }
0x7e: {  	[tilespmem:$0x2DB0] =	vst @!p0 v0  }
0x7f: {  	v0 =	vld @!p0 [tilespmem:s7+$0x0];
	_ =	sdelay $0x4  }
0x80: {  	v1 =	vand.u32 @!p0 $0xFFFF, v0  }
0x81: {  	v0 =	vshrl.u32 @!p0 v0, $0x10;
	[tilespmem:$0x2D40] =	vst @!p0 v1  }
0x82: {  	[tilespmem:$0x2DC0] =	vst @!p0 v0  }
0x83: {  	v0 =	vld @!p0 [tilespmem:s7+$0x10];
	_ =	sdelay $0x4  }
0x84: {  	v1 =	vand.u32 @!p0 $0xFFFF, v0  }
0x85: {  	v0 =	vshrl.u32 @!p0 v0, $0x10;
	[tilespmem:$0x2D50] =	vst @!p0 v1  }
0x86: {  	[tilespmem:$0x2DD0] =	vst @!p0 v0  }
0x87: {  	v0 =	vld @!p0 [tilespmem:s7+$0x20];
	_ =	sdelay $0x4  }
0x88: {  	v1 =	vand.u32 @!p0 $0xFFFF, v0  }
0x89: {  	v0 =	vshrl.u32 @!p0 v0, $0x10;
	[tilespmem:$0x2D60] =	vst @!p0 v1  }
0x8a: {  	[tilespmem:$0x2DE0] =	vst @!p0 v0  }
0x8b: {  	v0 =	vld @!p0 [tilespmem:s7+$0x30];
	_ =	sdelay $0x4  }
0x8c: {  	v1 =	vand.u32 @!p0 $0xFFFF, v0  }
0x8d: {  	v0 =	vshrl.u32 @!p0 v0, $0x10;
	[tilespmem:$0x2D70] =	vst @!p0 v1  }
0x8e: {  	s8 =	simm.s32 @!p0 $0x2D00;
	s10 =	simm.s32 @!p0 $0x80;
	s11 =	simm.s32 @!p0 $0x6E00;
	[tilespmem:$0x2DF0] =	vst @!p0 v0  }
0x8f: {  	[tilespmem:s11], [sflag:$0x2] =	stream.indirect.gather @!p0 [hbm4b:s5+s10], $0x80, s8, s10, $0xb8;
	[tilespmem:$0x1EA00] =	vst v63  }
0x90: {  	_ =	swait.ge [sflag:s1], $0x4000  }
0x91: {  	[sflag:s1] =	ssyncset.done $0x0  }
0x92: {  	[sflag:s1] =	ssyncadd.s32 $0xFFFFC000  }
0x93: {  	[spmem:s3] =	stream.indirect.scatter.add.f32 [tilespmem:s31], [sflag:$0x4], $0x80, s21, s29, $0xb8;
	[tilespmem:$0x1EA00] =	vst v63  }
0x94: {  	_ =	swait.ge [sflag:s26], $0x4000  }
0x95: {  	[sflag:s26] =	ssyncset.done $0x0  }
0x96: {  	p2 =	por $0x0, $0x0;
	[sflag:s26] =	ssyncadd.s32 $0xFFFFC000  }
0x97: {  	v0 =	vld @!p2 [tilespmem:s7+$0x40];
	_ =	sdelay $0x4  }
0x98: {  	v1 =	vand.u32 @!p2 $0xFFFF, v0  }
0x99: {  	v0 =	vshrl.u32 @!p2 v0, $0x10;
	[tilespmem:$0x2C00] =	vst @!p2 v1  }
0x9a: {  	[tilespmem:$0x2C80] =	vst @!p2 v0  }
0x9b: {  	v0 =	vld @!p2 [tilespmem:s7+$0x50];
	_ =	sdelay $0x4  }
0x9c: {  	v1 =	vand.u32 @!p2 $0xFFFF, v0  }
0x9d: {  	v0 =	vshrl.u32 @!p2 v0, $0x10;
	[tilespmem:$0x2C10] =	vst @!p2 v1  }
0x9e: {  	[tilespmem:$0x2C90] =	vst @!p2 v0  }
0x9f: {  	v0 =	vld @!p2 [tilespmem:s7+$0x60];
	_ =	sdelay $0x4  }
0xa0: {  	v1 =	vand.u32 @!p2 $0xFFFF, v0  }
0xa1: {  	v0 =	vshrl.u32 @!p2 v0, $0x10;
	[tilespmem:$0x2C20] =	vst @!p2 v1  }
0xa2: {  	[tilespmem:$0x2CA0] =	vst @!p2 v0  }
0xa3: {  	v0 =	vld @!p2 [tilespmem:s7+$0x70];
	_ =	sdelay $0x4  }
0xa4: {  	v1 =	vand.u32 @!p2 $0xFFFF, v0  }
0xa5: {  	v0 =	vshrl.u32 @!p2 v0, $0x10;
	[tilespmem:$0x2C30] =	vst @!p2 v1  }
0xa6: {  	[tilespmem:$0x2CB0] =	vst @!p2 v0  }
0xa7: {  	v0 =	vld @!p2 [tilespmem:s7+$0x80];
	_ =	sdelay $0x4  }
0xa8: {  	v1 =	vand.u32 @!p2 $0xFFFF, v0  }
0xa9: {  	v0 =	vshrl.u32 @!p2 v0, $0x10;
	[tilespmem:$0x2C40] =	vst @!p2 v1  }
0xaa: {  	[tilespmem:$0x2CC0] =	vst @!p2 v0  }
0xab: {  	v0 =	vld @!p2 [tilespmem:s7+$0x90];
	_ =	sdelay $0x4  }
0xac: {  	v1 =	vand.u32 @!p2 $0xFFFF, v0  }
0xad: {  	v0 =	vshrl.u32 @!p2 v0, $0x10;
	[tilespmem:$0x2C50] =	vst @!p2 v1  }
0xae: {  	[tilespmem:$0x2CD0] =	vst @!p2 v0  }
0xaf: {  	v0 =	vld @!p2 [tilespmem:s7+$0xA0];
	_ =	sdelay $0x3  }
0xb0: {  	s17 =	simm.s32 @!p0 $0x2D80;
	s9 =	simm.s32 $0xC0  }
0xb1: {  	s13 =	simm.s32 @!p0 $0x3;
	s14 =	simm.s32 @!p0 $0x2;
	s15 =	simm.s32 @!p2 $0x80;
	v1 =	vand.u32 @!p2 $0xFFFF, v0  }
0xb2: {  	s16 =	simm.s32 @!p2 $0x2C00;
	s18 =	simm.s32 @!p2 $0x2E00;
	s8 =	simm.s32 $0x3;
	v0 =	vshrl.u32 @!p2 v0, $0x10;
	[tilespmem:$0x2C60] =	vst @!p2 v1  }
.LBB2_2:
0xb3: {  	[tilespmem:$0x2CE0] =	vst @!p2 v0;
	s7 =	sadd.s32 $0x100, s7;
	s12 =	smov.u32 s8;
	s8 =	sadd.s32 $0x2, s8  }
0xb4: {  	p1 =	sne.s32 s8, $0x53;
	v0 =	vld @!p2 [tilespmem:s9+$0xB0];
	s9 =	smov.u32 s7;
	_ =	sdelay $0x4  }
0xb5: {  	v1 =	vand.u32 @!p2 $0xFFFF, v0;
	v0 =	vshrl.u32 @!p2 v0, $0x10  }
0xb6: {  	[tilespmem:$0x2C70] =	vst @!p2 v1  }
0xb7: {  	[tilespmem:$0x2CF0] =	vst @!p2 v0  }
0xb8: {  	[tilespmem:s18], [sflag:$0x1] =	stream.indirect.gather @!p2 [hbm4b:s5+s15], $0x80, s16, s15, $0xb8;
	[tilespmem:$0x1EA00] =	vst v63  }
0xb9: {  	_ =	swait.ge @!p0 [sflag:s14], $0x4000  }
0xba: {  	[sflag:s14] =	ssyncset.done @!p0 $0x0  }
0xbb: {  	[sflag:s14] =	ssyncadd.s32 @!p0 $0xFFFFC000  }
0xbc: {  	[spmem:s3] =	stream.indirect.scatter.add.f32 @!p0 [tilespmem:s11], [sflag:$0x3], $0x80, s17, s10, $0xb8;
	[tilespmem:$0x1EA00] =	vst v63  }
0xbd: {  	_ =	swait.ge @!p0 [sflag:s13], $0x4000  }
0xbe: {  	[sflag:s13] =	ssyncset.done @!p0 $0x0  }
0xbf: {  	[sflag:s13] =	ssyncadd.s32 @!p0 $0xFFFFC000;
	p0 =	sgt.u32 s12, $0x50  }
0xc0: {  	v0 =	vld @!p0 [tilespmem:s7+$0xFFFFFFC0];
	_ =	sdelay $0x4  }
0xc1: {  	v1 =	vand.u32 @!p0 $0xFFFF, v0;
	v0 =	vshrl.u32 @!p0 v0, $0x10  }
0xc2: {  	[tilespmem:$0x2D00] =	vst @!p0 v1  }
0xc3: {  	[tilespmem:$0x2D80] =	vst @!p0 v0  }
0xc4: {  	v0 =	vld @!p0 [tilespmem:s7+$0xFFFFFFD0];
	_ =	sdelay $0x4  }
0xc5: {  	v1 =	vand.u32 @!p0 $0xFFFF, v0;
	v0 =	vshrl.u32 @!p0 v0, $0x10  }
0xc6: {  	[tilespmem:$0x2D10] =	vst @!p0 v1  }
0xc7: {  	[tilespmem:$0x2D90] =	vst @!p0 v0  }
0xc8: {  	v0 =	vld @!p0 [tilespmem:s7+$0xFFFFFFE0];
	_ =	sdelay $0x4  }
0xc9: {  	v1 =	vand.u32 @!p0 $0xFFFF, v0;
	v0 =	vshrl.u32 @!p0 v0, $0x10  }
0xca: {  	[tilespmem:$0x2D20] =	vst @!p0 v1  }
0xcb: {  	[tilespmem:$0x2DA0] =	vst @!p0 v0  }
0xcc: {  	v0 =	vld @!p0 [tilespmem:s7+$0xFFFFFFF0];
	_ =	sdelay $0x4  }
0xcd: {  	v1 =	vand.u32 @!p0 $0xFFFF, v0;
	v0 =	vshrl.u32 @!p0 v0, $0x10  }
0xce: {  	[tilespmem:$0x2D30] =	vst @!p0 v1  }
0xcf: {  	[tilespmem:$0x2DB0] =	vst @!p0 v0  }
0xd0: {  	v0 =	vld @!p0 [tilespmem:s7+$0x0];
	_ =	sdelay $0x4  }
0xd1: {  	v1 =	vand.u32 @!p0 $0xFFFF, v0;
	v0 =	vshrl.u32 @!p0 v0, $0x10  }
0xd2: {  	[tilespmem:$0x2D40] =	vst @!p0 v1  }
0xd3: {  	[tilespmem:$0x2DC0] =	vst @!p0 v0  }
0xd4: {  	v0 =	vld @!p0 [tilespmem:s7+$0x10];
	_ =	sdelay $0x4  }
0xd5: {  	v1 =	vand.u32 @!p0 $0xFFFF, v0;
	v0 =	vshrl.u32 @!p0 v0, $0x10  }
0xd6: {  	[tilespmem:$0x2D50] =	vst @!p0 v1  }
0xd7: {  	[tilespmem:$0x2DD0] =	vst @!p0 v0  }
0xd8: {  	v0 =	vld @!p0 [tilespmem:s7+$0x20];
	_ =	sdelay $0x4  }
0xd9: {  	v1 =	vand.u32 @!p0 $0xFFFF, v0;
	v0 =	vshrl.u32 @!p0 v0, $0x10  }
0xda: {  	[tilespmem:$0x2D60] =	vst @!p0 v1  }
0xdb: {  	s10 =	simm.s32 @!p0 $0x80;
	s13 =	simm.s32 @!p0 $0x2D00;
	s11 =	simm.s32 @!p0 $0x6E00;
	[tilespmem:$0x2DE0] =	vst @!p0 v0  }
0xdc: {  	v0 =	vld @!p0 [tilespmem:s7+$0x30];
	_ =	sdelay $0x4  }
0xdd: {  	v1 =	vand.u32 @!p0 $0xFFFF, v0;
	v0 =	vshrl.u32 @!p0 v0, $0x10  }
0xde: {  	[tilespmem:$0x2D70] =	vst @!p0 v1  }
0xdf: {  	[tilespmem:$0x2DF0] =	vst @!p0 v0  }
0xe0: {  	[tilespmem:s11], [sflag:$0x2] =	stream.indirect.gather @!p0 [hbm4b:s5+s10], $0x80, s13, s10, $0xb8;
	[tilespmem:$0x1EA00] =	vst v63  }
0xe1: {  	_ =	swait.ge [sflag:s1], $0x4000  }
0xe2: {  	[sflag:s1] =	ssyncset.done $0x0  }
0xe3: {  	[sflag:s1] =	ssyncadd.s32 $0xFFFFC000  }
0xe4: {  	[spmem:s3] =	stream.indirect.scatter.add.f32 [tilespmem:s31], [sflag:$0x4], $0x80, s21, s29, $0xb8;
	[tilespmem:$0x1EA00] =	vst v63  }
0xe5: {  	_ =	swait.ge [sflag:s26], $0x4000  }
0xe6: {  	[sflag:s26] =	ssyncset.done $0x0  }
0xe7: {  	p2 =	seq.s32 s12, $0x51;
	[sflag:s26] =	ssyncadd.s32 $0xFFFFC000  }
0xe8: {  	v0 =	vld @!p2 [tilespmem:s7+$0x40];
	_ =	sdelay $0x4  }
0xe9: {  	v1 =	vand.u32 @!p2 $0xFFFF, v0;
	v0 =	vshrl.u32 @!p2 v0, $0x10  }
0xea: {  	[tilespmem:$0x2C00] =	vst @!p2 v1  }
0xeb: {  	[tilespmem:$0x2C80] =	vst @!p2 v0  }
0xec: {  	v0 =	vld @!p2 [tilespmem:s7+$0x50];
	_ =	sdelay $0x4  }
0xed: {  	v1 =	vand.u32 @!p2 $0xFFFF, v0;
	v0 =	vshrl.u32 @!p2 v0, $0x10  }
0xee: {  	[tilespmem:$0x2C10] =	vst @!p2 v1  }
0xef: {  	[tilespmem:$0x2C90] =	vst @!p2 v0  }
0xf0: {  	v0 =	vld @!p2 [tilespmem:s7+$0x60];
	_ =	sdelay $0x4  }
0xf1: {  	v1 =	vand.u32 @!p2 $0xFFFF, v0;
	v0 =	vshrl.u32 @!p2 v0, $0x10  }
0xf2: {  	[tilespmem:$0x2C20] =	vst @!p2 v1  }
0xf3: {  	[tilespmem:$0x2CA0] =	vst @!p2 v0  }
0xf4: {  	v0 =	vld @!p2 [tilespmem:s7+$0x70];
	_ =	sdelay $0x4  }
0xf5: {  	v1 =	vand.u32 @!p2 $0xFFFF, v0;
	v0 =	vshrl.u32 @!p2 v0, $0x10  }
0xf6: {  	[tilespmem:$0x2C30] =	vst @!p2 v1  }
0xf7: {  	[tilespmem:$0x2CB0] =	vst @!p2 v0  }
0xf8: {  	v0 =	vld @!p2 [tilespmem:s7+$0x80];
	_ =	sdelay $0x4  }
0xf9: {  	v1 =	vand.u32 @!p2 $0xFFFF, v0;
	v0 =	vshrl.u32 @!p2 v0, $0x10  }
0xfa: {  	[tilespmem:$0x2C40] =	vst @!p2 v1  }
0xfb: {  	[tilespmem:$0x2CC0] =	vst @!p2 v0  }
0xfc: {  	v0 =	vld @!p2 [tilespmem:s7+$0x90];
	_ =	sdelay $0x4  }
0xfd: {  	v1 =	vand.u32 @!p2 $0xFFFF, v0;
	v0 =	vshrl.u32 @!p2 v0, $0x10  }
0xfe: {  	[tilespmem:$0x2C50] =	vst @!p2 v1  }
0xff: {  	s15 =	simm.s32 @!p2 $0x80;
	s16 =	simm.s32 @!p2 $0x2C00;
	s18 =	simm.s32 @!p2 $0x2E00;
	[tilespmem:$0x2CD0] =	vst @!p2 v0  }
0x100: {  	s14 =	simm.s32 @!p0 $0x2;
	v0 =	vld @!p2 [tilespmem:s7+$0xA0];
	_ =	sdelay $0x1  }
.Ltmp0:
0x101: {  	(pc) =	sbr.rel @p1 .LBB2_2-.Ltmp0, $4  }
0x102: {  	s17 =	simm.s32 @!p0 $0x2D80  }
0x103: {  	s13 =	simm.s32 @!p0 $0x3  }
0x104: {  	v1 =	vand.u32 @!p2 $0xFFFF, v0;
	v0 =	vshrl.u32 @!p2 v0, $0x10  }
0x105: {  	[tilespmem:$0x2C60] =	vst @!p2 v1  }
0x106: {  	[tilespmem:$0x2CE0] =	vst @!p2 v0  }
0x107: {  	v0 =	vld @!p2 [tilespmem:s9+$0xB0];
	_ =	sdelay $0x4  }
0x108: {  	v1 =	vand.u32 @!p2 $0xFFFF, v0  }
0x109: {  	v0 =	vshrl.u32 @!p2 v0, $0x10;
	[tilespmem:$0x2C70] =	vst @!p2 v1  }
0x10a: {  	[tilespmem:$0x2CF0] =	vst @!p2 v0  }
0x10b: {  	[tilespmem:s18], [sflag:$0x1] =	stream.indirect.gather @!p2 [hbm4b:s5+s15], $0x80, s16, s15, $0xb8;
	[tilespmem:$0x1EA00] =	vst v63  }
0x10c: {  	_ =	swait.ge @!p0 [sflag:s14], $0x4000  }
0x10d: {  	[sflag:s14] =	ssyncset.done @!p0 $0x0  }
0x10e: {  	[sflag:s14] =	ssyncadd.s32 @!p0 $0xFFFFC000  }
0x10f: {  	[spmem:s3] =	stream.indirect.scatter.add.f32 @!p0 [tilespmem:s11], [sflag:$0x3], $0x80, s17, s10, $0xb8;
	[tilespmem:$0x1EA00] =	vst v63  }
0x110: {  	_ =	swait.ge @!p0 [sflag:s13], $0x4000  }
0x111: {  	[sflag:s13] =	ssyncset.done @!p0 $0x0  }
0x112: {  	[sflag:s13] =	ssyncadd.s32 @!p0 $0xFFFFC000  }
0x113: {  	[bflag:$0x0] =	sbarrier.arrive $0xFFFF  }
0x114: {  	s7 =	rddreg [dreg:$0x5]  }
0x115: {  	[hbm:s7], [sflag:s30] =	dma.local [spmem:s0], $0x2780  }
0x116: {  	_ =	swait.ge [sflag:s20], $0x2780  }
0x117: {  	s28 =	sadd.s32 $0x1, s28;
	s30 =	rddreg [dreg:$0x6]  }
0x118: {  	p0 =	sne.s32 s28, s30  }
.Ltmp1:
0x119: {  	_ = 	snop;
	(pc) =	sbr.rel @p0 .LBB2_1-.Ltmp1, $3  }
0x11a: {  	_ =	sdelay $0x1  }
0x11b: {  	[sflag:s20] =	ssyncset.done $0x0  }
0x11c: {  	[sflag:s20] =	ssyncadd.s32 $0xFFFFD880  }
0x11d: {  	_ =	sfence.sel $0x180000  }
0x11e: {  	[bflag:$0x0] =	sbarrier.arrive $0xFFFF  }
0x11f: {  	_ =	strace $0x9000004A  }
0x120: {  	s0 =	stileid.u32;
	[bflag:$0x2] =	sbarrier.arrive $0xFFFF  }
0x121: {  	p0 =	sne.s32 s0, $0x0;
	s0 =	rddreg [dreg:$0x3]  }
0x122: {  	s0 =	sadd.s32 @!p0 $0x100000, s0  }
0x123: {  	[sflag:s0] =	ssyncadd.tile.s32 @!p0 $0x1;
	_ =	shalt  }
.Lfunc_end2:
_tile_overlayer_lowered:
.L_overlay_start_2:
0x124: {  	(tag) =	ssettag $0x2  }
0x125: {  	s0 =	rddreg [dreg:$0x0];
	s2 =	stileid.u32  }
0x126: {  	s1 =	rddreg [dreg:$0x1];
	p0 =	sne.s32 s2, $0x0  }
0x127: {  	s3 =	rddreg [dreg:$0x2];
	[bflag:$0x3] =	sbarrier.arrive $0xFFFF;
	s2 =	simm.s32 @!p0 $0x1C03  }
0x128: {  	[timem:s3], [sflag:s2] =	dma.local @!p0 [hbm:s0], s1  }
0x129: {  	s0 =	simm.s32 @!p0 $0x3  }
0x12a: {  	_ =	swait.ge @!p0 [sflag:s0], s1  }
0x12b: {  	s1 =	ssub.s32 @!p0 $0x0, s1;
	[sflag:s0] =	ssyncset.done @!p0 $0x0  }
0x12c: {  	[sflag:s0] =	ssyncadd.s32 @!p0 s1  }
0x12d: {  	[bflag:$0x3] =	sbarrier.arrive $0xFFFF  }
0x12e: {  	_ =	shalt  }

// kernel: kernel.15.cloned.1.call-start
scs
__scs_entry_jumppad:
0x0: {  	(pc) =	sbr.rel $0x88, $3  }
0x1: {  	(tag) =	ssettag $0x0;
	lr =	simm.s32 $0x1  }
0x2: {  	[smem:$0x3F91] =	sst lr;
	_ =	strace $0xD0000000  }
0x3: {  	_ = 	snop  }
0x4: {  	_ = 	snop  }
0x5: {  	_ = 	snop  }
0x6: {  	_ = 	snop  }
0x7: {  	_ = 	snop  }
__scs_overlays_trampoline_lowered:
0x8: {  	[smem:$0x3FA0] =	sst s0  }
0x9: {  	[smem:$0x3FA1] =	sst s1  }
0xa: {  	[smem:$0x3FA2] =	sst s2  }
0xb: {  	[smem:$0x3FA3] =	sst s3  }
0xc: {  	[smem:$0x3FA4] =	sst s4  }
0xd: {  	[smem:$0x3FA5] =	sst s5  }
0xe: {  	[smem:$0x3FA6] =	sst s6  }
0xf: {  	[smem:$0x3FA7] =	sst s7  }
0x10: {  	[smem:$0x3FA8] =	sst s8  }
0x11: {  	[smem:$0x3FA9] =	sst s9;
	s0 =	simm.s32 @!p0 $0x0  }
0x12: {  	s1 =	sld [smem:$0x3F8F];
	s0 =	simm.s32 @p0 $0x1  }
0x13: {  	[smem:$0x3FAA] =	sst s0;
	s0 =	simm.s32 @!p1 $0x0  }
0x14: {  	s2 =	sld [smem:$0x3F8E];
	s0 =	simm.s32 @p1 $0x1  }
0x15: {  	[smem:$0x3FAB] =	sst s0;
	s0 =	simm.s32 @!p2 $0x0  }
0x16: {  	s3 =	sld [smem:$0x3FDB];
	s0 =	simm.s32 @p2 $0x1  }
0x17: {  	s4 =	simm.s32 $0x1BF5;
	[smem:$0x3FAD] =	sst s0  }
0x18: {  	s0 =	sld [smem:$0x3F90];
	_ =	swait.ge [sflag:s4], $0x0  }
0x19: {  	s7 =	sld [smem:$0x3F91]  }
0x1a: {  	s8 =	sadd.s32 $0xFFFFE003, lr  }
0x1b: {  	s9 =	sadd.s32 $0xFFFFFEF7, lr;
	s5 =	simm.s32 $0xFFFFFFFF;
	p2 =	slt.u32 s8, $0xFFFFF086  }
0x1c: {  	p1 =	slt.u32 s9, $0xF7A;
	s5 =	simm.s32 @!p2 $0x0  }
0x1d: {  	s5 =	simm.s32 @p1 $0x1;
	p0 =	seq.s32 s7, s2  }
0x1e: {  	s7 =	smul.u32 @!p0 $0xF7A, s2;
	p2 =	seq.s32 @!p0 s5, $0x0  }
0x1f: {  	s9 =	smul.u32 $0xF7A, s1;
	s8 =	simm.s32 @!p0 $0x1BF5;
	p2 =	por !p2, p0  }
0x20: {  	[sflag:s8] =	ssyncset.s32 @!p0 $0xFFFFF086;
	s6 =	sadd.s32 @!p0 s3, s7;
	s7 =	simm.s32 @!p0 $0x108  }
0x21: {  	s3 =	sadd.s32 s3, s9;
	s6 =	sadd.s32 @!p0 $0x88, s6;
	s7 =	simm.s32 @p2 $0x1082  }
0x22: {  	[simem:s7], [sflag:s8] =	dma.local @!p0 [hbm:s6], $0xF7A  }
0x23: {  	s9 =	sor.u32 $0xD0000000, s2;
	s6 =	simm.s32 $0x108;
	_ =	swait.ge @!p0 [sflag:s8], $0x0  }
0x24: {  	s3 =	sadd.s32 $0x88, s3;
	s6 =	simm.s32 @!p1 $0x1082;
	[sflag:s4] =	ssyncset.s32 $0xFFFFF086  }
0x25: {  	[simem:s6], [sflag:s4] =	dma.local [hbm:s3], $0xF7A  }
0x26: {  	[smem:$0x3F91] =	sst s1;
	(tag) =	ssettag s2;
	_ =	strace s9  }
0x27: {  	s1 =	sld [smem:$0x3FA1]  }
0x28: {  	s2 =	sld [smem:$0x3FA2]  }
0x29: {  	s4 =	sld [smem:$0x3FA4]  }
0x2a: {  	p0 =	seq.s32 s5, $0x0;
	s5 =	sld [smem:$0x3FA5]  }
0x2b: {  	s6 =	sld [smem:$0x3FA6]  }
0x2c: {  	s7 =	sld [smem:$0x3FA7]  }
0x2d: {  	s3 =	simm.s32 $0x108;
	s8 =	sld [smem:$0x3FA8]  }
0x2e: {  	s3 =	simm.s32 @!p0 $0x1082;
	s9 =	sld [smem:$0x3FA9]  }
0x2f: {  	lr =	sadd.s32 s0, s3;
	s0 =	sld [smem:$0x3FA0]  }
0x30: {  	s3 =	sld [smem:$0x3FA3]  }
0x31: {  	[smem:$0x3FAC] =	sst s10  }
0x32: {  	s10 =	sld [smem:$0x3FAA];
	_ =	sdelay $0x3  }
0x33: {  	p0 =	seq.s32 s10, $0x1;
	s10 =	sld [smem:$0x3FAC];
	_ =	sdelay $0x3  }
0x34: {  	[smem:$0x3FAC] =	sst s10  }
0x35: {  	s10 =	sld [smem:$0x3FAB];
	_ =	sdelay $0x3  }
0x36: {  	p1 =	seq.s32 s10, $0x1;
	s10 =	sld [smem:$0x3FAC];
	_ =	sdelay $0x3  }
0x37: {  	[smem:$0x3FAC] =	sst s10  }
0x38: {  	s10 =	sld [smem:$0x3FAD]  }
0x39: {  	_ = 	snop;
	(pc) =	sbr.ind lr, $3  }
0x3a: {  	_ = 	snop  }
0x3b: {  	_ = 	snop  }
0x3c: {  	p2 =	seq.s32 s10, $0x1;
	s10 =	sld [smem:$0x3FAC]  }
0x3d: {  	_ =	shalt  }
0x3e: {  	_ =	shalt  }
0x3f: {  	_ =	shalt  }
0x40: {  	_ =	shalt  }
0x41: {  	_ =	shalt  }
0x42: {  	_ =	shalt  }
0x43: {  	_ =	shalt  }
0x44: {  	_ =	shalt  }
0x45: {  	_ =	shalt  }
0x46: {  	_ =	shalt  }
0x47: {  	_ =	shalt  }
0x48: {  	_ =	shalt  }
0x49: {  	_ =	shalt  }
0x4a: {  	_ =	shalt  }
0x4b: {  	_ =	shalt  }
0x4c: {  	_ =	shalt  }
0x4d: {  	_ =	shalt  }
0x4e: {  	_ =	shalt  }
0x4f: {  	_ =	shalt  }
0x50: {  	_ =	shalt  }
0x51: {  	_ =	shalt  }
0x52: {  	_ =	shalt  }
0x53: {  	_ =	shalt  }
0x54: {  	_ =	shalt  }
0x55: {  	_ =	shalt  }
0x56: {  	_ =	shalt  }
0x57: {  	_ =	shalt  }
0x58: {  	_ =	shalt  }
0x59: {  	_ =	shalt  }
0x5a: {  	_ =	shalt  }
0x5b: {  	_ =	shalt  }
0x5c: {  	_ =	shalt  }
0x5d: {  	_ =	shalt  }
0x5e: {  	_ =	shalt  }
0x5f: {  	_ =	shalt  }
0x60: {  	_ =	shalt  }
0x61: {  	_ =	shalt  }
0x62: {  	_ =	shalt  }
0x63: {  	_ =	shalt  }
0x64: {  	_ =	shalt  }
0x65: {  	_ =	shalt  }
0x66: {  	_ =	shalt  }
0x67: {  	_ =	shalt  }
0x68: {  	_ =	shalt  }
0x69: {  	_ =	shalt  }
0x6a: {  	_ =	shalt  }
0x6b: {  	_ =	shalt  }
0x6c: {  	_ =	shalt  }
0x6d: {  	_ =	shalt  }
0x6e: {  	_ =	shalt  }
0x6f: {  	_ =	shalt  }
0x70: {  	_ =	shalt  }
0x71: {  	_ =	shalt  }
0x72: {  	_ =	shalt  }
0x73: {  	_ =	shalt  }
0x74: {  	_ =	shalt  }
0x75: {  	_ =	shalt  }
0x76: {  	_ =	shalt  }
0x77: {  	_ =	shalt  }
0x78: {  	_ =	shalt  }
0x79: {  	_ =	shalt  }
0x7a: {  	_ =	shalt  }
0x7b: {  	_ =	shalt  }
0x7c: {  	_ =	shalt  }
0x7d: {  	_ =	shalt  }
0x7e: {  	_ =	shalt  }
0x7f: {  	_ =	shalt  }
0x80: {  	_ =	shalt  }
0x81: {  	_ =	shalt  }
0x82: {  	_ =	shalt  }
0x83: {  	_ =	shalt  }
0x84: {  	_ =	shalt  }
0x85: {  	_ =	shalt  }
0x86: {  	_ =	shalt  }
0x87: {  	_ =	shalt  }
.Lfunc_end0:
.L_simem_size_0:
called_computation.2_lowered:
.L_overlay_start_0:
0x88: {  	s2 =	sld [smem:$0x3FD9]  }
0x89: {  	s3 =	sld [smem:$0x3FFE];
	_ =	sdelay $0x1  }
0x8a: {  	s1 =	srdreg.scid  }
0x8b: {  	s0 =	sand.u32 $0x1, s1  }
0x8c: {  	s17 =	sshll.u32 s0, $0xA;
	s2 =	sadd.s32 s3, s2  }
0x8d: {  	s2 =	sadd.s32 s2, s17  }
0x8e: {  	[smem:$0x3FB8] =	sst s2  }
0x8f: {  	_ = 	snop  }
0x90: {  	s2 =	sld [smem:$0x3FD0];
	(tm) =	ssettm $0x1  }
0x91: {  	s18 =	sld [smem:$0x3FFB];
	_ =	sdelay $0x3  }
0x92: {  	_ =	strace s18  }
0x93: {  	s3 =	sld [smem:$0x3FFC];
	_ =	sdelay $0x3  }
0x94: {  	_ =	strace s3  }
0x95: {  	s3 =	sld [smem:$0x3FFD];
	_ =	sdelay $0x3  }
0x96: {  	_ =	strace s3  }
0x97: {  	_ =	strace $0x8FFFFFFF  }
0x98: {  	s19 =	sld [smem:$0x3FDB];
	_ =	sdelay $0x1  }
0x99: {  	s4 =	simm.s32 $_scs_section_size  }
0x9a: {  	s5 =	simm.s32 $_size__tile_overlayer_lowered;
	s6 =	simm.s32 $_tile_overlayer_lowered  }
0x9b: {  	s22 =	simm.s32 $0x1BFF;
	s21 =	sshll.u32 s6, $0x1;
	s3 =	sadd.s32 s4, s19  }
0x9c: {  	s7 =	simm.s32 $0x0;
	s20 =	sshll.u32 s5, $0x1;
	s5 =	sadd.s32 s21, s3  }
0x9d: {  	[timem:s7], [sflag:s22] =	dma.local [hbm:s5], s20  }
0x9e: {  	_ =	swait.ge [sflag:s22], s20  }
0x9f: {  	s4 =	ssub.s32 $0x0, s20;
	[sflag:s22] =	ssyncset.done $0x0  }
0xa0: {  	[sflag:s22] =	ssyncadd.s32 s4;
	_ =	sdelay $0x1  }
0xa1: {  	s23 =	simm.s32 $0x1B8B  }
0xa2: {  	_ =	swait.ge [sflag:s23], $0x1  }
0xa3: {  	[sflag:s23] =	ssyncset.done $0x0  }
0xa4: {  	s25 =	simm.s32 $0x1B8E;
	s24 =	sld [smem:$0x3FFE];
	[sflag:s23] =	ssyncadd.s32 $0xFFFFFFFF  }
0xa5: {  	s26 =	simm.s32 $execute0_lowered;
	[smem:$0x3FD2] =	sst s25  }
0xa6: {  	s5 =	sshll.u32 s26, $0x1;
	_ =	strace $0x8000004C;
	[dreg:$0x1] =	wrdreg $0xFFFFFFFF  }
0xa7: {  	s28 =	simm.s32 $_size_execute0_lowered;
	s3 =	sadd.s32 s3, s5;
	[dreg:$0x0] =	wrdreg $0x0  }
0xa8: {  	s5 =	sshll.u32 s28, $0x1;
	[dreg:$0x2] =	wrdreg s3  }
0xa9: {  	[dreg:$0x3] =	wrdreg s5  }
0xaa: {  	[dreg:$0x4] =	wrdreg $0xC0  }
0xab: {  	_ =	task [dreg:s7], $0x5FFFF  }
0xac: {  	[dreg:$0x1] =	wrdreg $0xFFFFFFFF  }
0xad: {  	[dreg:$0x0] =	wrdreg $0x60  }
0xae: {  	[dreg:$0x2] =	wrdreg s24  }
0xaf: {  	[dreg:$0x3] =	wrdreg s2  }
0xb0: {  	[dreg:$0x4] =	wrdreg $0xAE000  }
0xb1: {  	[dreg:$0x5] =	wrdreg $0x9  }
0xb2: {  	_ =	task.clear_ibuf [dreg:s7], $0x6FFFF;
	_ =	strace $0x9000004C  }
0xb3: {  	s29 =	simm.s32 $0x9;
	_ =	strace $0x8000004E  }
0xb4: {  	_ =	swait.ge [sflag:s29], $0x1  }
0xb5: {  	[sflag:s29] =	ssyncadd.s32 $0xFFFFFFFF  }
0xb6: {  	_ =	strace $0x9000004E  }
0xb7: {  	_ =	sfence  }
0xb8: {  	s30 =	sld [smem:$0x0];
	_ =	sdelay $0x2  }
0xb9: {  	s31 =	sshll.u32 s1, $0xD;
	s1 =	sshrl.u32 s1, $0x2  }
0xba: {  	s3 =	sand.u32 $0x4000, s31;
	s1 =	sadd.s32 s1, s30  }
0xbb: {  	s0 =	sor.u32 s3, s0;
	s1 =	sshll.u32 s1, $0x11  }
0xbc: {  	s0 =	sor.u32 s1, s0  }
0xbd: {  	s0 =	sadd.s32 $0x8F2B, s0  }
0xbe: {  	[sflag:s0] =	ssyncadd.remote.s32 $0x1  }
0xbf: {  	_ =	sfence.sel $0xFFFF  }
0xc0: {  	[dreg:$0x0] =	wrdreg $0xFFFFFFFF;
	(pc) =	sbr.abs _section_cstart, $3  }
0xc1: {  	[dreg:$0x1] =	wrdreg $0xFFFFFFFF  }
0xc2: {  	_ =	task.clear_ibuf [dreg:s7], $0x2FFFF;
	_ =	strace $0x9FFFFFFF  }
0xc3: {  	(tm) =	ssettm $0x7FFFFFFF  }
tec
execute0_lowered:
.L_overlay_start_1:
0x0: {  	(tag) =	ssettag $0x1  }
0x1: {  	s0 =	srdreg.scid  }
0x2: {  	s1 =	rddreg [dreg:$0x0];
	s0 =	sand.u32 $0x1, s0  }
0x3: {  	s2 =	rddreg [dreg:$0x1];
	s9 =	stileid.u32;
	s4 =	sshll.u32 s0, $0x4  }
0x4: {  	s3 =	rddreg [dreg:$0x2];
	s7 =	smul.u32 $0x13C000, s0;
	s5 =	sor.u32 s9, s4  }
0x5: {  	s29 =	simm.s32 $0x80;
	s0 =	ssub.s32 $0x2, s0;
	s6 =	smul.u32 $0x2C00, s5  }
0x6: {  	s31 =	simm.s32 $0x2E00;
	s28 =	simm.s32 $0x0;
	s13 =	sshrl.u32 s0, $0x1  }
0x7: {  	s4 =	simm.s32 $0x0;
	s0 =	ssub.s32 s0, s13;
	s6 =	sshrl.u32 s6, $0x3  }
0x8: {  	[smem:$0x7FF] =	sst s4;
	s0 =	smax.u32 s0, $0x1;
	s10 =	sadd.s32 s6, s1  }
0x9: {  	_ =	strace $0x8000004D;
	[dreg:$0x6] =	wrdreg s0;
	s15 =	sadd.s32 $0x7A500, s10  }
0xa: {  	s8 =	smul.u32 $0x13C00, s9;
	s17 =	sadd.s32 $0x7A000, s10;
	[dreg:$0x4] =	wrdreg s15  }
0xb: {  	s9 =	smul.u32 $0x4F000, s9;
	s18 =	sadd.s32 $0x7A080, s10;
	[dreg:$0x7] =	wrdreg s17  }
0xc: {  	s5 =	sadd.s32 $0x3800, s1;
	s19 =	sadd.s32 $0x7A100, s10;
	[dreg:$0x8] =	wrdreg s18  }
0xd: {  	s12 =	sadd.s32 s8, s7;
	s20 =	sadd.s32 $0x7A180, s10;
	[dreg:$0x9] =	wrdreg s19  }
0xe: {  	s14 =	sshrl.u32 s9, $0x2;
	s21 =	sadd.s32 $0x7A200, s10;
	[dreg:$0xa] =	wrdreg s20  }
0xf: {  	s6 =	sshrl.u32 s12, $0x3;
	s22 =	sadd.s32 $0x7A280, s10;
	[dreg:$0xb] =	wrdreg s21  }
0x10: {  	s1 =	sadd.s32 s6, s1;
	s23 =	sadd.s32 $0x7A300, s10;
	[dreg:$0xc] =	wrdreg s22  }
0x11: {  	s6 =	sadd.s32 s14, s3;
	s24 =	sadd.s32 $0x7A380, s10;
	[dreg:$0xd] =	wrdreg s23  }
0x12: {  	s25 =	sadd.s32 $0x7A400, s10;
	s16 =	sadd.s32 $0x10000, s6;
	[dreg:$0xe] =	wrdreg s24  }
0x13: {  	s1 =	sadd.s32 $0x2B000, s1;
	[dreg:$0xf] =	wrdreg s25;
	s19 =	sadd.s32 $0x7A480, s10  }
0x14: {  	s26 =	sadd.s32 $0x4000, s6;
	s30 =	sadd.s32 $0x8000, s6;
	s8 =	sadd.s32 $0xC000, s6  }
0x15: {  	s20 =	simm.s32 $0x3;
	s21 =	simm.s32 $0x2C80;
	[dreg:$0x5] =	wrdreg s1  }
0x16: {  	s22 =	sshrl.u32 s26, $0x3;
	s23 =	sshrl.u32 s30, $0x3;
	s24 =	sshrl.u32 s8, $0x3  }
0x17: {  	s25 =	sshrl.u32 s16, $0x3;
	s1 =	simm.s32 $0x1;
	s26 =	simm.s32 $0x4  }
.LBB2_1:
0x18: {  	s0 =	rddreg [dreg:$0x7]  }
0x19: {  	[tilespmem:s4], [sflag:$0x3] =	stream.linear.gather [hbm4b:s0+s4], $0x400, $0x38;
	[tilespmem:$0x1EA00] =	vst v63  }
0x1a: {  	_ =	swait.ge [sflag:s20], $0x400  }
0x1b: {  	[sflag:s20] =	ssyncset.done $0x0  }
0x1c: {  	s7 =	simm.s32 $0x400;
	s10 =	rddreg [dreg:$0x8];
	[sflag:s20] =	ssyncadd.s32 $0xFFFFFC00  }
0x1d: {  	[tilespmem:s7], [sflag:$0x3] =	stream.linear.gather [hbm4b:s10+s4], $0x400, $0x38;
	[tilespmem:$0x1EA00] =	vst v63  }
0x1e: {  	_ =	swait.ge [sflag:s20], $0x400  }
0x1f: {  	[sflag:s20] =	ssyncset.done $0x0  }
0x20: {  	s12 =	simm.s32 $0x800;
	s11 =	rddreg [dreg:$0x9];
	[sflag:s20] =	ssyncadd.s32 $0xFFFFFC00  }
0x21: {  	[tilespmem:s12], [sflag:$0x3] =	stream.linear.gather [hbm4b:s11+s4], $0x400, $0x38;
	[tilespmem:$0x1EA00] =	vst v63  }
0x22: {  	_ =	swait.ge [sflag:s20], $0x400  }
0x23: {  	[sflag:s20] =	ssyncset.done $0x0  }
0x24: {  	s14 =	simm.s32 $0xC00;
	s13 =	rddreg [dreg:$0xa];
	[sflag:s20] =	ssyncadd.s32 $0xFFFFFC00  }
0x25: {  	[tilespmem:s14], [sflag:$0x3] =	stream.linear.gather [hbm4b:s13+s4], $0x400, $0x38;
	[tilespmem:$0x1EA00] =	vst v63  }
0x26: {  	_ =	swait.ge [sflag:s20], $0x400  }
0x27: {  	[sflag:s20] =	ssyncset.done $0x0  }
0x28: {  	s16 =	simm.s32 $0x1000;
	s15 =	rddreg [dreg:$0xb];
	[sflag:s20] =	ssyncadd.s32 $0xFFFFFC00  }
0x29: {  	[tilespmem:s16], [sflag:$0x3] =	stream.linear.gather [hbm4b:s15+s4], $0x400, $0x38;
	[tilespmem:$0x1EA00] =	vst v63  }
0x2a: {  	_ =	swait.ge [sflag:s20], $0x400  }
0x2b: {  	[sflag:s20] =	ssyncset.done $0x0  }
0x2c: {  	s18 =	simm.s32 $0x1400;
	s17 =	rddreg [dreg:$0xc];
	[sflag:s20] =	ssyncadd.s32 $0xFFFFFC00  }
0x2d: {  	[tilespmem:s18], [sflag:$0x3] =	stream.linear.gather [hbm4b:s17+s4], $0x400, $0x38;
	[tilespmem:$0x1EA00] =	vst v63  }
0x2e: {  	_ =	swait.ge [sflag:s20], $0x400  }
0x2f: {  	[sflag:s20] =	ssyncset.done $0x0  }
0x30: {  	s9 =	simm.s32 $0x1800;
	s8 =	rddreg [dreg:$0xd];
	[sflag:s20] =	ssyncadd.s32 $0xFFFFFC00  }
0x31: {  	[tilespmem:s9], [sflag:$0x3] =	stream.linear.gather [hbm4b:s8+s4], $0x400, $0x38;
	[tilespmem:$0x1EA00] =	vst v63  }
0x32: {  	_ =	swait.ge [sflag:s20], $0x400  }
0x33: {  	[sflag:s20] =	ssyncset.done $0x0  }
0x34: {  	s11 =	simm.s32 $0x1C00;
	s10 =	rddreg [dreg:$0xe];
	[sflag:s20] =	ssyncadd.s32 $0xFFFFFC00  }
0x35: {  	[tilespmem:s11], [sflag:$0x3] =	stream.linear.gather [hbm4b:s10+s4], $0x400, $0x38;
	[tilespmem:$0x1EA00] =	vst v63  }
0x36: {  	_ =	swait.ge [sflag:s20], $0x400  }
0x37: {  	[sflag:s20] =	ssyncset.done $0x0  }
0x38: {  	s13 =	simm.s32 $0x2000;
	s12 =	rddreg [dreg:$0xf];
	[sflag:s20] =	ssyncadd.s32 $0xFFFFFC00  }
0x39: {  	[tilespmem:s13], [sflag:$0x3] =	stream.linear.gather [hbm4b:s12+s4], $0x400, $0x38;
	[tilespmem:$0x1EA00] =	vst v63  }
0x3a: {  	_ =	swait.ge [sflag:s20], $0x400  }
0x3b: {  	[sflag:s20] =	ssyncset.done $0x0  }
0x3c: {  	s14 =	simm.s32 $0x2400;
	[sflag:s20] =	ssyncadd.s32 $0xFFFFFC00  }
0x3d: {  	[tilespmem:s14], [sflag:$0x3] =	stream.linear.gather [hbm4b:s19+s4], $0x400, $0x38;
	[tilespmem:$0x1EA00] =	vst v63  }
0x3e: {  	_ =	swait.ge [sflag:s20], $0x400  }
0x3f: {  	[sflag:s20] =	ssyncset.done $0x0  }
0x40: {  	s16 =	simm.s32 $0x2800;
	s15 =	rddreg [dreg:$0x4];
	[sflag:s20] =	ssyncadd.s32 $0xFFFFFC00  }
0x41: {  	[tilespmem:s16], [sflag:$0x3] =	stream.linear.gather [hbm4b:s15+s4], $0x80, $0x38;
	[tilespmem:$0x1EA00] =	vst v63  }
0x42: {  	s17 =	stileid.u32;
	_ =	swait.ge [sflag:s20], $0x80  }
0x43: {  	s0 =	sshll.u32 s17, $0x6;
	[sflag:s20] =	ssyncset.done $0x0  }
0x44: {  	s30 =	sor.u32 $0x1C03, s0;
	s0 =	sshrl.u32 s6, $0x3;
	[sflag:s20] =	ssyncadd.s32 $0xFFFFFF80  }
0x45: {  	[spmem:s0], [sflag:s30] =	dma.local [hbm:s2], $0x800  }
0x46: {  	_ =	swait.ge [sflag:s20], $0x800  }
0x47: {  	[sflag:s20] =	ssyncset.done $0x0  }
0x48: {  	[sflag:s20] =	ssyncadd.s32 $0xFFFFF800  }
0x49: {  	[spmem:s22], [sflag:s30] =	dma.local [hbm:s2], $0x800  }
0x4a: {  	_ =	swait.ge [sflag:s20], $0x800  }
0x4b: {  	[sflag:s20] =	ssyncset.done $0x0  }
0x4c: {  	[sflag:s20] =	ssyncadd.s32 $0xFFFFF800  }
0x4d: {  	[spmem:s23], [sflag:s30] =	dma.local [hbm:s2], $0x800  }
0x4e: {  	_ =	swait.ge [sflag:s20], $0x800  }
0x4f: {  	[sflag:s20] =	ssyncset.done $0x0  }
0x50: {  	[sflag:s20] =	ssyncadd.s32 $0xFFFFF800  }
0x51: {  	[spmem:s24], [sflag:s30] =	dma.local [hbm:s2], $0x800  }
0x52: {  	_ =	swait.ge [sflag:s20], $0x800  }
0x53: {  	[sflag:s20] =	ssyncset.done $0x0  }
0x54: {  	[sflag:s20] =	ssyncadd.s32 $0xFFFFF800  }
0x55: {  	[spmem:s25], [sflag:s30] =	dma.local [hbm:s2], $0x780  }
0x56: {  	_ =	swait.ge [sflag:s20], $0x780  }
0x57: {  	[sflag:s20] =	ssyncset.done $0x0  }
0x58: {  	[sflag:s20] =	ssyncadd.s32 $0xFFFFF880  }
0x59: {  	[bflag:$0x0] =	sbarrier.arrive $0xFFFF  }
0x5a: {  	v0 =	vld [tilespmem:$0x0];
	_ =	sdelay $0x1  }
0x5b: {  	v1 =	vld [tilespmem:$0x10];
	_ =	sdelay $0x1  }
0x5c: {  	v2 =	vld [tilespmem:$0x20]  }
0x5d: {  	v3 =	vand.u32 $0xFFFF, v0  }
0x5e: {  	v0 =	vshrl.u32 v0, $0x10;
	[tilespmem:$0x2C00] =	vst v3;
	v3 =	vld [tilespmem:$0x30]  }
0x5f: {  	[tilespmem:$0x2C80] =	vst v0;
	v0 =	vand.u32 $0xFFFF, v1  }
0x60: {  	[tilespmem:$0x2C10] =	vst v0;
	v0 =	vshrl.u32 v1, $0x10;
	v1 =	vld [tilespmem:$0x40]  }
0x61: {  	[tilespmem:$0x2C90] =	vst v0;
	v0 =	vand.u32 $0xFFFF, v2  }
0x62: {  	[tilespmem:$0x2C20] =	vst v0;
	v0 =	vshrl.u32 v2, $0x10;
	v2 =	vld [tilespmem:$0x50]  }
0x63: {  	[tilespmem:$0x2CA0] =	vst v0;
	v0 =	vand.u32 $0xFFFF, v3  }
0x64: {  	[tilespmem:$0x2C30] =	vst v0;
	v0 =	vshrl.u32 v3, $0x10;
	v3 =	vld [tilespmem:$0x60]  }
0x65: {  	[tilespmem:$0x2CB0] =	vst v0;
	v0 =	vand.u32 $0xFFFF, v1  }
0x66: {  	[tilespmem:$0x2C40] =	vst v0;
	v0 =	vshrl.u32 v1, $0x10;
	v1 =	vld [tilespmem:$0x70]  }
0x67: {  	[tilespmem:$0x2CC0] =	vst v0;
	v0 =	vand.u32 $0xFFFF, v2  }
0x68: {  	[tilespmem:$0x2C50] =	vst v0;
	v0 =	vshrl.u32 v2, $0x10  }
0x69: {  	[tilespmem:$0x2CD0] =	vst v0;
	v0 =	vand.u32 $0xFFFF, v3  }
0x6a: {  	[tilespmem:$0x2C60] =	vst v0;
	v0 =	vshrl.u32 v3, $0x10  }
0x6b: {  	[tilespmem:$0x2CE0] =	vst v0;
	v0 =	vand.u32 $0xFFFF, v1  }
0x6c: {  	[tilespmem:$0x2C70] =	vst v0;
	v0 =	vshrl.u32 v1, $0x10  }
0x6d: {  	p0 =	por $0x0, $0x0;
	s7 =	simm.s32 $0xC0;
	s18 =	simm.s32 $0x2C00;
	[tilespmem:$0x2CF0] =	vst v0  }
0x6e: {  	[tilespmem:s31], [sflag:$0x1] =	stream.indirect.gather [hbm4b:s5+s29], $0x80, s18, s29, $0xb8;
	[tilespmem:$0x1EA00] =	vst v63  }
0x6f: {  	v0 =	vld @!p0 [tilespmem:s7+$0xFFFFFFC0];
	_ =	sdelay $0x4  }
0x70: {  	v1 =	vand.u32 @!p0 $0xFFFF, v0  }
0x71: {  	v0 =	vshrl.u32 @!p0 v0, $0x10;
	[tilespmem:$0x2D00] =	vst @!p0 v1  }
0x72: {  	[tilespmem:$0x2D80] =	vst @!p0 v0  }
0x73: {  	v0 =	vld @!p0 [tilespmem:s7+$0xFFFFFFD0];
	_ =	sdelay $0x4  }
0x74: {  	v1 =	vand.u32 @!p0 $0xFFFF, v0  }
0x75: {  	v0 =	vshrl.u32 @!p0 v0, $0x10;
	[tilespmem:$0x2D10] =	vst @!p0 v1  }
0x76: {  	[tilespmem:$0x2D90] =	vst @!p0 v0  }
0x77: {  	v0 =	vld @!p0 [tilespmem:s7+$0xFFFFFFE0];
	_ =	sdelay $0x4  }
0x78: {  	v1 =	vand.u32 @!p0 $0xFFFF, v0  }
0x79: {  	v0 =	vshrl.u32 @!p0 v0, $0x10;
	[tilespmem:$0x2D20] =	vst @!p0 v1  }
0x7a: {  	[tilespmem:$0x2DA0] =	vst @!p0 v0  }
0x7b: {  	v0 =	vld @!p0 [tilespmem:s7+$0xFFFFFFF0];
	_ =	sdelay $0x4  }
0x7c: {  	v1 =	vand.u32 @!p0 $0xFFFF, v0  }
0x7d: {  	v0 =	vshrl.u32 @!p0 v0, $0x10;
	[tilespmem:$0x2D30] =	vst @!p0 v1  }
0x7e: {  	[tilespmem:$0x2DB0] =	vst @!p0 v0  }
0x7f: {  	v0 =	vld @!p0 [tilespmem:s7+$0x0];
	_ =	sdelay $0x4  }
0x80: {  	v1 =	vand.u32 @!p0 $0xFFFF, v0  }
0x81: {  	v0 =	vshrl.u32 @!p0 v0, $0x10;
	[tilespmem:$0x2D40] =	vst @!p0 v1  }
0x82: {  	[tilespmem:$0x2DC0] =	vst @!p0 v0  }
0x83: {  	v0 =	vld @!p0 [tilespmem:s7+$0x10];
	_ =	sdelay $0x4  }
0x84: {  	v1 =	vand.u32 @!p0 $0xFFFF, v0  }
0x85: {  	v0 =	vshrl.u32 @!p0 v0, $0x10;
	[tilespmem:$0x2D50] =	vst @!p0 v1  }
0x86: {  	[tilespmem:$0x2DD0] =	vst @!p0 v0  }
0x87: {  	v0 =	vld @!p0 [tilespmem:s7+$0x20];
	_ =	sdelay $0x4  }
0x88: {  	v1 =	vand.u32 @!p0 $0xFFFF, v0  }
0x89: {  	v0 =	vshrl.u32 @!p0 v0, $0x10;
	[tilespmem:$0x2D60] =	vst @!p0 v1  }
0x8a: {  	[tilespmem:$0x2DE0] =	vst @!p0 v0  }
0x8b: {  	v0 =	vld @!p0 [tilespmem:s7+$0x30];
	_ =	sdelay $0x4  }
0x8c: {  	v1 =	vand.u32 @!p0 $0xFFFF, v0  }
0x8d: {  	v0 =	vshrl.u32 @!p0 v0, $0x10;
	[tilespmem:$0x2D70] =	vst @!p0 v1  }
0x8e: {  	s8 =	simm.s32 @!p0 $0x2D00;
	s10 =	simm.s32 @!p0 $0x80;
	s11 =	simm.s32 @!p0 $0x6E00;
	[tilespmem:$0x2DF0] =	vst @!p0 v0  }
0x8f: {  	[tilespmem:s11], [sflag:$0x2] =	stream.indirect.gather @!p0 [hbm4b:s5+s10], $0x80, s8, s10, $0xb8;
	[tilespmem:$0x1EA00] =	vst v63  }
0x90: {  	_ =	swait.ge [sflag:s1], $0x4000  }
0x91: {  	[sflag:s1] =	ssyncset.done $0x0  }
0x92: {  	[sflag:s1] =	ssyncadd.s32 $0xFFFFC000  }
0x93: {  	[spmem:s3] =	stream.indirect.scatter.add.f32 [tilespmem:s31], [sflag:$0x4], $0x80, s21, s29, $0xb8;
	[tilespmem:$0x1EA00] =	vst v63  }
0x94: {  	_ =	swait.ge [sflag:s26], $0x4000  }
0x95: {  	[sflag:s26] =	ssyncset.done $0x0  }
0x96: {  	p2 =	por $0x0, $0x0;
	[sflag:s26] =	ssyncadd.s32 $0xFFFFC000  }
0x97: {  	v0 =	vld @!p2 [tilespmem:s7+$0x40];
	_ =	sdelay $0x4  }
0x98: {  	v1 =	vand.u32 @!p2 $0xFFFF, v0  }
0x99: {  	v0 =	vshrl.u32 @!p2 v0, $0x10;
	[tilespmem:$0x2C00] =	vst @!p2 v1  }
0x9a: {  	[tilespmem:$0x2C80] =	vst @!p2 v0  }
0x9b: {  	v0 =	vld @!p2 [tilespmem:s7+$0x50];
	_ =	sdelay $0x4  }
0x9c: {  	v1 =	vand.u32 @!p2 $0xFFFF, v0  }
0x9d: {  	v0 =	vshrl.u32 @!p2 v0, $0x10;
	[tilespmem:$0x2C10] =	vst @!p2 v1  }
0x9e: {  	[tilespmem:$0x2C90] =	vst @!p2 v0  }
0x9f: {  	v0 =	vld @!p2 [tilespmem:s7+$0x60];
	_ =	sdelay $0x4  }
0xa0: {  	v1 =	vand.u32 @!p2 $0xFFFF, v0  }
0xa1: {  	v0 =	vshrl.u32 @!p2 v0, $0x10;
	[tilespmem:$0x2C20] =	vst @!p2 v1  }
0xa2: {  	[tilespmem:$0x2CA0] =	vst @!p2 v0  }
0xa3: {  	v0 =	vld @!p2 [tilespmem:s7+$0x70];
	_ =	sdelay $0x4  }
0xa4: {  	v1 =	vand.u32 @!p2 $0xFFFF, v0  }
0xa5: {  	v0 =	vshrl.u32 @!p2 v0, $0x10;
	[tilespmem:$0x2C30] =	vst @!p2 v1  }
0xa6: {  	[tilespmem:$0x2CB0] =	vst @!p2 v0  }
0xa7: {  	v0 =	vld @!p2 [tilespmem:s7+$0x80];
	_ =	sdelay $0x4  }
0xa8: {  	v1 =	vand.u32 @!p2 $0xFFFF, v0  }
0xa9: {  	v0 =	vshrl.u32 @!p2 v0, $0x10;
	[tilespmem:$0x2C40] =	vst @!p2 v1  }
0xaa: {  	[tilespmem:$0x2CC0] =	vst @!p2 v0  }
0xab: {  	v0 =	vld @!p2 [tilespmem:s7+$0x90];
	_ =	sdelay $0x4  }
0xac: {  	v1 =	vand.u32 @!p2 $0xFFFF, v0  }
0xad: {  	v0 =	vshrl.u32 @!p2 v0, $0x10;
	[tilespmem:$0x2C50] =	vst @!p2 v1  }
0xae: {  	[tilespmem:$0x2CD0] =	vst @!p2 v0  }
0xaf: {  	v0 =	vld @!p2 [tilespmem:s7+$0xA0];
	_ =	sdelay $0x3  }
0xb0: {  	s17 =	simm.s32 @!p0 $0x2D80;
	s9 =	simm.s32 $0xC0  }
0xb1: {  	s13 =	simm.s32 @!p0 $0x3;
	s14 =	simm.s32 @!p0 $0x2;
	s15 =	simm.s32 @!p2 $0x80;
	v1 =	vand.u32 @!p2 $0xFFFF, v0  }
0xb2: {  	s16 =	simm.s32 @!p2 $0x2C00;
	s18 =	simm.s32 @!p2 $0x2E00;
	s8 =	simm.s32 $0x3;
	v0 =	vshrl.u32 @!p2 v0, $0x10;
	[tilespmem:$0x2C60] =	vst @!p2 v1  }
.LBB2_2:
0xb3: {  	[tilespmem:$0x2CE0] =	vst @!p2 v0;
	s7 =	sadd.s32 $0x100, s7;
	s12 =	smov.u32 s8;
	s8 =	sadd.s32 $0x2, s8  }
0xb4: {  	p1 =	sne.s32 s8, $0x53;
	v0 =	vld @!p2 [tilespmem:s9+$0xB0];
	s9 =	smov.u32 s7;
	_ =	sdelay $0x4  }
0xb5: {  	v1 =	vand.u32 @!p2 $0xFFFF, v0;
	v0 =	vshrl.u32 @!p2 v0, $0x10  }
0xb6: {  	[tilespmem:$0x2C70] =	vst @!p2 v1  }
0xb7: {  	[tilespmem:$0x2CF0] =	vst @!p2 v0  }
0xb8: {  	[tilespmem:s18], [sflag:$0x1] =	stream.indirect.gather @!p2 [hbm4b:s5+s15], $0x80, s16, s15, $0xb8;
	[tilespmem:$0x1EA00] =	vst v63  }
0xb9: {  	_ =	swait.ge @!p0 [sflag:s14], $0x4000  }
0xba: {  	[sflag:s14] =	ssyncset.done @!p0 $0x0  }
0xbb: {  	[sflag:s14] =	ssyncadd.s32 @!p0 $0xFFFFC000  }
0xbc: {  	[spmem:s3] =	stream.indirect.scatter.add.f32 @!p0 [tilespmem:s11], [sflag:$0x3], $0x80, s17, s10, $0xb8;
	[tilespmem:$0x1EA00] =	vst v63  }
0xbd: {  	_ =	swait.ge @!p0 [sflag:s13], $0x4000  }
0xbe: {  	[sflag:s13] =	ssyncset.done @!p0 $0x0  }
0xbf: {  	[sflag:s13] =	ssyncadd.s32 @!p0 $0xFFFFC000;
	p0 =	sgt.u32 s12, $0x50  }
0xc0: {  	v0 =	vld @!p0 [tilespmem:s7+$0xFFFFFFC0];
	_ =	sdelay $0x4  }
0xc1: {  	v1 =	vand.u32 @!p0 $0xFFFF, v0;
	v0 =	vshrl.u32 @!p0 v0, $0x10  }
0xc2: {  	[tilespmem:$0x2D00] =	vst @!p0 v1  }
0xc3: {  	[tilespmem:$0x2D80] =	vst @!p0 v0  }
0xc4: {  	v0 =	vld @!p0 [tilespmem:s7+$0xFFFFFFD0];
	_ =	sdelay $0x4  }
0xc5: {  	v1 =	vand.u32 @!p0 $0xFFFF, v0;
	v0 =	vshrl.u32 @!p0 v0, $0x10  }
0xc6: {  	[tilespmem:$0x2D10] =	vst @!p0 v1  }
0xc7: {  	[tilespmem:$0x2D90] =	vst @!p0 v0  }
0xc8: {  	v0 =	vld @!p0 [tilespmem:s7+$0xFFFFFFE0];
	_ =	sdelay $0x4  }
0xc9: {  	v1 =	vand.u32 @!p0 $0xFFFF, v0;
	v0 =	vshrl.u32 @!p0 v0, $0x10  }
0xca: {  	[tilespmem:$0x2D20] =	vst @!p0 v1  }
0xcb: {  	[tilespmem:$0x2DA0] =	vst @!p0 v0  }
0xcc: {  	v0 =	vld @!p0 [tilespmem:s7+$0xFFFFFFF0];
	_ =	sdelay $0x4  }
0xcd: {  	v1 =	vand.u32 @!p0 $0xFFFF, v0;
	v0 =	vshrl.u32 @!p0 v0, $0x10  }
0xce: {  	[tilespmem:$0x2D30] =	vst @!p0 v1  }
0xcf: {  	[tilespmem:$0x2DB0] =	vst @!p0 v0  }
0xd0: {  	v0 =	vld @!p0 [tilespmem:s7+$0x0];
	_ =	sdelay $0x4  }
0xd1: {  	v1 =	vand.u32 @!p0 $0xFFFF, v0;
	v0 =	vshrl.u32 @!p0 v0, $0x10  }
0xd2: {  	[tilespmem:$0x2D40] =	vst @!p0 v1  }
0xd3: {  	[tilespmem:$0x2DC0] =	vst @!p0 v0  }
0xd4: {  	v0 =	vld @!p0 [tilespmem:s7+$0x10];
	_ =	sdelay $0x4  }
0xd5: {  	v1 =	vand.u32 @!p0 $0xFFFF, v0;
	v0 =	vshrl.u32 @!p0 v0, $0x10  }
0xd6: {  	[tilespmem:$0x2D50] =	vst @!p0 v1  }
0xd7: {  	[tilespmem:$0x2DD0] =	vst @!p0 v0  }
0xd8: {  	v0 =	vld @!p0 [tilespmem:s7+$0x20];
	_ =	sdelay $0x4  }
0xd9: {  	v1 =	vand.u32 @!p0 $0xFFFF, v0;
	v0 =	vshrl.u32 @!p0 v0, $0x10  }
0xda: {  	[tilespmem:$0x2D60] =	vst @!p0 v1  }
0xdb: {  	s10 =	simm.s32 @!p0 $0x80;
	s13 =	simm.s32 @!p0 $0x2D00;
	s11 =	simm.s32 @!p0 $0x6E00;
	[tilespmem:$0x2DE0] =	vst @!p0 v0  }
0xdc: {  	v0 =	vld @!p0 [tilespmem:s7+$0x30];
	_ =	sdelay $0x4  }
0xdd: {  	v1 =	vand.u32 @!p0 $0xFFFF, v0;
	v0 =	vshrl.u32 @!p0 v0, $0x10  }
0xde: {  	[tilespmem:$0x2D70] =	vst @!p0 v1  }
0xdf: {  	[tilespmem:$0x2DF0] =	vst @!p0 v0  }
0xe0: {  	[tilespmem:s11], [sflag:$0x2] =	stream.indirect.gather @!p0 [hbm4b:s5+s10], $0x80, s13, s10, $0xb8;
	[tilespmem:$0x1EA00] =	vst v63  }
0xe1: {  	_ =	swait.ge [sflag:s1], $0x4000  }
0xe2: {  	[sflag:s1] =	ssyncset.done $0x0  }
0xe3: {  	[sflag:s1] =	ssyncadd.s32 $0xFFFFC000  }
0xe4: {  	[spmem:s3] =	stream.indirect.scatter.add.f32 [tilespmem:s31], [sflag:$0x4], $0x80, s21, s29, $0xb8;
	[tilespmem:$0x1EA00] =	vst v63  }
0xe5: {  	_ =	swait.ge [sflag:s26], $0x4000  }
0xe6: {  	[sflag:s26] =	ssyncset.done $0x0  }
0xe7: {  	p2 =	seq.s32 s12, $0x51;
	[sflag:s26] =	ssyncadd.s32 $0xFFFFC000  }
0xe8: {  	v0 =	vld @!p2 [tilespmem:s7+$0x40];
	_ =	sdelay $0x4  }
0xe9: {  	v1 =	vand.u32 @!p2 $0xFFFF, v0;
	v0 =	vshrl.u32 @!p2 v0, $0x10  }
0xea: {  	[tilespmem:$0x2C00] =	vst @!p2 v1  }
0xeb: {  	[tilespmem:$0x2C80] =	vst @!p2 v0  }
0xec: {  	v0 =	vld @!p2 [tilespmem:s7+$0x50];
	_ =	sdelay $0x4  }
0xed: {  	v1 =	vand.u32 @!p2 $0xFFFF, v0;
	v0 =	vshrl.u32 @!p2 v0, $0x10  }
0xee: {  	[tilespmem:$0x2C10] =	vst @!p2 v1  }
0xef: {  	[tilespmem:$0x2C90] =	vst @!p2 v0  }
0xf0: {  	v0 =	vld @!p2 [tilespmem:s7+$0x60];
	_ =	sdelay $0x4  }
0xf1: {  	v1 =	vand.u32 @!p2 $0xFFFF, v0;
	v0 =	vshrl.u32 @!p2 v0, $0x10  }
0xf2: {  	[tilespmem:$0x2C20] =	vst @!p2 v1  }
0xf3: {  	[tilespmem:$0x2CA0] =	vst @!p2 v0  }
0xf4: {  	v0 =	vld @!p2 [tilespmem:s7+$0x70];
	_ =	sdelay $0x4  }
0xf5: {  	v1 =	vand.u32 @!p2 $0xFFFF, v0;
	v0 =	vshrl.u32 @!p2 v0, $0x10  }
0xf6: {  	[tilespmem:$0x2C30] =	vst @!p2 v1  }
0xf7: {  	[tilespmem:$0x2CB0] =	vst @!p2 v0  }
0xf8: {  	v0 =	vld @!p2 [tilespmem:s7+$0x80];
	_ =	sdelay $0x4  }
0xf9: {  	v1 =	vand.u32 @!p2 $0xFFFF, v0;
	v0 =	vshrl.u32 @!p2 v0, $0x10  }
0xfa: {  	[tilespmem:$0x2C40] =	vst @!p2 v1  }
0xfb: {  	[tilespmem:$0x2CC0] =	vst @!p2 v0  }
0xfc: {  	v0 =	vld @!p2 [tilespmem:s7+$0x90];
	_ =	sdelay $0x4  }
0xfd: {  	v1 =	vand.u32 @!p2 $0xFFFF, v0;
	v0 =	vshrl.u32 @!p2 v0, $0x10  }
0xfe: {  	[tilespmem:$0x2C50] =	vst @!p2 v1  }
0xff: {  	s15 =	simm.s32 @!p2 $0x80;
	s16 =	simm.s32 @!p2 $0x2C00;
	s18 =	simm.s32 @!p2 $0x2E00;
	[tilespmem:$0x2CD0] =	vst @!p2 v0  }
0x100: {  	s14 =	simm.s32 @!p0 $0x2;
	v0 =	vld @!p2 [tilespmem:s7+$0xA0];
	_ =	sdelay $0x1  }
.Ltmp0:
0x101: {  	(pc) =	sbr.rel @p1 .LBB2_2-.Ltmp0, $4  }
0x102: {  	s17 =	simm.s32 @!p0 $0x2D80  }
0x103: {  	s13 =	simm.s32 @!p0 $0x3  }
0x104: {  	v1 =	vand.u32 @!p2 $0xFFFF, v0;
	v0 =	vshrl.u32 @!p2 v0, $0x10  }
0x105: {  	[tilespmem:$0x2C60] =	vst @!p2 v1  }
0x106: {  	[tilespmem:$0x2CE0] =	vst @!p2 v0  }
0x107: {  	v0 =	vld @!p2 [tilespmem:s9+$0xB0];
	_ =	sdelay $0x4  }
0x108: {  	v1 =	vand.u32 @!p2 $0xFFFF, v0  }
0x109: {  	v0 =	vshrl.u32 @!p2 v0, $0x10;
	[tilespmem:$0x2C70] =	vst @!p2 v1  }
0x10a: {  	[tilespmem:$0x2CF0] =	vst @!p2 v0  }
0x10b: {  	[tilespmem:s18], [sflag:$0x1] =	stream.indirect.gather @!p2 [hbm4b:s5+s15], $0x80, s16, s15, $0xb8;
	[tilespmem:$0x1EA00] =	vst v63  }
0x10c: {  	_ =	swait.ge @!p0 [sflag:s14], $0x4000  }
0x10d: {  	[sflag:s14] =	ssyncset.done @!p0 $0x0  }
0x10e: {  	[sflag:s14] =	ssyncadd.s32 @!p0 $0xFFFFC000  }
0x10f: {  	[spmem:s3] =	stream.indirect.scatter.add.f32 @!p0 [tilespmem:s11], [sflag:$0x3], $0x80, s17, s10, $0xb8;
	[tilespmem:$0x1EA00] =	vst v63  }
0x110: {  	_ =	swait.ge @!p0 [sflag:s13], $0x4000  }
0x111: {  	[sflag:s13] =	ssyncset.done @!p0 $0x0  }
0x112: {  	[sflag:s13] =	ssyncadd.s32 @!p0 $0xFFFFC000  }
0x113: {  	[bflag:$0x0] =	sbarrier.arrive $0xFFFF  }
0x114: {  	s7 =	rddreg [dreg:$0x5]  }
0x115: {  	[hbm:s7], [sflag:s30] =	dma.local [spmem:s0], $0x2780  }
0x116: {  	_ =	swait.ge [sflag:s20], $0x2780  }
0x117: {  	s28 =	sadd.s32 $0x1, s28;
	s30 =	rddreg [dreg:$0x6]  }
0x118: {  	p0 =	sne.s32 s28, s30  }
.Ltmp1:
0x119: {  	_ = 	snop;
	(pc) =	sbr.rel @p0 .LBB2_1-.Ltmp1, $3  }
0x11a: {  	_ =	sdelay $0x1  }
0x11b: {  	[sflag:s20] =	ssyncset.done $0x0  }
0x11c: {  	[sflag:s20] =	ssyncadd.s32 $0xFFFFD880  }
0x11d: {  	_ =	sfence.sel $0x180000  }
0x11e: {  	[bflag:$0x0] =	sbarrier.arrive $0xFFFF  }
0x11f: {  	_ =	strace $0x9000004D  }
0x120: {  	s0 =	stileid.u32;
	[bflag:$0x2] =	sbarrier.arrive $0xFFFF  }
0x121: {  	p0 =	sne.s32 s0, $0x0;
	s0 =	rddreg [dreg:$0x3]  }
0x122: {  	s0 =	sadd.s32 @!p0 $0x100000, s0  }
0x123: {  	[sflag:s0] =	ssyncadd.tile.s32 @!p0 $0x1;
	_ =	shalt  }
.Lfunc_end2:
_tile_overlayer_lowered:
.L_overlay_start_2:
0x124: {  	(tag) =	ssettag $0x2  }
0x125: {  	s0 =	rddreg [dreg:$0x0];
	s2 =	stileid.u32  }
0x126: {  	s1 =	rddreg [dreg:$0x1];
	p0 =	sne.s32 s2, $0x0  }
0x127: {  	s3 =	rddreg [dreg:$0x2];
	[bflag:$0x3] =	sbarrier.arrive $0xFFFF;
	s2 =	simm.s32 @!p0 $0x1C03  }
0x128: {  	[timem:s3], [sflag:s2] =	dma.local @!p0 [hbm:s0], s1  }
0x129: {  	s0 =	simm.s32 @!p0 $0x3  }
0x12a: {  	_ =	swait.ge @!p0 [sflag:s0], s1  }
0x12b: {  	s1 =	ssub.s32 @!p0 $0x0, s1;
	[sflag:s0] =	ssyncset.done @!p0 $0x0  }
0x12c: {  	[sflag:s0] =	ssyncadd.s32 @!p0 s1  }
0x12d: {  	[bflag:$0x3] =	sbarrier.arrive $0xFFFF  }
0x12e: {  	_ =	shalt  }

// kernel: kernel.9.cloned.1.call-start
scs
__scs_entry_jumppad:
0x0: {  	(pc) =	sbr.rel $0x88, $3  }
0x1: {  	(tag) =	ssettag $0x0;
	lr =	simm.s32 $0x1  }
0x2: {  	[smem:$0x3F91] =	sst lr;
	_ =	strace $0xD0000000  }
0x3: {  	_ = 	snop  }
0x4: {  	_ = 	snop  }
0x5: {  	_ = 	snop  }
0x6: {  	_ = 	snop  }
0x7: {  	_ = 	snop  }
__scs_overlays_trampoline_lowered:
0x8: {  	[smem:$0x3FA0] =	sst s0  }
0x9: {  	[smem:$0x3FA1] =	sst s1  }
0xa: {  	[smem:$0x3FA2] =	sst s2  }
0xb: {  	[smem:$0x3FA3] =	sst s3  }
0xc: {  	[smem:$0x3FA4] =	sst s4  }
0xd: {  	[smem:$0x3FA5] =	sst s5  }
0xe: {  	[smem:$0x3FA6] =	sst s6  }
0xf: {  	[smem:$0x3FA7] =	sst s7  }
0x10: {  	[smem:$0x3FA8] =	sst s8  }
0x11: {  	[smem:$0x3FA9] =	sst s9;
	s0 =	simm.s32 @!p0 $0x0  }
0x12: {  	s1 =	sld [smem:$0x3F8F];
	s0 =	simm.s32 @p0 $0x1  }
0x13: {  	[smem:$0x3FAA] =	sst s0;
	s0 =	simm.s32 @!p1 $0x0  }
0x14: {  	s2 =	sld [smem:$0x3F8E];
	s0 =	simm.s32 @p1 $0x1  }
0x15: {  	[smem:$0x3FAB] =	sst s0;
	s0 =	simm.s32 @!p2 $0x0  }
0x16: {  	s3 =	sld [smem:$0x3FDB];
	s0 =	simm.s32 @p2 $0x1  }
0x17: {  	s4 =	simm.s32 $0x1BF5;
	[smem:$0x3FAD] =	sst s0  }
0x18: {  	s0 =	sld [smem:$0x3F90];
	_ =	swait.ge [sflag:s4], $0x0  }
0x19: {  	s7 =	sld [smem:$0x3F91]  }
0x1a: {  	s8 =	sadd.s32 $0xFFFFE003, lr  }
0x1b: {  	s9 =	sadd.s32 $0xFFFFFEF7, lr;
	s5 =	simm.s32 $0xFFFFFFFF;
	p2 =	slt.u32 s8, $0xFFFFF086  }
0x1c: {  	p1 =	slt.u32 s9, $0xF7A;
	s5 =	simm.s32 @!p2 $0x0  }
0x1d: {  	s5 =	simm.s32 @p1 $0x1;
	p0 =	seq.s32 s7, s2  }
0x1e: {  	s7 =	smul.u32 @!p0 $0xF7A, s2;
	p2 =	seq.s32 @!p0 s5, $0x0  }
0x1f: {  	s9 =	smul.u32 $0xF7A, s1;
	s8 =	simm.s32 @!p0 $0x1BF5;
	p2 =	por !p2, p0  }
0x20: {  	[sflag:s8] =	ssyncset.s32 @!p0 $0xFFFFF086;
	s6 =	sadd.s32 @!p0 s3, s7;
	s7 =	simm.s32 @!p0 $0x108  }
0x21: {  	s3 =	sadd.s32 s3, s9;
	s6 =	sadd.s32 @!p0 $0x88, s6;
	s7 =	simm.s32 @p2 $0x1082  }
0x22: {  	[simem:s7], [sflag:s8] =	dma.local @!p0 [hbm:s6], $0xF7A  }
0x23: {  	s9 =	sor.u32 $0xD0000000, s2;
	s6 =	simm.s32 $0x108;
	_ =	swait.ge @!p0 [sflag:s8], $0x0  }
0x24: {  	s3 =	sadd.s32 $0x88, s3;
	s6 =	simm.s32 @!p1 $0x1082;
	[sflag:s4] =	ssyncset.s32 $0xFFFFF086  }
0x25: {  	[simem:s6], [sflag:s4] =	dma.local [hbm:s3], $0xF7A  }
0x26: {  	[smem:$0x3F91] =	sst s1;
	(tag) =	ssettag s2;
	_ =	strace s9  }
0x27: {  	s1 =	sld [smem:$0x3FA1]  }
0x28: {  	s2 =	sld [smem:$0x3FA2]  }
0x29: {  	s4 =	sld [smem:$0x3FA4]  }
0x2a: {  	p0 =	seq.s32 s5, $0x0;
	s5 =	sld [smem:$0x3FA5]  }
0x2b: {  	s6 =	sld [smem:$0x3FA6]  }
0x2c: {  	s7 =	sld [smem:$0x3FA7]  }
0x2d: {  	s3 =	simm.s32 $0x108;
	s8 =	sld [smem:$0x3FA8]  }
0x2e: {  	s3 =	simm.s32 @!p0 $0x1082;
	s9 =	sld [smem:$0x3FA9]  }
0x2f: {  	lr =	sadd.s32 s0, s3;
	s0 =	sld [smem:$0x3FA0]  }
0x30: {  	s3 =	sld [smem:$0x3FA3]  }
0x31: {  	[smem:$0x3FAC] =	sst s10  }
0x32: {  	s10 =	sld [smem:$0x3FAA];
	_ =	sdelay $0x3  }
0x33: {  	p0 =	seq.s32 s10, $0x1;
	s10 =	sld [smem:$0x3FAC];
	_ =	sdelay $0x3  }
0x34: {  	[smem:$0x3FAC] =	sst s10  }
0x35: {  	s10 =	sld [smem:$0x3FAB];
	_ =	sdelay $0x3  }
0x36: {  	p1 =	seq.s32 s10, $0x1;
	s10 =	sld [smem:$0x3FAC];
	_ =	sdelay $0x3  }
0x37: {  	[smem:$0x3FAC] =	sst s10  }
0x38: {  	s10 =	sld [smem:$0x3FAD]  }
0x39: {  	_ = 	snop;
	(pc) =	sbr.ind lr, $3  }
0x3a: {  	_ = 	snop  }
0x3b: {  	_ = 	snop  }
0x3c: {  	p2 =	seq.s32 s10, $0x1;
	s10 =	sld [smem:$0x3FAC]  }
0x3d: {  	_ =	shalt  }
0x3e: {  	_ =	shalt  }
0x3f: {  	_ =	shalt  }
0x40: {  	_ =	shalt  }
0x41: {  	_ =	shalt  }
0x42: {  	_ =	shalt  }
0x43: {  	_ =	shalt  }
0x44: {  	_ =	shalt  }
0x45: {  	_ =	shalt  }
0x46: {  	_ =	shalt  }
0x47: {  	_ =	shalt  }
0x48: {  	_ =	shalt  }
0x49: {  	_ =	shalt  }
0x4a: {  	_ =	shalt  }
0x4b: {  	_ =	shalt  }
0x4c: {  	_ =	shalt  }
0x4d: {  	_ =	shalt  }
0x4e: {  	_ =	shalt  }
0x4f: {  	_ =	shalt  }
0x50: {  	_ =	shalt  }
0x51: {  	_ =	shalt  }
0x52: {  	_ =	shalt  }
0x53: {  	_ =	shalt  }
0x54: {  	_ =	shalt  }
0x55: {  	_ =	shalt  }
0x56: {  	_ =	shalt  }
0x57: {  	_ =	shalt  }
0x58: {  	_ =	shalt  }
0x59: {  	_ =	shalt  }
0x5a: {  	_ =	shalt  }
0x5b: {  	_ =	shalt  }
0x5c: {  	_ =	shalt  }
0x5d: {  	_ =	shalt  }
0x5e: {  	_ =	shalt  }
0x5f: {  	_ =	shalt  }
0x60: {  	_ =	shalt  }
0x61: {  	_ =	shalt  }
0x62: {  	_ =	shalt  }
0x63: {  	_ =	shalt  }
0x64: {  	_ =	shalt  }
0x65: {  	_ =	shalt  }
0x66: {  	_ =	shalt  }
0x67: {  	_ =	shalt  }
0x68: {  	_ =	shalt  }
0x69: {  	_ =	shalt  }
0x6a: {  	_ =	shalt  }
0x6b: {  	_ =	shalt  }
0x6c: {  	_ =	shalt  }
0x6d: {  	_ =	shalt  }
0x6e: {  	_ =	shalt  }
0x6f: {  	_ =	shalt  }
0x70: {  	_ =	shalt  }
0x71: {  	_ =	shalt  }
0x72: {  	_ =	shalt  }
0x73: {  	_ =	shalt  }
0x74: {  	_ =	shalt  }
0x75: {  	_ =	shalt  }
0x76: {  	_ =	shalt  }
0x77: {  	_ =	shalt  }
0x78: {  	_ =	shalt  }
0x79: {  	_ =	shalt  }
0x7a: {  	_ =	shalt  }
0x7b: {  	_ =	shalt  }
0x7c: {  	_ =	shalt  }
0x7d: {  	_ =	shalt  }
0x7e: {  	_ =	shalt  }
0x7f: {  	_ =	shalt  }
0x80: {  	_ =	shalt  }
0x81: {  	_ =	shalt  }
0x82: {  	_ =	shalt  }
0x83: {  	_ =	shalt  }
0x84: {  	_ =	shalt  }
0x85: {  	_ =	shalt  }
0x86: {  	_ =	shalt  }
0x87: {  	_ =	shalt  }
.Lfunc_end0:
.L_simem_size_0:
called_computation_lowered:
.L_overlay_start_0:
0x88: {  	s2 =	sld [smem:$0x3FD9]  }
0x89: {  	s3 =	sld [smem:$0x3FFE];
	_ =	sdelay $0x1  }
0x8a: {  	s1 =	srdreg.scid  }
0x8b: {  	s0 =	sand.u32 $0x1, s1  }
0x8c: {  	s17 =	sshll.u32 s0, $0xA;
	s2 =	sadd.s32 s3, s2  }
0x8d: {  	s2 =	sadd.s32 s2, s17  }
0x8e: {  	[smem:$0x3FB8] =	sst s2  }
0x8f: {  	_ = 	snop  }
0x90: {  	s2 =	sld [smem:$0x3FD0];
	(tm) =	ssettm $0x1  }
0x91: {  	s18 =	sld [smem:$0x3FFB];
	_ =	sdelay $0x3  }
0x92: {  	_ =	strace s18  }
0x93: {  	s3 =	sld [smem:$0x3FFC];
	_ =	sdelay $0x3  }
0x94: {  	_ =	strace s3  }
0x95: {  	s3 =	sld [smem:$0x3FFD];
	_ =	sdelay $0x3  }
0x96: {  	_ =	strace s3  }
0x97: {  	_ =	strace $0x8FFFFFFF  }
0x98: {  	s19 =	sld [smem:$0x3FDB];
	_ =	sdelay $0x1  }
0x99: {  	s4 =	simm.s32 $_scs_section_size  }
0x9a: {  	s5 =	simm.s32 $_size__tile_overlayer_lowered;
	s6 =	simm.s32 $_tile_overlayer_lowered  }
0x9b: {  	s22 =	simm.s32 $0x1BFF;
	s21 =	sshll.u32 s6, $0x1;
	s3 =	sadd.s32 s4, s19  }
0x9c: {  	s7 =	simm.s32 $0x0;
	s20 =	sshll.u32 s5, $0x1;
	s5 =	sadd.s32 s21, s3  }
0x9d: {  	[timem:s7], [sflag:s22] =	dma.local [hbm:s5], s20  }
0x9e: {  	_ =	swait.ge [sflag:s22], s20  }
0x9f: {  	s4 =	ssub.s32 $0x0, s20;
	[sflag:s22] =	ssyncset.done $0x0  }
0xa0: {  	[sflag:s22] =	ssyncadd.s32 s4;
	_ =	sdelay $0x1  }
0xa1: {  	s23 =	simm.s32 $0x1B8B  }
0xa2: {  	_ =	swait.ge [sflag:s23], $0x1  }
0xa3: {  	[sflag:s23] =	ssyncset.done $0x0  }
0xa4: {  	s25 =	simm.s32 $0x1B8E;
	s24 =	sld [smem:$0x3FFE];
	[sflag:s23] =	ssyncadd.s32 $0xFFFFFFFF  }
0xa5: {  	s26 =	simm.s32 $execute0_lowered;
	[smem:$0x3FD2] =	sst s25  }
0xa6: {  	s5 =	sshll.u32 s26, $0x1;
	_ =	strace $0x80000046;
	[dreg:$0x1] =	wrdreg $0xFFFFFFFF  }
0xa7: {  	s28 =	simm.s32 $_size_execute0_lowered;
	s3 =	sadd.s32 s3, s5;
	[dreg:$0x0] =	wrdreg $0x0  }
0xa8: {  	s5 =	sshll.u32 s28, $0x1;
	[dreg:$0x2] =	wrdreg s3  }
0xa9: {  	[dreg:$0x3] =	wrdreg s5  }
0xaa: {  	[dreg:$0x4] =	wrdreg $0xC0  }
0xab: {  	_ =	task [dreg:s7], $0x5FFFF  }
0xac: {  	[dreg:$0x1] =	wrdreg $0xFFFFFFFF  }
0xad: {  	[dreg:$0x0] =	wrdreg $0x60  }
0xae: {  	[dreg:$0x2] =	wrdreg s2  }
0xaf: {  	[dreg:$0x3] =	wrdreg s24  }
0xb0: {  	[dreg:$0x4] =	wrdreg $0x9B800  }
0xb1: {  	[dreg:$0x5] =	wrdreg $0x9  }
0xb2: {  	_ =	task.clear_ibuf [dreg:s7], $0x6FFFF;
	_ =	strace $0x90000046  }
0xb3: {  	s29 =	simm.s32 $0x9;
	_ =	strace $0x80000048  }
0xb4: {  	_ =	swait.ge [sflag:s29], $0x1  }
0xb5: {  	[sflag:s29] =	ssyncadd.s32 $0xFFFFFFFF  }
0xb6: {  	_ =	strace $0x90000048  }
0xb7: {  	_ =	sfence  }
0xb8: {  	s30 =	sld [smem:$0x0];
	_ =	sdelay $0x2  }
0xb9: {  	s31 =	sshll.u32 s1, $0xD;
	s1 =	sshrl.u32 s1, $0x2  }
0xba: {  	s3 =	sand.u32 $0x4000, s31;
	s1 =	sadd.s32 s1, s30  }
0xbb: {  	s0 =	sor.u32 s3, s0;
	s1 =	sshll.u32 s1, $0x11  }
0xbc: {  	s0 =	sor.u32 s1, s0  }
0xbd: {  	s0 =	sadd.s32 $0x8F2B, s0  }
0xbe: {  	[sflag:s0] =	ssyncadd.remote.s32 $0x1  }
0xbf: {  	_ =	sfence.sel $0xFFFF  }
0xc0: {  	[dreg:$0x0] =	wrdreg $0xFFFFFFFF;
	(pc) =	sbr.abs _section_cstart, $3  }
0xc1: {  	[dreg:$0x1] =	wrdreg $0xFFFFFFFF  }
0xc2: {  	_ =	task.clear_ibuf [dreg:s7], $0x2FFFF;
	_ =	strace $0x9FFFFFFF  }
0xc3: {  	(tm) =	ssettm $0x7FFFFFFF  }
tec
execute0_lowered:
.L_overlay_start_1:
0x0: {  	(tag) =	ssettag $0x1  }
0x1: {  	s0 =	rddreg [dreg:$0x0]  }
0x2: {  	s1 =	srdreg.scid;
	s3 =	rddreg [dreg:$0x1]  }
0x3: {  	s14 =	rddreg [dreg:$0x2];
	s26 =	stileid.u32  }
0x4: {  	s2 =	simm.s32 $0x0;
	s28 =	simm.s32 $0x400;
	s30 =	simm.s32 $0x13C00  }
0x5: {  	s31 =	simm.s32 $0x5380;
	s29 =	simm.s32 $0x0;
	s1 =	sand.u32 $0x1, s1  }
0x6: {  	[smem:$0x7FF] =	sst s2;
	s6 =	sshrl.u32 s26, $0x3;
	s15 =	sadd.s32 $0x3800, s3  }
0x7: {  	s10 =	sshll.u32 s26, $0x7;
	s13 =	sshll.u32 s26, $0xE;
	s19 =	sshll.u32 s26, $0xA  }
0x8: {  	s8 =	sor.u32 $0x10, s26;
	p0 =	seq.s32 s26, $0xF;
	s4 =	sshll.u32 s1, $0x4  }
0x9: {  	_ =	strace $0x80000047;
	s5 =	ssub.s32 $0x2, s1;
	s6 =	smul.u32 $0x4F000, s6  }
0xa: {  	s1 =	smul.u32 $0x13C000, s1;
	s20 =	sshll.u32 s8, $0xE;
	s4 =	sor.u32 s26, s4  }
0xb: {  	s8 =	sshll.u32 s8, $0xA;
	s7 =	sshrl.u32 s5, $0x1;
	s4 =	smul.u32 $0x2C00, s4  }
0xc: {  	s8 =	sadd.s32 s8, s14;
	s16 =	ssub.s32 s5, s7;
	s11 =	sshrl.u32 s6, $0x2  }
0xd: {  	s18 =	sadd.s32 s13, s1;
	s6 =	sadd.s32 s19, s14;
	s4 =	sshrl.u32 s4, $0x3  }
0xe: {  	s12 =	sadd.s32 s11, s14;
	s16 =	smax.u32 s16, $0x1;
	s3 =	sadd.s32 s0, s4  }
0xf: {  	s0 =	sand.u32 $0x380, s10;
	s10 =	sor.u32 $0x20, s26;
	s17 =	sadd.s32 $0x500, s3  }
0x10: {  	s5 =	sadd.s32 s0, s12;
	s0 =	sshrl.u32 s18, $0x3;
	s11 =	sshll.u32 s10, $0xE  }
0x11: {  	s21 =	sshll.u32 s10, $0xA;
	s12 =	sor.u32 $0x30, s26;
	s18 =	sadd.s32 $0x100, s3  }
0x12: {  	s19 =	sadd.s32 $0x180, s3;
	[dreg:$0x4] =	wrdreg s17;
	s7 =	sadd.s32 s15, s0  }
0x13: {  	s0 =	sadd.s32 s1, s20;
	s11 =	sadd.s32 s1, s11;
	s10 =	sadd.s32 s21, s14  }
0x14: {  	s23 =	sshll.u32 s12, $0xE;
	s17 =	sor.u32 $0x40, s26;
	s12 =	sshll.u32 s12, $0xA  }
0x15: {  	s20 =	sadd.s32 $0x200, s3;
	s21 =	sadd.s32 $0x280, s3;
	s26 =	simm.s32 $0x1  }
0x16: {  	s0 =	sshrl.u32 s0, $0x3;
	s22 =	sshrl.u32 s11, $0x3;
	s13 =	sshll.u32 s17, $0xE  }
0x17: {  	s12 =	sadd.s32 s12, s14;
	s24 =	sshll.u32 s17, $0xA;
	s17 =	sadd.s32 $0x80, s3  }
0x18: {  	s9 =	sadd.s32 s15, s0;
	s11 =	sadd.s32 s15, s22;
	s0 =	sadd.s32 s1, s23  }
.Ltmp0:
0x19: {  	s1 =	sadd.s32 s1, s13;
	s22 =	sadd.s32 $0x300, s3;
	(pc) =	sbr.rel .LBB2_1-.Ltmp0, $4  }
0x1a: {  	s23 =	sadd.s32 $0x380, s3;
	s0 =	sshrl.u32 s0, $0x3;
	s1 =	sshrl.u32 s1, $0x3  }
0x1b: {  	s13 =	sadd.s32 s15, s0;
	s0 =	sadd.s32 s24, s14;
	s25 =	sadd.s32 s15, s1  }
0x1c: {  	v2 =	vlaneseq.u32;
	s24 =	sadd.s32 $0x400, s3;
	s1 =	simm.s32 $0x2C00;
	[dreg:$0x5] =	wrdreg s0  }
0x1d: {  	v0 =	vimm.f32 $0.0e+00;
	v1 =	vimm.f32 $1.000000000e+00;
	v2 =	vmul.u32 $0x80, v2;
	[dreg:$0x6] =	wrdreg s25;
	s25 =	sadd.s32 $0x480, s3;
	s0 =	simm.s32 $0x5B80  }
.LBB2_16:
0x1e: {  	_ =	sdelay $0x3  }
0x1f: {  	[tilespmem:v4+s0+$0x0] =	vst.idx.msk $0xffff, v3;
	s4 =	rddreg [dreg:$0x6]  }
0x20: {  	[hbm4b:s4+s2] =	stream.linear.scatter [tilespmem:s0], [sflag:$0x1], $0x4000, $0x38;
	[tilespmem:$0xC300] =	vst v63  }
0x21: {  	_ =	swait.ge [sflag:s26], $0x4000  }
0x22: {  	[sflag:s26] =	ssyncset.done $0x0  }
0x23: {  	[sflag:s26] =	ssyncadd.s32 $0xFFFFC000  }
.LBB2_17:
0x24: {  	s29 =	sadd.s32 $0x1, s29  }
0x25: {  	p1 =	sne.s32 s29, s16  }
.Ltmp1:
0x26: {  	_ = 	snop;
	(pc) =	sbr.rel @!p1 .LBB2_18-.Ltmp1, $1  }
0x27: {  	_ =	sdelay $0x3  }
.LBB2_1:
0x28: {  	[tilespmem:s2], [sflag:$0x1] =	stream.linear.gather [hbm4b:s3+s2], $0x400, $0x38;
	[tilespmem:$0xC300] =	vst v63  }
0x29: {  	_ =	swait.ge [sflag:s26], $0x400  }
0x2a: {  	[sflag:s26] =	ssyncset.done $0x0  }
0x2b: {  	[sflag:s26] =	ssyncadd.s32 $0xFFFFFC00  }
0x2c: {  	[tilespmem:s28], [sflag:$0x1] =	stream.linear.gather [hbm4b:s17+s2], $0x400, $0x38;
	[tilespmem:$0xC300] =	vst v63  }
0x2d: {  	_ =	swait.ge [sflag:s26], $0x400  }
0x2e: {  	[sflag:s26] =	ssyncset.done $0x0  }
0x2f: {  	s4 =	simm.s32 $0x800;
	[sflag:s26] =	ssyncadd.s32 $0xFFFFFC00  }
0x30: {  	[tilespmem:s4], [sflag:$0x1] =	stream.linear.gather [hbm4b:s18+s2], $0x400, $0x38;
	[tilespmem:$0xC300] =	vst v63  }
0x31: {  	_ =	swait.ge [sflag:s26], $0x400  }
0x32: {  	[sflag:s26] =	ssyncset.done $0x0  }
0x33: {  	s14 =	simm.s32 $0xC00;
	[sflag:s26] =	ssyncadd.s32 $0xFFFFFC00  }
0x34: {  	[tilespmem:s14], [sflag:$0x1] =	stream.linear.gather [hbm4b:s19+s2], $0x400, $0x38;
	[tilespmem:$0xC300] =	vst v63  }
0x35: {  	_ =	swait.ge [sflag:s26], $0x400  }
0x36: {  	[sflag:s26] =	ssyncset.done $0x0  }
0x37: {  	s15 =	simm.s32 $0x1000;
	[sflag:s26] =	ssyncadd.s32 $0xFFFFFC00  }
0x38: {  	[tilespmem:s15], [sflag:$0x1] =	stream.linear.gather [hbm4b:s20+s2], $0x400, $0x38;
	[tilespmem:$0xC300] =	vst v63  }
0x39: {  	_ =	swait.ge [sflag:s26], $0x400  }
0x3a: {  	[sflag:s26] =	ssyncset.done $0x0  }
0x3b: {  	s14 =	simm.s32 $0x1400;
	[sflag:s26] =	ssyncadd.s32 $0xFFFFFC00  }
0x3c: {  	[tilespmem:s14], [sflag:$0x1] =	stream.linear.gather [hbm4b:s21+s2], $0x400, $0x38;
	[tilespmem:$0xC300] =	vst v63  }
0x3d: {  	_ =	swait.ge [sflag:s26], $0x400  }
0x3e: {  	[sflag:s26] =	ssyncset.done $0x0  }
0x3f: {  	s15 =	simm.s32 $0x1800;
	[sflag:s26] =	ssyncadd.s32 $0xFFFFFC00  }
0x40: {  	[tilespmem:s15], [sflag:$0x1] =	stream.linear.gather [hbm4b:s22+s2], $0x400, $0x38;
	[tilespmem:$0xC300] =	vst v63  }
0x41: {  	_ =	swait.ge [sflag:s26], $0x400  }
0x42: {  	[sflag:s26] =	ssyncset.done $0x0  }
0x43: {  	s14 =	simm.s32 $0x1C00;
	[sflag:s26] =	ssyncadd.s32 $0xFFFFFC00  }
0x44: {  	[tilespmem:s14], [sflag:$0x1] =	stream.linear.gather [hbm4b:s23+s2], $0x400, $0x38;
	[tilespmem:$0xC300] =	vst v63  }
0x45: {  	_ =	swait.ge [sflag:s26], $0x400  }
0x46: {  	[sflag:s26] =	ssyncset.done $0x0  }
0x47: {  	s15 =	simm.s32 $0x2000;
	[sflag:s26] =	ssyncadd.s32 $0xFFFFFC00  }
0x48: {  	[tilespmem:s15], [sflag:$0x1] =	stream.linear.gather [hbm4b:s24+s2], $0x400, $0x38;
	[tilespmem:$0xC300] =	vst v63  }
0x49: {  	_ =	swait.ge [sflag:s26], $0x400  }
0x4a: {  	[sflag:s26] =	ssyncset.done $0x0  }
0x4b: {  	s14 =	simm.s32 $0x2400;
	[sflag:s26] =	ssyncadd.s32 $0xFFFFFC00  }
0x4c: {  	[tilespmem:s14], [sflag:$0x1] =	stream.linear.gather [hbm4b:s25+s2], $0x400, $0x38;
	[tilespmem:$0xC300] =	vst v63  }
0x4d: {  	_ =	swait.ge [sflag:s26], $0x400  }
0x4e: {  	[sflag:s26] =	ssyncset.done $0x0  }
0x4f: {  	s14 =	simm.s32 $0x2800;
	s15 =	rddreg [dreg:$0x4];
	[sflag:s26] =	ssyncadd.s32 $0xFFFFFC00  }
0x50: {  	[tilespmem:s14], [sflag:$0x1] =	stream.linear.gather [hbm4b:s15+s2], $0x80, $0x38;
	[tilespmem:$0xC300] =	vst v63  }
0x51: {  	_ =	swait.ge [sflag:s26], $0x80  }
0x52: {  	[sflag:s26] =	ssyncset.done $0x0  }
0x53: {  	s14 =	simm.s32 $0x0;
	[sflag:s26] =	ssyncadd.s32 $0xFFFFFF80  }
.LBB2_2:
0x54: {  	p1 =	sne.s32 s14, $0x9DC0  }
.Ltmp2:
0x55: {  	_ = 	snop;
	(pc) =	sbr.rel @p1 .LBB2_2-.Ltmp2, $3  }
0x56: {  	_ =	sdelay $0x1  }
0x57: {  	s15 =	sshra.s32 s14, $0x2  }
0x58: {  	s14 =	sadd.s32 $0x40, s14;
	[tilespmem:s15+$0x2C00] =	vst v0  }
0x59: {  	s14 =	simm.s32 $0x0  }
.LBB2_4:
0x5a: {  	s15 =	sshra.s32 s14, $0x2  }
0x5b: {  	v3 =	vld [tilespmem:s15+$0x0];
	_ =	sdelay $0x7  }
0x5c: {  	[tilespmem:v3+s1+$0x0] =	vst.idx.add.f32.msk $0xffff, v1  }
0x5d: {  	v3 =	vld [tilespmem:s15+$0x10];
	_ =	sdelay $0x7  }
0x5e: {  	[tilespmem:v3+s1+$0x0] =	vst.idx.add.f32.msk $0xffff, v1  }
0x5f: {  	v3 =	vld [tilespmem:s15+$0x20];
	_ =	sdelay $0x7  }
0x60: {  	[tilespmem:v3+s1+$0x0] =	vst.idx.add.f32.msk $0xffff, v1  }
0x61: {  	v3 =	vld [tilespmem:s15+$0x30];
	_ =	sdelay $0x7  }
0x62: {  	[tilespmem:v3+s1+$0x0] =	vst.idx.add.f32.msk $0xffff, v1  }
0x63: {  	v3 =	vld [tilespmem:s15+$0x40];
	_ =	sdelay $0x7  }
0x64: {  	[tilespmem:v3+s1+$0x0] =	vst.idx.add.f32.msk $0xffff, v1  }
0x65: {  	v3 =	vld [tilespmem:s15+$0x50];
	_ =	sdelay $0x7  }
0x66: {  	[tilespmem:v3+s1+$0x0] =	vst.idx.add.f32.msk $0xffff, v1  }
0x67: {  	v3 =	vld [tilespmem:s15+$0x60];
	_ =	sdelay $0x7  }
0x68: {  	[tilespmem:v3+s1+$0x0] =	vst.idx.add.f32.msk $0xffff, v1  }
0x69: {  	v3 =	vld [tilespmem:s15+$0x70];
	_ =	sdelay $0x2  }
0x6a: {  	p1 =	sne.s32 s14, $0xA000  }
.Ltmp3:
0x6b: {  	_ = 	snop;
	(pc) =	sbr.rel @p1 .LBB2_4-.Ltmp3, $2  }
0x6c: {  	_ =	sdelay $0x2  }
0x6d: {  	s14 =	sadd.s32 $0x200, s14;
	[tilespmem:v3+s1+$0x0] =	vst.idx.add.f32.msk $0xffff, v1  }
0x6e: {  	s4 =	simm.s32 $0x80  }
0x6f: {  	[spmem:s5] =	stream.strided.scatter [tilespmem:s1], [sflag:$0x1], $0x2780, s28, s4, $0x38;
	[tilespmem:$0xC300] =	vst v63  }
0x70: {  	_ =	swait.ge [sflag:s26], $0x2780  }
0x71: {  	[sflag:s26] =	ssyncset.done $0x0  }
0x72: {  	[sflag:s26] =	ssyncadd.s32 $0xFFFFD880  }
0x73: {  	[bflag:$0x0] =	sbarrier.arrive $0xFFFF  }
0x74: {  	[tilespmem:s31], [sflag:$0x1] =	stream.strided.gather [spmem:s6], $0x800, s30, s28, $0x38;
	[tilespmem:$0xC300] =	vst v63  }
0x75: {  	_ =	swait.ge [sflag:s26], $0x800  }
0x76: {  	[sflag:s26] =	ssyncset.done $0x0  }
0x77: {  	s14 =	simm.s32 $0x5780;
	[sflag:s26] =	ssyncadd.s32 $0xFFFFF800  }
0x78: {  	v3 =	vld [tilespmem:s14+$0xFFFFFC00]  }
0x79: {  	v4 =	vld [tilespmem:s14+$0xFFFFFC80];
	_ =	sdelay $0x1  }
0x7a: {  	v5 =	vld [tilespmem:s14+$0xFFFFFD00];
	_ =	sdelay $0x1  }
0x7b: {  	v6 =	vld [tilespmem:s14+$0xFFFFFD80]  }
0x7c: {  	v3 =	vadd.f32 v4, v3  }
0x7d: {  	v4 =	vld [tilespmem:s14+$0xFFFFFE00]  }
0x7e: {  	v3 =	vadd.f32 v5, v3  }
0x7f: {  	v5 =	vld [tilespmem:s14+$0xFFFFFE80]  }
0x80: {  	v3 =	vadd.f32 v6, v3  }
0x81: {  	v6 =	vld [tilespmem:s14+$0xFFFFFF00]  }
0x82: {  	v3 =	vadd.f32 v4, v3  }
0x83: {  	v4 =	vld [tilespmem:s14+$0xFFFFFF80]  }
0x84: {  	v3 =	vadd.f32 v5, v3  }
0x85: {  	v5 =	vld [tilespmem:s14+$0x0]  }
0x86: {  	v3 =	vadd.f32 v6, v3  }
0x87: {  	v6 =	vld [tilespmem:s14+$0x80]  }
0x88: {  	v3 =	vadd.f32 v4, v3  }
0x89: {  	v4 =	vld [tilespmem:s14+$0x100]  }
0x8a: {  	v3 =	vadd.f32 v5, v3  }
0x8b: {  	v5 =	vld [tilespmem:s14+$0x180]  }
0x8c: {  	v3 =	vadd.f32 v6, v3  }
0x8d: {  	v6 =	vld [tilespmem:s14+$0x200]  }
0x8e: {  	v3 =	vadd.f32 v4, v3  }
0x8f: {  	v4 =	vld [tilespmem:s14+$0x280]  }
0x90: {  	v3 =	vadd.f32 v5, v3  }
0x91: {  	v5 =	vld [tilespmem:s14+$0x300]  }
0x92: {  	s15 =	simm.s32 $0x0;
	v3 =	vadd.f32 v6, v3  }
0x93: {  	v7 =	vmov s15;
	v6 =	vld [tilespmem:s14+$0x380]  }
0x94: {  	v3 =	vadd.f32 v4, v3;
	v4 =	vshll.u32 v7, $0x7  }
0x95: {  	v4 =	vor.u32 v2, v4  }
0x96: {  	v3 =	vadd.f32 v5, v3;
	v5 =	vor.u32 $0x1, v4  }
0x97: {  	v7 =	vor.u32 $0x2, v4  }
0x98: {  	v3 =	vadd.f32 v6, v3;
	v6 =	vor.u32 $0x3, v4  }
0x99: {  	v8 =	vor.u32 $0x4, v4  }
0x9a: {  	v9 =	vor.u32 $0x5, v4;
	[tilespmem:v4+s0+$0x0] =	vst.idx.msk $0xffff, v3  }
0x9b: {  	[tilespmem:v5+s0+$0x0] =	vst.idx.msk $0xffff, v3;
	v5 =	vor.u32 $0x6, v4  }
0x9c: {  	[tilespmem:v7+s0+$0x0] =	vst.idx.msk $0xffff, v3  }
0x9d: {  	v4 =	vor.u32 $0x7, v4;
	[tilespmem:v6+s0+$0x0] =	vst.idx.msk $0xffff, v3  }
0x9e: {  	[tilespmem:v8+s0+$0x0] =	vst.idx.msk $0xffff, v3  }
0x9f: {  	[tilespmem:v9+s0+$0x0] =	vst.idx.msk $0xffff, v3  }
0xa0: {  	s15 =	simm.s32 $0x10;
	[tilespmem:v5+s0+$0x0] =	vst.idx.msk $0xffff, v3  }
.LBB2_6:
0xa1: {  	p1 =	sne.s32 s15, $0x70  }
0xa2: {  	[tilespmem:v4+s0+$0x0] =	vst.idx.msk $0xffff, v3;
	s14 =	sadd.s32 $0x10, s14;
	s4 =	smov.u32 s15;
	s15 =	sadd.s32 $0x10, s15  }
0xa3: {  	v3 =	vld [tilespmem:s14+$0xFFFFFC00]  }
0xa4: {  	v4 =	vld [tilespmem:s14+$0xFFFFFC80];
	_ =	sdelay $0x1  }
0xa5: {  	v5 =	vld [tilespmem:s14+$0xFFFFFD00];
	_ =	sdelay $0x1  }
0xa6: {  	v6 =	vld [tilespmem:s14+$0xFFFFFD80]  }
0xa7: {  	v3 =	vadd.f32 v4, v3  }
0xa8: {  	v4 =	vld [tilespmem:s14+$0xFFFFFE00]  }
0xa9: {  	v3 =	vadd.f32 v5, v3  }
0xaa: {  	v5 =	vld [tilespmem:s14+$0xFFFFFE80]  }
0xab: {  	v3 =	vadd.f32 v6, v3  }
0xac: {  	v6 =	vld [tilespmem:s14+$0xFFFFFF00]  }
0xad: {  	v3 =	vadd.f32 v4, v3  }
0xae: {  	v4 =	vld [tilespmem:s14+$0xFFFFFF80]  }
0xaf: {  	v3 =	vadd.f32 v5, v3  }
0xb0: {  	v5 =	vld [tilespmem:s14+$0x0]  }
0xb1: {  	v3 =	vadd.f32 v6, v3  }
0xb2: {  	v6 =	vld [tilespmem:s14+$0x80]  }
0xb3: {  	v3 =	vadd.f32 v4, v3  }
0xb4: {  	v4 =	vld [tilespmem:s14+$0x100]  }
0xb5: {  	v3 =	vadd.f32 v5, v3  }
0xb6: {  	v5 =	vld [tilespmem:s14+$0x180]  }
0xb7: {  	v3 =	vadd.f32 v6, v3  }
0xb8: {  	v6 =	vld [tilespmem:s14+$0x200]  }
0xb9: {  	v3 =	vadd.f32 v4, v3  }
0xba: {  	v4 =	vld [tilespmem:s14+$0x280]  }
0xbb: {  	v3 =	vadd.f32 v5, v3  }
0xbc: {  	v5 =	vld [tilespmem:s14+$0x300]  }
0xbd: {  	v3 =	vadd.f32 v6, v3  }
0xbe: {  	v7 =	vmov s4;
	v6 =	vld [tilespmem:s14+$0x380]  }
0xbf: {  	v3 =	vadd.f32 v4, v3;
	v4 =	vshll.u32 v7, $0x7  }
0xc0: {  	v4 =	vor.u32 v2, v4  }
0xc1: {  	v3 =	vadd.f32 v5, v3;
	v5 =	vor.u32 $0x1, v4  }
0xc2: {  	v7 =	vor.u32 $0x2, v4  }
0xc3: {  	v3 =	vadd.f32 v6, v3;
	v6 =	vor.u32 $0x3, v4  }
0xc4: {  	v8 =	vor.u32 $0x4, v4  }
0xc5: {  	v9 =	vor.u32 $0x5, v4;
	[tilespmem:v4+s0+$0x0] =	vst.idx.msk $0xffff, v3  }
0xc6: {  	[tilespmem:v5+s0+$0x0] =	vst.idx.msk $0xffff, v3;
	v5 =	vor.u32 $0x6, v4  }
.Ltmp4:
0xc7: {  	v4 =	vor.u32 $0x7, v4;
	[tilespmem:v7+s0+$0x0] =	vst.idx.msk $0xffff, v3;
	(pc) =	sbr.rel @p1 .LBB2_6-.Ltmp4, $4  }
0xc8: {  	[tilespmem:v6+s0+$0x0] =	vst.idx.msk $0xffff, v3  }
0xc9: {  	[tilespmem:v8+s0+$0x0] =	vst.idx.msk $0xffff, v3  }
0xca: {  	[tilespmem:v9+s0+$0x0] =	vst.idx.msk $0xffff, v3  }
0xcb: {  	[tilespmem:v5+s0+$0x0] =	vst.idx.msk $0xffff, v3  }
0xcc: {  	_ =	sdelay $0x3  }
0xcd: {  	[tilespmem:v4+s0+$0x0] =	vst.idx.msk $0xffff, v3;
	s4 =	simm.s32 $0x0  }
0xce: {  	[hbm4b:s7+s4] =	stream.linear.scatter [tilespmem:s0], [sflag:$0x1], $0x4000, $0x38;
	[tilespmem:$0xC300] =	vst v63  }
0xcf: {  	_ =	swait.ge [sflag:s26], $0x4000  }
0xd0: {  	[sflag:s26] =	ssyncset.done $0x0  }
0xd1: {  	[sflag:s26] =	ssyncadd.s32 $0xFFFFC000  }
0xd2: {  	[tilespmem:s31], [sflag:$0x1] =	stream.strided.gather [spmem:s8], $0x800, s30, s28, $0x38;
	[tilespmem:$0xC300] =	vst v63  }
0xd3: {  	_ =	swait.ge [sflag:s26], $0x800  }
0xd4: {  	[sflag:s26] =	ssyncset.done $0x0  }
0xd5: {  	s14 =	simm.s32 $0x5780;
	[sflag:s26] =	ssyncadd.s32 $0xFFFFF800  }
0xd6: {  	v3 =	vld [tilespmem:s14+$0xFFFFFC00]  }
0xd7: {  	v4 =	vld [tilespmem:s14+$0xFFFFFC80];
	_ =	sdelay $0x1  }
0xd8: {  	v5 =	vld [tilespmem:s14+$0xFFFFFD00];
	_ =	sdelay $0x1  }
0xd9: {  	v6 =	vld [tilespmem:s14+$0xFFFFFD80]  }
0xda: {  	v3 =	vadd.f32 v4, v3  }
0xdb: {  	v4 =	vld [tilespmem:s14+$0xFFFFFE00]  }
0xdc: {  	v3 =	vadd.f32 v5, v3  }
0xdd: {  	v5 =	vld [tilespmem:s14+$0xFFFFFE80]  }
0xde: {  	v3 =	vadd.f32 v6, v3  }
0xdf: {  	v6 =	vld [tilespmem:s14+$0xFFFFFF00]  }
0xe0: {  	v3 =	vadd.f32 v4, v3  }
0xe1: {  	v4 =	vld [tilespmem:s14+$0xFFFFFF80]  }
0xe2: {  	v3 =	vadd.f32 v5, v3  }
0xe3: {  	v5 =	vld [tilespmem:s14+$0x0]  }
0xe4: {  	v3 =	vadd.f32 v6, v3  }
0xe5: {  	v6 =	vld [tilespmem:s14+$0x80]  }
0xe6: {  	v3 =	vadd.f32 v4, v3  }
0xe7: {  	v4 =	vld [tilespmem:s14+$0x100]  }
0xe8: {  	v3 =	vadd.f32 v5, v3  }
0xe9: {  	v5 =	vld [tilespmem:s14+$0x180]  }
0xea: {  	v3 =	vadd.f32 v6, v3  }
0xeb: {  	v6 =	vld [tilespmem:s14+$0x200]  }
0xec: {  	v3 =	vadd.f32 v4, v3  }
0xed: {  	v4 =	vld [tilespmem:s14+$0x280]  }
0xee: {  	v3 =	vadd.f32 v5, v3  }
0xef: {  	v5 =	vld [tilespmem:s14+$0x300]  }
0xf0: {  	v3 =	vadd.f32 v6, v3  }
0xf1: {  	v7 =	vmov s4;
	v6 =	vld [tilespmem:s14+$0x380]  }
0xf2: {  	v3 =	vadd.f32 v4, v3;
	v4 =	vshll.u32 v7, $0x7  }
0xf3: {  	v4 =	vor.u32 v2, v4  }
0xf4: {  	v3 =	vadd.f32 v5, v3;
	v5 =	vor.u32 $0x1, v4  }
0xf5: {  	v7 =	vor.u32 $0x2, v4  }
0xf6: {  	v3 =	vadd.f32 v6, v3;
	v6 =	vor.u32 $0x3, v4  }
0xf7: {  	v8 =	vor.u32 $0x4, v4  }
0xf8: {  	v9 =	vor.u32 $0x5, v4;
	[tilespmem:v4+s0+$0x0] =	vst.idx.msk $0xffff, v3  }
0xf9: {  	[tilespmem:v5+s0+$0x0] =	vst.idx.msk $0xffff, v3;
	v5 =	vor.u32 $0x6, v4  }
0xfa: {  	[tilespmem:v7+s0+$0x0] =	vst.idx.msk $0xffff, v3  }
0xfb: {  	v4 =	vor.u32 $0x7, v4;
	[tilespmem:v6+s0+$0x0] =	vst.idx.msk $0xffff, v3  }
0xfc: {  	[tilespmem:v8+s0+$0x0] =	vst.idx.msk $0xffff, v3  }
0xfd: {  	[tilespmem:v9+s0+$0x0] =	vst.idx.msk $0xffff, v3  }
0xfe: {  	s15 =	simm.s32 $0x10;
	[tilespmem:v5+s0+$0x0] =	vst.idx.msk $0xffff, v3  }
.LBB2_8:
0xff: {  	p1 =	sne.s32 s15, $0x70  }
0x100: {  	[tilespmem:v4+s0+$0x0] =	vst.idx.msk $0xffff, v3;
	s14 =	sadd.s32 $0x10, s14;
	s4 =	smov.u32 s15;
	s15 =	sadd.s32 $0x10, s15  }
0x101: {  	v3 =	vld [tilespmem:s14+$0xFFFFFC00]  }
0x102: {  	v4 =	vld [tilespmem:s14+$0xFFFFFC80];
	_ =	sdelay $0x1  }
0x103: {  	v5 =	vld [tilespmem:s14+$0xFFFFFD00];
	_ =	sdelay $0x1  }
0x104: {  	v6 =	vld [tilespmem:s14+$0xFFFFFD80]  }
0x105: {  	v3 =	vadd.f32 v4, v3  }
0x106: {  	v4 =	vld [tilespmem:s14+$0xFFFFFE00]  }
0x107: {  	v3 =	vadd.f32 v5, v3  }
0x108: {  	v5 =	vld [tilespmem:s14+$0xFFFFFE80]  }
0x109: {  	v3 =	vadd.f32 v6, v3  }
0x10a: {  	v6 =	vld [tilespmem:s14+$0xFFFFFF00]  }
0x10b: {  	v3 =	vadd.f32 v4, v3  }
0x10c: {  	v4 =	vld [tilespmem:s14+$0xFFFFFF80]  }
0x10d: {  	v3 =	vadd.f32 v5, v3  }
0x10e: {  	v5 =	vld [tilespmem:s14+$0x0]  }
0x10f: {  	v3 =	vadd.f32 v6, v3  }
0x110: {  	v6 =	vld [tilespmem:s14+$0x80]  }
0x111: {  	v3 =	vadd.f32 v4, v3  }
0x112: {  	v4 =	vld [tilespmem:s14+$0x100]  }
0x113: {  	v3 =	vadd.f32 v5, v3  }
0x114: {  	v5 =	vld [tilespmem:s14+$0x180]  }
0x115: {  	v3 =	vadd.f32 v6, v3  }
0x116: {  	v6 =	vld [tilespmem:s14+$0x200]  }
0x117: {  	v3 =	vadd.f32 v4, v3  }
0x118: {  	v4 =	vld [tilespmem:s14+$0x280]  }
0x119: {  	v3 =	vadd.f32 v5, v3  }
0x11a: {  	v5 =	vld [tilespmem:s14+$0x300]  }
0x11b: {  	v3 =	vadd.f32 v6, v3  }
0x11c: {  	v7 =	vmov s4;
	v6 =	vld [tilespmem:s14+$0x380]  }
0x11d: {  	v3 =	vadd.f32 v4, v3;
	v4 =	vshll.u32 v7, $0x7  }
0x11e: {  	v4 =	vor.u32 v2, v4  }
0x11f: {  	v3 =	vadd.f32 v5, v3;
	v5 =	vor.u32 $0x1, v4  }
0x120: {  	v7 =	vor.u32 $0x2, v4  }
0x121: {  	v3 =	vadd.f32 v6, v3;
	v6 =	vor.u32 $0x3, v4  }
0x122: {  	v8 =	vor.u32 $0x4, v4  }
0x123: {  	v9 =	vor.u32 $0x5, v4;
	[tilespmem:v4+s0+$0x0] =	vst.idx.msk $0xffff, v3  }
0x124: {  	[tilespmem:v5+s0+$0x0] =	vst.idx.msk $0xffff, v3;
	v5 =	vor.u32 $0x6, v4  }
.Ltmp5:
0x125: {  	v4 =	vor.u32 $0x7, v4;
	[tilespmem:v7+s0+$0x0] =	vst.idx.msk $0xffff, v3;
	(pc) =	sbr.rel @p1 .LBB2_8-.Ltmp5, $4  }
0x126: {  	[tilespmem:v6+s0+$0x0] =	vst.idx.msk $0xffff, v3  }
0x127: {  	[tilespmem:v8+s0+$0x0] =	vst.idx.msk $0xffff, v3  }
0x128: {  	[tilespmem:v9+s0+$0x0] =	vst.idx.msk $0xffff, v3  }
0x129: {  	[tilespmem:v5+s0+$0x0] =	vst.idx.msk $0xffff, v3  }
0x12a: {  	_ =	sdelay $0x3  }
0x12b: {  	[tilespmem:v4+s0+$0x0] =	vst.idx.msk $0xffff, v3;
	s4 =	simm.s32 $0x0  }
0x12c: {  	[hbm4b:s9+s4] =	stream.linear.scatter [tilespmem:s0], [sflag:$0x1], $0x4000, $0x38;
	[tilespmem:$0xC300] =	vst v63  }
0x12d: {  	_ =	swait.ge [sflag:s26], $0x4000  }
0x12e: {  	[sflag:s26] =	ssyncset.done $0x0  }
0x12f: {  	[sflag:s26] =	ssyncadd.s32 $0xFFFFC000  }
0x130: {  	[tilespmem:s31], [sflag:$0x1] =	stream.strided.gather [spmem:s10], $0x800, s30, s28, $0x38;
	[tilespmem:$0xC300] =	vst v63  }
0x131: {  	_ =	swait.ge [sflag:s26], $0x800  }
0x132: {  	[sflag:s26] =	ssyncset.done $0x0  }
0x133: {  	s14 =	simm.s32 $0x5780;
	[sflag:s26] =	ssyncadd.s32 $0xFFFFF800  }
0x134: {  	v3 =	vld [tilespmem:s14+$0xFFFFFC00]  }
0x135: {  	v4 =	vld [tilespmem:s14+$0xFFFFFC80];
	_ =	sdelay $0x1  }
0x136: {  	v5 =	vld [tilespmem:s14+$0xFFFFFD00];
	_ =	sdelay $0x1  }
0x137: {  	v6 =	vld [tilespmem:s14+$0xFFFFFD80]  }
0x138: {  	v3 =	vadd.f32 v4, v3  }
0x139: {  	v4 =	vld [tilespmem:s14+$0xFFFFFE00]  }
0x13a: {  	v3 =	vadd.f32 v5, v3  }
0x13b: {  	v5 =	vld [tilespmem:s14+$0xFFFFFE80]  }
0x13c: {  	v3 =	vadd.f32 v6, v3  }
0x13d: {  	v6 =	vld [tilespmem:s14+$0xFFFFFF00]  }
0x13e: {  	v3 =	vadd.f32 v4, v3  }
0x13f: {  	v4 =	vld [tilespmem:s14+$0xFFFFFF80]  }
0x140: {  	v3 =	vadd.f32 v5, v3  }
0x141: {  	v5 =	vld [tilespmem:s14+$0x0]  }
0x142: {  	v3 =	vadd.f32 v6, v3  }
0x143: {  	v6 =	vld [tilespmem:s14+$0x80]  }
0x144: {  	v3 =	vadd.f32 v4, v3  }
0x145: {  	v4 =	vld [tilespmem:s14+$0x100]  }
0x146: {  	v3 =	vadd.f32 v5, v3  }
0x147: {  	v5 =	vld [tilespmem:s14+$0x180]  }
0x148: {  	v3 =	vadd.f32 v6, v3  }
0x149: {  	v6 =	vld [tilespmem:s14+$0x200]  }
0x14a: {  	v3 =	vadd.f32 v4, v3  }
0x14b: {  	v4 =	vld [tilespmem:s14+$0x280]  }
0x14c: {  	v3 =	vadd.f32 v5, v3  }
0x14d: {  	v5 =	vld [tilespmem:s14+$0x300]  }
0x14e: {  	v3 =	vadd.f32 v6, v3  }
0x14f: {  	v7 =	vmov s4;
	v6 =	vld [tilespmem:s14+$0x380]  }
0x150: {  	v3 =	vadd.f32 v4, v3;
	v4 =	vshll.u32 v7, $0x7  }
0x151: {  	v4 =	vor.u32 v2, v4  }
0x152: {  	v3 =	vadd.f32 v5, v3;
	v5 =	vor.u32 $0x1, v4  }
0x153: {  	v7 =	vor.u32 $0x2, v4  }
0x154: {  	v3 =	vadd.f32 v6, v3;
	v6 =	vor.u32 $0x3, v4  }
0x155: {  	v8 =	vor.u32 $0x4, v4  }
0x156: {  	v9 =	vor.u32 $0x5, v4;
	[tilespmem:v4+s0+$0x0] =	vst.idx.msk $0xffff, v3  }
0x157: {  	[tilespmem:v5+s0+$0x0] =	vst.idx.msk $0xffff, v3;
	v5 =	vor.u32 $0x6, v4  }
0x158: {  	[tilespmem:v7+s0+$0x0] =	vst.idx.msk $0xffff, v3  }
0x159: {  	v4 =	vor.u32 $0x7, v4;
	[tilespmem:v6+s0+$0x0] =	vst.idx.msk $0xffff, v3  }
0x15a: {  	[tilespmem:v8+s0+$0x0] =	vst.idx.msk $0xffff, v3  }
0x15b: {  	[tilespmem:v9+s0+$0x0] =	vst.idx.msk $0xffff, v3  }
0x15c: {  	s15 =	simm.s32 $0x10;
	[tilespmem:v5+s0+$0x0] =	vst.idx.msk $0xffff, v3  }
.LBB2_10:
0x15d: {  	p1 =	sne.s32 s15, $0x70  }
0x15e: {  	[tilespmem:v4+s0+$0x0] =	vst.idx.msk $0xffff, v3;
	s14 =	sadd.s32 $0x10, s14;
	s4 =	smov.u32 s15;
	s15 =	sadd.s32 $0x10, s15  }
0x15f: {  	v3 =	vld [tilespmem:s14+$0xFFFFFC00]  }
0x160: {  	v4 =	vld [tilespmem:s14+$0xFFFFFC80];
	_ =	sdelay $0x1  }
0x161: {  	v5 =	vld [tilespmem:s14+$0xFFFFFD00];
	_ =	sdelay $0x1  }
0x162: {  	v6 =	vld [tilespmem:s14+$0xFFFFFD80]  }
0x163: {  	v3 =	vadd.f32 v4, v3  }
0x164: {  	v4 =	vld [tilespmem:s14+$0xFFFFFE00]  }
0x165: {  	v3 =	vadd.f32 v5, v3  }
0x166: {  	v5 =	vld [tilespmem:s14+$0xFFFFFE80]  }
0x167: {  	v3 =	vadd.f32 v6, v3  }
0x168: {  	v6 =	vld [tilespmem:s14+$0xFFFFFF00]  }
0x169: {  	v3 =	vadd.f32 v4, v3  }
0x16a: {  	v4 =	vld [tilespmem:s14+$0xFFFFFF80]  }
0x16b: {  	v3 =	vadd.f32 v5, v3  }
0x16c: {  	v5 =	vld [tilespmem:s14+$0x0]  }
0x16d: {  	v3 =	vadd.f32 v6, v3  }
0x16e: {  	v6 =	vld [tilespmem:s14+$0x80]  }
0x16f: {  	v3 =	vadd.f32 v4, v3  }
0x170: {  	v4 =	vld [tilespmem:s14+$0x100]  }
0x171: {  	v3 =	vadd.f32 v5, v3  }
0x172: {  	v5 =	vld [tilespmem:s14+$0x180]  }
0x173: {  	v3 =	vadd.f32 v6, v3  }
0x174: {  	v6 =	vld [tilespmem:s14+$0x200]  }
0x175: {  	v3 =	vadd.f32 v4, v3  }
0x176: {  	v4 =	vld [tilespmem:s14+$0x280]  }
0x177: {  	v3 =	vadd.f32 v5, v3  }
0x178: {  	v5 =	vld [tilespmem:s14+$0x300]  }
0x179: {  	v3 =	vadd.f32 v6, v3  }
0x17a: {  	v7 =	vmov s4;
	v6 =	vld [tilespmem:s14+$0x380]  }
0x17b: {  	v3 =	vadd.f32 v4, v3;
	v4 =	vshll.u32 v7, $0x7  }
0x17c: {  	v4 =	vor.u32 v2, v4  }
0x17d: {  	v3 =	vadd.f32 v5, v3;
	v5 =	vor.u32 $0x1, v4  }
0x17e: {  	v7 =	vor.u32 $0x2, v4  }
0x17f: {  	v3 =	vadd.f32 v6, v3;
	v6 =	vor.u32 $0x3, v4  }
0x180: {  	v8 =	vor.u32 $0x4, v4  }
0x181: {  	v9 =	vor.u32 $0x5, v4;
	[tilespmem:v4+s0+$0x0] =	vst.idx.msk $0xffff, v3  }
0x182: {  	[tilespmem:v5+s0+$0x0] =	vst.idx.msk $0xffff, v3;
	v5 =	vor.u32 $0x6, v4  }
.Ltmp6:
0x183: {  	v4 =	vor.u32 $0x7, v4;
	[tilespmem:v7+s0+$0x0] =	vst.idx.msk $0xffff, v3;
	(pc) =	sbr.rel @p1 .LBB2_10-.Ltmp6, $4  }
0x184: {  	[tilespmem:v6+s0+$0x0] =	vst.idx.msk $0xffff, v3  }
0x185: {  	[tilespmem:v8+s0+$0x0] =	vst.idx.msk $0xffff, v3  }
0x186: {  	[tilespmem:v9+s0+$0x0] =	vst.idx.msk $0xffff, v3  }
0x187: {  	[tilespmem:v5+s0+$0x0] =	vst.idx.msk $0xffff, v3  }
0x188: {  	_ =	sdelay $0x3  }
0x189: {  	[tilespmem:v4+s0+$0x0] =	vst.idx.msk $0xffff, v3;
	s4 =	simm.s32 $0x0  }
0x18a: {  	[hbm4b:s11+s4] =	stream.linear.scatter [tilespmem:s0], [sflag:$0x1], $0x4000, $0x38;
	[tilespmem:$0xC300] =	vst v63  }
0x18b: {  	_ =	swait.ge [sflag:s26], $0x4000  }
0x18c: {  	[sflag:s26] =	ssyncset.done $0x0  }
0x18d: {  	[sflag:s26] =	ssyncadd.s32 $0xFFFFC000  }
0x18e: {  	[tilespmem:s31], [sflag:$0x1] =	stream.strided.gather [spmem:s12], $0x800, s30, s28, $0x38;
	[tilespmem:$0xC300] =	vst v63  }
0x18f: {  	_ =	swait.ge [sflag:s26], $0x800  }
0x190: {  	[sflag:s26] =	ssyncset.done $0x0  }
0x191: {  	s14 =	simm.s32 $0x5780;
	[sflag:s26] =	ssyncadd.s32 $0xFFFFF800  }
0x192: {  	v3 =	vld [tilespmem:s14+$0xFFFFFC00]  }
0x193: {  	v4 =	vld [tilespmem:s14+$0xFFFFFC80];
	_ =	sdelay $0x1  }
0x194: {  	v5 =	vld [tilespmem:s14+$0xFFFFFD00];
	_ =	sdelay $0x1  }
0x195: {  	v6 =	vld [tilespmem:s14+$0xFFFFFD80]  }
0x196: {  	v3 =	vadd.f32 v4, v3  }
0x197: {  	v4 =	vld [tilespmem:s14+$0xFFFFFE00]  }
0x198: {  	v3 =	vadd.f32 v5, v3  }
0x199: {  	v5 =	vld [tilespmem:s14+$0xFFFFFE80]  }
0x19a: {  	v3 =	vadd.f32 v6, v3  }
0x19b: {  	v6 =	vld [tilespmem:s14+$0xFFFFFF00]  }
0x19c: {  	v3 =	vadd.f32 v4, v3  }
0x19d: {  	v4 =	vld [tilespmem:s14+$0xFFFFFF80]  }
0x19e: {  	v3 =	vadd.f32 v5, v3  }
0x19f: {  	v5 =	vld [tilespmem:s14+$0x0]  }
0x1a0: {  	v3 =	vadd.f32 v6, v3  }
0x1a1: {  	v6 =	vld [tilespmem:s14+$0x80]  }
0x1a2: {  	v3 =	vadd.f32 v4, v3  }
0x1a3: {  	v4 =	vld [tilespmem:s14+$0x100]  }
0x1a4: {  	v3 =	vadd.f32 v5, v3  }
0x1a5: {  	v5 =	vld [tilespmem:s14+$0x180]  }
0x1a6: {  	v3 =	vadd.f32 v6, v3  }
0x1a7: {  	v6 =	vld [tilespmem:s14+$0x200]  }
0x1a8: {  	v3 =	vadd.f32 v4, v3  }
0x1a9: {  	v4 =	vld [tilespmem:s14+$0x280]  }
0x1aa: {  	v3 =	vadd.f32 v5, v3  }
0x1ab: {  	v5 =	vld [tilespmem:s14+$0x300]  }
0x1ac: {  	v3 =	vadd.f32 v6, v3  }
0x1ad: {  	v7 =	vmov s4;
	v6 =	vld [tilespmem:s14+$0x380]  }
0x1ae: {  	v3 =	vadd.f32 v4, v3;
	v4 =	vshll.u32 v7, $0x7  }
0x1af: {  	v4 =	vor.u32 v2, v4  }
0x1b0: {  	v3 =	vadd.f32 v5, v3;
	v5 =	vor.u32 $0x1, v4  }
0x1b1: {  	v7 =	vor.u32 $0x2, v4  }
0x1b2: {  	v3 =	vadd.f32 v6, v3;
	v6 =	vor.u32 $0x3, v4  }
0x1b3: {  	v8 =	vor.u32 $0x4, v4  }
0x1b4: {  	v9 =	vor.u32 $0x5, v4;
	[tilespmem:v4+s0+$0x0] =	vst.idx.msk $0xffff, v3  }
0x1b5: {  	[tilespmem:v5+s0+$0x0] =	vst.idx.msk $0xffff, v3;
	v5 =	vor.u32 $0x6, v4  }
0x1b6: {  	[tilespmem:v7+s0+$0x0] =	vst.idx.msk $0xffff, v3  }
0x1b7: {  	v4 =	vor.u32 $0x7, v4;
	[tilespmem:v6+s0+$0x0] =	vst.idx.msk $0xffff, v3  }
0x1b8: {  	[tilespmem:v8+s0+$0x0] =	vst.idx.msk $0xffff, v3  }
0x1b9: {  	[tilespmem:v9+s0+$0x0] =	vst.idx.msk $0xffff, v3  }
0x1ba: {  	s15 =	simm.s32 $0x10;
	[tilespmem:v5+s0+$0x0] =	vst.idx.msk $0xffff, v3  }
.LBB2_12:
0x1bb: {  	p1 =	sne.s32 s15, $0x70  }
0x1bc: {  	[tilespmem:v4+s0+$0x0] =	vst.idx.msk $0xffff, v3;
	s14 =	sadd.s32 $0x10, s14;
	s4 =	smov.u32 s15;
	s15 =	sadd.s32 $0x10, s15  }
0x1bd: {  	v3 =	vld [tilespmem:s14+$0xFFFFFC00]  }
0x1be: {  	v4 =	vld [tilespmem:s14+$0xFFFFFC80];
	_ =	sdelay $0x1  }
0x1bf: {  	v5 =	vld [tilespmem:s14+$0xFFFFFD00];
	_ =	sdelay $0x1  }
0x1c0: {  	v6 =	vld [tilespmem:s14+$0xFFFFFD80]  }
0x1c1: {  	v3 =	vadd.f32 v4, v3  }
0x1c2: {  	v4 =	vld [tilespmem:s14+$0xFFFFFE00]  }
0x1c3: {  	v3 =	vadd.f32 v5, v3  }
0x1c4: {  	v5 =	vld [tilespmem:s14+$0xFFFFFE80]  }
0x1c5: {  	v3 =	vadd.f32 v6, v3  }
0x1c6: {  	v6 =	vld [tilespmem:s14+$0xFFFFFF00]  }
0x1c7: {  	v3 =	vadd.f32 v4, v3  }
0x1c8: {  	v4 =	vld [tilespmem:s14+$0xFFFFFF80]  }
0x1c9: {  	v3 =	vadd.f32 v5, v3  }
0x1ca: {  	v5 =	vld [tilespmem:s14+$0x0]  }
0x1cb: {  	v3 =	vadd.f32 v6, v3  }
0x1cc: {  	v6 =	vld [tilespmem:s14+$0x80]  }
0x1cd: {  	v3 =	vadd.f32 v4, v3  }
0x1ce: {  	v4 =	vld [tilespmem:s14+$0x100]  }
0x1cf: {  	v3 =	vadd.f32 v5, v3  }
0x1d0: {  	v5 =	vld [tilespmem:s14+$0x180]  }
0x1d1: {  	v3 =	vadd.f32 v6, v3  }
0x1d2: {  	v6 =	vld [tilespmem:s14+$0x200]  }
0x1d3: {  	v3 =	vadd.f32 v4, v3  }
0x1d4: {  	v4 =	vld [tilespmem:s14+$0x280]  }
0x1d5: {  	v3 =	vadd.f32 v5, v3  }
0x1d6: {  	v5 =	vld [tilespmem:s14+$0x300]  }
0x1d7: {  	v3 =	vadd.f32 v6, v3  }
0x1d8: {  	v7 =	vmov s4;
	v6 =	vld [tilespmem:s14+$0x380]  }
0x1d9: {  	v3 =	vadd.f32 v4, v3;
	v4 =	vshll.u32 v7, $0x7  }
0x1da: {  	v4 =	vor.u32 v2, v4  }
0x1db: {  	v3 =	vadd.f32 v5, v3;
	v5 =	vor.u32 $0x1, v4  }
0x1dc: {  	v7 =	vor.u32 $0x2, v4  }
0x1dd: {  	v3 =	vadd.f32 v6, v3;
	v6 =	vor.u32 $0x3, v4  }
0x1de: {  	v8 =	vor.u32 $0x4, v4  }
0x1df: {  	v9 =	vor.u32 $0x5, v4;
	[tilespmem:v4+s0+$0x0] =	vst.idx.msk $0xffff, v3  }
0x1e0: {  	[tilespmem:v5+s0+$0x0] =	vst.idx.msk $0xffff, v3;
	v5 =	vor.u32 $0x6, v4  }
.Ltmp7:
0x1e1: {  	v4 =	vor.u32 $0x7, v4;
	[tilespmem:v7+s0+$0x0] =	vst.idx.msk $0xffff, v3;
	(pc) =	sbr.rel @p1 .LBB2_12-.Ltmp7, $4  }
0x1e2: {  	[tilespmem:v6+s0+$0x0] =	vst.idx.msk $0xffff, v3  }
0x1e3: {  	[tilespmem:v8+s0+$0x0] =	vst.idx.msk $0xffff, v3  }
0x1e4: {  	[tilespmem:v9+s0+$0x0] =	vst.idx.msk $0xffff, v3  }
0x1e5: {  	[tilespmem:v5+s0+$0x0] =	vst.idx.msk $0xffff, v3  }
0x1e6: {  	_ =	sdelay $0x3  }
.Ltmp8:
0x1e7: {  	[tilespmem:v4+s0+$0x0] =	vst.idx.msk $0xffff, v3;
	(pc) =	sbr.rel @p0 .LBB2_17-.Ltmp8, $4  }
0x1e8: {  	[hbm4b:s13+s2] =	stream.linear.scatter [tilespmem:s0], [sflag:$0x1], $0x4000, $0x38;
	[tilespmem:$0xC300] =	vst v63  }
0x1e9: {  	_ =	swait.ge [sflag:s26], $0x4000  }
0x1ea: {  	[sflag:s26] =	ssyncset.done $0x0  }
0x1eb: {  	[sflag:s26] =	ssyncadd.s32 $0xFFFFC000  }
0x1ec: {  	s4 =	rddreg [dreg:$0x5]  }
0x1ed: {  	[tilespmem:s31], [sflag:$0x1] =	stream.strided.gather [spmem:s4], $0x800, s30, s28, $0x38;
	[tilespmem:$0xC300] =	vst v63  }
0x1ee: {  	_ =	swait.ge [sflag:s26], $0x800  }
0x1ef: {  	[sflag:s26] =	ssyncset.done $0x0  }
0x1f0: {  	s14 =	simm.s32 $0x5780;
	[sflag:s26] =	ssyncadd.s32 $0xFFFFF800  }
0x1f1: {  	v3 =	vld [tilespmem:s14+$0xFFFFFC00]  }
0x1f2: {  	v4 =	vld [tilespmem:s14+$0xFFFFFC80];
	_ =	sdelay $0x1  }
0x1f3: {  	v5 =	vld [tilespmem:s14+$0xFFFFFD00];
	_ =	sdelay $0x1  }
0x1f4: {  	v6 =	vld [tilespmem:s14+$0xFFFFFD80]  }
0x1f5: {  	v3 =	vadd.f32 v4, v3  }
0x1f6: {  	v4 =	vld [tilespmem:s14+$0xFFFFFE00]  }
0x1f7: {  	v3 =	vadd.f32 v5, v3  }
0x1f8: {  	v5 =	vld [tilespmem:s14+$0xFFFFFE80]  }
0x1f9: {  	v3 =	vadd.f32 v6, v3  }
0x1fa: {  	v6 =	vld [tilespmem:s14+$0xFFFFFF00]  }
0x1fb: {  	v3 =	vadd.f32 v4, v3  }
0x1fc: {  	v4 =	vld [tilespmem:s14+$0xFFFFFF80]  }
0x1fd: {  	v3 =	vadd.f32 v5, v3  }
0x1fe: {  	v5 =	vld [tilespmem:s14+$0x0]  }
0x1ff: {  	v3 =	vadd.f32 v6, v3  }
0x200: {  	v6 =	vld [tilespmem:s14+$0x80]  }
0x201: {  	v3 =	vadd.f32 v4, v3  }
0x202: {  	v4 =	vld [tilespmem:s14+$0x100]  }
0x203: {  	v3 =	vadd.f32 v5, v3  }
0x204: {  	v5 =	vld [tilespmem:s14+$0x180]  }
0x205: {  	v3 =	vadd.f32 v6, v3  }
0x206: {  	v6 =	vld [tilespmem:s14+$0x200]  }
0x207: {  	v3 =	vadd.f32 v4, v3  }
0x208: {  	v4 =	vld [tilespmem:s14+$0x280]  }
0x209: {  	v3 =	vadd.f32 v5, v3  }
0x20a: {  	v5 =	vld [tilespmem:s14+$0x300]  }
0x20b: {  	s15 =	simm.s32 $0x0;
	v3 =	vadd.f32 v6, v3  }
0x20c: {  	v7 =	vmov s15;
	v6 =	vld [tilespmem:s14+$0x380]  }
0x20d: {  	v3 =	vadd.f32 v4, v3;
	v4 =	vshll.u32 v7, $0x7  }
0x20e: {  	v4 =	vor.u32 v2, v4  }
0x20f: {  	v3 =	vadd.f32 v5, v3;
	v5 =	vor.u32 $0x1, v4  }
0x210: {  	v7 =	vor.u32 $0x2, v4  }
0x211: {  	v3 =	vadd.f32 v6, v3;
	v6 =	vor.u32 $0x3, v4  }
0x212: {  	v8 =	vor.u32 $0x4, v4  }
0x213: {  	v9 =	vor.u32 $0x5, v4;
	[tilespmem:v4+s0+$0x0] =	vst.idx.msk $0xffff, v3  }
0x214: {  	[tilespmem:v5+s0+$0x0] =	vst.idx.msk $0xffff, v3;
	v5 =	vor.u32 $0x6, v4  }
0x215: {  	[tilespmem:v7+s0+$0x0] =	vst.idx.msk $0xffff, v3  }
0x216: {  	v4 =	vor.u32 $0x7, v4;
	[tilespmem:v6+s0+$0x0] =	vst.idx.msk $0xffff, v3  }
0x217: {  	[tilespmem:v8+s0+$0x0] =	vst.idx.msk $0xffff, v3  }
0x218: {  	[tilespmem:v9+s0+$0x0] =	vst.idx.msk $0xffff, v3  }
0x219: {  	s15 =	simm.s32 $0x10;
	[tilespmem:v5+s0+$0x0] =	vst.idx.msk $0xffff, v3  }
.LBB2_15:
0x21a: {  	p1 =	sne.s32 s15, $0x70  }
0x21b: {  	[tilespmem:v4+s0+$0x0] =	vst.idx.msk $0xffff, v3;
	s14 =	sadd.s32 $0x10, s14;
	s4 =	smov.u32 s15;
	s15 =	sadd.s32 $0x10, s15  }
0x21c: {  	v3 =	vld [tilespmem:s14+$0xFFFFFC00]  }
0x21d: {  	v4 =	vld [tilespmem:s14+$0xFFFFFC80];
	_ =	sdelay $0x1  }
0x21e: {  	v5 =	vld [tilespmem:s14+$0xFFFFFD00];
	_ =	sdelay $0x1  }
0x21f: {  	v6 =	vld [tilespmem:s14+$0xFFFFFD80]  }
0x220: {  	v3 =	vadd.f32 v4, v3  }
0x221: {  	v4 =	vld [tilespmem:s14+$0xFFFFFE00]  }
0x222: {  	v3 =	vadd.f32 v5, v3  }
0x223: {  	v5 =	vld [tilespmem:s14+$0xFFFFFE80]  }
0x224: {  	v3 =	vadd.f32 v6, v3  }
0x225: {  	v6 =	vld [tilespmem:s14+$0xFFFFFF00]  }
0x226: {  	v3 =	vadd.f32 v4, v3  }
0x227: {  	v4 =	vld [tilespmem:s14+$0xFFFFFF80]  }
0x228: {  	v3 =	vadd.f32 v5, v3  }
0x229: {  	v5 =	vld [tilespmem:s14+$0x0]  }
0x22a: {  	v3 =	vadd.f32 v6, v3  }
0x22b: {  	v6 =	vld [tilespmem:s14+$0x80]  }
0x22c: {  	v3 =	vadd.f32 v4, v3  }
0x22d: {  	v4 =	vld [tilespmem:s14+$0x100]  }
0x22e: {  	v3 =	vadd.f32 v5, v3  }
0x22f: {  	v5 =	vld [tilespmem:s14+$0x180]  }
0x230: {  	v3 =	vadd.f32 v6, v3  }
0x231: {  	v6 =	vld [tilespmem:s14+$0x200]  }
0x232: {  	v3 =	vadd.f32 v4, v3  }
0x233: {  	v4 =	vld [tilespmem:s14+$0x280]  }
0x234: {  	v3 =	vadd.f32 v5, v3  }
0x235: {  	v5 =	vld [tilespmem:s14+$0x300]  }
0x236: {  	v3 =	vadd.f32 v6, v3  }
0x237: {  	v7 =	vmov s4;
	v6 =	vld [tilespmem:s14+$0x380]  }
0x238: {  	v3 =	vadd.f32 v4, v3;
	v4 =	vshll.u32 v7, $0x7  }
0x239: {  	v4 =	vor.u32 v2, v4  }
0x23a: {  	v3 =	vadd.f32 v5, v3;
	v5 =	vor.u32 $0x1, v4  }
0x23b: {  	v7 =	vor.u32 $0x2, v4  }
0x23c: {  	v3 =	vadd.f32 v6, v3;
	v6 =	vor.u32 $0x3, v4  }
0x23d: {  	v8 =	vor.u32 $0x4, v4  }
0x23e: {  	v9 =	vor.u32 $0x5, v4;
	[tilespmem:v4+s0+$0x0] =	vst.idx.msk $0xffff, v3  }
0x23f: {  	[tilespmem:v5+s0+$0x0] =	vst.idx.msk $0xffff, v3;
	v5 =	vor.u32 $0x6, v4  }
.Ltmp9:
0x240: {  	v4 =	vor.u32 $0x7, v4;
	[tilespmem:v7+s0+$0x0] =	vst.idx.msk $0xffff, v3;
	(pc) =	sbr.rel @p1 .LBB2_15-.Ltmp9, $4  }
0x241: {  	[tilespmem:v6+s0+$0x0] =	vst.idx.msk $0xffff, v3  }
0x242: {  	[tilespmem:v8+s0+$0x0] =	vst.idx.msk $0xffff, v3  }
0x243: {  	[tilespmem:v9+s0+$0x0] =	vst.idx.msk $0xffff, v3  }
0x244: {  	[tilespmem:v5+s0+$0x0] =	vst.idx.msk $0xffff, v3  }
.Ltmp10:
0x245: {  	_ = 	snop;
	(pc) =	sbr.rel .LBB2_16-.Ltmp10, $1  }
0x246: {  	_ =	sdelay $0x3  }
.LBB2_18:
0x247: {  	_ =	sfence.sel $0x180000  }
0x248: {  	[bflag:$0x0] =	sbarrier.arrive $0xFFFF  }
0x249: {  	_ =	strace $0x90000047  }
0x24a: {  	s0 =	stileid.u32;
	[bflag:$0x2] =	sbarrier.arrive $0xFFFF  }
0x24b: {  	p0 =	sne.s32 s0, $0x0;
	s0 =	rddreg [dreg:$0x3]  }
0x24c: {  	s0 =	sadd.s32 @!p0 $0x100000, s0  }
0x24d: {  	[sflag:s0] =	ssyncadd.tile.s32 @!p0 $0x1;
	_ =	shalt  }
.Lfunc_end2:
_tile_overlayer_lowered:
.L_overlay_start_2:
0x24e: {  	(tag) =	ssettag $0x2  }
0x24f: {  	s0 =	rddreg [dreg:$0x0];
	s2 =	stileid.u32  }
0x250: {  	s1 =	rddreg [dreg:$0x1];
	p0 =	sne.s32 s2, $0x0  }
0x251: {  	s3 =	rddreg [dreg:$0x2];
	[bflag:$0x3] =	sbarrier.arrive $0xFFFF;
	s2 =	simm.s32 @!p0 $0x1C01  }
0x252: {  	[timem:s3], [sflag:s2] =	dma.local @!p0 [hbm:s0], s1  }
0x253: {  	s0 =	simm.s32 @!p0 $0x1  }
0x254: {  	_ =	swait.ge @!p0 [sflag:s0], s1  }
0x255: {  	s1 =	ssub.s32 @!p0 $0x0, s1;
	[sflag:s0] =	ssyncset.done @!p0 $0x0  }
0x256: {  	[sflag:s0] =	ssyncadd.s32 @!p0 s1  }
0x257: {  	[bflag:$0x3] =	sbarrier.arrive $0xFFFF  }
0x258: {  	_ =	shalt  }

</sc_bundles>
